<compile_context>
chip_gen: v7x
topology: tpu7x:2x2x1
jax: 0.10.2.dev20260603
libtpu: 0.0.44.dev20260713+nightly
codegen_flags: <defaults>
</compile_context>

<pallas_src>
import functools

import jax
import jax.numpy as jnp
from jax import lax
from jax.experimental import pallas as pl
from jax.experimental.pallas import tpu as pltpu
from jax.experimental.pallas import tpu_sc as plsc

N = 10000
E = 320000
D = 128

NC = 2
NS = 16
NW = NC * NS
C = 64
NP = 4
KPP = 40
KPT = NP * KPP
EPT = KPT * C
EPAD = NW * EPT
NACC = 10112
RPT = NACC // NS


NB = 5


def _sc_agg_body(W, do_deg, feat, srcr, dstr, zeros, ones_in, *rest):
    if do_deg:
        acc_out, deg_out, src_v, dst_v, bufs, gsems, ssems, acc_sh = rest
    else:
        acc_out, src_v, dst_v, bufs, gsems, ssems, acc_sh = rest
    c = lax.axis_index("c")
    s = lax.axis_index("s")

    if do_deg:
        pltpu.sync_copy(zeros.at[pl.ds(s * RPT, RPT)],
                        acc_sh.at[pl.ds(s * RPT, RPT)])
        pltpu.sync_copy(ones_in, bufs[0])
        plsc.subcore_barrier()

        def fire(j, carry):
            pltpu.async_copy(bufs[0], acc_sh.at[dst_v.at[j]], ssems[0],
                             add=True)
            return carry

        def drain(j, carry):
            pltpu.make_async_copy(bufs[0], acc_sh.at[dst_v.at[0]],
                                  ssems[0]).wait()
            return carry

        for ip in range(NP):
            pltpu.sync_copy(dstr.at[c, s, ip], dst_v)
            lax.fori_loop(0, KPP, fire, 0)
            lax.fori_loop(0, KPP, drain, 0)
        plsc.subcore_barrier()
        pltpu.sync_copy(acc_sh.at[pl.ds(s * RPT, RPT)],
                        deg_out.at[c, pl.ds(s * RPT, RPT)])

    def start_gather(j, b):
        pltpu.async_copy(feat.at[src_v.at[pl.ds(j * C, C)]], bufs[b],
                         gsems[b])

    def wait_gather(j, b):
        pltpu.make_async_copy(feat.at[src_v.at[pl.ds(j * C, C)]], bufs[b],
                              gsems[b]).wait()

    def start_scatter(j, b):
        pltpu.async_copy(bufs[b], acc_sh.at[dst_v.at[j]], ssems[b], add=True)

    def wait_scatter(b):
        pltpu.make_async_copy(bufs[b], acc_sh.at[dst_v.at[0]],
                              ssems[b]).wait()

    for ip in range(NP):
        base = ((c * NS + s) * NP + ip) * (KPP * C)
        pltpu.sync_copy(srcr.at[pl.ds(base, KPP * C)], src_v)
        pltpu.sync_copy(dstr.at[c, s, ip], dst_v)

        start_gather(0, 0)
        start_gather(1, 1)
        start_gather(2, 2)
        start_gather(3, 3)
        if ip == 0:
            pltpu.sync_copy(zeros.at[pl.ds(s * RPT, RPT)],
                            acc_sh.at[pl.ds(s * RPT, RPT)])
            plsc.subcore_barrier()

        def quad(p, carry):
            for off in range(NB):
                j = NB * p + off
                wait_gather(j, off)
                start_scatter(j, off)
                nxt = (off + 4) % NB

                @pl.when(j >= 1)
                def _():
                    wait_scatter(nxt)

                @pl.when(j + 4 < KPP)
                def _():
                    start_gather(j + 4, nxt)
            return carry

        lax.fori_loop(0, KPP // NB, quad, 0)
        wait_scatter((KPP - 1) % NB)
    plsc.subcore_barrier()

    pltpu.sync_copy(acc_sh.at[pl.ds(s * RPT, RPT)],
                    acc_out.at[c, pl.ds(s * RPT, RPT)])


def _make_sc_agg(W, do_deg):
    mesh = plsc.VectorSubcoreMesh(core_axis_name="c", subcore_axis_name="s")
    outs = [jax.ShapeDtypeStruct((NC, NACC, W), jnp.float32)]
    if do_deg:
        outs = outs + [jax.ShapeDtypeStruct((NC, NACC, W), jnp.float32)]
    return pl.kernel(
        functools.partial(_sc_agg_body, W, do_deg),
        out_type=outs,
        mesh=mesh,
        scratch_types=[
            pltpu.VMEM((KPP * C,), jnp.int32),
            pltpu.VMEM((KPP, C), jnp.int32),
            [pltpu.VMEM((C, W), jnp.float32) for _ in range(NB)],
            [pltpu.SemaphoreType.DMA for _ in range(NB)],
            [pltpu.SemaphoreType.DMA for _ in range(NB)],
            pltpu.VMEM_SHARED((NACC, W), jnp.float32),
        ],
    )


def _combine1_body(parts, degp, xr, wl, wr, b, h_out, invd_out):
    agg = parts[0] + parts[1]
    deg = degp[0, :, 0] + degp[1, :, 0]
    invd = 1.0 / jnp.maximum(deg, 1.0)
    mean = agg * invd[:, None]
    o = lax.dot_general(mean, wl[...], (((1,), (1,)), ((), ())),
                        preferred_element_type=jnp.float32)
    o = o + lax.dot_general(xr[...], wr[...], (((1,), (1,)), ((), ())),
                            preferred_element_type=jnp.float32)
    o = o + b[...]
    h_out[...] = jnp.maximum(o, 0.0)
    invd_out[...] = invd[:, None]


def _combine2_body(parts, invd, hr, wl, wr, b, out):
    agg = parts[0] + parts[1]
    mean = agg * invd[...]
    o = lax.dot_general(mean, wl[...], (((1,), (1,)), ((), ())),
                        preferred_element_type=jnp.float32)
    o = o + lax.dot_general(hr[...], wr[...], (((1,), (1,)), ((), ())),
                            preferred_element_type=jnp.float32)
    o = o + b[...]
    m = jnp.max(o, axis=1, keepdims=True)
    sh = o - m
    lse = jnp.log(jnp.sum(jnp.exp(sh), axis=1, keepdims=True))
    out[...] = sh - lse


_R = 1024
_GRID = (N + _R - 1) // _R


def _combine1(parts, degp, x, wl, wr, b):
    return pl.pallas_call(
        _combine1_body,
        grid=(_GRID,),
        in_specs=[
            pl.BlockSpec((NC, _R, D), lambda i: (0, i, 0)),
            pl.BlockSpec((NC, _R, D), lambda i: (0, i, 0)),
            pl.BlockSpec((_R, D), lambda i: (i, 0)),
            pl.BlockSpec((D, D), lambda i: (0, 0)),
            pl.BlockSpec((D, D), lambda i: (0, 0)),
            pl.BlockSpec((1, D), lambda i: (0, 0)),
        ],
        out_specs=[
            pl.BlockSpec((_R, D), lambda i: (i, 0)),
            pl.BlockSpec((_R, 1), lambda i: (i, 0)),
        ],
        out_shape=[
            jax.ShapeDtypeStruct((N, D), jnp.float32),
            jax.ShapeDtypeStruct((N, 1), jnp.float32),
        ],
    )(parts, degp, x, wl, wr, b)


def _combine2(parts, invd, h, wl, wr, b):
    return pl.pallas_call(
        _combine2_body,
        grid=(_GRID,),
        in_specs=[
            pl.BlockSpec((NC, _R, D), lambda i: (0, i, 0)),
            pl.BlockSpec((_R, 1), lambda i: (i, 0)),
            pl.BlockSpec((_R, D), lambda i: (i, 0)),
            pl.BlockSpec((D, D), lambda i: (0, 0)),
            pl.BlockSpec((D, D), lambda i: (0, 0)),
            pl.BlockSpec((1, D), lambda i: (0, 0)),
        ],
        out_specs=pl.BlockSpec((_R, D), lambda i: (i, 0)),
        out_shape=jax.ShapeDtypeStruct((N, D), jnp.float32),
    )(parts, invd, h, wl, wr, b)


_kernel_cache = {}


def _get(name):
    if name not in _kernel_cache:
        _kernel_cache[name] = _make_sc_agg(D, do_deg=(name == "aggdeg"))
    return _kernel_cache[name]


def kernel(x, edge_index, W1_l, W1_r, b1, W2_l, W2_r, b2):
    src = edge_index[0]
    dst = edge_index[1]
    pad = EPAD - E
    pad_idx = jnp.arange(pad, dtype=jnp.int32)
    src_r = jnp.concatenate([src, pad_idx % N])
    dst_r = jnp.concatenate(
        [dst, N + pad_idx % (NACC - N)]).reshape(NC, NS, NP, KPP, C)
    zeros = jnp.zeros((NACC, D), jnp.float32)
    ones_in = jnp.ones((C, D), jnp.float32)

    acc1, degp = _get("aggdeg")(x, src_r, dst_r, zeros, ones_in)
    h, invd = _combine1(acc1, degp, x, W1_l, W1_r, b1.reshape(1, D))
    (acc2,) = _get("agg")(h, src_r, dst_r, zeros, ones_in)
    return _combine2(acc2, invd, h, W2_l, W2_r, b2.reshape(1, D))

# --- scband reference (transcript-rebuilt; emitter-appended) ---
"""Pipeline reference for scband-sage-43800076484795 (READ-ONLY COPY).

The authoritative reference and input builder live on the scoring server;
editing this copy changes nothing except your own understanding.
"""

import jax, jax.numpy as jnp
import numpy as np

N = 10000
E = 320000
D = 128
H = 128
O = 128


def setup_inputs(seed: int = 0) -> dict:
    key = jax.random.key(seed)
    ks = jax.random.split(key, 10)
    x = jax.random.normal(ks[0], (N, D), dtype=jnp.float32)
    edge_index = jax.random.randint(ks[1], (2, E), 0, N, dtype=jnp.int32)
    s1 = 1.0 / np.sqrt(D)
    s2 = 1.0 / np.sqrt(H)
    W1_l = jax.random.uniform(ks[2], (H, D), jnp.float32, -s1, s1)
    W1_r = jax.random.uniform(ks[3], (H, D), jnp.float32, -s1, s1)
    b1 = jax.random.uniform(ks[4], (H,), jnp.float32, -s1, s1)
    W2_l = jax.random.uniform(ks[5], (O, H), jnp.float32, -s2, s2)
    W2_r = jax.random.uniform(ks[6], (O, H), jnp.float32, -s2, s2)
    b2 = jax.random.uniform(ks[7], (O,), jnp.float32, -s2, s2)
    return {"x": x, "edge_index": edge_index, "W1_l": W1_l, "W1_r": W1_r, "b1": b1,
            "W2_l": W2_l, "W2_r": W2_r, "b2": b2}


def _sage_conv(x, edge_index, W_l, W_r, b):
    # PyG SAGEConv (aggr='mean', root_weight=True):
    # out = lin_l(mean_{j in N(i)} x_j) + lin_r(x_i) + bias
    src = edge_index[0]
    dst = edge_index[1]
    msgs = jnp.take(x, src, axis=0)
    agg_sum = jax.ops.segment_sum(msgs, dst, num_segments=N)
    deg = jax.ops.segment_sum(jnp.ones((E,), dtype=x.dtype), dst, num_segments=N)
    agg_mean = agg_sum / jnp.clip(deg, 1.0)[:, None]
    return agg_mean @ W_l.T + x @ W_r.T + b


def reference(x, edge_index, W1_l, W1_r, b1, W2_l, W2_r, b2):
    # SAGE.edge_forward, eval mode (dropout is identity)
    h = _sage_conv(x, edge_index, W1_l, W1_r, b1)
    h = jax.nn.relu(h)
    out = _sage_conv(h, edge_index, W2_l, W2_r, b2)
    return jax.nn.log_softmax(out, axis=-1)

if __name__ == "__main__":
    import jax
    _d = setup_inputs()
    print(jax.jit(kernel)(*tuple(_d.values())))

</pallas_src>

<mosaic_0001>
#map = affine_map<(d0, d1) -> (0, 0)>
#map1 = affine_map<(d0, d1) -> (0)>
#map2 = affine_map<(d0, d1) -> (0, 0, 0, 0, 0)>
#map3 = affine_map<(d0, d1) -> (0, 0, 0)>
module attributes {stable_mosaic.version = 14 : i64} {
  func.func @_sc_agg_body(%arg0: i32, %arg1: i32, %arg2: memref<10000x128xf32, #tpu.memory_space<hbm>>, %arg3: memref<327680xi32, #tpu.memory_space<hbm>>, %arg4: memref<2x16x4x40x64xi32, #tpu.memory_space<hbm>>, %arg5: memref<10112x128xf32, #tpu.memory_space<hbm>>, %arg6: memref<64x128xf32, #tpu.memory_space<hbm>>, %arg7: memref<2x10112x128xf32, #tpu.memory_space<hbm>>, %arg8: memref<2x10112x128xf32, #tpu.memory_space<hbm>>, %arg9: memref<2560xi32, #tpu.memory_space<vmem>>, %arg10: memref<40x64xi32, #tpu.memory_space<vmem>>, %arg11: memref<64x128xf32, #tpu.memory_space<vmem>>, %arg12: memref<64x128xf32, #tpu.memory_space<vmem>>, %arg13: memref<64x128xf32, #tpu.memory_space<vmem>>, %arg14: memref<64x128xf32, #tpu.memory_space<vmem>>, %arg15: memref<64x128xf32, #tpu.memory_space<vmem>>, %arg16: memref<!tpu.dma_semaphore, #tpu.memory_space<semaphore_mem>>, %arg17: memref<!tpu.dma_semaphore, #tpu.memory_space<semaphore_mem>>, %arg18: memref<!tpu.dma_semaphore, #tpu.memory_space<semaphore_mem>>, %arg19: memref<!tpu.dma_semaphore, #tpu.memory_space<semaphore_mem>>, %arg20: memref<!tpu.dma_semaphore, #tpu.memory_space<semaphore_mem>>, %arg21: memref<!tpu.dma_semaphore, #tpu.memory_space<semaphore_mem>>, %arg22: memref<!tpu.dma_semaphore, #tpu.memory_space<semaphore_mem>>, %arg23: memref<!tpu.dma_semaphore, #tpu.memory_space<semaphore_mem>>, %arg24: memref<!tpu.dma_semaphore, #tpu.memory_space<semaphore_mem>>, %arg25: memref<!tpu.dma_semaphore, #tpu.memory_space<semaphore_mem>>, %arg26: memref<10112x128xf32, #tpu.memory_space<vmem_shared>>) attributes {dimension_semantics = [#tpu.dimension_semantics<core_parallel>, #tpu.dimension_semantics<subcore_parallel>], iteration_bounds = array<i64: 2, 16>, scalar_prefetch = 0 : i64, scratch_operands = 18 : i64, tpu.core_type = #tpu.core_type<sc_vector_subcore>, window_params = [{transform_indices = #map}, {transform_indices = #map1}, {transform_indices = #map2}, {transform_indices = #map}, {transform_indices = #map}, {transform_indices = #map3}, {transform_indices = #map3}]} {
    %mul3A = arith.constant 632 : i32
    %mul3A_0 = arith.muli %arg1, %mul3A : i32
    %mul3A_1 = arith.constant 632 : i32
    %mul3A_2 = arith.muli %arg1, %mul3A_1 : i32
    "tpu.region"() ({
      %run_scoped3A_237 = tpu.sem_alloc : memref<!tpu.dma_semaphore, #tpu.memory_space<semaphore_mem>>
      %dma_start3A_238 = arith.constant 0 : i32
      %dma_start3A_239 = tpu.memref_slice %arg26[%mul3A_2, %dma_start3A_238] : memref<10112x128xf32, #tpu.memory_space<vmem_shared>> -> memref<632x128xf32, #tpu.memory_space<vmem_shared>>
      %dma_start3A_240 = arith.constant 0 : i32
      %dma_start3A_241 = tpu.memref_slice %arg5[%mul3A_0, %dma_start3A_240] : memref<10112x128xf32, #tpu.memory_space<hbm>> -> memref<632x128xf32, #tpu.memory_space<hbm>>
      tpu.enqueue_dma source(%dma_start3A_241 : memref<632x128xf32, #tpu.memory_space<hbm>>) target(%dma_start3A_239 : memref<632x128xf32, #tpu.memory_space<vmem_shared>>) target_semaphore(%run_scoped3A_237 : memref<!tpu.dma_semaphore, #tpu.memory_space<semaphore_mem>>)
      %dma_wait3A_242 = arith.constant 0 : i32
      %dma_wait3A_243 = tpu.memref_slice %arg26[%mul3A_2, %dma_wait3A_242] : memref<10112x128xf32, #tpu.memory_space<vmem_shared>> -> memref<632x128xf32, #tpu.memory_space<vmem_shared>>
      %dma_wait3A_244 = arith.constant 0 : i32
      %dma_wait3A_245 = tpu.memref_slice %arg5[%mul3A_0, %dma_wait3A_244] : memref<10112x128xf32, #tpu.memory_space<hbm>> -> memref<632x128xf32, #tpu.memory_space<hbm>>
      tpu.wait_dma2 semaphore(%run_scoped3A_237 : memref<!tpu.dma_semaphore, #tpu.memory_space<semaphore_mem>>) src(%dma_wait3A_245 : memref<632x128xf32, #tpu.memory_space<hbm>>) dst(%dma_wait3A_243 : memref<632x128xf32, #tpu.memory_space<vmem_shared>>)
      tpu.yield
    }) : () -> ()
    "tpu.region"() ({
      %run_scoped3A_237 = tpu.sem_alloc : memref<!tpu.dma_semaphore, #tpu.memory_space<semaphore_mem>>
      tpu.enqueue_dma source(%arg6 : memref<64x128xf32, #tpu.memory_space<hbm>>) target(%arg11 : memref<64x128xf32, #tpu.memory_space<vmem>>) target_semaphore(%run_scoped3A_237 : memref<!tpu.dma_semaphore, #tpu.memory_space<semaphore_mem>>)
      tpu.wait_dma2 semaphore(%run_scoped3A_237 : memref<!tpu.dma_semaphore, #tpu.memory_space<semaphore_mem>>) src(%arg6 : memref<64x128xf32, #tpu.memory_space<hbm>>) dst(%arg11 : memref<64x128xf32, #tpu.memory_space<vmem>>)
      tpu.yield
    }) : () -> ()
    %barrier3A = arith.constant 0 : index
    tpu.barrier barrier_id(%barrier3A)
    %run_scoped3A = arith.constant 0 : i32
    "tpu.region"() ({
      %run_scoped3A_237 = tpu.sem_alloc : memref<!tpu.dma_semaphore, #tpu.memory_space<semaphore_mem>>
      %dma_start3A_238 = arith.constant 0 : i32
      %dma_start3A_239 = arith.constant 0 : i32
      %dma_start3A_240 = tpu.memref_slice %arg4[%arg0, %arg1, %run_scoped3A, %dma_start3A_238, %dma_start3A_239] : memref<2x16x4x40x64xi32, #tpu.memory_space<hbm>> -> memref<1x1x1x40x64xi32, #tpu.memory_space<hbm>>
      %dma_start3A_241 = tpu.memref_squeeze %dma_start3A_240 : memref<1x1x1x40x64xi32, #tpu.memory_space<hbm>> -> memref<40x64xi32, #tpu.memory_space<hbm>>
      %dma_start3A_242 = arith.constant 0 : i32
      %dma_start3A_243 = arith.constant 0 : i32
      %dma_start3A_244 = tpu.memref_slice %arg4[%arg0, %arg1, %run_scoped3A, %dma_start3A_242, %dma_start3A_243] : memref<2x16x4x40x64xi32, #tpu.memory_space<hbm>> -> memref<1x1x1x40x64xi32, #tpu.memory_space<hbm>>
      %dma_start3A_245 = tpu.memref_squeeze %dma_start3A_244 : memref<1x1x1x40x64xi32, #tpu.memory_space<hbm>> -> memref<40x64xi32, #tpu.memory_space<hbm>>
      tpu.enqueue_dma source(%dma_start3A_245 : memref<40x64xi32, #tpu.memory_space<hbm>>) target(%arg10 : memref<40x64xi32, #tpu.memory_space<vmem>>) target_semaphore(%run_scoped3A_237 : memref<!tpu.dma_semaphore, #tpu.memory_space<semaphore_mem>>)
      %dma_wait3A_246 = arith.constant 0 : i32
      %dma_wait3A_247 = arith.constant 0 : i32
      %dma_wait3A_248 = tpu.memref_slice %arg4[%arg0, %arg1, %run_scoped3A, %dma_wait3A_246, %dma_wait3A_247] : memref<2x16x4x40x64xi32, #tpu.memory_space<hbm>> -> memref<1x1x1x40x64xi32, #tpu.memory_space<hbm>>
      %dma_wait3A_249 = tpu.memref_squeeze %dma_wait3A_248 : memref<1x1x1x40x64xi32, #tpu.memory_space<hbm>> -> memref<40x64xi32, #tpu.memory_space<hbm>>
      %dma_wait3A_250 = arith.constant 0 : i32
      %dma_wait3A_251 = arith.constant 0 : i32
      %dma_wait3A_252 = tpu.memref_slice %arg4[%arg0, %arg1, %run_scoped3A, %dma_wait3A_250, %dma_wait3A_251] : memref<2x16x4x40x64xi32, #tpu.memory_space<hbm>> -> memref<1x1x1x40x64xi32, #tpu.memory_space<hbm>>
      %dma_wait3A_253 = tpu.memref_squeeze %dma_wait3A_252 : memref<1x1x1x40x64xi32, #tpu.memory_space<hbm>> -> memref<40x64xi32, #tpu.memory_space<hbm>>
      tpu.wait_dma2 semaphore(%run_scoped3A_237 : memref<!tpu.dma_semaphore, #tpu.memory_space<semaphore_mem>>) src(%dma_wait3A_253 : memref<40x64xi32, #tpu.memory_space<hbm>>) dst(%arg10 : memref<40x64xi32, #tpu.memory_space<vmem>>)
      tpu.yield
    }) : () -> ()
    %scan3A = arith.constant 0 : i32
    %scan3A_3 = arith.constant 0 : i32
    %scan3A_4 = arith.constant 40 : i32
    %scan3A_5 = arith.addi %scan3A_3, %scan3A_4 : i32
    %scan3A_6 = arith.constant 1 : i32
    scf.for %scan3A_237 = %scan3A_3 to %scan3A_5 step %scan3A_6  : i32 {
      %dma_start3A_238 = arith.constant 0 : i32
      %dma_start3A_239 = tpu.memref_slice %arg10[%scan3A_237, %dma_start3A_238] : memref<40x64xi32, #tpu.memory_space<vmem>> -> memref<1x64xi32, #tpu.memory_space<vmem>>
      %dma_start3A_240 = tpu.memref_squeeze %dma_start3A_239 : memref<1x64xi32, #tpu.memory_space<vmem>> -> memref<64xi32, #tpu.memory_space<vmem>>
      %dma_start3A_241 = arith.constant 0 : i32
      %dma_start3A_242 = arith.constant 0 : i32
      %dma_start3A_243 = tpu.memref_slice %arg26[%dma_start3A_241, %dma_start3A_242] : memref<10112x128xf32, #tpu.memory_space<vmem_shared>> -> memref<10112x128xf32, #tpu.memory_space<vmem_shared>>
      tpu.enqueue_indirect_dma source(%arg11 : memref<64x128xf32, #tpu.memory_space<vmem>>) target(%dma_start3A_243 : memref<10112x128xf32, #tpu.memory_space<vmem_shared>>) offsets(%dma_start3A_240 : memref<64xi32, #tpu.memory_space<vmem>>) semaphore(%arg21 : memref<!tpu.dma_semaphore, #tpu.memory_space<semaphore_mem>>) {add = true}
    }
    %scan3A_7 = arith.constant 40 : i32
    %scan3A_8 = arith.constant 0 : i32
    %scan3A_9 = arith.constant 0 : i32
    %scan3A_10 = arith.constant 40 : i32
    %scan3A_11 = arith.addi %scan3A_9, %scan3A_10 : i32
    %scan3A_12 = arith.constant 1 : i32
    scf.for %scan3A_237 = %scan3A_9 to %scan3A_11 step %scan3A_12  : i32 {
      %dma_wait3A_238 = arith.constant 0 : i32
      %dma_wait3A_239 = arith.constant 0 : i32
      %dma_wait3A_240 = tpu.memref_slice %arg10[%dma_wait3A_238, %dma_wait3A_239] : memref<40x64xi32, #tpu.memory_space<vmem>> -> memref<1x64xi32, #tpu.memory_space<vmem>>
      %dma_wait3A_241 = tpu.memref_squeeze %dma_wait3A_240 : memref<1x64xi32, #tpu.memory_space<vmem>> -> memref<64xi32, #tpu.memory_space<vmem>>
      %dma_wait3A_242 = arith.constant 0 : i32
      %dma_wait3A_243 = arith.constant 0 : i32
      %dma_wait3A_244 = tpu.memref_slice %arg26[%dma_wait3A_242, %dma_wait3A_243] : memref<10112x128xf32, #tpu.memory_space<vmem_shared>> -> memref<10112x128xf32, #tpu.memory_space<vmem_shared>>
      tpu.wait_indirect_dma semaphore(%arg21 : memref<!tpu.dma_semaphore, #tpu.memory_space<semaphore_mem>>) src(%arg11 : memref<64x128xf32, #tpu.memory_space<vmem>>) dst(%dma_wait3A_244 : memref<10112x128xf32, #tpu.memory_space<vmem_shared>>)
    }
    %scan3A_13 = arith.constant 40 : i32
    %run_scoped3A_14 = arith.constant 1 : i32
    "tpu.region"() ({
      %run_scoped3A_237 = tpu.sem_alloc : memref<!tpu.dma_semaphore, #tpu.memory_space<semaphore_mem>>
      %dma_start3A_238 = arith.constant 0 : i32
      %dma_start3A_239 = arith.constant 0 : i32
      %dma_start3A_240 = tpu.memref_slice %arg4[%arg0, %arg1, %run_scoped3A_14, %dma_start3A_238, %dma_start3A_239] : memref<2x16x4x40x64xi32, #tpu.memory_space<hbm>> -> memref<1x1x1x40x64xi32, #tpu.memory_space<hbm>>
      %dma_start3A_241 = tpu.memref_squeeze %dma_start3A_240 : memref<1x1x1x40x64xi32, #tpu.memory_space<hbm>> -> memref<40x64xi32, #tpu.memory_space<hbm>>
      %dma_start3A_242 = arith.constant 0 : i32
      %dma_start3A_243 = arith.constant 0 : i32
      %dma_start3A_244 = tpu.memref_slice %arg4[%arg0, %arg1, %run_scoped3A_14, %dma_start3A_242, %dma_start3A_243] : memref<2x16x4x40x64xi32, #tpu.memory_space<hbm>> -> memref<1x1x1x40x64xi32, #tpu.memory_space<hbm>>
      %dma_start3A_245 = tpu.memref_squeeze %dma_start3A_244 : memref<1x1x1x40x64xi32, #tpu.memory_space<hbm>> -> memref<40x64xi32, #tpu.memory_space<hbm>>
      tpu.enqueue_dma source(%dma_start3A_245 : memref<40x64xi32, #tpu.memory_space<hbm>>) target(%arg10 : memref<40x64xi32, #tpu.memory_space<vmem>>) target_semaphore(%run_scoped3A_237 : memref<!tpu.dma_semaphore, #tpu.memory_space<semaphore_mem>>)
      %dma_wait3A_246 = arith.constant 0 : i32
      %dma_wait3A_247 = arith.constant 0 : i32
      %dma_wait3A_248 = tpu.memref_slice %arg4[%arg0, %arg1, %run_scoped3A_14, %dma_wait3A_246, %dma_wait3A_247] : memref<2x16x4x40x64xi32, #tpu.memory_space<hbm>> -> memref<1x1x1x40x64xi32, #tpu.memory_space<hbm>>
      %dma_wait3A_249 = tpu.memref_squeeze %dma_wait3A_248 : memref<1x1x1x40x64xi32, #tpu.memory_space<hbm>> -> memref<40x64xi32, #tpu.memory_space<hbm>>
      %dma_wait3A_250 = arith.constant 0 : i32
      %dma_wait3A_251 = arith.constant 0 : i32
      %dma_wait3A_252 = tpu.memref_slice %arg4[%arg0, %arg1, %run_scoped3A_14, %dma_wait3A_250, %dma_wait3A_251] : memref<2x16x4x40x64xi32, #tpu.memory_space<hbm>> -> memref<1x1x1x40x64xi32, #tpu.memory_space<hbm>>
      %dma_wait3A_253 = tpu.memref_squeeze %dma_wait3A_252 : memref<1x1x1x40x64xi32, #tpu.memory_space<hbm>> -> memref<40x64xi32, #tpu.memory_space<hbm>>
      tpu.wait_dma2 semaphore(%run_scoped3A_237 : memref<!tpu.dma_semaphore, #tpu.memory_space<semaphore_mem>>) src(%dma_wait3A_253 : memref<40x64xi32, #tpu.memory_space<hbm>>) dst(%arg10 : memref<40x64xi32, #tpu.memory_space<vmem>>)
      tpu.yield
    }) : () -> ()
    %scan3A_15 = arith.constant 0 : i32
    %scan3A_16 = arith.constant 0 : i32
    %scan3A_17 = arith.constant 40 : i32
    %scan3A_18 = arith.addi %scan3A_16, %scan3A_17 : i32
    %scan3A_19 = arith.constant 1 : i32
    scf.for %scan3A_237 = %scan3A_16 to %scan3A_18 step %scan3A_19  : i32 {
      %dma_start3A_238 = arith.constant 0 : i32
      %dma_start3A_239 = tpu.memref_slice %arg10[%scan3A_237, %dma_start3A_238] : memref<40x64xi32, #tpu.memory_space<vmem>> -> memref<1x64xi32, #tpu.memory_space<vmem>>
      %dma_start3A_240 = tpu.memref_squeeze %dma_start3A_239 : memref<1x64xi32, #tpu.memory_space<vmem>> -> memref<64xi32, #tpu.memory_space<vmem>>
      %dma_start3A_241 = arith.constant 0 : i32
      %dma_start3A_242 = arith.constant 0 : i32
      %dma_start3A_243 = tpu.memref_slice %arg26[%dma_start3A_241, %dma_start3A_242] : memref<10112x128xf32, #tpu.memory_space<vmem_shared>> -> memref<10112x128xf32, #tpu.memory_space<vmem_shared>>
      tpu.enqueue_indirect_dma source(%arg11 : memref<64x128xf32, #tpu.memory_space<vmem>>) target(%dma_start3A_243 : memref<10112x128xf32, #tpu.memory_space<vmem_shared>>) offsets(%dma_start3A_240 : memref<64xi32, #tpu.memory_space<vmem>>) semaphore(%arg21 : memref<!tpu.dma_semaphore, #tpu.memory_space<semaphore_mem>>) {add = true}
    }
    %scan3A_20 = arith.constant 40 : i32
    %scan3A_21 = arith.constant 0 : i32
    %scan3A_22 = arith.constant 0 : i32
    %scan3A_23 = arith.constant 40 : i32
    %scan3A_24 = arith.addi %scan3A_22, %scan3A_23 : i32
    %scan3A_25 = arith.constant 1 : i32
    scf.for %scan3A_237 = %scan3A_22 to %scan3A_24 step %scan3A_25  : i32 {
      %dma_wait3A_238 = arith.constant 0 : i32
      %dma_wait3A_239 = arith.constant 0 : i32
      %dma_wait3A_240 = tpu.memref_slice %arg10[%dma_wait3A_238, %dma_wait3A_239] : memref<40x64xi32, #tpu.memory_space<vmem>> -> memref<1x64xi32, #tpu.memory_space<vmem>>
      %dma_wait3A_241 = tpu.memref_squeeze %dma_wait3A_240 : memref<1x64xi32, #tpu.memory_space<vmem>> -> memref<64xi32, #tpu.memory_space<vmem>>
      %dma_wait3A_242 = arith.constant 0 : i32
      %dma_wait3A_243 = arith.constant 0 : i32
      %dma_wait3A_244 = tpu.memref_slice %arg26[%dma_wait3A_242, %dma_wait3A_243] : memref<10112x128xf32, #tpu.memory_space<vmem_shared>> -> memref<10112x128xf32, #tpu.memory_space<vmem_shared>>
      tpu.wait_indirect_dma semaphore(%arg21 : memref<!tpu.dma_semaphore, #tpu.memory_space<semaphore_mem>>) src(%arg11 : memref<64x128xf32, #tpu.memory_space<vmem>>) dst(%dma_wait3A_244 : memref<10112x128xf32, #tpu.memory_space<vmem_shared>>)
    }
    %scan3A_26 = arith.constant 40 : i32
    %run_scoped3A_27 = arith.constant 2 : i32
    "tpu.region"() ({
      %run_scoped3A_237 = tpu.sem_alloc : memref<!tpu.dma_semaphore, #tpu.memory_space<semaphore_mem>>
      %dma_start3A_238 = arith.constant 0 : i32
      %dma_start3A_239 = arith.constant 0 : i32
      %dma_start3A_240 = tpu.memref_slice %arg4[%arg0, %arg1, %run_scoped3A_27, %dma_start3A_238, %dma_start3A_239] : memref<2x16x4x40x64xi32, #tpu.memory_space<hbm>> -> memref<1x1x1x40x64xi32, #tpu.memory_space<hbm>>
      %dma_start3A_241 = tpu.memref_squeeze %dma_start3A_240 : memref<1x1x1x40x64xi32, #tpu.memory_space<hbm>> -> memref<40x64xi32, #tpu.memory_space<hbm>>
      %dma_start3A_242 = arith.constant 0 : i32
      %dma_start3A_243 = arith.constant 0 : i32
      %dma_start3A_244 = tpu.memref_slice %arg4[%arg0, %arg1, %run_scoped3A_27, %dma_start3A_242, %dma_start3A_243] : memref<2x16x4x40x64xi32, #tpu.memory_space<hbm>> -> memref<1x1x1x40x64xi32, #tpu.memory_space<hbm>>
      %dma_start3A_245 = tpu.memref_squeeze %dma_start3A_244 : memref<1x1x1x40x64xi32, #tpu.memory_space<hbm>> -> memref<40x64xi32, #tpu.memory_space<hbm>>
      tpu.enqueue_dma source(%dma_start3A_245 : memref<40x64xi32, #tpu.memory_space<hbm>>) target(%arg10 : memref<40x64xi32, #tpu.memory_space<vmem>>) target_semaphore(%run_scoped3A_237 : memref<!tpu.dma_semaphore, #tpu.memory_space<semaphore_mem>>)
      %dma_wait3A_246 = arith.constant 0 : i32
      %dma_wait3A_247 = arith.constant 0 : i32
      %dma_wait3A_248 = tpu.memref_slice %arg4[%arg0, %arg1, %run_scoped3A_27, %dma_wait3A_246, %dma_wait3A_247] : memref<2x16x4x40x64xi32, #tpu.memory_space<hbm>> -> memref<1x1x1x40x64xi32, #tpu.memory_space<hbm>>
      %dma_wait3A_249 = tpu.memref_squeeze %dma_wait3A_248 : memref<1x1x1x40x64xi32, #tpu.memory_space<hbm>> -> memref<40x64xi32, #tpu.memory_space<hbm>>
      %dma_wait3A_250 = arith.constant 0 : i32
      %dma_wait3A_251 = arith.constant 0 : i32
      %dma_wait3A_252 = tpu.memref_slice %arg4[%arg0, %arg1, %run_scoped3A_27, %dma_wait3A_250, %dma_wait3A_251] : memref<2x16x4x40x64xi32, #tpu.memory_space<hbm>> -> memref<1x1x1x40x64xi32, #tpu.memory_space<hbm>>
      %dma_wait3A_253 = tpu.memref_squeeze %dma_wait3A_252 : memref<1x1x1x40x64xi32, #tpu.memory_space<hbm>> -> memref<40x64xi32, #tpu.memory_space<hbm>>
      tpu.wait_dma2 semaphore(%run_scoped3A_237 : memref<!tpu.dma_semaphore, #tpu.memory_space<semaphore_mem>>) src(%dma_wait3A_253 : memref<40x64xi32, #tpu.memory_space<hbm>>) dst(%arg10 : memref<40x64xi32, #tpu.memory_space<vmem>>)
      tpu.yield
    }) : () -> ()
    %scan3A_28 = arith.constant 0 : i32
    %scan3A_29 = arith.constant 0 : i32
    %scan3A_30 = arith.constant 40 : i32
    %scan3A_31 = arith.addi %scan3A_29, %scan3A_30 : i32
    %scan3A_32 = arith.constant 1 : i32
    scf.for %scan3A_237 = %scan3A_29 to %scan3A_31 step %scan3A_32  : i32 {
      %dma_start3A_238 = arith.constant 0 : i32
      %dma_start3A_239 = tpu.memref_slice %arg10[%scan3A_237, %dma_start3A_238] : memref<40x64xi32, #tpu.memory_space<vmem>> -> memref<1x64xi32, #tpu.memory_space<vmem>>
      %dma_start3A_240 = tpu.memref_squeeze %dma_start3A_239 : memref<1x64xi32, #tpu.memory_space<vmem>> -> memref<64xi32, #tpu.memory_space<vmem>>
      %dma_start3A_241 = arith.constant 0 : i32
      %dma_start3A_242 = arith.constant 0 : i32
      %dma_start3A_243 = tpu.memref_slice %arg26[%dma_start3A_241, %dma_start3A_242] : memref<10112x128xf32, #tpu.memory_space<vmem_shared>> -> memref<10112x128xf32, #tpu.memory_space<vmem_shared>>
      tpu.enqueue_indirect_dma source(%arg11 : memref<64x128xf32, #tpu.memory_space<vmem>>) target(%dma_start3A_243 : memref<10112x128xf32, #tpu.memory_space<vmem_shared>>) offsets(%dma_start3A_240 : memref<64xi32, #tpu.memory_space<vmem>>) semaphore(%arg21 : memref<!tpu.dma_semaphore, #tpu.memory_space<semaphore_mem>>) {add = true}
    }
    %scan3A_33 = arith.constant 40 : i32
    %scan3A_34 = arith.constant 0 : i32
    %scan3A_35 = arith.constant 0 : i32
    %scan3A_36 = arith.constant 40 : i32
    %scan3A_37 = arith.addi %scan3A_35, %scan3A_36 : i32
    %scan3A_38 = arith.constant 1 : i32
    scf.for %scan3A_237 = %scan3A_35 to %scan3A_37 step %scan3A_38  : i32 {
      %dma_wait3A_238 = arith.constant 0 : i32
      %dma_wait3A_239 = arith.constant 0 : i32
      %dma_wait3A_240 = tpu.memref_slice %arg10[%dma_wait3A_238, %dma_wait3A_239] : memref<40x64xi32, #tpu.memory_space<vmem>> -> memref<1x64xi32, #tpu.memory_space<vmem>>
      %dma_wait3A_241 = tpu.memref_squeeze %dma_wait3A_240 : memref<1x64xi32, #tpu.memory_space<vmem>> -> memref<64xi32, #tpu.memory_space<vmem>>
      %dma_wait3A_242 = arith.constant 0 : i32
      %dma_wait3A_243 = arith.constant 0 : i32
      %dma_wait3A_244 = tpu.memref_slice %arg26[%dma_wait3A_242, %dma_wait3A_243] : memref<10112x128xf32, #tpu.memory_space<vmem_shared>> -> memref<10112x128xf32, #tpu.memory_space<vmem_shared>>
      tpu.wait_indirect_dma semaphore(%arg21 : memref<!tpu.dma_semaphore, #tpu.memory_space<semaphore_mem>>) src(%arg11 : memref<64x128xf32, #tpu.memory_space<vmem>>) dst(%dma_wait3A_244 : memref<10112x128xf32, #tpu.memory_space<vmem_shared>>)
    }
    %scan3A_39 = arith.constant 40 : i32
    %run_scoped3A_40 = arith.constant 3 : i32
    "tpu.region"() ({
      %run_scoped3A_237 = tpu.sem_alloc : memref<!tpu.dma_semaphore, #tpu.memory_space<semaphore_mem>>
      %dma_start3A_238 = arith.constant 0 : i32
      %dma_start3A_239 = arith.constant 0 : i32
      %dma_start3A_240 = tpu.memref_slice %arg4[%arg0, %arg1, %run_scoped3A_40, %dma_start3A_238, %dma_start3A_239] : memref<2x16x4x40x64xi32, #tpu.memory_space<hbm>> -> memref<1x1x1x40x64xi32, #tpu.memory_space<hbm>>
      %dma_start3A_241 = tpu.memref_squeeze %dma_start3A_240 : memref<1x1x1x40x64xi32, #tpu.memory_space<hbm>> -> memref<40x64xi32, #tpu.memory_space<hbm>>
      %dma_start3A_242 = arith.constant 0 : i32
      %dma_start3A_243 = arith.constant 0 : i32
      %dma_start3A_244 = tpu.memref_slice %arg4[%arg0, %arg1, %run_scoped3A_40, %dma_start3A_242, %dma_start3A_243] : memref<2x16x4x40x64xi32, #tpu.memory_space<hbm>> -> memref<1x1x1x40x64xi32, #tpu.memory_space<hbm>>
      %dma_start3A_245 = tpu.memref_squeeze %dma_start3A_244 : memref<1x1x1x40x64xi32, #tpu.memory_space<hbm>> -> memref<40x64xi32, #tpu.memory_space<hbm>>
      tpu.enqueue_dma source(%dma_start3A_245 : memref<40x64xi32, #tpu.memory_space<hbm>>) target(%arg10 : memref<40x64xi32, #tpu.memory_space<vmem>>) target_semaphore(%run_scoped3A_237 : memref<!tpu.dma_semaphore, #tpu.memory_space<semaphore_mem>>)
      %dma_wait3A_246 = arith.constant 0 : i32
      %dma_wait3A_247 = arith.constant 0 : i32
      %dma_wait3A_248 = tpu.memref_slice %arg4[%arg0, %arg1, %run_scoped3A_40, %dma_wait3A_246, %dma_wait3A_247] : memref<2x16x4x40x64xi32, #tpu.memory_space<hbm>> -> memref<1x1x1x40x64xi32, #tpu.memory_space<hbm>>
      %dma_wait3A_249 = tpu.memref_squeeze %dma_wait3A_248 : memref<1x1x1x40x64xi32, #tpu.memory_space<hbm>> -> memref<40x64xi32, #tpu.memory_space<hbm>>
      %dma_wait3A_250 = arith.constant 0 : i32
      %dma_wait3A_251 = arith.constant 0 : i32
      %dma_wait3A_252 = tpu.memref_slice %arg4[%arg0, %arg1, %run_scoped3A_40, %dma_wait3A_250, %dma_wait3A_251] : memref<2x16x4x40x64xi32, #tpu.memory_space<hbm>> -> memref<1x1x1x40x64xi32, #tpu.memory_space<hbm>>
      %dma_wait3A_253 = tpu.memref_squeeze %dma_wait3A_252 : memref<1x1x1x40x64xi32, #tpu.memory_space<hbm>> -> memref<40x64xi32, #tpu.memory_space<hbm>>
      tpu.wait_dma2 semaphore(%run_scoped3A_237 : memref<!tpu.dma_semaphore, #tpu.memory_space<semaphore_mem>>) src(%dma_wait3A_253 : memref<40x64xi32, #tpu.memory_space<hbm>>) dst(%arg10 : memref<40x64xi32, #tpu.memory_space<vmem>>)
      tpu.yield
    }) : () -> ()
    %scan3A_41 = arith.constant 0 : i32
    %scan3A_42 = arith.constant 0 : i32
    %scan3A_43 = arith.constant 40 : i32
    %scan3A_44 = arith.addi %scan3A_42, %scan3A_43 : i32
    %scan3A_45 = arith.constant 1 : i32
    scf.for %scan3A_237 = %scan3A_42 to %scan3A_44 step %scan3A_45  : i32 {
      %dma_start3A_238 = arith.constant 0 : i32
      %dma_start3A_239 = tpu.memref_slice %arg10[%scan3A_237, %dma_start3A_238] : memref<40x64xi32, #tpu.memory_space<vmem>> -> memref<1x64xi32, #tpu.memory_space<vmem>>
      %dma_start3A_240 = tpu.memref_squeeze %dma_start3A_239 : memref<1x64xi32, #tpu.memory_space<vmem>> -> memref<64xi32, #tpu.memory_space<vmem>>
      %dma_start3A_241 = arith.constant 0 : i32
      %dma_start3A_242 = arith.constant 0 : i32
      %dma_start3A_243 = tpu.memref_slice %arg26[%dma_start3A_241, %dma_start3A_242] : memref<10112x128xf32, #tpu.memory_space<vmem_shared>> -> memref<10112x128xf32, #tpu.memory_space<vmem_shared>>
      tpu.enqueue_indirect_dma source(%arg11 : memref<64x128xf32, #tpu.memory_space<vmem>>) target(%dma_start3A_243 : memref<10112x128xf32, #tpu.memory_space<vmem_shared>>) offsets(%dma_start3A_240 : memref<64xi32, #tpu.memory_space<vmem>>) semaphore(%arg21 : memref<!tpu.dma_semaphore, #tpu.memory_space<semaphore_mem>>) {add = true}
    }
    %scan3A_46 = arith.constant 40 : i32
    %scan3A_47 = arith.constant 0 : i32
    %scan3A_48 = arith.constant 0 : i32
    %scan3A_49 = arith.constant 40 : i32
    %scan3A_50 = arith.addi %scan3A_48, %scan3A_49 : i32
    %scan3A_51 = arith.constant 1 : i32
    scf.for %scan3A_237 = %scan3A_48 to %scan3A_50 step %scan3A_51  : i32 {
      %dma_wait3A_238 = arith.constant 0 : i32
      %dma_wait3A_239 = arith.constant 0 : i32
      %dma_wait3A_240 = tpu.memref_slice %arg10[%dma_wait3A_238, %dma_wait3A_239] : memref<40x64xi32, #tpu.memory_space<vmem>> -> memref<1x64xi32, #tpu.memory_space<vmem>>
      %dma_wait3A_241 = tpu.memref_squeeze %dma_wait3A_240 : memref<1x64xi32, #tpu.memory_space<vmem>> -> memref<64xi32, #tpu.memory_space<vmem>>
      %dma_wait3A_242 = arith.constant 0 : i32
      %dma_wait3A_243 = arith.constant 0 : i32
      %dma_wait3A_244 = tpu.memref_slice %arg26[%dma_wait3A_242, %dma_wait3A_243] : memref<10112x128xf32, #tpu.memory_space<vmem_shared>> -> memref<10112x128xf32, #tpu.memory_space<vmem_shared>>
      tpu.wait_indirect_dma semaphore(%arg21 : memref<!tpu.dma_semaphore, #tpu.memory_space<semaphore_mem>>) src(%arg11 : memref<64x128xf32, #tpu.memory_space<vmem>>) dst(%dma_wait3A_244 : memref<10112x128xf32, #tpu.memory_space<vmem_shared>>)
    }
    %scan3A_52 = arith.constant 40 : i32
    %barrier3A_53 = arith.constant 0 : index
    tpu.barrier barrier_id(%barrier3A_53)
    %mul3A_54 = arith.constant 632 : i32
    %mul3A_55 = arith.muli %arg1, %mul3A_54 : i32
    %mul3A_56 = arith.constant 632 : i32
    %mul3A_57 = arith.muli %arg1, %mul3A_56 : i32
    "tpu.region"() ({
      %run_scoped3A_237 = tpu.sem_alloc : memref<!tpu.dma_semaphore, #tpu.memory_space<semaphore_mem>>
      %dma_start3A_238 = arith.constant 0 : i32
      %dma_start3A_239 = tpu.memref_slice %arg8[%arg0, %mul3A_57, %dma_start3A_238] : memref<2x10112x128xf32, #tpu.memory_space<hbm>> -> memref<1x632x128xf32, #tpu.memory_space<hbm>>
      %dma_start3A_240 = tpu.memref_squeeze %dma_start3A_239 : memref<1x632x128xf32, #tpu.memory_space<hbm>> -> memref<632x128xf32, #tpu.memory_space<hbm>>
      %dma_start3A_241 = arith.constant 0 : i32
      %dma_start3A_242 = tpu.memref_slice %arg26[%mul3A_55, %dma_start3A_241] : memref<10112x128xf32, #tpu.memory_space<vmem_shared>> -> memref<632x128xf32, #tpu.memory_space<vmem_shared>>
      tpu.enqueue_dma source(%dma_start3A_242 : memref<632x128xf32, #tpu.memory_space<vmem_shared>>) target(%dma_start3A_240 : memref<632x128xf32, #tpu.memory_space<hbm>>) target_semaphore(%run_scoped3A_237 : memref<!tpu.dma_semaphore, #tpu.memory_space<semaphore_mem>>)
      %dma_wait3A_243 = arith.constant 0 : i32
      %dma_wait3A_244 = tpu.memref_slice %arg8[%arg0, %mul3A_57, %dma_wait3A_243] : memref<2x10112x128xf32, #tpu.memory_space<hbm>> -> memref<1x632x128xf32, #tpu.memory_space<hbm>>
      %dma_wait3A_245 = tpu.memref_squeeze %dma_wait3A_244 : memref<1x632x128xf32, #tpu.memory_space<hbm>> -> memref<632x128xf32, #tpu.memory_space<hbm>>
      %dma_wait3A_246 = arith.constant 0 : i32
      %dma_wait3A_247 = tpu.memref_slice %arg26[%mul3A_55, %dma_wait3A_246] : memref<10112x128xf32, #tpu.memory_space<vmem_shared>> -> memref<632x128xf32, #tpu.memory_space<vmem_shared>>
      tpu.wait_dma2 semaphore(%run_scoped3A_237 : memref<!tpu.dma_semaphore, #tpu.memory_space<semaphore_mem>>) src(%dma_wait3A_247 : memref<632x128xf32, #tpu.memory_space<vmem_shared>>) dst(%dma_wait3A_245 : memref<632x128xf32, #tpu.memory_space<hbm>>)
      tpu.yield
    }) : () -> ()
    %mul3A_58 = arith.constant 16 : i32
    %mul3A_59 = arith.muli %arg0, %mul3A_58 : i32
    %add3A = arith.addi %mul3A_59, %arg1 : i32
    %mul3A_60 = arith.constant 4 : i32
    %mul3A_61 = arith.muli %add3A, %mul3A_60 : i32
    %add3A_62 = arith.constant 0 : i32
    %add3A_63 = arith.addi %mul3A_61, %add3A_62 : i32
    %mul3A_64 = arith.constant 2560 : i32
    %mul3A_65 = arith.muli %add3A_63, %mul3A_64 : i32
    "tpu.region"() ({
      %run_scoped3A_237 = tpu.sem_alloc : memref<!tpu.dma_semaphore, #tpu.memory_space<semaphore_mem>>
      %dma_start3A_238 = tpu.memref_slice %arg3[%mul3A_65] : memref<327680xi32, #tpu.memory_space<hbm>> -> memref<2560xi32, #tpu.memory_space<hbm>>
      %dma_start3A_239 = tpu.memref_slice %arg3[%mul3A_65] : memref<327680xi32, #tpu.memory_space<hbm>> -> memref<2560xi32, #tpu.memory_space<hbm>>
      tpu.enqueue_dma source(%dma_start3A_239 : memref<2560xi32, #tpu.memory_space<hbm>>) target(%arg9 : memref<2560xi32, #tpu.memory_space<vmem>>) target_semaphore(%run_scoped3A_237 : memref<!tpu.dma_semaphore, #tpu.memory_space<semaphore_mem>>)
      %dma_wait3A_240 = tpu.memref_slice %arg3[%mul3A_65] : memref<327680xi32, #tpu.memory_space<hbm>> -> memref<2560xi32, #tpu.memory_space<hbm>>
      %dma_wait3A_241 = tpu.memref_slice %arg3[%mul3A_65] : memref<327680xi32, #tpu.memory_space<hbm>> -> memref<2560xi32, #tpu.memory_space<hbm>>
      tpu.wait_dma2 semaphore(%run_scoped3A_237 : memref<!tpu.dma_semaphore, #tpu.memory_space<semaphore_mem>>) src(%dma_wait3A_241 : memref<2560xi32, #tpu.memory_space<hbm>>) dst(%arg9 : memref<2560xi32, #tpu.memory_space<vmem>>)
      tpu.yield
    }) : () -> ()
    %run_scoped3A_66 = arith.constant 0 : i32
    "tpu.region"() ({
      %run_scoped3A_237 = tpu.sem_alloc : memref<!tpu.dma_semaphore, #tpu.memory_space<semaphore_mem>>
      %dma_start3A_238 = arith.constant 0 : i32
      %dma_start3A_239 = arith.constant 0 : i32
      %dma_start3A_240 = tpu.memref_slice %arg4[%arg0, %arg1, %run_scoped3A_66, %dma_start3A_238, %dma_start3A_239] : memref<2x16x4x40x64xi32, #tpu.memory_space<hbm>> -> memref<1x1x1x40x64xi32, #tpu.memory_space<hbm>>
      %dma_start3A_241 = tpu.memref_squeeze %dma_start3A_240 : memref<1x1x1x40x64xi32, #tpu.memory_space<hbm>> -> memref<40x64xi32, #tpu.memory_space<hbm>>
      %dma_start3A_242 = arith.constant 0 : i32
      %dma_start3A_243 = arith.constant 0 : i32
      %dma_start3A_244 = tpu.memref_slice %arg4[%arg0, %arg1, %run_scoped3A_66, %dma_start3A_242, %dma_start3A_243] : memref<2x16x4x40x64xi32, #tpu.memory_space<hbm>> -> memref<1x1x1x40x64xi32, #tpu.memory_space<hbm>>
      %dma_start3A_245 = tpu.memref_squeeze %dma_start3A_244 : memref<1x1x1x40x64xi32, #tpu.memory_space<hbm>> -> memref<40x64xi32, #tpu.memory_space<hbm>>
      tpu.enqueue_dma source(%dma_start3A_245 : memref<40x64xi32, #tpu.memory_space<hbm>>) target(%arg10 : memref<40x64xi32, #tpu.memory_space<vmem>>) target_semaphore(%run_scoped3A_237 : memref<!tpu.dma_semaphore, #tpu.memory_space<semaphore_mem>>)
      %dma_wait3A_246 = arith.constant 0 : i32
      %dma_wait3A_247 = arith.constant 0 : i32
      %dma_wait3A_248 = tpu.memref_slice %arg4[%arg0, %arg1, %run_scoped3A_66, %dma_wait3A_246, %dma_wait3A_247] : memref<2x16x4x40x64xi32, #tpu.memory_space<hbm>> -> memref<1x1x1x40x64xi32, #tpu.memory_space<hbm>>
      %dma_wait3A_249 = tpu.memref_squeeze %dma_wait3A_248 : memref<1x1x1x40x64xi32, #tpu.memory_space<hbm>> -> memref<40x64xi32, #tpu.memory_space<hbm>>
      %dma_wait3A_250 = arith.constant 0 : i32
      %dma_wait3A_251 = arith.constant 0 : i32
      %dma_wait3A_252 = tpu.memref_slice %arg4[%arg0, %arg1, %run_scoped3A_66, %dma_wait3A_250, %dma_wait3A_251] : memref<2x16x4x40x64xi32, #tpu.memory_space<hbm>> -> memref<1x1x1x40x64xi32, #tpu.memory_space<hbm>>
      %dma_wait3A_253 = tpu.memref_squeeze %dma_wait3A_252 : memref<1x1x1x40x64xi32, #tpu.memory_space<hbm>> -> memref<40x64xi32, #tpu.memory_space<hbm>>
      tpu.wait_dma2 semaphore(%run_scoped3A_237 : memref<!tpu.dma_semaphore, #tpu.memory_space<semaphore_mem>>) src(%dma_wait3A_253 : memref<40x64xi32, #tpu.memory_space<hbm>>) dst(%arg10 : memref<40x64xi32, #tpu.memory_space<vmem>>)
      tpu.yield
    }) : () -> ()
    %dma_start3A = arith.constant 0 : i32
    %dma_start3A_67 = tpu.memref_slice %arg9[%dma_start3A] : memref<2560xi32, #tpu.memory_space<vmem>> -> memref<64xi32, #tpu.memory_space<vmem>>
    %dma_start3A_68 = arith.constant 0 : i32
    %dma_start3A_69 = arith.constant 0 : i32
    %dma_start3A_70 = tpu.memref_slice %arg2[%dma_start3A_68, %dma_start3A_69] : memref<10000x128xf32, #tpu.memory_space<hbm>> -> memref<10000x128xf32, #tpu.memory_space<hbm>>
    tpu.enqueue_indirect_dma source(%dma_start3A_70 : memref<10000x128xf32, #tpu.memory_space<hbm>>) target(%arg11 : memref<64x128xf32, #tpu.memory_space<vmem>>) offsets(%dma_start3A_67 : memref<64xi32, #tpu.memory_space<vmem>>) semaphore(%arg16 : memref<!tpu.dma_semaphore, #tpu.memory_space<semaphore_mem>>)
    %dma_start3A_71 = arith.constant 64 : i32
    %dma_start3A_72 = tpu.memref_slice %arg9[%dma_start3A_71] : memref<2560xi32, #tpu.memory_space<vmem>> -> memref<64xi32, #tpu.memory_space<vmem>>
    %dma_start3A_73 = arith.constant 0 : i32
    %dma_start3A_74 = arith.constant 0 : i32
    %dma_start3A_75 = tpu.memref_slice %arg2[%dma_start3A_73, %dma_start3A_74] : memref<10000x128xf32, #tpu.memory_space<hbm>> -> memref<10000x128xf32, #tpu.memory_space<hbm>>
    tpu.enqueue_indirect_dma source(%dma_start3A_75 : memref<10000x128xf32, #tpu.memory_space<hbm>>) target(%arg12 : memref<64x128xf32, #tpu.memory_space<vmem>>) offsets(%dma_start3A_72 : memref<64xi32, #tpu.memory_space<vmem>>) semaphore(%arg17 : memref<!tpu.dma_semaphore, #tpu.memory_space<semaphore_mem>>)
    %dma_start3A_76 = arith.constant 128 : i32
    %dma_start3A_77 = tpu.memref_slice %arg9[%dma_start3A_76] : memref<2560xi32, #tpu.memory_space<vmem>> -> memref<64xi32, #tpu.memory_space<vmem>>
    %dma_start3A_78 = arith.constant 0 : i32
    %dma_start3A_79 = arith.constant 0 : i32
    %dma_start3A_80 = tpu.memref_slice %arg2[%dma_start3A_78, %dma_start3A_79] : memref<10000x128xf32, #tpu.memory_space<hbm>> -> memref<10000x128xf32, #tpu.memory_space<hbm>>
    tpu.enqueue_indirect_dma source(%dma_start3A_80 : memref<10000x128xf32, #tpu.memory_space<hbm>>) target(%arg13 : memref<64x128xf32, #tpu.memory_space<vmem>>) offsets(%dma_start3A_77 : memref<64xi32, #tpu.memory_space<vmem>>) semaphore(%arg18 : memref<!tpu.dma_semaphore, #tpu.memory_space<semaphore_mem>>)
    %dma_start3A_81 = arith.constant 192 : i32
    %dma_start3A_82 = tpu.memref_slice %arg9[%dma_start3A_81] : memref<2560xi32, #tpu.memory_space<vmem>> -> memref<64xi32, #tpu.memory_space<vmem>>
    %dma_start3A_83 = arith.constant 0 : i32
    %dma_start3A_84 = arith.constant 0 : i32
    %dma_start3A_85 = tpu.memref_slice %arg2[%dma_start3A_83, %dma_start3A_84] : memref<10000x128xf32, #tpu.memory_space<hbm>> -> memref<10000x128xf32, #tpu.memory_space<hbm>>
    tpu.enqueue_indirect_dma source(%dma_start3A_85 : memref<10000x128xf32, #tpu.memory_space<hbm>>) target(%arg14 : memref<64x128xf32, #tpu.memory_space<vmem>>) offsets(%dma_start3A_82 : memref<64xi32, #tpu.memory_space<vmem>>) semaphore(%arg19 : memref<!tpu.dma_semaphore, #tpu.memory_space<semaphore_mem>>)
    %mul3A_86 = arith.constant 632 : i32
    %mul3A_87 = arith.muli %arg1, %mul3A_86 : i32
    %mul3A_88 = arith.constant 632 : i32
    %mul3A_89 = arith.muli %arg1, %mul3A_88 : i32
    "tpu.region"() ({
      %run_scoped3A_237 = tpu.sem_alloc : memref<!tpu.dma_semaphore, #tpu.memory_space<semaphore_mem>>
      %dma_start3A_238 = arith.constant 0 : i32
      %dma_start3A_239 = tpu.memref_slice %arg26[%mul3A_89, %dma_start3A_238] : memref<10112x128xf32, #tpu.memory_space<vmem_shared>> -> memref<632x128xf32, #tpu.memory_space<vmem_shared>>
      %dma_start3A_240 = arith.constant 0 : i32
      %dma_start3A_241 = tpu.memref_slice %arg5[%mul3A_87, %dma_start3A_240] : memref<10112x128xf32, #tpu.memory_space<hbm>> -> memref<632x128xf32, #tpu.memory_space<hbm>>
      tpu.enqueue_dma source(%dma_start3A_241 : memref<632x128xf32, #tpu.memory_space<hbm>>) target(%dma_start3A_239 : memref<632x128xf32, #tpu.memory_space<vmem_shared>>) target_semaphore(%run_scoped3A_237 : memref<!tpu.dma_semaphore, #tpu.memory_space<semaphore_mem>>)
      %dma_wait3A_242 = arith.constant 0 : i32
      %dma_wait3A_243 = tpu.memref_slice %arg26[%mul3A_89, %dma_wait3A_242] : memref<10112x128xf32, #tpu.memory_space<vmem_shared>> -> memref<632x128xf32, #tpu.memory_space<vmem_shared>>
      %dma_wait3A_244 = arith.constant 0 : i32
      %dma_wait3A_245 = tpu.memref_slice %arg5[%mul3A_87, %dma_wait3A_244] : memref<10112x128xf32, #tpu.memory_space<hbm>> -> memref<632x128xf32, #tpu.memory_space<hbm>>
      tpu.wait_dma2 semaphore(%run_scoped3A_237 : memref<!tpu.dma_semaphore, #tpu.memory_space<semaphore_mem>>) src(%dma_wait3A_245 : memref<632x128xf32, #tpu.memory_space<hbm>>) dst(%dma_wait3A_243 : memref<632x128xf32, #tpu.memory_space<vmem_shared>>)
      tpu.yield
    }) : () -> ()
    %barrier3A_90 = arith.constant 0 : index
    tpu.barrier barrier_id(%barrier3A_90)
    %scan3A_91 = arith.constant 0 : i32
    %scan3A_92 = arith.constant 0 : i32
    %scan3A_93 = arith.constant 8 : i32
    %scan3A_94 = arith.addi %scan3A_92, %scan3A_93 : i32
    %scan3A_95 = arith.constant 1 : i32
    scf.for %scan3A_237 = %scan3A_92 to %scan3A_94 step %scan3A_95  : i32 {
      %mul3A_238 = arith.constant 5 : i32
      %mul3A_239 = arith.muli %mul3A_238, %scan3A_237 : i32
      %add3A_240 = arith.constant 0 : i32
      %add3A_241 = arith.addi %mul3A_239, %add3A_240 : i32
      %mul3A_242 = arith.constant 64 : i32
      %mul3A_243 = arith.muli %add3A_241, %mul3A_242 : i32
      %dma_wait3A_244 = tpu.memref_slice %arg9[%mul3A_243] : memref<2560xi32, #tpu.memory_space<vmem>> -> memref<64xi32, #tpu.memory_space<vmem>>
      %dma_wait3A_245 = arith.constant 0 : i32
      %dma_wait3A_246 = arith.constant 0 : i32
      %dma_wait3A_247 = tpu.memref_slice %arg2[%dma_wait3A_245, %dma_wait3A_246] : memref<10000x128xf32, #tpu.memory_space<hbm>> -> memref<10000x128xf32, #tpu.memory_space<hbm>>
      tpu.wait_indirect_dma semaphore(%arg16 : memref<!tpu.dma_semaphore, #tpu.memory_space<semaphore_mem>>) src(%dma_wait3A_247 : memref<10000x128xf32, #tpu.memory_space<hbm>>) dst(%arg11 : memref<64x128xf32, #tpu.memory_space<vmem>>)
      %dma_start3A_248 = arith.constant 0 : i32
      %dma_start3A_249 = tpu.memref_slice %arg10[%add3A_241, %dma_start3A_248] : memref<40x64xi32, #tpu.memory_space<vmem>> -> memref<1x64xi32, #tpu.memory_space<vmem>>
      %dma_start3A_250 = tpu.memref_squeeze %dma_start3A_249 : memref<1x64xi32, #tpu.memory_space<vmem>> -> memref<64xi32, #tpu.memory_space<vmem>>
      %dma_start3A_251 = arith.constant 0 : i32
      %dma_start3A_252 = arith.constant 0 : i32
      %dma_start3A_253 = tpu.memref_slice %arg26[%dma_start3A_251, %dma_start3A_252] : memref<10112x128xf32, #tpu.memory_space<vmem_shared>> -> memref<10112x128xf32, #tpu.memory_space<vmem_shared>>
      tpu.enqueue_indirect_dma source(%arg11 : memref<64x128xf32, #tpu.memory_space<vmem>>) target(%dma_start3A_253 : memref<10112x128xf32, #tpu.memory_space<vmem_shared>>) offsets(%dma_start3A_250 : memref<64xi32, #tpu.memory_space<vmem>>) semaphore(%arg21 : memref<!tpu.dma_semaphore, #tpu.memory_space<semaphore_mem>>) {add = true}
      %ge3A = arith.constant 1 : i32
      %ge3A_254 = arith.cmpi sge, %add3A_241, %ge3A : i32
      %convert_element_type3A = arith.extui %ge3A_254 : i1 to i32
      %cond3A = arith.constant 0 : i32
      %cond3A_255 = arith.cmpi ne, %convert_element_type3A, %cond3A : i32
      scf.if %cond3A_255 {
        %dma_wait3A_374 = arith.constant 0 : i32
        %dma_wait3A_375 = arith.constant 0 : i32
        %dma_wait3A_376 = tpu.memref_slice %arg10[%dma_wait3A_374, %dma_wait3A_375] : memref<40x64xi32, #tpu.memory_space<vmem>> -> memref<1x64xi32, #tpu.memory_space<vmem>>
        %dma_wait3A_377 = tpu.memref_squeeze %dma_wait3A_376 : memref<1x64xi32, #tpu.memory_space<vmem>> -> memref<64xi32, #tpu.memory_space<vmem>>
        %dma_wait3A_378 = arith.constant 0 : i32
        %dma_wait3A_379 = arith.constant 0 : i32
        %dma_wait3A_380 = tpu.memref_slice %arg26[%dma_wait3A_378, %dma_wait3A_379] : memref<10112x128xf32, #tpu.memory_space<vmem_shared>> -> memref<10112x128xf32, #tpu.memory_space<vmem_shared>>
        tpu.wait_indirect_dma semaphore(%arg25 : memref<!tpu.dma_semaphore, #tpu.memory_space<semaphore_mem>>) src(%arg15 : memref<64x128xf32, #tpu.memory_space<vmem>>) dst(%dma_wait3A_380 : memref<10112x128xf32, #tpu.memory_space<vmem_shared>>)
      } else {
      }
      %add3A_256 = arith.constant 4 : i32
      %add3A_257 = arith.addi %add3A_241, %add3A_256 : i32
      %lt3A = arith.constant 40 : i32
      %lt3A_258 = arith.cmpi slt, %add3A_257, %lt3A : i32
      %convert_element_type3A_259 = arith.extui %lt3A_258 : i1 to i32
      %cond3A_260 = arith.constant 0 : i32
      %cond3A_261 = arith.cmpi ne, %convert_element_type3A_259, %cond3A_260 : i32
      scf.if %cond3A_261 {
        %add3A_374 = arith.constant 4 : i32
        %add3A_375 = arith.addi %add3A_241, %add3A_374 : i32
        %mul3A_376 = arith.constant 64 : i32
        %mul3A_377 = arith.muli %add3A_375, %mul3A_376 : i32
        %dma_start3A_378 = tpu.memref_slice %arg9[%mul3A_377] : memref<2560xi32, #tpu.memory_space<vmem>> -> memref<64xi32, #tpu.memory_space<vmem>>
        %dma_start3A_379 = arith.constant 0 : i32
        %dma_start3A_380 = arith.constant 0 : i32
        %dma_start3A_381 = tpu.memref_slice %arg2[%dma_start3A_379, %dma_start3A_380] : memref<10000x128xf32, #tpu.memory_space<hbm>> -> memref<10000x128xf32, #tpu.memory_space<hbm>>
        tpu.enqueue_indirect_dma source(%dma_start3A_381 : memref<10000x128xf32, #tpu.memory_space<hbm>>) target(%arg15 : memref<64x128xf32, #tpu.memory_space<vmem>>) offsets(%dma_start3A_378 : memref<64xi32, #tpu.memory_space<vmem>>) semaphore(%arg20 : memref<!tpu.dma_semaphore, #tpu.memory_space<semaphore_mem>>)
      } else {
      }
      %mul3A_262 = arith.constant 5 : i32
      %mul3A_263 = arith.muli %mul3A_262, %scan3A_237 : i32
      %add3A_264 = arith.constant 1 : i32
      %add3A_265 = arith.addi %mul3A_263, %add3A_264 : i32
      %mul3A_266 = arith.constant 64 : i32
      %mul3A_267 = arith.muli %add3A_265, %mul3A_266 : i32
      %dma_wait3A_268 = tpu.memref_slice %arg9[%mul3A_267] : memref<2560xi32, #tpu.memory_space<vmem>> -> memref<64xi32, #tpu.memory_space<vmem>>
      %dma_wait3A_269 = arith.constant 0 : i32
      %dma_wait3A_270 = arith.constant 0 : i32
      %dma_wait3A_271 = tpu.memref_slice %arg2[%dma_wait3A_269, %dma_wait3A_270] : memref<10000x128xf32, #tpu.memory_space<hbm>> -> memref<10000x128xf32, #tpu.memory_space<hbm>>
      tpu.wait_indirect_dma semaphore(%arg17 : memref<!tpu.dma_semaphore, #tpu.memory_space<semaphore_mem>>) src(%dma_wait3A_271 : memref<10000x128xf32, #tpu.memory_space<hbm>>) dst(%arg12 : memref<64x128xf32, #tpu.memory_space<vmem>>)
      %dma_start3A_272 = arith.constant 0 : i32
      %dma_start3A_273 = tpu.memref_slice %arg10[%add3A_265, %dma_start3A_272] : memref<40x64xi32, #tpu.memory_space<vmem>> -> memref<1x64xi32, #tpu.memory_space<vmem>>
      %dma_start3A_274 = tpu.memref_squeeze %dma_start3A_273 : memref<1x64xi32, #tpu.memory_space<vmem>> -> memref<64xi32, #tpu.memory_space<vmem>>
      %dma_start3A_275 = arith.constant 0 : i32
      %dma_start3A_276 = arith.constant 0 : i32
      %dma_start3A_277 = tpu.memref_slice %arg26[%dma_start3A_275, %dma_start3A_276] : memref<10112x128xf32, #tpu.memory_space<vmem_shared>> -> memref<10112x128xf32, #tpu.memory_space<vmem_shared>>
      tpu.enqueue_indirect_dma source(%arg12 : memref<64x128xf32, #tpu.memory_space<vmem>>) target(%dma_start3A_277 : memref<10112x128xf32, #tpu.memory_space<vmem_shared>>) offsets(%dma_start3A_274 : memref<64xi32, #tpu.memory_space<vmem>>) semaphore(%arg22 : memref<!tpu.dma_semaphore, #tpu.memory_space<semaphore_mem>>) {add = true}
      %ge3A_278 = arith.constant 1 : i32
      %ge3A_279 = arith.cmpi sge, %add3A_265, %ge3A_278 : i32
      %convert_element_type3A_280 = arith.extui %ge3A_279 : i1 to i32
      %cond3A_281 = arith.constant 0 : i32
      %cond3A_282 = arith.cmpi ne, %convert_element_type3A_280, %cond3A_281 : i32
      scf.if %cond3A_282 {
        %dma_wait3A_374 = arith.constant 0 : i32
        %dma_wait3A_375 = arith.constant 0 : i32
        %dma_wait3A_376 = tpu.memref_slice %arg10[%dma_wait3A_374, %dma_wait3A_375] : memref<40x64xi32, #tpu.memory_space<vmem>> -> memref<1x64xi32, #tpu.memory_space<vmem>>
        %dma_wait3A_377 = tpu.memref_squeeze %dma_wait3A_376 : memref<1x64xi32, #tpu.memory_space<vmem>> -> memref<64xi32, #tpu.memory_space<vmem>>
        %dma_wait3A_378 = arith.constant 0 : i32
        %dma_wait3A_379 = arith.constant 0 : i32
        %dma_wait3A_380 = tpu.memref_slice %arg26[%dma_wait3A_378, %dma_wait3A_379] : memref<10112x128xf32, #tpu.memory_space<vmem_shared>> -> memref<10112x128xf32, #tpu.memory_space<vmem_shared>>
        tpu.wait_indirect_dma semaphore(%arg21 : memref<!tpu.dma_semaphore, #tpu.memory_space<semaphore_mem>>) src(%arg11 : memref<64x128xf32, #tpu.memory_space<vmem>>) dst(%dma_wait3A_380 : memref<10112x128xf32, #tpu.memory_space<vmem_shared>>)
      } else {
      }
      %add3A_283 = arith.constant 4 : i32
      %add3A_284 = arith.addi %add3A_265, %add3A_283 : i32
      %lt3A_285 = arith.constant 40 : i32
      %lt3A_286 = arith.cmpi slt, %add3A_284, %lt3A_285 : i32
      %convert_element_type3A_287 = arith.extui %lt3A_286 : i1 to i32
      %cond3A_288 = arith.constant 0 : i32
      %cond3A_289 = arith.cmpi ne, %convert_element_type3A_287, %cond3A_288 : i32
      scf.if %cond3A_289 {
        %add3A_374 = arith.constant 4 : i32
        %add3A_375 = arith.addi %add3A_265, %add3A_374 : i32
        %mul3A_376 = arith.constant 64 : i32
        %mul3A_377 = arith.muli %add3A_375, %mul3A_376 : i32
        %dma_start3A_378 = tpu.memref_slice %arg9[%mul3A_377] : memref<2560xi32, #tpu.memory_space<vmem>> -> memref<64xi32, #tpu.memory_space<vmem>>
        %dma_start3A_379 = arith.constant 0 : i32
        %dma_start3A_380 = arith.constant 0 : i32
        %dma_start3A_381 = tpu.memref_slice %arg2[%dma_start3A_379, %dma_start3A_380] : memref<10000x128xf32, #tpu.memory_space<hbm>> -> memref<10000x128xf32, #tpu.memory_space<hbm>>
        tpu.enqueue_indirect_dma source(%dma_start3A_381 : memref<10000x128xf32, #tpu.memory_space<hbm>>) target(%arg11 : memref<64x128xf32, #tpu.memory_space<vmem>>) offsets(%dma_start3A_378 : memref<64xi32, #tpu.memory_space<vmem>>) semaphore(%arg16 : memref<!tpu.dma_semaphore, #tpu.memory_space<semaphore_mem>>)
      } else {
      }
      %mul3A_290 = arith.constant 5 : i32
      %mul3A_291 = arith.muli %mul3A_290, %scan3A_237 : i32
      %add3A_292 = arith.constant 2 : i32
      %add3A_293 = arith.addi %mul3A_291, %add3A_292 : i32
      %mul3A_294 = arith.constant 64 : i32
      %mul3A_295 = arith.muli %add3A_293, %mul3A_294 : i32
      %dma_wait3A_296 = tpu.memref_slice %arg9[%mul3A_295] : memref<2560xi32, #tpu.memory_space<vmem>> -> memref<64xi32, #tpu.memory_space<vmem>>
      %dma_wait3A_297 = arith.constant 0 : i32
      %dma_wait3A_298 = arith.constant 0 : i32
      %dma_wait3A_299 = tpu.memref_slice %arg2[%dma_wait3A_297, %dma_wait3A_298] : memref<10000x128xf32, #tpu.memory_space<hbm>> -> memref<10000x128xf32, #tpu.memory_space<hbm>>
      tpu.wait_indirect_dma semaphore(%arg18 : memref<!tpu.dma_semaphore, #tpu.memory_space<semaphore_mem>>) src(%dma_wait3A_299 : memref<10000x128xf32, #tpu.memory_space<hbm>>) dst(%arg13 : memref<64x128xf32, #tpu.memory_space<vmem>>)
      %dma_start3A_300 = arith.constant 0 : i32
      %dma_start3A_301 = tpu.memref_slice %arg10[%add3A_293, %dma_start3A_300] : memref<40x64xi32, #tpu.memory_space<vmem>> -> memref<1x64xi32, #tpu.memory_space<vmem>>
      %dma_start3A_302 = tpu.memref_squeeze %dma_start3A_301 : memref<1x64xi32, #tpu.memory_space<vmem>> -> memref<64xi32, #tpu.memory_space<vmem>>
      %dma_start3A_303 = arith.constant 0 : i32
      %dma_start3A_304 = arith.constant 0 : i32
      %dma_start3A_305 = tpu.memref_slice %arg26[%dma_start3A_303, %dma_start3A_304] : memref<10112x128xf32, #tpu.memory_space<vmem_shared>> -> memref<10112x128xf32, #tpu.memory_space<vmem_shared>>
      tpu.enqueue_indirect_dma source(%arg13 : memref<64x128xf32, #tpu.memory_space<vmem>>) target(%dma_start3A_305 : memref<10112x128xf32, #tpu.memory_space<vmem_shared>>) offsets(%dma_start3A_302 : memref<64xi32, #tpu.memory_space<vmem>>) semaphore(%arg23 : memref<!tpu.dma_semaphore, #tpu.memory_space<semaphore_mem>>) {add = true}
      %ge3A_306 = arith.constant 1 : i32
      %ge3A_307 = arith.cmpi sge, %add3A_293, %ge3A_306 : i32
      %convert_element_type3A_308 = arith.extui %ge3A_307 : i1 to i32
      %cond3A_309 = arith.constant 0 : i32
      %cond3A_310 = arith.cmpi ne, %convert_element_type3A_308, %cond3A_309 : i32
      scf.if %cond3A_310 {
        %dma_wait3A_374 = arith.constant 0 : i32
        %dma_wait3A_375 = arith.constant 0 : i32
        %dma_wait3A_376 = tpu.memref_slice %arg10[%dma_wait3A_374, %dma_wait3A_375] : memref<40x64xi32, #tpu.memory_space<vmem>> -> memref<1x64xi32, #tpu.memory_space<vmem>>
        %dma_wait3A_377 = tpu.memref_squeeze %dma_wait3A_376 : memref<1x64xi32, #tpu.memory_space<vmem>> -> memref<64xi32, #tpu.memory_space<vmem>>
        %dma_wait3A_378 = arith.constant 0 : i32
        %dma_wait3A_379 = arith.constant 0 : i32
        %dma_wait3A_380 = tpu.memref_slice %arg26[%dma_wait3A_378, %dma_wait3A_379] : memref<10112x128xf32, #tpu.memory_space<vmem_shared>> -> memref<10112x128xf32, #tpu.memory_space<vmem_shared>>
        tpu.wait_indirect_dma semaphore(%arg22 : memref<!tpu.dma_semaphore, #tpu.memory_space<semaphore_mem>>) src(%arg12 : memref<64x128xf32, #tpu.memory_space<vmem>>) dst(%dma_wait3A_380 : memref<10112x128xf32, #tpu.memory_space<vmem_shared>>)
      } else {
      }
      %add3A_311 = arith.constant 4 : i32
      %add3A_312 = arith.addi %add3A_293, %add3A_311 : i32
      %lt3A_313 = arith.constant 40 : i32
      %lt3A_314 = arith.cmpi slt, %add3A_312, %lt3A_313 : i32
      %convert_element_type3A_315 = arith.extui %lt3A_314 : i1 to i32
      %cond3A_316 = arith.constant 0 : i32
      %cond3A_317 = arith.cmpi ne, %convert_element_type3A_315, %cond3A_316 : i32
      scf.if %cond3A_317 {
        %add3A_374 = arith.constant 4 : i32
        %add3A_375 = arith.addi %add3A_293, %add3A_374 : i32
        %mul3A_376 = arith.constant 64 : i32
        %mul3A_377 = arith.muli %add3A_375, %mul3A_376 : i32
        %dma_start3A_378 = tpu.memref_slice %arg9[%mul3A_377] : memref<2560xi32, #tpu.memory_space<vmem>> -> memref<64xi32, #tpu.memory_space<vmem>>
        %dma_start3A_379 = arith.constant 0 : i32
        %dma_start3A_380 = arith.constant 0 : i32
        %dma_start3A_381 = tpu.memref_slice %arg2[%dma_start3A_379, %dma_start3A_380] : memref<10000x128xf32, #tpu.memory_space<hbm>> -> memref<10000x128xf32, #tpu.memory_space<hbm>>
        tpu.enqueue_indirect_dma source(%dma_start3A_381 : memref<10000x128xf32, #tpu.memory_space<hbm>>) target(%arg12 : memref<64x128xf32, #tpu.memory_space<vmem>>) offsets(%dma_start3A_378 : memref<64xi32, #tpu.memory_space<vmem>>) semaphore(%arg17 : memref<!tpu.dma_semaphore, #tpu.memory_space<semaphore_mem>>)
      } else {
      }
      %mul3A_318 = arith.constant 5 : i32
      %mul3A_319 = arith.muli %mul3A_318, %scan3A_237 : i32
      %add3A_320 = arith.constant 3 : i32
      %add3A_321 = arith.addi %mul3A_319, %add3A_320 : i32
      %mul3A_322 = arith.constant 64 : i32
      %mul3A_323 = arith.muli %add3A_321, %mul3A_322 : i32
      %dma_wait3A_324 = tpu.memref_slice %arg9[%mul3A_323] : memref<2560xi32, #tpu.memory_space<vmem>> -> memref<64xi32, #tpu.memory_space<vmem>>
      %dma_wait3A_325 = arith.constant 0 : i32
      %dma_wait3A_326 = arith.constant 0 : i32
      %dma_wait3A_327 = tpu.memref_slice %arg2[%dma_wait3A_325, %dma_wait3A_326] : memref<10000x128xf32, #tpu.memory_space<hbm>> -> memref<10000x128xf32, #tpu.memory_space<hbm>>
      tpu.wait_indirect_dma semaphore(%arg19 : memref<!tpu.dma_semaphore, #tpu.memory_space<semaphore_mem>>) src(%dma_wait3A_327 : memref<10000x128xf32, #tpu.memory_space<hbm>>) dst(%arg14 : memref<64x128xf32, #tpu.memory_space<vmem>>)
      %dma_start3A_328 = arith.constant 0 : i32
      %dma_start3A_329 = tpu.memref_slice %arg10[%add3A_321, %dma_start3A_328] : memref<40x64xi32, #tpu.memory_space<vmem>> -> memref<1x64xi32, #tpu.memory_space<vmem>>
      %dma_start3A_330 = tpu.memref_squeeze %dma_start3A_329 : memref<1x64xi32, #tpu.memory_space<vmem>> -> memref<64xi32, #tpu.memory_space<vmem>>
      %dma_start3A_331 = arith.constant 0 : i32
      %dma_start3A_332 = arith.constant 0 : i32
      %dma_start3A_333 = tpu.memref_slice %arg26[%dma_start3A_331, %dma_start3A_332] : memref<10112x128xf32, #tpu.memory_space<vmem_shared>> -> memref<10112x128xf32, #tpu.memory_space<vmem_shared>>
      tpu.enqueue_indirect_dma source(%arg14 : memref<64x128xf32, #tpu.memory_space<vmem>>) target(%dma_start3A_333 : memref<10112x128xf32, #tpu.memory_space<vmem_shared>>) offsets(%dma_start3A_330 : memref<64xi32, #tpu.memory_space<vmem>>) semaphore(%arg24 : memref<!tpu.dma_semaphore, #tpu.memory_space<semaphore_mem>>) {add = true}
      %ge3A_334 = arith.constant 1 : i32
      %ge3A_335 = arith.cmpi sge, %add3A_321, %ge3A_334 : i32
      %convert_element_type3A_336 = arith.extui %ge3A_335 : i1 to i32
      %cond3A_337 = arith.constant 0 : i32
      %cond3A_338 = arith.cmpi ne, %convert_element_type3A_336, %cond3A_337 : i32
      scf.if %cond3A_338 {
        %dma_wait3A_374 = arith.constant 0 : i32
        %dma_wait3A_375 = arith.constant 0 : i32
        %dma_wait3A_376 = tpu.memref_slice %arg10[%dma_wait3A_374, %dma_wait3A_375] : memref<40x64xi32, #tpu.memory_space<vmem>> -> memref<1x64xi32, #tpu.memory_space<vmem>>
        %dma_wait3A_377 = tpu.memref_squeeze %dma_wait3A_376 : memref<1x64xi32, #tpu.memory_space<vmem>> -> memref<64xi32, #tpu.memory_space<vmem>>
        %dma_wait3A_378 = arith.constant 0 : i32
        %dma_wait3A_379 = arith.constant 0 : i32
        %dma_wait3A_380 = tpu.memref_slice %arg26[%dma_wait3A_378, %dma_wait3A_379] : memref<10112x128xf32, #tpu.memory_space<vmem_shared>> -> memref<10112x128xf32, #tpu.memory_space<vmem_shared>>
        tpu.wait_indirect_dma semaphore(%arg23 : memref<!tpu.dma_semaphore, #tpu.memory_space<semaphore_mem>>) src(%arg13 : memref<64x128xf32, #tpu.memory_space<vmem>>) dst(%dma_wait3A_380 : memref<10112x128xf32, #tpu.memory_space<vmem_shared>>)
      } else {
      }
      %add3A_339 = arith.constant 4 : i32
      %add3A_340 = arith.addi %add3A_321, %add3A_339 : i32
      %lt3A_341 = arith.constant 40 : i32
      %lt3A_342 = arith.cmpi slt, %add3A_340, %lt3A_341 : i32
      %convert_element_type3A_343 = arith.extui %lt3A_342 : i1 to i32
      %cond3A_344 = arith.constant 0 : i32
      %cond3A_345 = arith.cmpi ne, %convert_element_type3A_343, %cond3A_344 : i32
      scf.if %cond3A_345 {
        %add3A_374 = arith.constant 4 : i32
        %add3A_375 = arith.addi %add3A_321, %add3A_374 : i32
        %mul3A_376 = arith.constant 64 : i32
        %mul3A_377 = arith.muli %add3A_375, %mul3A_376 : i32
        %dma_start3A_378 = tpu.memref_slice %arg9[%mul3A_377] : memref<2560xi32, #tpu.memory_space<vmem>> -> memref<64xi32, #tpu.memory_space<vmem>>
        %dma_start3A_379 = arith.constant 0 : i32
        %dma_start3A_380 = arith.constant 0 : i32
        %dma_start3A_381 = tpu.memref_slice %arg2[%dma_start3A_379, %dma_start3A_380] : memref<10000x128xf32, #tpu.memory_space<hbm>> -> memref<10000x128xf32, #tpu.memory_space<hbm>>
        tpu.enqueue_indirect_dma source(%dma_start3A_381 : memref<10000x128xf32, #tpu.memory_space<hbm>>) target(%arg13 : memref<64x128xf32, #tpu.memory_space<vmem>>) offsets(%dma_start3A_378 : memref<64xi32, #tpu.memory_space<vmem>>) semaphore(%arg18 : memref<!tpu.dma_semaphore, #tpu.memory_space<semaphore_mem>>)
      } else {
      }
      %mul3A_346 = arith.constant 5 : i32
      %mul3A_347 = arith.muli %mul3A_346, %scan3A_237 : i32
      %add3A_348 = arith.constant 4 : i32
      %add3A_349 = arith.addi %mul3A_347, %add3A_348 : i32
      %mul3A_350 = arith.constant 64 : i32
      %mul3A_351 = arith.muli %add3A_349, %mul3A_350 : i32
      %dma_wait3A_352 = tpu.memref_slice %arg9[%mul3A_351] : memref<2560xi32, #tpu.memory_space<vmem>> -> memref<64xi32, #tpu.memory_space<vmem>>
      %dma_wait3A_353 = arith.constant 0 : i32
      %dma_wait3A_354 = arith.constant 0 : i32
      %dma_wait3A_355 = tpu.memref_slice %arg2[%dma_wait3A_353, %dma_wait3A_354] : memref<10000x128xf32, #tpu.memory_space<hbm>> -> memref<10000x128xf32, #tpu.memory_space<hbm>>
      tpu.wait_indirect_dma semaphore(%arg20 : memref<!tpu.dma_semaphore, #tpu.memory_space<semaphore_mem>>) src(%dma_wait3A_355 : memref<10000x128xf32, #tpu.memory_space<hbm>>) dst(%arg15 : memref<64x128xf32, #tpu.memory_space<vmem>>)
      %dma_start3A_356 = arith.constant 0 : i32
      %dma_start3A_357 = tpu.memref_slice %arg10[%add3A_349, %dma_start3A_356] : memref<40x64xi32, #tpu.memory_space<vmem>> -> memref<1x64xi32, #tpu.memory_space<vmem>>
      %dma_start3A_358 = tpu.memref_squeeze %dma_start3A_357 : memref<1x64xi32, #tpu.memory_space<vmem>> -> memref<64xi32, #tpu.memory_space<vmem>>
      %dma_start3A_359 = arith.constant 0 : i32
      %dma_start3A_360 = arith.constant 0 : i32
      %dma_start3A_361 = tpu.memref_slice %arg26[%dma_start3A_359, %dma_start3A_360] : memref<10112x128xf32, #tpu.memory_space<vmem_shared>> -> memref<10112x128xf32, #tpu.memory_space<vmem_shared>>
      tpu.enqueue_indirect_dma source(%arg15 : memref<64x128xf32, #tpu.memory_space<vmem>>) target(%dma_start3A_361 : memref<10112x128xf32, #tpu.memory_space<vmem_shared>>) offsets(%dma_start3A_358 : memref<64xi32, #tpu.memory_space<vmem>>) semaphore(%arg25 : memref<!tpu.dma_semaphore, #tpu.memory_space<semaphore_mem>>) {add = true}
      %ge3A_362 = arith.constant 1 : i32
      %ge3A_363 = arith.cmpi sge, %add3A_349, %ge3A_362 : i32
      %convert_element_type3A_364 = arith.extui %ge3A_363 : i1 to i32
      %cond3A_365 = arith.constant 0 : i32
      %cond3A_366 = arith.cmpi ne, %convert_element_type3A_364, %cond3A_365 : i32
      scf.if %cond3A_366 {
        %dma_wait3A_374 = arith.constant 0 : i32
        %dma_wait3A_375 = arith.constant 0 : i32
        %dma_wait3A_376 = tpu.memref_slice %arg10[%dma_wait3A_374, %dma_wait3A_375] : memref<40x64xi32, #tpu.memory_space<vmem>> -> memref<1x64xi32, #tpu.memory_space<vmem>>
        %dma_wait3A_377 = tpu.memref_squeeze %dma_wait3A_376 : memref<1x64xi32, #tpu.memory_space<vmem>> -> memref<64xi32, #tpu.memory_space<vmem>>
        %dma_wait3A_378 = arith.constant 0 : i32
        %dma_wait3A_379 = arith.constant 0 : i32
        %dma_wait3A_380 = tpu.memref_slice %arg26[%dma_wait3A_378, %dma_wait3A_379] : memref<10112x128xf32, #tpu.memory_space<vmem_shared>> -> memref<10112x128xf32, #tpu.memory_space<vmem_shared>>
        tpu.wait_indirect_dma semaphore(%arg24 : memref<!tpu.dma_semaphore, #tpu.memory_space<semaphore_mem>>) src(%arg14 : memref<64x128xf32, #tpu.memory_space<vmem>>) dst(%dma_wait3A_380 : memref<10112x128xf32, #tpu.memory_space<vmem_shared>>)
      } else {
      }
      %add3A_367 = arith.constant 4 : i32
      %add3A_368 = arith.addi %add3A_349, %add3A_367 : i32
      %lt3A_369 = arith.constant 40 : i32
      %lt3A_370 = arith.cmpi slt, %add3A_368, %lt3A_369 : i32
      %convert_element_type3A_371 = arith.extui %lt3A_370 : i1 to i32
      %cond3A_372 = arith.constant 0 : i32
      %cond3A_373 = arith.cmpi ne, %convert_element_type3A_371, %cond3A_372 : i32
      scf.if %cond3A_373 {
        %add3A_374 = arith.constant 4 : i32
        %add3A_375 = arith.addi %add3A_349, %add3A_374 : i32
        %mul3A_376 = arith.constant 64 : i32
        %mul3A_377 = arith.muli %add3A_375, %mul3A_376 : i32
        %dma_start3A_378 = tpu.memref_slice %arg9[%mul3A_377] : memref<2560xi32, #tpu.memory_space<vmem>> -> memref<64xi32, #tpu.memory_space<vmem>>
        %dma_start3A_379 = arith.constant 0 : i32
        %dma_start3A_380 = arith.constant 0 : i32
        %dma_start3A_381 = tpu.memref_slice %arg2[%dma_start3A_379, %dma_start3A_380] : memref<10000x128xf32, #tpu.memory_space<hbm>> -> memref<10000x128xf32, #tpu.memory_space<hbm>>
        tpu.enqueue_indirect_dma source(%dma_start3A_381 : memref<10000x128xf32, #tpu.memory_space<hbm>>) target(%arg14 : memref<64x128xf32, #tpu.memory_space<vmem>>) offsets(%dma_start3A_378 : memref<64xi32, #tpu.memory_space<vmem>>) semaphore(%arg19 : memref<!tpu.dma_semaphore, #tpu.memory_space<semaphore_mem>>)
      } else {
      }
    }
    %scan3A_96 = arith.constant 8 : i32
    %dma_wait3A = arith.constant 0 : i32
    %dma_wait3A_97 = arith.constant 0 : i32
    %dma_wait3A_98 = tpu.memref_slice %arg10[%dma_wait3A, %dma_wait3A_97] : memref<40x64xi32, #tpu.memory_space<vmem>> -> memref<1x64xi32, #tpu.memory_space<vmem>>
    %dma_wait3A_99 = tpu.memref_squeeze %dma_wait3A_98 : memref<1x64xi32, #tpu.memory_space<vmem>> -> memref<64xi32, #tpu.memory_space<vmem>>
    %dma_wait3A_100 = arith.constant 0 : i32
    %dma_wait3A_101 = arith.constant 0 : i32
    %dma_wait3A_102 = tpu.memref_slice %arg26[%dma_wait3A_100, %dma_wait3A_101] : memref<10112x128xf32, #tpu.memory_space<vmem_shared>> -> memref<10112x128xf32, #tpu.memory_space<vmem_shared>>
    tpu.wait_indirect_dma semaphore(%arg25 : memref<!tpu.dma_semaphore, #tpu.memory_space<semaphore_mem>>) src(%arg15 : memref<64x128xf32, #tpu.memory_space<vmem>>) dst(%dma_wait3A_102 : memref<10112x128xf32, #tpu.memory_space<vmem_shared>>)
    %mul3A_103 = arith.constant 16 : i32
    %mul3A_104 = arith.muli %arg0, %mul3A_103 : i32
    %add3A_105 = arith.addi %mul3A_104, %arg1 : i32
    %mul3A_106 = arith.constant 4 : i32
    %mul3A_107 = arith.muli %add3A_105, %mul3A_106 : i32
    %add3A_108 = arith.constant 1 : i32
    %add3A_109 = arith.addi %mul3A_107, %add3A_108 : i32
    %mul3A_110 = arith.constant 2560 : i32
    %mul3A_111 = arith.muli %add3A_109, %mul3A_110 : i32
    "tpu.region"() ({
      %run_scoped3A_237 = tpu.sem_alloc : memref<!tpu.dma_semaphore, #tpu.memory_space<semaphore_mem>>
      %dma_start3A_238 = tpu.memref_slice %arg3[%mul3A_111] : memref<327680xi32, #tpu.memory_space<hbm>> -> memref<2560xi32, #tpu.memory_space<hbm>>
      %dma_start3A_239 = tpu.memref_slice %arg3[%mul3A_111] : memref<327680xi32, #tpu.memory_space<hbm>> -> memref<2560xi32, #tpu.memory_space<hbm>>
      tpu.enqueue_dma source(%dma_start3A_239 : memref<2560xi32, #tpu.memory_space<hbm>>) target(%arg9 : memref<2560xi32, #tpu.memory_space<vmem>>) target_semaphore(%run_scoped3A_237 : memref<!tpu.dma_semaphore, #tpu.memory_space<semaphore_mem>>)
      %dma_wait3A_240 = tpu.memref_slice %arg3[%mul3A_111] : memref<327680xi32, #tpu.memory_space<hbm>> -> memref<2560xi32, #tpu.memory_space<hbm>>
      %dma_wait3A_241 = tpu.memref_slice %arg3[%mul3A_111] : memref<327680xi32, #tpu.memory_space<hbm>> -> memref<2560xi32, #tpu.memory_space<hbm>>
      tpu.wait_dma2 semaphore(%run_scoped3A_237 : memref<!tpu.dma_semaphore, #tpu.memory_space<semaphore_mem>>) src(%dma_wait3A_241 : memref<2560xi32, #tpu.memory_space<hbm>>) dst(%arg9 : memref<2560xi32, #tpu.memory_space<vmem>>)
      tpu.yield
    }) : () -> ()
    %run_scoped3A_112 = arith.constant 1 : i32
    "tpu.region"() ({
      %run_scoped3A_237 = tpu.sem_alloc : memref<!tpu.dma_semaphore, #tpu.memory_space<semaphore_mem>>
      %dma_start3A_238 = arith.constant 0 : i32
      %dma_start3A_239 = arith.constant 0 : i32
      %dma_start3A_240 = tpu.memref_slice %arg4[%arg0, %arg1, %run_scoped3A_112, %dma_start3A_238, %dma_start3A_239] : memref<2x16x4x40x64xi32, #tpu.memory_space<hbm>> -> memref<1x1x1x40x64xi32, #tpu.memory_space<hbm>>
      %dma_start3A_241 = tpu.memref_squeeze %dma_start3A_240 : memref<1x1x1x40x64xi32, #tpu.memory_space<hbm>> -> memref<40x64xi32, #tpu.memory_space<hbm>>
      %dma_start3A_242 = arith.constant 0 : i32
      %dma_start3A_243 = arith.constant 0 : i32
      %dma_start3A_244 = tpu.memref_slice %arg4[%arg0, %arg1, %run_scoped3A_112, %dma_start3A_242, %dma_start3A_243] : memref<2x16x4x40x64xi32, #tpu.memory_space<hbm>> -> memref<1x1x1x40x64xi32, #tpu.memory_space<hbm>>
      %dma_start3A_245 = tpu.memref_squeeze %dma_start3A_244 : memref<1x1x1x40x64xi32, #tpu.memory_space<hbm>> -> memref<40x64xi32, #tpu.memory_space<hbm>>
      tpu.enqueue_dma source(%dma_start3A_245 : memref<40x64xi32, #tpu.memory_space<hbm>>) target(%arg10 : memref<40x64xi32, #tpu.memory_space<vmem>>) target_semaphore(%run_scoped3A_237 : memref<!tpu.dma_semaphore, #tpu.memory_space<semaphore_mem>>)
      %dma_wait3A_246 = arith.constant 0 : i32
      %dma_wait3A_247 = arith.constant 0 : i32
      %dma_wait3A_248 = tpu.memref_slice %arg4[%arg0, %arg1, %run_scoped3A_112, %dma_wait3A_246, %dma_wait3A_247] : memref<2x16x4x40x64xi32, #tpu.memory_space<hbm>> -> memref<1x1x1x40x64xi32, #tpu.memory_space<hbm>>
      %dma_wait3A_249 = tpu.memref_squeeze %dma_wait3A_248 : memref<1x1x1x40x64xi32, #tpu.memory_space<hbm>> -> memref<40x64xi32, #tpu.memory_space<hbm>>
      %dma_wait3A_250 = arith.constant 0 : i32
      %dma_wait3A_251 = arith.constant 0 : i32
      %dma_wait3A_252 = tpu.memref_slice %arg4[%arg0, %arg1, %run_scoped3A_112, %dma_wait3A_250, %dma_wait3A_251] : memref<2x16x4x40x64xi32, #tpu.memory_space<hbm>> -> memref<1x1x1x40x64xi32, #tpu.memory_space<hbm>>
      %dma_wait3A_253 = tpu.memref_squeeze %dma_wait3A_252 : memref<1x1x1x40x64xi32, #tpu.memory_space<hbm>> -> memref<40x64xi32, #tpu.memory_space<hbm>>
      tpu.wait_dma2 semaphore(%run_scoped3A_237 : memref<!tpu.dma_semaphore, #tpu.memory_space<semaphore_mem>>) src(%dma_wait3A_253 : memref<40x64xi32, #tpu.memory_space<hbm>>) dst(%arg10 : memref<40x64xi32, #tpu.memory_space<vmem>>)
      tpu.yield
    }) : () -> ()
    %dma_start3A_113 = arith.constant 0 : i32
    %dma_start3A_114 = tpu.memref_slice %arg9[%dma_start3A_113] : memref<2560xi32, #tpu.memory_space<vmem>> -> memref<64xi32, #tpu.memory_space<vmem>>
    %dma_start3A_115 = arith.constant 0 : i32
    %dma_start3A_116 = arith.constant 0 : i32
    %dma_start3A_117 = tpu.memref_slice %arg2[%dma_start3A_115, %dma_start3A_116] : memref<10000x128xf32, #tpu.memory_space<hbm>> -> memref<10000x128xf32, #tpu.memory_space<hbm>>
    tpu.enqueue_indirect_dma source(%dma_start3A_117 : memref<10000x128xf32, #tpu.memory_space<hbm>>) target(%arg11 : memref<64x128xf32, #tpu.memory_space<vmem>>) offsets(%dma_start3A_114 : memref<64xi32, #tpu.memory_space<vmem>>) semaphore(%arg16 : memref<!tpu.dma_semaphore, #tpu.memory_space<semaphore_mem>>)
    %dma_start3A_118 = arith.constant 64 : i32
    %dma_start3A_119 = tpu.memref_slice %arg9[%dma_start3A_118] : memref<2560xi32, #tpu.memory_space<vmem>> -> memref<64xi32, #tpu.memory_space<vmem>>
    %dma_start3A_120 = arith.constant 0 : i32
    %dma_start3A_121 = arith.constant 0 : i32
    %dma_start3A_122 = tpu.memref_slice %arg2[%dma_start3A_120, %dma_start3A_121] : memref<10000x128xf32, #tpu.memory_space<hbm>> -> memref<10000x128xf32, #tpu.memory_space<hbm>>
    tpu.enqueue_indirect_dma source(%dma_start3A_122 : memref<10000x128xf32, #tpu.memory_space<hbm>>) target(%arg12 : memref<64x128xf32, #tpu.memory_space<vmem>>) offsets(%dma_start3A_119 : memref<64xi32, #tpu.memory_space<vmem>>) semaphore(%arg17 : memref<!tpu.dma_semaphore, #tpu.memory_space<semaphore_mem>>)
    %dma_start3A_123 = arith.constant 128 : i32
    %dma_start3A_124 = tpu.memref_slice %arg9[%dma_start3A_123] : memref<2560xi32, #tpu.memory_space<vmem>> -> memref<64xi32, #tpu.memory_space<vmem>>
    %dma_start3A_125 = arith.constant 0 : i32
    %dma_start3A_126 = arith.constant 0 : i32
    %dma_start3A_127 = tpu.memref_slice %arg2[%dma_start3A_125, %dma_start3A_126] : memref<10000x128xf32, #tpu.memory_space<hbm>> -> memref<10000x128xf32, #tpu.memory_space<hbm>>
    tpu.enqueue_indirect_dma source(%dma_start3A_127 : memref<10000x128xf32, #tpu.memory_space<hbm>>) target(%arg13 : memref<64x128xf32, #tpu.memory_space<vmem>>) offsets(%dma_start3A_124 : memref<64xi32, #tpu.memory_space<vmem>>) semaphore(%arg18 : memref<!tpu.dma_semaphore, #tpu.memory_space<semaphore_mem>>)
    %dma_start3A_128 = arith.constant 192 : i32
    %dma_start3A_129 = tpu.memref_slice %arg9[%dma_start3A_128] : memref<2560xi32, #tpu.memory_space<vmem>> -> memref<64xi32, #tpu.memory_space<vmem>>
    %dma_start3A_130 = arith.constant 0 : i32
    %dma_start3A_131 = arith.constant 0 : i32
    %dma_start3A_132 = tpu.memref_slice %arg2[%dma_start3A_130, %dma_start3A_131] : memref<10000x128xf32, #tpu.memory_space<hbm>> -> memref<10000x128xf32, #tpu.memory_space<hbm>>
    tpu.enqueue_indirect_dma source(%dma_start3A_132 : memref<10000x128xf32, #tpu.memory_space<hbm>>) target(%arg14 : memref<64x128xf32, #tpu.memory_space<vmem>>) offsets(%dma_start3A_129 : memref<64xi32, #tpu.memory_space<vmem>>) semaphore(%arg19 : memref<!tpu.dma_semaphore, #tpu.memory_space<semaphore_mem>>)
    %scan3A_133 = arith.constant 0 : i32
    %scan3A_134 = arith.constant 0 : i32
    %scan3A_135 = arith.constant 8 : i32
    %scan3A_136 = arith.addi %scan3A_134, %scan3A_135 : i32
    %scan3A_137 = arith.constant 1 : i32
    scf.for %scan3A_237 = %scan3A_134 to %scan3A_136 step %scan3A_137  : i32 {
      %mul3A_238 = arith.constant 5 : i32
      %mul3A_239 = arith.muli %mul3A_238, %scan3A_237 : i32
      %add3A_240 = arith.constant 0 : i32
      %add3A_241 = arith.addi %mul3A_239, %add3A_240 : i32
      %mul3A_242 = arith.constant 64 : i32
      %mul3A_243 = arith.muli %add3A_241, %mul3A_242 : i32
      %dma_wait3A_244 = tpu.memref_slice %arg9[%mul3A_243] : memref<2560xi32, #tpu.memory_space<vmem>> -> memref<64xi32, #tpu.memory_space<vmem>>
      %dma_wait3A_245 = arith.constant 0 : i32
      %dma_wait3A_246 = arith.constant 0 : i32
      %dma_wait3A_247 = tpu.memref_slice %arg2[%dma_wait3A_245, %dma_wait3A_246] : memref<10000x128xf32, #tpu.memory_space<hbm>> -> memref<10000x128xf32, #tpu.memory_space<hbm>>
      tpu.wait_indirect_dma semaphore(%arg16 : memref<!tpu.dma_semaphore, #tpu.memory_space<semaphore_mem>>) src(%dma_wait3A_247 : memref<10000x128xf32, #tpu.memory_space<hbm>>) dst(%arg11 : memref<64x128xf32, #tpu.memory_space<vmem>>)
      %dma_start3A_248 = arith.constant 0 : i32
      %dma_start3A_249 = tpu.memref_slice %arg10[%add3A_241, %dma_start3A_248] : memref<40x64xi32, #tpu.memory_space<vmem>> -> memref<1x64xi32, #tpu.memory_space<vmem>>
      %dma_start3A_250 = tpu.memref_squeeze %dma_start3A_249 : memref<1x64xi32, #tpu.memory_space<vmem>> -> memref<64xi32, #tpu.memory_space<vmem>>
      %dma_start3A_251 = arith.constant 0 : i32
      %dma_start3A_252 = arith.constant 0 : i32
      %dma_start3A_253 = tpu.memref_slice %arg26[%dma_start3A_251, %dma_start3A_252] : memref<10112x128xf32, #tpu.memory_space<vmem_shared>> -> memref<10112x128xf32, #tpu.memory_space<vmem_shared>>
      tpu.enqueue_indirect_dma source(%arg11 : memref<64x128xf32, #tpu.memory_space<vmem>>) target(%dma_start3A_253 : memref<10112x128xf32, #tpu.memory_space<vmem_shared>>) offsets(%dma_start3A_250 : memref<64xi32, #tpu.memory_space<vmem>>) semaphore(%arg21 : memref<!tpu.dma_semaphore, #tpu.memory_space<semaphore_mem>>) {add = true}
      %ge3A = arith.constant 1 : i32
      %ge3A_254 = arith.cmpi sge, %add3A_241, %ge3A : i32
      %convert_element_type3A = arith.extui %ge3A_254 : i1 to i32
      %cond3A = arith.constant 0 : i32
      %cond3A_255 = arith.cmpi ne, %convert_element_type3A, %cond3A : i32
      scf.if %cond3A_255 {
        %dma_wait3A_374 = arith.constant 0 : i32
        %dma_wait3A_375 = arith.constant 0 : i32
        %dma_wait3A_376 = tpu.memref_slice %arg10[%dma_wait3A_374, %dma_wait3A_375] : memref<40x64xi32, #tpu.memory_space<vmem>> -> memref<1x64xi32, #tpu.memory_space<vmem>>
        %dma_wait3A_377 = tpu.memref_squeeze %dma_wait3A_376 : memref<1x64xi32, #tpu.memory_space<vmem>> -> memref<64xi32, #tpu.memory_space<vmem>>
        %dma_wait3A_378 = arith.constant 0 : i32
        %dma_wait3A_379 = arith.constant 0 : i32
        %dma_wait3A_380 = tpu.memref_slice %arg26[%dma_wait3A_378, %dma_wait3A_379] : memref<10112x128xf32, #tpu.memory_space<vmem_shared>> -> memref<10112x128xf32, #tpu.memory_space<vmem_shared>>
        tpu.wait_indirect_dma semaphore(%arg25 : memref<!tpu.dma_semaphore, #tpu.memory_space<semaphore_mem>>) src(%arg15 : memref<64x128xf32, #tpu.memory_space<vmem>>) dst(%dma_wait3A_380 : memref<10112x128xf32, #tpu.memory_space<vmem_shared>>)
      } else {
      }
      %add3A_256 = arith.constant 4 : i32
      %add3A_257 = arith.addi %add3A_241, %add3A_256 : i32
      %lt3A = arith.constant 40 : i32
      %lt3A_258 = arith.cmpi slt, %add3A_257, %lt3A : i32
      %convert_element_type3A_259 = arith.extui %lt3A_258 : i1 to i32
      %cond3A_260 = arith.constant 0 : i32
      %cond3A_261 = arith.cmpi ne, %convert_element_type3A_259, %cond3A_260 : i32
      scf.if %cond3A_261 {
        %add3A_374 = arith.constant 4 : i32
        %add3A_375 = arith.addi %add3A_241, %add3A_374 : i32
        %mul3A_376 = arith.constant 64 : i32
        %mul3A_377 = arith.muli %add3A_375, %mul3A_376 : i32
        %dma_start3A_378 = tpu.memref_slice %arg9[%mul3A_377] : memref<2560xi32, #tpu.memory_space<vmem>> -> memref<64xi32, #tpu.memory_space<vmem>>
        %dma_start3A_379 = arith.constant 0 : i32
        %dma_start3A_380 = arith.constant 0 : i32
        %dma_start3A_381 = tpu.memref_slice %arg2[%dma_start3A_379, %dma_start3A_380] : memref<10000x128xf32, #tpu.memory_space<hbm>> -> memref<10000x128xf32, #tpu.memory_space<hbm>>
        tpu.enqueue_indirect_dma source(%dma_start3A_381 : memref<10000x128xf32, #tpu.memory_space<hbm>>) target(%arg15 : memref<64x128xf32, #tpu.memory_space<vmem>>) offsets(%dma_start3A_378 : memref<64xi32, #tpu.memory_space<vmem>>) semaphore(%arg20 : memref<!tpu.dma_semaphore, #tpu.memory_space<semaphore_mem>>)
      } else {
      }
      %mul3A_262 = arith.constant 5 : i32
      %mul3A_263 = arith.muli %mul3A_262, %scan3A_237 : i32
      %add3A_264 = arith.constant 1 : i32
      %add3A_265 = arith.addi %mul3A_263, %add3A_264 : i32
      %mul3A_266 = arith.constant 64 : i32
      %mul3A_267 = arith.muli %add3A_265, %mul3A_266 : i32
      %dma_wait3A_268 = tpu.memref_slice %arg9[%mul3A_267] : memref<2560xi32, #tpu.memory_space<vmem>> -> memref<64xi32, #tpu.memory_space<vmem>>
      %dma_wait3A_269 = arith.constant 0 : i32
      %dma_wait3A_270 = arith.constant 0 : i32
      %dma_wait3A_271 = tpu.memref_slice %arg2[%dma_wait3A_269, %dma_wait3A_270] : memref<10000x128xf32, #tpu.memory_space<hbm>> -> memref<10000x128xf32, #tpu.memory_space<hbm>>
      tpu.wait_indirect_dma semaphore(%arg17 : memref<!tpu.dma_semaphore, #tpu.memory_space<semaphore_mem>>) src(%dma_wait3A_271 : memref<10000x128xf32, #tpu.memory_space<hbm>>) dst(%arg12 : memref<64x128xf32, #tpu.memory_space<vmem>>)
      %dma_start3A_272 = arith.constant 0 : i32
      %dma_start3A_273 = tpu.memref_slice %arg10[%add3A_265, %dma_start3A_272] : memref<40x64xi32, #tpu.memory_space<vmem>> -> memref<1x64xi32, #tpu.memory_space<vmem>>
      %dma_start3A_274 = tpu.memref_squeeze %dma_start3A_273 : memref<1x64xi32, #tpu.memory_space<vmem>> -> memref<64xi32, #tpu.memory_space<vmem>>
      %dma_start3A_275 = arith.constant 0 : i32
      %dma_start3A_276 = arith.constant 0 : i32
      %dma_start3A_277 = tpu.memref_slice %arg26[%dma_start3A_275, %dma_start3A_276] : memref<10112x128xf32, #tpu.memory_space<vmem_shared>> -> memref<10112x128xf32, #tpu.memory_space<vmem_shared>>
      tpu.enqueue_indirect_dma source(%arg12 : memref<64x128xf32, #tpu.memory_space<vmem>>) target(%dma_start3A_277 : memref<10112x128xf32, #tpu.memory_space<vmem_shared>>) offsets(%dma_start3A_274 : memref<64xi32, #tpu.memory_space<vmem>>) semaphore(%arg22 : memref<!tpu.dma_semaphore, #tpu.memory_space<semaphore_mem>>) {add = true}
      %ge3A_278 = arith.constant 1 : i32
      %ge3A_279 = arith.cmpi sge, %add3A_265, %ge3A_278 : i32
      %convert_element_type3A_280 = arith.extui %ge3A_279 : i1 to i32
      %cond3A_281 = arith.constant 0 : i32
      %cond3A_282 = arith.cmpi ne, %convert_element_type3A_280, %cond3A_281 : i32
      scf.if %cond3A_282 {
        %dma_wait3A_374 = arith.constant 0 : i32
        %dma_wait3A_375 = arith.constant 0 : i32
        %dma_wait3A_376 = tpu.memref_slice %arg10[%dma_wait3A_374, %dma_wait3A_375] : memref<40x64xi32, #tpu.memory_space<vmem>> -> memref<1x64xi32, #tpu.memory_space<vmem>>
        %dma_wait3A_377 = tpu.memref_squeeze %dma_wait3A_376 : memref<1x64xi32, #tpu.memory_space<vmem>> -> memref<64xi32, #tpu.memory_space<vmem>>
        %dma_wait3A_378 = arith.constant 0 : i32
        %dma_wait3A_379 = arith.constant 0 : i32
        %dma_wait3A_380 = tpu.memref_slice %arg26[%dma_wait3A_378, %dma_wait3A_379] : memref<10112x128xf32, #tpu.memory_space<vmem_shared>> -> memref<10112x128xf32, #tpu.memory_space<vmem_shared>>
        tpu.wait_indirect_dma semaphore(%arg21 : memref<!tpu.dma_semaphore, #tpu.memory_space<semaphore_mem>>) src(%arg11 : memref<64x128xf32, #tpu.memory_space<vmem>>) dst(%dma_wait3A_380 : memref<10112x128xf32, #tpu.memory_space<vmem_shared>>)
      } else {
      }
      %add3A_283 = arith.constant 4 : i32
      %add3A_284 = arith.addi %add3A_265, %add3A_283 : i32
      %lt3A_285 = arith.constant 40 : i32
      %lt3A_286 = arith.cmpi slt, %add3A_284, %lt3A_285 : i32
      %convert_element_type3A_287 = arith.extui %lt3A_286 : i1 to i32
      %cond3A_288 = arith.constant 0 : i32
      %cond3A_289 = arith.cmpi ne, %convert_element_type3A_287, %cond3A_288 : i32
      scf.if %cond3A_289 {
        %add3A_374 = arith.constant 4 : i32
        %add3A_375 = arith.addi %add3A_265, %add3A_374 : i32
        %mul3A_376 = arith.constant 64 : i32
        %mul3A_377 = arith.muli %add3A_375, %mul3A_376 : i32
        %dma_start3A_378 = tpu.memref_slice %arg9[%mul3A_377] : memref<2560xi32, #tpu.memory_space<vmem>> -> memref<64xi32, #tpu.memory_space<vmem>>
        %dma_start3A_379 = arith.constant 0 : i32
        %dma_start3A_380 = arith.constant 0 : i32
        %dma_start3A_381 = tpu.memref_slice %arg2[%dma_start3A_379, %dma_start3A_380] : memref<10000x128xf32, #tpu.memory_space<hbm>> -> memref<10000x128xf32, #tpu.memory_space<hbm>>
        tpu.enqueue_indirect_dma source(%dma_start3A_381 : memref<10000x128xf32, #tpu.memory_space<hbm>>) target(%arg11 : memref<64x128xf32, #tpu.memory_space<vmem>>) offsets(%dma_start3A_378 : memref<64xi32, #tpu.memory_space<vmem>>) semaphore(%arg16 : memref<!tpu.dma_semaphore, #tpu.memory_space<semaphore_mem>>)
      } else {
      }
      %mul3A_290 = arith.constant 5 : i32
      %mul3A_291 = arith.muli %mul3A_290, %scan3A_237 : i32
      %add3A_292 = arith.constant 2 : i32
      %add3A_293 = arith.addi %mul3A_291, %add3A_292 : i32
      %mul3A_294 = arith.constant 64 : i32
      %mul3A_295 = arith.muli %add3A_293, %mul3A_294 : i32
      %dma_wait3A_296 = tpu.memref_slice %arg9[%mul3A_295] : memref<2560xi32, #tpu.memory_space<vmem>> -> memref<64xi32, #tpu.memory_space<vmem>>
      %dma_wait3A_297 = arith.constant 0 : i32
      %dma_wait3A_298 = arith.constant 0 : i32
      %dma_wait3A_299 = tpu.memref_slice %arg2[%dma_wait3A_297, %dma_wait3A_298] : memref<10000x128xf32, #tpu.memory_space<hbm>> -> memref<10000x128xf32, #tpu.memory_space<hbm>>
      tpu.wait_indirect_dma semaphore(%arg18 : memref<!tpu.dma_semaphore, #tpu.memory_space<semaphore_mem>>) src(%dma_wait3A_299 : memref<10000x128xf32, #tpu.memory_space<hbm>>) dst(%arg13 : memref<64x128xf32, #tpu.memory_space<vmem>>)
      %dma_start3A_300 = arith.constant 0 : i32
      %dma_start3A_301 = tpu.memref_slice %arg10[%add3A_293, %dma_start3A_300] : memref<40x64xi32, #tpu.memory_space<vmem>> -> memref<1x64xi32, #tpu.memory_space<vmem>>
      %dma_start3A_302 = tpu.memref_squeeze %dma_start3A_301 : memref<1x64xi32, #tpu.memory_space<vmem>> -> memref<64xi32, #tpu.memory_space<vmem>>
      %dma_start3A_303 = arith.constant 0 : i32
      %dma_start3A_304 = arith.constant 0 : i32
      %dma_start3A_305 = tpu.memref_slice %arg26[%dma_start3A_303, %dma_start3A_304] : memref<10112x128xf32, #tpu.memory_space<vmem_shared>> -> memref<10112x128xf32, #tpu.memory_space<vmem_shared>>
      tpu.enqueue_indirect_dma source(%arg13 : memref<64x128xf32, #tpu.memory_space<vmem>>) target(%dma_start3A_305 : memref<10112x128xf32, #tpu.memory_space<vmem_shared>>) offsets(%dma_start3A_302 : memref<64xi32, #tpu.memory_space<vmem>>) semaphore(%arg23 : memref<!tpu.dma_semaphore, #tpu.memory_space<semaphore_mem>>) {add = true}
      %ge3A_306 = arith.constant 1 : i32
      %ge3A_307 = arith.cmpi sge, %add3A_293, %ge3A_306 : i32
      %convert_element_type3A_308 = arith.extui %ge3A_307 : i1 to i32
      %cond3A_309 = arith.constant 0 : i32
      %cond3A_310 = arith.cmpi ne, %convert_element_type3A_308, %cond3A_309 : i32
      scf.if %cond3A_310 {
        %dma_wait3A_374 = arith.constant 0 : i32
        %dma_wait3A_375 = arith.constant 0 : i32
        %dma_wait3A_376 = tpu.memref_slice %arg10[%dma_wait3A_374, %dma_wait3A_375] : memref<40x64xi32, #tpu.memory_space<vmem>> -> memref<1x64xi32, #tpu.memory_space<vmem>>
        %dma_wait3A_377 = tpu.memref_squeeze %dma_wait3A_376 : memref<1x64xi32, #tpu.memory_space<vmem>> -> memref<64xi32, #tpu.memory_space<vmem>>
        %dma_wait3A_378 = arith.constant 0 : i32
        %dma_wait3A_379 = arith.constant 0 : i32
        %dma_wait3A_380 = tpu.memref_slice %arg26[%dma_wait3A_378, %dma_wait3A_379] : memref<10112x128xf32, #tpu.memory_space<vmem_shared>> -> memref<10112x128xf32, #tpu.memory_space<vmem_shared>>
        tpu.wait_indirect_dma semaphore(%arg22 : memref<!tpu.dma_semaphore, #tpu.memory_space<semaphore_mem>>) src(%arg12 : memref<64x128xf32, #tpu.memory_space<vmem>>) dst(%dma_wait3A_380 : memref<10112x128xf32, #tpu.memory_space<vmem_shared>>)
      } else {
      }
      %add3A_311 = arith.constant 4 : i32
      %add3A_312 = arith.addi %add3A_293, %add3A_311 : i32
      %lt3A_313 = arith.constant 40 : i32
      %lt3A_314 = arith.cmpi slt, %add3A_312, %lt3A_313 : i32
      %convert_element_type3A_315 = arith.extui %lt3A_314 : i1 to i32
      %cond3A_316 = arith.constant 0 : i32
      %cond3A_317 = arith.cmpi ne, %convert_element_type3A_315, %cond3A_316 : i32
      scf.if %cond3A_317 {
        %add3A_374 = arith.constant 4 : i32
        %add3A_375 = arith.addi %add3A_293, %add3A_374 : i32
        %mul3A_376 = arith.constant 64 : i32
        %mul3A_377 = arith.muli %add3A_375, %mul3A_376 : i32
        %dma_start3A_378 = tpu.memref_slice %arg9[%mul3A_377] : memref<2560xi32, #tpu.memory_space<vmem>> -> memref<64xi32, #tpu.memory_space<vmem>>
        %dma_start3A_379 = arith.constant 0 : i32
        %dma_start3A_380 = arith.constant 0 : i32
        %dma_start3A_381 = tpu.memref_slice %arg2[%dma_start3A_379, %dma_start3A_380] : memref<10000x128xf32, #tpu.memory_space<hbm>> -> memref<10000x128xf32, #tpu.memory_space<hbm>>
        tpu.enqueue_indirect_dma source(%dma_start3A_381 : memref<10000x128xf32, #tpu.memory_space<hbm>>) target(%arg12 : memref<64x128xf32, #tpu.memory_space<vmem>>) offsets(%dma_start3A_378 : memref<64xi32, #tpu.memory_space<vmem>>) semaphore(%arg17 : memref<!tpu.dma_semaphore, #tpu.memory_space<semaphore_mem>>)
      } else {
      }
      %mul3A_318 = arith.constant 5 : i32
      %mul3A_319 = arith.muli %mul3A_318, %scan3A_237 : i32
      %add3A_320 = arith.constant 3 : i32
      %add3A_321 = arith.addi %mul3A_319, %add3A_320 : i32
      %mul3A_322 = arith.constant 64 : i32
      %mul3A_323 = arith.muli %add3A_321, %mul3A_322 : i32
      %dma_wait3A_324 = tpu.memref_slice %arg9[%mul3A_323] : memref<2560xi32, #tpu.memory_space<vmem>> -> memref<64xi32, #tpu.memory_space<vmem>>
      %dma_wait3A_325 = arith.constant 0 : i32
      %dma_wait3A_326 = arith.constant 0 : i32
      %dma_wait3A_327 = tpu.memref_slice %arg2[%dma_wait3A_325, %dma_wait3A_326] : memref<10000x128xf32, #tpu.memory_space<hbm>> -> memref<10000x128xf32, #tpu.memory_space<hbm>>
      tpu.wait_indirect_dma semaphore(%arg19 : memref<!tpu.dma_semaphore, #tpu.memory_space<semaphore_mem>>) src(%dma_wait3A_327 : memref<10000x128xf32, #tpu.memory_space<hbm>>) dst(%arg14 : memref<64x128xf32, #tpu.memory_space<vmem>>)
      %dma_start3A_328 = arith.constant 0 : i32
      %dma_start3A_329 = tpu.memref_slice %arg10[%add3A_321, %dma_start3A_328] : memref<40x64xi32, #tpu.memory_space<vmem>> -> memref<1x64xi32, #tpu.memory_space<vmem>>
      %dma_start3A_330 = tpu.memref_squeeze %dma_start3A_329 : memref<1x64xi32, #tpu.memory_space<vmem>> -> memref<64xi32, #tpu.memory_space<vmem>>
      %dma_start3A_331 = arith.constant 0 : i32
      %dma_start3A_332 = arith.constant 0 : i32
      %dma_start3A_333 = tpu.memref_slice %arg26[%dma_start3A_331, %dma_start3A_332] : memref<10112x128xf32, #tpu.memory_space<vmem_shared>> -> memref<10112x128xf32, #tpu.memory_space<vmem_shared>>
      tpu.enqueue_indirect_dma source(%arg14 : memref<64x128xf32, #tpu.memory_space<vmem>>) target(%dma_start3A_333 : memref<10112x128xf32, #tpu.memory_space<vmem_shared>>) offsets(%dma_start3A_330 : memref<64xi32, #tpu.memory_space<vmem>>) semaphore(%arg24 : memref<!tpu.dma_semaphore, #tpu.memory_space<semaphore_mem>>) {add = true}
      %ge3A_334 = arith.constant 1 : i32
      %ge3A_335 = arith.cmpi sge, %add3A_321, %ge3A_334 : i32
      %convert_element_type3A_336 = arith.extui %ge3A_335 : i1 to i32
      %cond3A_337 = arith.constant 0 : i32
      %cond3A_338 = arith.cmpi ne, %convert_element_type3A_336, %cond3A_337 : i32
      scf.if %cond3A_338 {
        %dma_wait3A_374 = arith.constant 0 : i32
        %dma_wait3A_375 = arith.constant 0 : i32
        %dma_wait3A_376 = tpu.memref_slice %arg10[%dma_wait3A_374, %dma_wait3A_375] : memref<40x64xi32, #tpu.memory_space<vmem>> -> memref<1x64xi32, #tpu.memory_space<vmem>>
        %dma_wait3A_377 = tpu.memref_squeeze %dma_wait3A_376 : memref<1x64xi32, #tpu.memory_space<vmem>> -> memref<64xi32, #tpu.memory_space<vmem>>
        %dma_wait3A_378 = arith.constant 0 : i32
        %dma_wait3A_379 = arith.constant 0 : i32
        %dma_wait3A_380 = tpu.memref_slice %arg26[%dma_wait3A_378, %dma_wait3A_379] : memref<10112x128xf32, #tpu.memory_space<vmem_shared>> -> memref<10112x128xf32, #tpu.memory_space<vmem_shared>>
        tpu.wait_indirect_dma semaphore(%arg23 : memref<!tpu.dma_semaphore, #tpu.memory_space<semaphore_mem>>) src(%arg13 : memref<64x128xf32, #tpu.memory_space<vmem>>) dst(%dma_wait3A_380 : memref<10112x128xf32, #tpu.memory_space<vmem_shared>>)
      } else {
      }
      %add3A_339 = arith.constant 4 : i32
      %add3A_340 = arith.addi %add3A_321, %add3A_339 : i32
      %lt3A_341 = arith.constant 40 : i32
      %lt3A_342 = arith.cmpi slt, %add3A_340, %lt3A_341 : i32
      %convert_element_type3A_343 = arith.extui %lt3A_342 : i1 to i32
      %cond3A_344 = arith.constant 0 : i32
      %cond3A_345 = arith.cmpi ne, %convert_element_type3A_343, %cond3A_344 : i32
      scf.if %cond3A_345 {
        %add3A_374 = arith.constant 4 : i32
        %add3A_375 = arith.addi %add3A_321, %add3A_374 : i32
        %mul3A_376 = arith.constant 64 : i32
        %mul3A_377 = arith.muli %add3A_375, %mul3A_376 : i32
        %dma_start3A_378 = tpu.memref_slice %arg9[%mul3A_377] : memref<2560xi32, #tpu.memory_space<vmem>> -> memref<64xi32, #tpu.memory_space<vmem>>
        %dma_start3A_379 = arith.constant 0 : i32
        %dma_start3A_380 = arith.constant 0 : i32
        %dma_start3A_381 = tpu.memref_slice %arg2[%dma_start3A_379, %dma_start3A_380] : memref<10000x128xf32, #tpu.memory_space<hbm>> -> memref<10000x128xf32, #tpu.memory_space<hbm>>
        tpu.enqueue_indirect_dma source(%dma_start3A_381 : memref<10000x128xf32, #tpu.memory_space<hbm>>) target(%arg13 : memref<64x128xf32, #tpu.memory_space<vmem>>) offsets(%dma_start3A_378 : memref<64xi32, #tpu.memory_space<vmem>>) semaphore(%arg18 : memref<!tpu.dma_semaphore, #tpu.memory_space<semaphore_mem>>)
      } else {
      }
      %mul3A_346 = arith.constant 5 : i32
      %mul3A_347 = arith.muli %mul3A_346, %scan3A_237 : i32
      %add3A_348 = arith.constant 4 : i32
      %add3A_349 = arith.addi %mul3A_347, %add3A_348 : i32
      %mul3A_350 = arith.constant 64 : i32
      %mul3A_351 = arith.muli %add3A_349, %mul3A_350 : i32
      %dma_wait3A_352 = tpu.memref_slice %arg9[%mul3A_351] : memref<2560xi32, #tpu.memory_space<vmem>> -> memref<64xi32, #tpu.memory_space<vmem>>
      %dma_wait3A_353 = arith.constant 0 : i32
      %dma_wait3A_354 = arith.constant 0 : i32
      %dma_wait3A_355 = tpu.memref_slice %arg2[%dma_wait3A_353, %dma_wait3A_354] : memref<10000x128xf32, #tpu.memory_space<hbm>> -> memref<10000x128xf32, #tpu.memory_space<hbm>>
      tpu.wait_indirect_dma semaphore(%arg20 : memref<!tpu.dma_semaphore, #tpu.memory_space<semaphore_mem>>) src(%dma_wait3A_355 : memref<10000x128xf32, #tpu.memory_space<hbm>>) dst(%arg15 : memref<64x128xf32, #tpu.memory_space<vmem>>)
      %dma_start3A_356 = arith.constant 0 : i32
      %dma_start3A_357 = tpu.memref_slice %arg10[%add3A_349, %dma_start3A_356] : memref<40x64xi32, #tpu.memory_space<vmem>> -> memref<1x64xi32, #tpu.memory_space<vmem>>
      %dma_start3A_358 = tpu.memref_squeeze %dma_start3A_357 : memref<1x64xi32, #tpu.memory_space<vmem>> -> memref<64xi32, #tpu.memory_space<vmem>>
      %dma_start3A_359 = arith.constant 0 : i32
      %dma_start3A_360 = arith.constant 0 : i32
      %dma_start3A_361 = tpu.memref_slice %arg26[%dma_start3A_359, %dma_start3A_360] : memref<10112x128xf32, #tpu.memory_space<vmem_shared>> -> memref<10112x128xf32, #tpu.memory_space<vmem_shared>>
      tpu.enqueue_indirect_dma source(%arg15 : memref<64x128xf32, #tpu.memory_space<vmem>>) target(%dma_start3A_361 : memref<10112x128xf32, #tpu.memory_space<vmem_shared>>) offsets(%dma_start3A_358 : memref<64xi32, #tpu.memory_space<vmem>>) semaphore(%arg25 : memref<!tpu.dma_semaphore, #tpu.memory_space<semaphore_mem>>) {add = true}
      %ge3A_362 = arith.constant 1 : i32
      %ge3A_363 = arith.cmpi sge, %add3A_349, %ge3A_362 : i32
      %convert_element_type3A_364 = arith.extui %ge3A_363 : i1 to i32
      %cond3A_365 = arith.constant 0 : i32
      %cond3A_366 = arith.cmpi ne, %convert_element_type3A_364, %cond3A_365 : i32
      scf.if %cond3A_366 {
        %dma_wait3A_374 = arith.constant 0 : i32
        %dma_wait3A_375 = arith.constant 0 : i32
        %dma_wait3A_376 = tpu.memref_slice %arg10[%dma_wait3A_374, %dma_wait3A_375] : memref<40x64xi32, #tpu.memory_space<vmem>> -> memref<1x64xi32, #tpu.memory_space<vmem>>
        %dma_wait3A_377 = tpu.memref_squeeze %dma_wait3A_376 : memref<1x64xi32, #tpu.memory_space<vmem>> -> memref<64xi32, #tpu.memory_space<vmem>>
        %dma_wait3A_378 = arith.constant 0 : i32
        %dma_wait3A_379 = arith.constant 0 : i32
        %dma_wait3A_380 = tpu.memref_slice %arg26[%dma_wait3A_378, %dma_wait3A_379] : memref<10112x128xf32, #tpu.memory_space<vmem_shared>> -> memref<10112x128xf32, #tpu.memory_space<vmem_shared>>
        tpu.wait_indirect_dma semaphore(%arg24 : memref<!tpu.dma_semaphore, #tpu.memory_space<semaphore_mem>>) src(%arg14 : memref<64x128xf32, #tpu.memory_space<vmem>>) dst(%dma_wait3A_380 : memref<10112x128xf32, #tpu.memory_space<vmem_shared>>)
      } else {
      }
      %add3A_367 = arith.constant 4 : i32
      %add3A_368 = arith.addi %add3A_349, %add3A_367 : i32
      %lt3A_369 = arith.constant 40 : i32
      %lt3A_370 = arith.cmpi slt, %add3A_368, %lt3A_369 : i32
      %convert_element_type3A_371 = arith.extui %lt3A_370 : i1 to i32
      %cond3A_372 = arith.constant 0 : i32
      %cond3A_373 = arith.cmpi ne, %convert_element_type3A_371, %cond3A_372 : i32
      scf.if %cond3A_373 {
        %add3A_374 = arith.constant 4 : i32
        %add3A_375 = arith.addi %add3A_349, %add3A_374 : i32
        %mul3A_376 = arith.constant 64 : i32
        %mul3A_377 = arith.muli %add3A_375, %mul3A_376 : i32
        %dma_start3A_378 = tpu.memref_slice %arg9[%mul3A_377] : memref<2560xi32, #tpu.memory_space<vmem>> -> memref<64xi32, #tpu.memory_space<vmem>>
        %dma_start3A_379 = arith.constant 0 : i32
        %dma_start3A_380 = arith.constant 0 : i32
        %dma_start3A_381 = tpu.memref_slice %arg2[%dma_start3A_379, %dma_start3A_380] : memref<10000x128xf32, #tpu.memory_space<hbm>> -> memref<10000x128xf32, #tpu.memory_space<hbm>>
        tpu.enqueue_indirect_dma source(%dma_start3A_381 : memref<10000x128xf32, #tpu.memory_space<hbm>>) target(%arg14 : memref<64x128xf32, #tpu.memory_space<vmem>>) offsets(%dma_start3A_378 : memref<64xi32, #tpu.memory_space<vmem>>) semaphore(%arg19 : memref<!tpu.dma_semaphore, #tpu.memory_space<semaphore_mem>>)
      } else {
      }
    }
    %scan3A_138 = arith.constant 8 : i32
    %dma_wait3A_139 = arith.constant 0 : i32
    %dma_wait3A_140 = arith.constant 0 : i32
    %dma_wait3A_141 = tpu.memref_slice %arg10[%dma_wait3A_139, %dma_wait3A_140] : memref<40x64xi32, #tpu.memory_space<vmem>> -> memref<1x64xi32, #tpu.memory_space<vmem>>
    %dma_wait3A_142 = tpu.memref_squeeze %dma_wait3A_141 : memref<1x64xi32, #tpu.memory_space<vmem>> -> memref<64xi32, #tpu.memory_space<vmem>>
    %dma_wait3A_143 = arith.constant 0 : i32
    %dma_wait3A_144 = arith.constant 0 : i32
    %dma_wait3A_145 = tpu.memref_slice %arg26[%dma_wait3A_143, %dma_wait3A_144] : memref<10112x128xf32, #tpu.memory_space<vmem_shared>> -> memref<10112x128xf32, #tpu.memory_space<vmem_shared>>
    tpu.wait_indirect_dma semaphore(%arg25 : memref<!tpu.dma_semaphore, #tpu.memory_space<semaphore_mem>>) src(%arg15 : memref<64x128xf32, #tpu.memory_space<vmem>>) dst(%dma_wait3A_145 : memref<10112x128xf32, #tpu.memory_space<vmem_shared>>)
    %mul3A_146 = arith.constant 16 : i32
    %mul3A_147 = arith.muli %arg0, %mul3A_146 : i32
    %add3A_148 = arith.addi %mul3A_147, %arg1 : i32
    %mul3A_149 = arith.constant 4 : i32
    %mul3A_150 = arith.muli %add3A_148, %mul3A_149 : i32
    %add3A_151 = arith.constant 2 : i32
    %add3A_152 = arith.addi %mul3A_150, %add3A_151 : i32
    %mul3A_153 = arith.constant 2560 : i32
    %mul3A_154 = arith.muli %add3A_152, %mul3A_153 : i32
    "tpu.region"() ({
      %run_scoped3A_237 = tpu.sem_alloc : memref<!tpu.dma_semaphore, #tpu.memory_space<semaphore_mem>>
      %dma_start3A_238 = tpu.memref_slice %arg3[%mul3A_154] : memref<327680xi32, #tpu.memory_space<hbm>> -> memref<2560xi32, #tpu.memory_space<hbm>>
      %dma_start3A_239 = tpu.memref_slice %arg3[%mul3A_154] : memref<327680xi32, #tpu.memory_space<hbm>> -> memref<2560xi32, #tpu.memory_space<hbm>>
      tpu.enqueue_dma source(%dma_start3A_239 : memref<2560xi32, #tpu.memory_space<hbm>>) target(%arg9 : memref<2560xi32, #tpu.memory_space<vmem>>) target_semaphore(%run_scoped3A_237 : memref<!tpu.dma_semaphore, #tpu.memory_space<semaphore_mem>>)
      %dma_wait3A_240 = tpu.memref_slice %arg3[%mul3A_154] : memref<327680xi32, #tpu.memory_space<hbm>> -> memref<2560xi32, #tpu.memory_space<hbm>>
      %dma_wait3A_241 = tpu.memref_slice %arg3[%mul3A_154] : memref<327680xi32, #tpu.memory_space<hbm>> -> memref<2560xi32, #tpu.memory_space<hbm>>
      tpu.wait_dma2 semaphore(%run_scoped3A_237 : memref<!tpu.dma_semaphore, #tpu.memory_space<semaphore_mem>>) src(%dma_wait3A_241 : memref<2560xi32, #tpu.memory_space<hbm>>) dst(%arg9 : memref<2560xi32, #tpu.memory_space<vmem>>)
      tpu.yield
    }) : () -> ()
    %run_scoped3A_155 = arith.constant 2 : i32
    "tpu.region"() ({
      %run_scoped3A_237 = tpu.sem_alloc : memref<!tpu.dma_semaphore, #tpu.memory_space<semaphore_mem>>
      %dma_start3A_238 = arith.constant 0 : i32
      %dma_start3A_239 = arith.constant 0 : i32
      %dma_start3A_240 = tpu.memref_slice %arg4[%arg0, %arg1, %run_scoped3A_155, %dma_start3A_238, %dma_start3A_239] : memref<2x16x4x40x64xi32, #tpu.memory_space<hbm>> -> memref<1x1x1x40x64xi32, #tpu.memory_space<hbm>>
      %dma_start3A_241 = tpu.memref_squeeze %dma_start3A_240 : memref<1x1x1x40x64xi32, #tpu.memory_space<hbm>> -> memref<40x64xi32, #tpu.memory_space<hbm>>
      %dma_start3A_242 = arith.constant 0 : i32
      %dma_start3A_243 = arith.constant 0 : i32
      %dma_start3A_244 = tpu.memref_slice %arg4[%arg0, %arg1, %run_scoped3A_155, %dma_start3A_242, %dma_start3A_243] : memref<2x16x4x40x64xi32, #tpu.memory_space<hbm>> -> memref<1x1x1x40x64xi32, #tpu.memory_space<hbm>>
      %dma_start3A_245 = tpu.memref_squeeze %dma_start3A_244 : memref<1x1x1x40x64xi32, #tpu.memory_space<hbm>> -> memref<40x64xi32, #tpu.memory_space<hbm>>
      tpu.enqueue_dma source(%dma_start3A_245 : memref<40x64xi32, #tpu.memory_space<hbm>>) target(%arg10 : memref<40x64xi32, #tpu.memory_space<vmem>>) target_semaphore(%run_scoped3A_237 : memref<!tpu.dma_semaphore, #tpu.memory_space<semaphore_mem>>)
      %dma_wait3A_246 = arith.constant 0 : i32
      %dma_wait3A_247 = arith.constant 0 : i32
      %dma_wait3A_248 = tpu.memref_slice %arg4[%arg0, %arg1, %run_scoped3A_155, %dma_wait3A_246, %dma_wait3A_247] : memref<2x16x4x40x64xi32, #tpu.memory_space<hbm>> -> memref<1x1x1x40x64xi32, #tpu.memory_space<hbm>>
      %dma_wait3A_249 = tpu.memref_squeeze %dma_wait3A_248 : memref<1x1x1x40x64xi32, #tpu.memory_space<hbm>> -> memref<40x64xi32, #tpu.memory_space<hbm>>
      %dma_wait3A_250 = arith.constant 0 : i32
      %dma_wait3A_251 = arith.constant 0 : i32
      %dma_wait3A_252 = tpu.memref_slice %arg4[%arg0, %arg1, %run_scoped3A_155, %dma_wait3A_250, %dma_wait3A_251] : memref<2x16x4x40x64xi32, #tpu.memory_space<hbm>> -> memref<1x1x1x40x64xi32, #tpu.memory_space<hbm>>
      %dma_wait3A_253 = tpu.memref_squeeze %dma_wait3A_252 : memref<1x1x1x40x64xi32, #tpu.memory_space<hbm>> -> memref<40x64xi32, #tpu.memory_space<hbm>>
      tpu.wait_dma2 semaphore(%run_scoped3A_237 : memref<!tpu.dma_semaphore, #tpu.memory_space<semaphore_mem>>) src(%dma_wait3A_253 : memref<40x64xi32, #tpu.memory_space<hbm>>) dst(%arg10 : memref<40x64xi32, #tpu.memory_space<vmem>>)
      tpu.yield
    }) : () -> ()
    %dma_start3A_156 = arith.constant 0 : i32
    %dma_start3A_157 = tpu.memref_slice %arg9[%dma_start3A_156] : memref<2560xi32, #tpu.memory_space<vmem>> -> memref<64xi32, #tpu.memory_space<vmem>>
    %dma_start3A_158 = arith.constant 0 : i32
    %dma_start3A_159 = arith.constant 0 : i32
    %dma_start3A_160 = tpu.memref_slice %arg2[%dma_start3A_158, %dma_start3A_159] : memref<10000x128xf32, #tpu.memory_space<hbm>> -> memref<10000x128xf32, #tpu.memory_space<hbm>>
    tpu.enqueue_indirect_dma source(%dma_start3A_160 : memref<10000x128xf32, #tpu.memory_space<hbm>>) target(%arg11 : memref<64x128xf32, #tpu.memory_space<vmem>>) offsets(%dma_start3A_157 : memref<64xi32, #tpu.memory_space<vmem>>) semaphore(%arg16 : memref<!tpu.dma_semaphore, #tpu.memory_space<semaphore_mem>>)
    %dma_start3A_161 = arith.constant 64 : i32
    %dma_start3A_162 = tpu.memref_slice %arg9[%dma_start3A_161] : memref<2560xi32, #tpu.memory_space<vmem>> -> memref<64xi32, #tpu.memory_space<vmem>>
    %dma_start3A_163 = arith.constant 0 : i32
    %dma_start3A_164 = arith.constant 0 : i32
    %dma_start3A_165 = tpu.memref_slice %arg2[%dma_start3A_163, %dma_start3A_164] : memref<10000x128xf32, #tpu.memory_space<hbm>> -> memref<10000x128xf32, #tpu.memory_space<hbm>>
    tpu.enqueue_indirect_dma source(%dma_start3A_165 : memref<10000x128xf32, #tpu.memory_space<hbm>>) target(%arg12 : memref<64x128xf32, #tpu.memory_space<vmem>>) offsets(%dma_start3A_162 : memref<64xi32, #tpu.memory_space<vmem>>) semaphore(%arg17 : memref<!tpu.dma_semaphore, #tpu.memory_space<semaphore_mem>>)
    %dma_start3A_166 = arith.constant 128 : i32
    %dma_start3A_167 = tpu.memref_slice %arg9[%dma_start3A_166] : memref<2560xi32, #tpu.memory_space<vmem>> -> memref<64xi32, #tpu.memory_space<vmem>>
    %dma_start3A_168 = arith.constant 0 : i32
    %dma_start3A_169 = arith.constant 0 : i32
    %dma_start3A_170 = tpu.memref_slice %arg2[%dma_start3A_168, %dma_start3A_169] : memref<10000x128xf32, #tpu.memory_space<hbm>> -> memref<10000x128xf32, #tpu.memory_space<hbm>>
    tpu.enqueue_indirect_dma source(%dma_start3A_170 : memref<10000x128xf32, #tpu.memory_space<hbm>>) target(%arg13 : memref<64x128xf32, #tpu.memory_space<vmem>>) offsets(%dma_start3A_167 : memref<64xi32, #tpu.memory_space<vmem>>) semaphore(%arg18 : memref<!tpu.dma_semaphore, #tpu.memory_space<semaphore_mem>>)
    %dma_start3A_171 = arith.constant 192 : i32
    %dma_start3A_172 = tpu.memref_slice %arg9[%dma_start3A_171] : memref<2560xi32, #tpu.memory_space<vmem>> -> memref<64xi32, #tpu.memory_space<vmem>>
    %dma_start3A_173 = arith.constant 0 : i32
    %dma_start3A_174 = arith.constant 0 : i32
    %dma_start3A_175 = tpu.memref_slice %arg2[%dma_start3A_173, %dma_start3A_174] : memref<10000x128xf32, #tpu.memory_space<hbm>> -> memref<10000x128xf32, #tpu.memory_space<hbm>>
    tpu.enqueue_indirect_dma source(%dma_start3A_175 : memref<10000x128xf32, #tpu.memory_space<hbm>>) target(%arg14 : memref<64x128xf32, #tpu.memory_space<vmem>>) offsets(%dma_start3A_172 : memref<64xi32, #tpu.memory_space<vmem>>) semaphore(%arg19 : memref<!tpu.dma_semaphore, #tpu.memory_space<semaphore_mem>>)
    %scan3A_176 = arith.constant 0 : i32
    %scan3A_177 = arith.constant 0 : i32
    %scan3A_178 = arith.constant 8 : i32
    %scan3A_179 = arith.addi %scan3A_177, %scan3A_178 : i32
    %scan3A_180 = arith.constant 1 : i32
    scf.for %scan3A_237 = %scan3A_177 to %scan3A_179 step %scan3A_180  : i32 {
      %mul3A_238 = arith.constant 5 : i32
      %mul3A_239 = arith.muli %mul3A_238, %scan3A_237 : i32
      %add3A_240 = arith.constant 0 : i32
      %add3A_241 = arith.addi %mul3A_239, %add3A_240 : i32
      %mul3A_242 = arith.constant 64 : i32
      %mul3A_243 = arith.muli %add3A_241, %mul3A_242 : i32
      %dma_wait3A_244 = tpu.memref_slice %arg9[%mul3A_243] : memref<2560xi32, #tpu.memory_space<vmem>> -> memref<64xi32, #tpu.memory_space<vmem>>
      %dma_wait3A_245 = arith.constant 0 : i32
      %dma_wait3A_246 = arith.constant 0 : i32
      %dma_wait3A_247 = tpu.memref_slice %arg2[%dma_wait3A_245, %dma_wait3A_246] : memref<10000x128xf32, #tpu.memory_space<hbm>> -> memref<10000x128xf32, #tpu.memory_space<hbm>>
      tpu.wait_indirect_dma semaphore(%arg16 : memref<!tpu.dma_semaphore, #tpu.memory_space<semaphore_mem>>) src(%dma_wait3A_247 : memref<10000x128xf32, #tpu.memory_space<hbm>>) dst(%arg11 : memref<64x128xf32, #tpu.memory_space<vmem>>)
      %dma_start3A_248 = arith.constant 0 : i32
      %dma_start3A_249 = tpu.memref_slice %arg10[%add3A_241, %dma_start3A_248] : memref<40x64xi32, #tpu.memory_space<vmem>> -> memref<1x64xi32, #tpu.memory_space<vmem>>
      %dma_start3A_250 = tpu.memref_squeeze %dma_start3A_249 : memref<1x64xi32, #tpu.memory_space<vmem>> -> memref<64xi32, #tpu.memory_space<vmem>>
      %dma_start3A_251 = arith.constant 0 : i32
      %dma_start3A_252 = arith.constant 0 : i32
      %dma_start3A_253 = tpu.memref_slice %arg26[%dma_start3A_251, %dma_start3A_252] : memref<10112x128xf32, #tpu.memory_space<vmem_shared>> -> memref<10112x128xf32, #tpu.memory_space<vmem_shared>>
      tpu.enqueue_indirect_dma source(%arg11 : memref<64x128xf32, #tpu.memory_space<vmem>>) target(%dma_start3A_253 : memref<10112x128xf32, #tpu.memory_space<vmem_shared>>) offsets(%dma_start3A_250 : memref<64xi32, #tpu.memory_space<vmem>>) semaphore(%arg21 : memref<!tpu.dma_semaphore, #tpu.memory_space<semaphore_mem>>) {add = true}
      %ge3A = arith.constant 1 : i32
      %ge3A_254 = arith.cmpi sge, %add3A_241, %ge3A : i32
      %convert_element_type3A = arith.extui %ge3A_254 : i1 to i32
      %cond3A = arith.constant 0 : i32
      %cond3A_255 = arith.cmpi ne, %convert_element_type3A, %cond3A : i32
      scf.if %cond3A_255 {
        %dma_wait3A_374 = arith.constant 0 : i32
        %dma_wait3A_375 = arith.constant 0 : i32
        %dma_wait3A_376 = tpu.memref_slice %arg10[%dma_wait3A_374, %dma_wait3A_375] : memref<40x64xi32, #tpu.memory_space<vmem>> -> memref<1x64xi32, #tpu.memory_space<vmem>>
        %dma_wait3A_377 = tpu.memref_squeeze %dma_wait3A_376 : memref<1x64xi32, #tpu.memory_space<vmem>> -> memref<64xi32, #tpu.memory_space<vmem>>
        %dma_wait3A_378 = arith.constant 0 : i32
        %dma_wait3A_379 = arith.constant 0 : i32
        %dma_wait3A_380 = tpu.memref_slice %arg26[%dma_wait3A_378, %dma_wait3A_379] : memref<10112x128xf32, #tpu.memory_space<vmem_shared>> -> memref<10112x128xf32, #tpu.memory_space<vmem_shared>>
        tpu.wait_indirect_dma semaphore(%arg25 : memref<!tpu.dma_semaphore, #tpu.memory_space<semaphore_mem>>) src(%arg15 : memref<64x128xf32, #tpu.memory_space<vmem>>) dst(%dma_wait3A_380 : memref<10112x128xf32, #tpu.memory_space<vmem_shared>>)
      } else {
      }
      %add3A_256 = arith.constant 4 : i32
      %add3A_257 = arith.addi %add3A_241, %add3A_256 : i32
      %lt3A = arith.constant 40 : i32
      %lt3A_258 = arith.cmpi slt, %add3A_257, %lt3A : i32
      %convert_element_type3A_259 = arith.extui %lt3A_258 : i1 to i32
      %cond3A_260 = arith.constant 0 : i32
      %cond3A_261 = arith.cmpi ne, %convert_element_type3A_259, %cond3A_260 : i32
      scf.if %cond3A_261 {
        %add3A_374 = arith.constant 4 : i32
        %add3A_375 = arith.addi %add3A_241, %add3A_374 : i32
        %mul3A_376 = arith.constant 64 : i32
        %mul3A_377 = arith.muli %add3A_375, %mul3A_376 : i32
        %dma_start3A_378 = tpu.memref_slice %arg9[%mul3A_377] : memref<2560xi32, #tpu.memory_space<vmem>> -> memref<64xi32, #tpu.memory_space<vmem>>
        %dma_start3A_379 = arith.constant 0 : i32
        %dma_start3A_380 = arith.constant 0 : i32
        %dma_start3A_381 = tpu.memref_slice %arg2[%dma_start3A_379, %dma_start3A_380] : memref<10000x128xf32, #tpu.memory_space<hbm>> -> memref<10000x128xf32, #tpu.memory_space<hbm>>
        tpu.enqueue_indirect_dma source(%dma_start3A_381 : memref<10000x128xf32, #tpu.memory_space<hbm>>) target(%arg15 : memref<64x128xf32, #tpu.memory_space<vmem>>) offsets(%dma_start3A_378 : memref<64xi32, #tpu.memory_space<vmem>>) semaphore(%arg20 : memref<!tpu.dma_semaphore, #tpu.memory_space<semaphore_mem>>)
      } else {
      }
      %mul3A_262 = arith.constant 5 : i32
      %mul3A_263 = arith.muli %mul3A_262, %scan3A_237 : i32
      %add3A_264 = arith.constant 1 : i32
      %add3A_265 = arith.addi %mul3A_263, %add3A_264 : i32
      %mul3A_266 = arith.constant 64 : i32
      %mul3A_267 = arith.muli %add3A_265, %mul3A_266 : i32
      %dma_wait3A_268 = tpu.memref_slice %arg9[%mul3A_267] : memref<2560xi32, #tpu.memory_space<vmem>> -> memref<64xi32, #tpu.memory_space<vmem>>
      %dma_wait3A_269 = arith.constant 0 : i32
      %dma_wait3A_270 = arith.constant 0 : i32
      %dma_wait3A_271 = tpu.memref_slice %arg2[%dma_wait3A_269, %dma_wait3A_270] : memref<10000x128xf32, #tpu.memory_space<hbm>> -> memref<10000x128xf32, #tpu.memory_space<hbm>>
      tpu.wait_indirect_dma semaphore(%arg17 : memref<!tpu.dma_semaphore, #tpu.memory_space<semaphore_mem>>) src(%dma_wait3A_271 : memref<10000x128xf32, #tpu.memory_space<hbm>>) dst(%arg12 : memref<64x128xf32, #tpu.memory_space<vmem>>)
      %dma_start3A_272 = arith.constant 0 : i32
      %dma_start3A_273 = tpu.memref_slice %arg10[%add3A_265, %dma_start3A_272] : memref<40x64xi32, #tpu.memory_space<vmem>> -> memref<1x64xi32, #tpu.memory_space<vmem>>
      %dma_start3A_274 = tpu.memref_squeeze %dma_start3A_273 : memref<1x64xi32, #tpu.memory_space<vmem>> -> memref<64xi32, #tpu.memory_space<vmem>>
      %dma_start3A_275 = arith.constant 0 : i32
      %dma_start3A_276 = arith.constant 0 : i32
      %dma_start3A_277 = tpu.memref_slice %arg26[%dma_start3A_275, %dma_start3A_276] : memref<10112x128xf32, #tpu.memory_space<vmem_shared>> -> memref<10112x128xf32, #tpu.memory_space<vmem_shared>>
      tpu.enqueue_indirect_dma source(%arg12 : memref<64x128xf32, #tpu.memory_space<vmem>>) target(%dma_start3A_277 : memref<10112x128xf32, #tpu.memory_space<vmem_shared>>) offsets(%dma_start3A_274 : memref<64xi32, #tpu.memory_space<vmem>>) semaphore(%arg22 : memref<!tpu.dma_semaphore, #tpu.memory_space<semaphore_mem>>) {add = true}
      %ge3A_278 = arith.constant 1 : i32
      %ge3A_279 = arith.cmpi sge, %add3A_265, %ge3A_278 : i32
      %convert_element_type3A_280 = arith.extui %ge3A_279 : i1 to i32
      %cond3A_281 = arith.constant 0 : i32
      %cond3A_282 = arith.cmpi ne, %convert_element_type3A_280, %cond3A_281 : i32
      scf.if %cond3A_282 {
        %dma_wait3A_374 = arith.constant 0 : i32
        %dma_wait3A_375 = arith.constant 0 : i32
        %dma_wait3A_376 = tpu.memref_slice %arg10[%dma_wait3A_374, %dma_wait3A_375] : memref<40x64xi32, #tpu.memory_space<vmem>> -> memref<1x64xi32, #tpu.memory_space<vmem>>
        %dma_wait3A_377 = tpu.memref_squeeze %dma_wait3A_376 : memref<1x64xi32, #tpu.memory_space<vmem>> -> memref<64xi32, #tpu.memory_space<vmem>>
        %dma_wait3A_378 = arith.constant 0 : i32
        %dma_wait3A_379 = arith.constant 0 : i32
        %dma_wait3A_380 = tpu.memref_slice %arg26[%dma_wait3A_378, %dma_wait3A_379] : memref<10112x128xf32, #tpu.memory_space<vmem_shared>> -> memref<10112x128xf32, #tpu.memory_space<vmem_shared>>
        tpu.wait_indirect_dma semaphore(%arg21 : memref<!tpu.dma_semaphore, #tpu.memory_space<semaphore_mem>>) src(%arg11 : memref<64x128xf32, #tpu.memory_space<vmem>>) dst(%dma_wait3A_380 : memref<10112x128xf32, #tpu.memory_space<vmem_shared>>)
      } else {
      }
      %add3A_283 = arith.constant 4 : i32
      %add3A_284 = arith.addi %add3A_265, %add3A_283 : i32
      %lt3A_285 = arith.constant 40 : i32
      %lt3A_286 = arith.cmpi slt, %add3A_284, %lt3A_285 : i32
      %convert_element_type3A_287 = arith.extui %lt3A_286 : i1 to i32
      %cond3A_288 = arith.constant 0 : i32
      %cond3A_289 = arith.cmpi ne, %convert_element_type3A_287, %cond3A_288 : i32
      scf.if %cond3A_289 {
        %add3A_374 = arith.constant 4 : i32
        %add3A_375 = arith.addi %add3A_265, %add3A_374 : i32
        %mul3A_376 = arith.constant 64 : i32
        %mul3A_377 = arith.muli %add3A_375, %mul3A_376 : i32
        %dma_start3A_378 = tpu.memref_slice %arg9[%mul3A_377] : memref<2560xi32, #tpu.memory_space<vmem>> -> memref<64xi32, #tpu.memory_space<vmem>>
        %dma_start3A_379 = arith.constant 0 : i32
        %dma_start3A_380 = arith.constant 0 : i32
        %dma_start3A_381 = tpu.memref_slice %arg2[%dma_start3A_379, %dma_start3A_380] : memref<10000x128xf32, #tpu.memory_space<hbm>> -> memref<10000x128xf32, #tpu.memory_space<hbm>>
        tpu.enqueue_indirect_dma source(%dma_start3A_381 : memref<10000x128xf32, #tpu.memory_space<hbm>>) target(%arg11 : memref<64x128xf32, #tpu.memory_space<vmem>>) offsets(%dma_start3A_378 : memref<64xi32, #tpu.memory_space<vmem>>) semaphore(%arg16 : memref<!tpu.dma_semaphore, #tpu.memory_space<semaphore_mem>>)
      } else {
      }
      %mul3A_290 = arith.constant 5 : i32
      %mul3A_291 = arith.muli %mul3A_290, %scan3A_237 : i32
      %add3A_292 = arith.constant 2 : i32
      %add3A_293 = arith.addi %mul3A_291, %add3A_292 : i32
      %mul3A_294 = arith.constant 64 : i32
      %mul3A_295 = arith.muli %add3A_293, %mul3A_294 : i32
      %dma_wait3A_296 = tpu.memref_slice %arg9[%mul3A_295] : memref<2560xi32, #tpu.memory_space<vmem>> -> memref<64xi32, #tpu.memory_space<vmem>>
      %dma_wait3A_297 = arith.constant 0 : i32
      %dma_wait3A_298 = arith.constant 0 : i32
      %dma_wait3A_299 = tpu.memref_slice %arg2[%dma_wait3A_297, %dma_wait3A_298] : memref<10000x128xf32, #tpu.memory_space<hbm>> -> memref<10000x128xf32, #tpu.memory_space<hbm>>
      tpu.wait_indirect_dma semaphore(%arg18 : memref<!tpu.dma_semaphore, #tpu.memory_space<semaphore_mem>>) src(%dma_wait3A_299 : memref<10000x128xf32, #tpu.memory_space<hbm>>) dst(%arg13 : memref<64x128xf32, #tpu.memory_space<vmem>>)
      %dma_start3A_300 = arith.constant 0 : i32
      %dma_start3A_301 = tpu.memref_slice %arg10[%add3A_293, %dma_start3A_300] : memref<40x64xi32, #tpu.memory_space<vmem>> -> memref<1x64xi32, #tpu.memory_space<vmem>>
      %dma_start3A_302 = tpu.memref_squeeze %dma_start3A_301 : memref<1x64xi32, #tpu.memory_space<vmem>> -> memref<64xi32, #tpu.memory_space<vmem>>
      %dma_start3A_303 = arith.constant 0 : i32
      %dma_start3A_304 = arith.constant 0 : i32
      %dma_start3A_305 = tpu.memref_slice %arg26[%dma_start3A_303, %dma_start3A_304] : memref<10112x128xf32, #tpu.memory_space<vmem_shared>> -> memref<10112x128xf32, #tpu.memory_space<vmem_shared>>
      tpu.enqueue_indirect_dma source(%arg13 : memref<64x128xf32, #tpu.memory_space<vmem>>) target(%dma_start3A_305 : memref<10112x128xf32, #tpu.memory_space<vmem_shared>>) offsets(%dma_start3A_302 : memref<64xi32, #tpu.memory_space<vmem>>) semaphore(%arg23 : memref<!tpu.dma_semaphore, #tpu.memory_space<semaphore_mem>>) {add = true}
      %ge3A_306 = arith.constant 1 : i32
      %ge3A_307 = arith.cmpi sge, %add3A_293, %ge3A_306 : i32
      %convert_element_type3A_308 = arith.extui %ge3A_307 : i1 to i32
      %cond3A_309 = arith.constant 0 : i32
      %cond3A_310 = arith.cmpi ne, %convert_element_type3A_308, %cond3A_309 : i32
      scf.if %cond3A_310 {
        %dma_wait3A_374 = arith.constant 0 : i32
        %dma_wait3A_375 = arith.constant 0 : i32
        %dma_wait3A_376 = tpu.memref_slice %arg10[%dma_wait3A_374, %dma_wait3A_375] : memref<40x64xi32, #tpu.memory_space<vmem>> -> memref<1x64xi32, #tpu.memory_space<vmem>>
        %dma_wait3A_377 = tpu.memref_squeeze %dma_wait3A_376 : memref<1x64xi32, #tpu.memory_space<vmem>> -> memref<64xi32, #tpu.memory_space<vmem>>
        %dma_wait3A_378 = arith.constant 0 : i32
        %dma_wait3A_379 = arith.constant 0 : i32
        %dma_wait3A_380 = tpu.memref_slice %arg26[%dma_wait3A_378, %dma_wait3A_379] : memref<10112x128xf32, #tpu.memory_space<vmem_shared>> -> memref<10112x128xf32, #tpu.memory_space<vmem_shared>>
        tpu.wait_indirect_dma semaphore(%arg22 : memref<!tpu.dma_semaphore, #tpu.memory_space<semaphore_mem>>) src(%arg12 : memref<64x128xf32, #tpu.memory_space<vmem>>) dst(%dma_wait3A_380 : memref<10112x128xf32, #tpu.memory_space<vmem_shared>>)
      } else {
      }
      %add3A_311 = arith.constant 4 : i32
      %add3A_312 = arith.addi %add3A_293, %add3A_311 : i32
      %lt3A_313 = arith.constant 40 : i32
      %lt3A_314 = arith.cmpi slt, %add3A_312, %lt3A_313 : i32
      %convert_element_type3A_315 = arith.extui %lt3A_314 : i1 to i32
      %cond3A_316 = arith.constant 0 : i32
      %cond3A_317 = arith.cmpi ne, %convert_element_type3A_315, %cond3A_316 : i32
      scf.if %cond3A_317 {
        %add3A_374 = arith.constant 4 : i32
        %add3A_375 = arith.addi %add3A_293, %add3A_374 : i32
        %mul3A_376 = arith.constant 64 : i32
        %mul3A_377 = arith.muli %add3A_375, %mul3A_376 : i32
        %dma_start3A_378 = tpu.memref_slice %arg9[%mul3A_377] : memref<2560xi32, #tpu.memory_space<vmem>> -> memref<64xi32, #tpu.memory_space<vmem>>
        %dma_start3A_379 = arith.constant 0 : i32
        %dma_start3A_380 = arith.constant 0 : i32
        %dma_start3A_381 = tpu.memref_slice %arg2[%dma_start3A_379, %dma_start3A_380] : memref<10000x128xf32, #tpu.memory_space<hbm>> -> memref<10000x128xf32, #tpu.memory_space<hbm>>
        tpu.enqueue_indirect_dma source(%dma_start3A_381 : memref<10000x128xf32, #tpu.memory_space<hbm>>) target(%arg12 : memref<64x128xf32, #tpu.memory_space<vmem>>) offsets(%dma_start3A_378 : memref<64xi32, #tpu.memory_space<vmem>>) semaphore(%arg17 : memref<!tpu.dma_semaphore, #tpu.memory_space<semaphore_mem>>)
      } else {
      }
      %mul3A_318 = arith.constant 5 : i32
      %mul3A_319 = arith.muli %mul3A_318, %scan3A_237 : i32
      %add3A_320 = arith.constant 3 : i32
      %add3A_321 = arith.addi %mul3A_319, %add3A_320 : i32
      %mul3A_322 = arith.constant 64 : i32
      %mul3A_323 = arith.muli %add3A_321, %mul3A_322 : i32
      %dma_wait3A_324 = tpu.memref_slice %arg9[%mul3A_323] : memref<2560xi32, #tpu.memory_space<vmem>> -> memref<64xi32, #tpu.memory_space<vmem>>
      %dma_wait3A_325 = arith.constant 0 : i32
      %dma_wait3A_326 = arith.constant 0 : i32
      %dma_wait3A_327 = tpu.memref_slice %arg2[%dma_wait3A_325, %dma_wait3A_326] : memref<10000x128xf32, #tpu.memory_space<hbm>> -> memref<10000x128xf32, #tpu.memory_space<hbm>>
      tpu.wait_indirect_dma semaphore(%arg19 : memref<!tpu.dma_semaphore, #tpu.memory_space<semaphore_mem>>) src(%dma_wait3A_327 : memref<10000x128xf32, #tpu.memory_space<hbm>>) dst(%arg14 : memref<64x128xf32, #tpu.memory_space<vmem>>)
      %dma_start3A_328 = arith.constant 0 : i32
      %dma_start3A_329 = tpu.memref_slice %arg10[%add3A_321, %dma_start3A_328] : memref<40x64xi32, #tpu.memory_space<vmem>> -> memref<1x64xi32, #tpu.memory_space<vmem>>
      %dma_start3A_330 = tpu.memref_squeeze %dma_start3A_329 : memref<1x64xi32, #tpu.memory_space<vmem>> -> memref<64xi32, #tpu.memory_space<vmem>>
      %dma_start3A_331 = arith.constant 0 : i32
      %dma_start3A_332 = arith.constant 0 : i32
      %dma_start3A_333 = tpu.memref_slice %arg26[%dma_start3A_331, %dma_start3A_332] : memref<10112x128xf32, #tpu.memory_space<vmem_shared>> -> memref<10112x128xf32, #tpu.memory_space<vmem_shared>>
      tpu.enqueue_indirect_dma source(%arg14 : memref<64x128xf32, #tpu.memory_space<vmem>>) target(%dma_start3A_333 : memref<10112x128xf32, #tpu.memory_space<vmem_shared>>) offsets(%dma_start3A_330 : memref<64xi32, #tpu.memory_space<vmem>>) semaphore(%arg24 : memref<!tpu.dma_semaphore, #tpu.memory_space<semaphore_mem>>) {add = true}
      %ge3A_334 = arith.constant 1 : i32
      %ge3A_335 = arith.cmpi sge, %add3A_321, %ge3A_334 : i32
      %convert_element_type3A_336 = arith.extui %ge3A_335 : i1 to i32
      %cond3A_337 = arith.constant 0 : i32
      %cond3A_338 = arith.cmpi ne, %convert_element_type3A_336, %cond3A_337 : i32
      scf.if %cond3A_338 {
        %dma_wait3A_374 = arith.constant 0 : i32
        %dma_wait3A_375 = arith.constant 0 : i32
        %dma_wait3A_376 = tpu.memref_slice %arg10[%dma_wait3A_374, %dma_wait3A_375] : memref<40x64xi32, #tpu.memory_space<vmem>> -> memref<1x64xi32, #tpu.memory_space<vmem>>
        %dma_wait3A_377 = tpu.memref_squeeze %dma_wait3A_376 : memref<1x64xi32, #tpu.memory_space<vmem>> -> memref<64xi32, #tpu.memory_space<vmem>>
        %dma_wait3A_378 = arith.constant 0 : i32
        %dma_wait3A_379 = arith.constant 0 : i32
        %dma_wait3A_380 = tpu.memref_slice %arg26[%dma_wait3A_378, %dma_wait3A_379] : memref<10112x128xf32, #tpu.memory_space<vmem_shared>> -> memref<10112x128xf32, #tpu.memory_space<vmem_shared>>
        tpu.wait_indirect_dma semaphore(%arg23 : memref<!tpu.dma_semaphore, #tpu.memory_space<semaphore_mem>>) src(%arg13 : memref<64x128xf32, #tpu.memory_space<vmem>>) dst(%dma_wait3A_380 : memref<10112x128xf32, #tpu.memory_space<vmem_shared>>)
      } else {
      }
      %add3A_339 = arith.constant 4 : i32
      %add3A_340 = arith.addi %add3A_321, %add3A_339 : i32
      %lt3A_341 = arith.constant 40 : i32
      %lt3A_342 = arith.cmpi slt, %add3A_340, %lt3A_341 : i32
      %convert_element_type3A_343 = arith.extui %lt3A_342 : i1 to i32
      %cond3A_344 = arith.constant 0 : i32
      %cond3A_345 = arith.cmpi ne, %convert_element_type3A_343, %cond3A_344 : i32
      scf.if %cond3A_345 {
        %add3A_374 = arith.constant 4 : i32
        %add3A_375 = arith.addi %add3A_321, %add3A_374 : i32
        %mul3A_376 = arith.constant 64 : i32
        %mul3A_377 = arith.muli %add3A_375, %mul3A_376 : i32
        %dma_start3A_378 = tpu.memref_slice %arg9[%mul3A_377] : memref<2560xi32, #tpu.memory_space<vmem>> -> memref<64xi32, #tpu.memory_space<vmem>>
        %dma_start3A_379 = arith.constant 0 : i32
        %dma_start3A_380 = arith.constant 0 : i32
        %dma_start3A_381 = tpu.memref_slice %arg2[%dma_start3A_379, %dma_start3A_380] : memref<10000x128xf32, #tpu.memory_space<hbm>> -> memref<10000x128xf32, #tpu.memory_space<hbm>>
        tpu.enqueue_indirect_dma source(%dma_start3A_381 : memref<10000x128xf32, #tpu.memory_space<hbm>>) target(%arg13 : memref<64x128xf32, #tpu.memory_space<vmem>>) offsets(%dma_start3A_378 : memref<64xi32, #tpu.memory_space<vmem>>) semaphore(%arg18 : memref<!tpu.dma_semaphore, #tpu.memory_space<semaphore_mem>>)
      } else {
      }
      %mul3A_346 = arith.constant 5 : i32
      %mul3A_347 = arith.muli %mul3A_346, %scan3A_237 : i32
      %add3A_348 = arith.constant 4 : i32
      %add3A_349 = arith.addi %mul3A_347, %add3A_348 : i32
      %mul3A_350 = arith.constant 64 : i32
      %mul3A_351 = arith.muli %add3A_349, %mul3A_350 : i32
      %dma_wait3A_352 = tpu.memref_slice %arg9[%mul3A_351] : memref<2560xi32, #tpu.memory_space<vmem>> -> memref<64xi32, #tpu.memory_space<vmem>>
      %dma_wait3A_353 = arith.constant 0 : i32
      %dma_wait3A_354 = arith.constant 0 : i32
      %dma_wait3A_355 = tpu.memref_slice %arg2[%dma_wait3A_353, %dma_wait3A_354] : memref<10000x128xf32, #tpu.memory_space<hbm>> -> memref<10000x128xf32, #tpu.memory_space<hbm>>
      tpu.wait_indirect_dma semaphore(%arg20 : memref<!tpu.dma_semaphore, #tpu.memory_space<semaphore_mem>>) src(%dma_wait3A_355 : memref<10000x128xf32, #tpu.memory_space<hbm>>) dst(%arg15 : memref<64x128xf32, #tpu.memory_space<vmem>>)
      %dma_start3A_356 = arith.constant 0 : i32
      %dma_start3A_357 = tpu.memref_slice %arg10[%add3A_349, %dma_start3A_356] : memref<40x64xi32, #tpu.memory_space<vmem>> -> memref<1x64xi32, #tpu.memory_space<vmem>>
      %dma_start3A_358 = tpu.memref_squeeze %dma_start3A_357 : memref<1x64xi32, #tpu.memory_space<vmem>> -> memref<64xi32, #tpu.memory_space<vmem>>
      %dma_start3A_359 = arith.constant 0 : i32
      %dma_start3A_360 = arith.constant 0 : i32
      %dma_start3A_361 = tpu.memref_slice %arg26[%dma_start3A_359, %dma_start3A_360] : memref<10112x128xf32, #tpu.memory_space<vmem_shared>> -> memref<10112x128xf32, #tpu.memory_space<vmem_shared>>
      tpu.enqueue_indirect_dma source(%arg15 : memref<64x128xf32, #tpu.memory_space<vmem>>) target(%dma_start3A_361 : memref<10112x128xf32, #tpu.memory_space<vmem_shared>>) offsets(%dma_start3A_358 : memref<64xi32, #tpu.memory_space<vmem>>) semaphore(%arg25 : memref<!tpu.dma_semaphore, #tpu.memory_space<semaphore_mem>>) {add = true}
      %ge3A_362 = arith.constant 1 : i32
      %ge3A_363 = arith.cmpi sge, %add3A_349, %ge3A_362 : i32
      %convert_element_type3A_364 = arith.extui %ge3A_363 : i1 to i32
      %cond3A_365 = arith.constant 0 : i32
      %cond3A_366 = arith.cmpi ne, %convert_element_type3A_364, %cond3A_365 : i32
      scf.if %cond3A_366 {
        %dma_wait3A_374 = arith.constant 0 : i32
        %dma_wait3A_375 = arith.constant 0 : i32
        %dma_wait3A_376 = tpu.memref_slice %arg10[%dma_wait3A_374, %dma_wait3A_375] : memref<40x64xi32, #tpu.memory_space<vmem>> -> memref<1x64xi32, #tpu.memory_space<vmem>>
        %dma_wait3A_377 = tpu.memref_squeeze %dma_wait3A_376 : memref<1x64xi32, #tpu.memory_space<vmem>> -> memref<64xi32, #tpu.memory_space<vmem>>
        %dma_wait3A_378 = arith.constant 0 : i32
        %dma_wait3A_379 = arith.constant 0 : i32
        %dma_wait3A_380 = tpu.memref_slice %arg26[%dma_wait3A_378, %dma_wait3A_379] : memref<10112x128xf32, #tpu.memory_space<vmem_shared>> -> memref<10112x128xf32, #tpu.memory_space<vmem_shared>>
        tpu.wait_indirect_dma semaphore(%arg24 : memref<!tpu.dma_semaphore, #tpu.memory_space<semaphore_mem>>) src(%arg14 : memref<64x128xf32, #tpu.memory_space<vmem>>) dst(%dma_wait3A_380 : memref<10112x128xf32, #tpu.memory_space<vmem_shared>>)
      } else {
      }
      %add3A_367 = arith.constant 4 : i32
      %add3A_368 = arith.addi %add3A_349, %add3A_367 : i32
      %lt3A_369 = arith.constant 40 : i32
      %lt3A_370 = arith.cmpi slt, %add3A_368, %lt3A_369 : i32
      %convert_element_type3A_371 = arith.extui %lt3A_370 : i1 to i32
      %cond3A_372 = arith.constant 0 : i32
      %cond3A_373 = arith.cmpi ne, %convert_element_type3A_371, %cond3A_372 : i32
      scf.if %cond3A_373 {
        %add3A_374 = arith.constant 4 : i32
        %add3A_375 = arith.addi %add3A_349, %add3A_374 : i32
        %mul3A_376 = arith.constant 64 : i32
        %mul3A_377 = arith.muli %add3A_375, %mul3A_376 : i32
        %dma_start3A_378 = tpu.memref_slice %arg9[%mul3A_377] : memref<2560xi32, #tpu.memory_space<vmem>> -> memref<64xi32, #tpu.memory_space<vmem>>
        %dma_start3A_379 = arith.constant 0 : i32
        %dma_start3A_380 = arith.constant 0 : i32
        %dma_start3A_381 = tpu.memref_slice %arg2[%dma_start3A_379, %dma_start3A_380] : memref<10000x128xf32, #tpu.memory_space<hbm>> -> memref<10000x128xf32, #tpu.memory_space<hbm>>
        tpu.enqueue_indirect_dma source(%dma_start3A_381 : memref<10000x128xf32, #tpu.memory_space<hbm>>) target(%arg14 : memref<64x128xf32, #tpu.memory_space<vmem>>) offsets(%dma_start3A_378 : memref<64xi32, #tpu.memory_space<vmem>>) semaphore(%arg19 : memref<!tpu.dma_semaphore, #tpu.memory_space<semaphore_mem>>)
      } else {
      }
    }
    %scan3A_181 = arith.constant 8 : i32
    %dma_wait3A_182 = arith.constant 0 : i32
    %dma_wait3A_183 = arith.constant 0 : i32
    %dma_wait3A_184 = tpu.memref_slice %arg10[%dma_wait3A_182, %dma_wait3A_183] : memref<40x64xi32, #tpu.memory_space<vmem>> -> memref<1x64xi32, #tpu.memory_space<vmem>>
    %dma_wait3A_185 = tpu.memref_squeeze %dma_wait3A_184 : memref<1x64xi32, #tpu.memory_space<vmem>> -> memref<64xi32, #tpu.memory_space<vmem>>
    %dma_wait3A_186 = arith.constant 0 : i32
    %dma_wait3A_187 = arith.constant 0 : i32
    %dma_wait3A_188 = tpu.memref_slice %arg26[%dma_wait3A_186, %dma_wait3A_187] : memref<10112x128xf32, #tpu.memory_space<vmem_shared>> -> memref<10112x128xf32, #tpu.memory_space<vmem_shared>>
    tpu.wait_indirect_dma semaphore(%arg25 : memref<!tpu.dma_semaphore, #tpu.memory_space<semaphore_mem>>) src(%arg15 : memref<64x128xf32, #tpu.memory_space<vmem>>) dst(%dma_wait3A_188 : memref<10112x128xf32, #tpu.memory_space<vmem_shared>>)
    %mul3A_189 = arith.constant 16 : i32
    %mul3A_190 = arith.muli %arg0, %mul3A_189 : i32
    %add3A_191 = arith.addi %mul3A_190, %arg1 : i32
    %mul3A_192 = arith.constant 4 : i32
    %mul3A_193 = arith.muli %add3A_191, %mul3A_192 : i32
    %add3A_194 = arith.constant 3 : i32
    %add3A_195 = arith.addi %mul3A_193, %add3A_194 : i32
    %mul3A_196 = arith.constant 2560 : i32
    %mul3A_197 = arith.muli %add3A_195, %mul3A_196 : i32
    "tpu.region"() ({
      %run_scoped3A_237 = tpu.sem_alloc : memref<!tpu.dma_semaphore, #tpu.memory_space<semaphore_mem>>
      %dma_start3A_238 = tpu.memref_slice %arg3[%mul3A_197] : memref<327680xi32, #tpu.memory_space<hbm>> -> memref<2560xi32, #tpu.memory_space<hbm>>
      %dma_start3A_239 = tpu.memref_slice %arg3[%mul3A_197] : memref<327680xi32, #tpu.memory_space<hbm>> -> memref<2560xi32, #tpu.memory_space<hbm>>
      tpu.enqueue_dma source(%dma_start3A_239 : memref<2560xi32, #tpu.memory_space<hbm>>) target(%arg9 : memref<2560xi32, #tpu.memory_space<vmem>>) target_semaphore(%run_scoped3A_237 : memref<!tpu.dma_semaphore, #tpu.memory_space<semaphore_mem>>)
      %dma_wait3A_240 = tpu.memref_slice %arg3[%mul3A_197] : memref<327680xi32, #tpu.memory_space<hbm>> -> memref<2560xi32, #tpu.memory_space<hbm>>
      %dma_wait3A_241 = tpu.memref_slice %arg3[%mul3A_197] : memref<327680xi32, #tpu.memory_space<hbm>> -> memref<2560xi32, #tpu.memory_space<hbm>>
      tpu.wait_dma2 semaphore(%run_scoped3A_237 : memref<!tpu.dma_semaphore, #tpu.memory_space<semaphore_mem>>) src(%dma_wait3A_241 : memref<2560xi32, #tpu.memory_space<hbm>>) dst(%arg9 : memref<2560xi32, #tpu.memory_space<vmem>>)
      tpu.yield
    }) : () -> ()
    %run_scoped3A_198 = arith.constant 3 : i32
    "tpu.region"() ({
      %run_scoped3A_237 = tpu.sem_alloc : memref<!tpu.dma_semaphore, #tpu.memory_space<semaphore_mem>>
      %dma_start3A_238 = arith.constant 0 : i32
      %dma_start3A_239 = arith.constant 0 : i32
      %dma_start3A_240 = tpu.memref_slice %arg4[%arg0, %arg1, %run_scoped3A_198, %dma_start3A_238, %dma_start3A_239] : memref<2x16x4x40x64xi32, #tpu.memory_space<hbm>> -> memref<1x1x1x40x64xi32, #tpu.memory_space<hbm>>
      %dma_start3A_241 = tpu.memref_squeeze %dma_start3A_240 : memref<1x1x1x40x64xi32, #tpu.memory_space<hbm>> -> memref<40x64xi32, #tpu.memory_space<hbm>>
      %dma_start3A_242 = arith.constant 0 : i32
      %dma_start3A_243 = arith.constant 0 : i32
      %dma_start3A_244 = tpu.memref_slice %arg4[%arg0, %arg1, %run_scoped3A_198, %dma_start3A_242, %dma_start3A_243] : memref<2x16x4x40x64xi32, #tpu.memory_space<hbm>> -> memref<1x1x1x40x64xi32, #tpu.memory_space<hbm>>
      %dma_start3A_245 = tpu.memref_squeeze %dma_start3A_244 : memref<1x1x1x40x64xi32, #tpu.memory_space<hbm>> -> memref<40x64xi32, #tpu.memory_space<hbm>>
      tpu.enqueue_dma source(%dma_start3A_245 : memref<40x64xi32, #tpu.memory_space<hbm>>) target(%arg10 : memref<40x64xi32, #tpu.memory_space<vmem>>) target_semaphore(%run_scoped3A_237 : memref<!tpu.dma_semaphore, #tpu.memory_space<semaphore_mem>>)
      %dma_wait3A_246 = arith.constant 0 : i32
      %dma_wait3A_247 = arith.constant 0 : i32
      %dma_wait3A_248 = tpu.memref_slice %arg4[%arg0, %arg1, %run_scoped3A_198, %dma_wait3A_246, %dma_wait3A_247] : memref<2x16x4x40x64xi32, #tpu.memory_space<hbm>> -> memref<1x1x1x40x64xi32, #tpu.memory_space<hbm>>
      %dma_wait3A_249 = tpu.memref_squeeze %dma_wait3A_248 : memref<1x1x1x40x64xi32, #tpu.memory_space<hbm>> -> memref<40x64xi32, #tpu.memory_space<hbm>>
      %dma_wait3A_250 = arith.constant 0 : i32
      %dma_wait3A_251 = arith.constant 0 : i32
      %dma_wait3A_252 = tpu.memref_slice %arg4[%arg0, %arg1, %run_scoped3A_198, %dma_wait3A_250, %dma_wait3A_251] : memref<2x16x4x40x64xi32, #tpu.memory_space<hbm>> -> memref<1x1x1x40x64xi32, #tpu.memory_space<hbm>>
      %dma_wait3A_253 = tpu.memref_squeeze %dma_wait3A_252 : memref<1x1x1x40x64xi32, #tpu.memory_space<hbm>> -> memref<40x64xi32, #tpu.memory_space<hbm>>
      tpu.wait_dma2 semaphore(%run_scoped3A_237 : memref<!tpu.dma_semaphore, #tpu.memory_space<semaphore_mem>>) src(%dma_wait3A_253 : memref<40x64xi32, #tpu.memory_space<hbm>>) dst(%arg10 : memref<40x64xi32, #tpu.memory_space<vmem>>)
      tpu.yield
    }) : () -> ()
    %dma_start3A_199 = arith.constant 0 : i32
    %dma_start3A_200 = tpu.memref_slice %arg9[%dma_start3A_199] : memref<2560xi32, #tpu.memory_space<vmem>> -> memref<64xi32, #tpu.memory_space<vmem>>
    %dma_start3A_201 = arith.constant 0 : i32
    %dma_start3A_202 = arith.constant 0 : i32
    %dma_start3A_203 = tpu.memref_slice %arg2[%dma_start3A_201, %dma_start3A_202] : memref<10000x128xf32, #tpu.memory_space<hbm>> -> memref<10000x128xf32, #tpu.memory_space<hbm>>
    tpu.enqueue_indirect_dma source(%dma_start3A_203 : memref<10000x128xf32, #tpu.memory_space<hbm>>) target(%arg11 : memref<64x128xf32, #tpu.memory_space<vmem>>) offsets(%dma_start3A_200 : memref<64xi32, #tpu.memory_space<vmem>>) semaphore(%arg16 : memref<!tpu.dma_semaphore, #tpu.memory_space<semaphore_mem>>)
    %dma_start3A_204 = arith.constant 64 : i32
    %dma_start3A_205 = tpu.memref_slice %arg9[%dma_start3A_204] : memref<2560xi32, #tpu.memory_space<vmem>> -> memref<64xi32, #tpu.memory_space<vmem>>
    %dma_start3A_206 = arith.constant 0 : i32
    %dma_start3A_207 = arith.constant 0 : i32
    %dma_start3A_208 = tpu.memref_slice %arg2[%dma_start3A_206, %dma_start3A_207] : memref<10000x128xf32, #tpu.memory_space<hbm>> -> memref<10000x128xf32, #tpu.memory_space<hbm>>
    tpu.enqueue_indirect_dma source(%dma_start3A_208 : memref<10000x128xf32, #tpu.memory_space<hbm>>) target(%arg12 : memref<64x128xf32, #tpu.memory_space<vmem>>) offsets(%dma_start3A_205 : memref<64xi32, #tpu.memory_space<vmem>>) semaphore(%arg17 : memref<!tpu.dma_semaphore, #tpu.memory_space<semaphore_mem>>)
    %dma_start3A_209 = arith.constant 128 : i32
    %dma_start3A_210 = tpu.memref_slice %arg9[%dma_start3A_209] : memref<2560xi32, #tpu.memory_space<vmem>> -> memref<64xi32, #tpu.memory_space<vmem>>
    %dma_start3A_211 = arith.constant 0 : i32
    %dma_start3A_212 = arith.constant 0 : i32
    %dma_start3A_213 = tpu.memref_slice %arg2[%dma_start3A_211, %dma_start3A_212] : memref<10000x128xf32, #tpu.memory_space<hbm>> -> memref<10000x128xf32, #tpu.memory_space<hbm>>
    tpu.enqueue_indirect_dma source(%dma_start3A_213 : memref<10000x128xf32, #tpu.memory_space<hbm>>) target(%arg13 : memref<64x128xf32, #tpu.memory_space<vmem>>) offsets(%dma_start3A_210 : memref<64xi32, #tpu.memory_space<vmem>>) semaphore(%arg18 : memref<!tpu.dma_semaphore, #tpu.memory_space<semaphore_mem>>)
    %dma_start3A_214 = arith.constant 192 : i32
    %dma_start3A_215 = tpu.memref_slice %arg9[%dma_start3A_214] : memref<2560xi32, #tpu.memory_space<vmem>> -> memref<64xi32, #tpu.memory_space<vmem>>
    %dma_start3A_216 = arith.constant 0 : i32
    %dma_start3A_217 = arith.constant 0 : i32
    %dma_start3A_218 = tpu.memref_slice %arg2[%dma_start3A_216, %dma_start3A_217] : memref<10000x128xf32, #tpu.memory_space<hbm>> -> memref<10000x128xf32, #tpu.memory_space<hbm>>
    tpu.enqueue_indirect_dma source(%dma_start3A_218 : memref<10000x128xf32, #tpu.memory_space<hbm>>) target(%arg14 : memref<64x128xf32, #tpu.memory_space<vmem>>) offsets(%dma_start3A_215 : memref<64xi32, #tpu.memory_space<vmem>>) semaphore(%arg19 : memref<!tpu.dma_semaphore, #tpu.memory_space<semaphore_mem>>)
    %scan3A_219 = arith.constant 0 : i32
    %scan3A_220 = arith.constant 0 : i32
    %scan3A_221 = arith.constant 8 : i32
    %scan3A_222 = arith.addi %scan3A_220, %scan3A_221 : i32
    %scan3A_223 = arith.constant 1 : i32
    scf.for %scan3A_237 = %scan3A_220 to %scan3A_222 step %scan3A_223  : i32 {
      %mul3A_238 = arith.constant 5 : i32
      %mul3A_239 = arith.muli %mul3A_238, %scan3A_237 : i32
      %add3A_240 = arith.constant 0 : i32
      %add3A_241 = arith.addi %mul3A_239, %add3A_240 : i32
      %mul3A_242 = arith.constant 64 : i32
      %mul3A_243 = arith.muli %add3A_241, %mul3A_242 : i32
      %dma_wait3A_244 = tpu.memref_slice %arg9[%mul3A_243] : memref<2560xi32, #tpu.memory_space<vmem>> -> memref<64xi32, #tpu.memory_space<vmem>>
      %dma_wait3A_245 = arith.constant 0 : i32
      %dma_wait3A_246 = arith.constant 0 : i32
      %dma_wait3A_247 = tpu.memref_slice %arg2[%dma_wait3A_245, %dma_wait3A_246] : memref<10000x128xf32, #tpu.memory_space<hbm>> -> memref<10000x128xf32, #tpu.memory_space<hbm>>
      tpu.wait_indirect_dma semaphore(%arg16 : memref<!tpu.dma_semaphore, #tpu.memory_space<semaphore_mem>>) src(%dma_wait3A_247 : memref<10000x128xf32, #tpu.memory_space<hbm>>) dst(%arg11 : memref<64x128xf32, #tpu.memory_space<vmem>>)
      %dma_start3A_248 = arith.constant 0 : i32
      %dma_start3A_249 = tpu.memref_slice %arg10[%add3A_241, %dma_start3A_248] : memref<40x64xi32, #tpu.memory_space<vmem>> -> memref<1x64xi32, #tpu.memory_space<vmem>>
      %dma_start3A_250 = tpu.memref_squeeze %dma_start3A_249 : memref<1x64xi32, #tpu.memory_space<vmem>> -> memref<64xi32, #tpu.memory_space<vmem>>
      %dma_start3A_251 = arith.constant 0 : i32
      %dma_start3A_252 = arith.constant 0 : i32
      %dma_start3A_253 = tpu.memref_slice %arg26[%dma_start3A_251, %dma_start3A_252] : memref<10112x128xf32, #tpu.memory_space<vmem_shared>> -> memref<10112x128xf32, #tpu.memory_space<vmem_shared>>
      tpu.enqueue_indirect_dma source(%arg11 : memref<64x128xf32, #tpu.memory_space<vmem>>) target(%dma_start3A_253 : memref<10112x128xf32, #tpu.memory_space<vmem_shared>>) offsets(%dma_start3A_250 : memref<64xi32, #tpu.memory_space<vmem>>) semaphore(%arg21 : memref<!tpu.dma_semaphore, #tpu.memory_space<semaphore_mem>>) {add = true}
      %ge3A = arith.constant 1 : i32
      %ge3A_254 = arith.cmpi sge, %add3A_241, %ge3A : i32
      %convert_element_type3A = arith.extui %ge3A_254 : i1 to i32
      %cond3A = arith.constant 0 : i32
      %cond3A_255 = arith.cmpi ne, %convert_element_type3A, %cond3A : i32
      scf.if %cond3A_255 {
        %dma_wait3A_374 = arith.constant 0 : i32
        %dma_wait3A_375 = arith.constant 0 : i32
        %dma_wait3A_376 = tpu.memref_slice %arg10[%dma_wait3A_374, %dma_wait3A_375] : memref<40x64xi32, #tpu.memory_space<vmem>> -> memref<1x64xi32, #tpu.memory_space<vmem>>
        %dma_wait3A_377 = tpu.memref_squeeze %dma_wait3A_376 : memref<1x64xi32, #tpu.memory_space<vmem>> -> memref<64xi32, #tpu.memory_space<vmem>>
        %dma_wait3A_378 = arith.constant 0 : i32
        %dma_wait3A_379 = arith.constant 0 : i32
        %dma_wait3A_380 = tpu.memref_slice %arg26[%dma_wait3A_378, %dma_wait3A_379] : memref<10112x128xf32, #tpu.memory_space<vmem_shared>> -> memref<10112x128xf32, #tpu.memory_space<vmem_shared>>
        tpu.wait_indirect_dma semaphore(%arg25 : memref<!tpu.dma_semaphore, #tpu.memory_space<semaphore_mem>>) src(%arg15 : memref<64x128xf32, #tpu.memory_space<vmem>>) dst(%dma_wait3A_380 : memref<10112x128xf32, #tpu.memory_space<vmem_shared>>)
      } else {
      }
      %add3A_256 = arith.constant 4 : i32
      %add3A_257 = arith.addi %add3A_241, %add3A_256 : i32
      %lt3A = arith.constant 40 : i32
      %lt3A_258 = arith.cmpi slt, %add3A_257, %lt3A : i32
      %convert_element_type3A_259 = arith.extui %lt3A_258 : i1 to i32
      %cond3A_260 = arith.constant 0 : i32
      %cond3A_261 = arith.cmpi ne, %convert_element_type3A_259, %cond3A_260 : i32
      scf.if %cond3A_261 {
        %add3A_374 = arith.constant 4 : i32
        %add3A_375 = arith.addi %add3A_241, %add3A_374 : i32
        %mul3A_376 = arith.constant 64 : i32
        %mul3A_377 = arith.muli %add3A_375, %mul3A_376 : i32
        %dma_start3A_378 = tpu.memref_slice %arg9[%mul3A_377] : memref<2560xi32, #tpu.memory_space<vmem>> -> memref<64xi32, #tpu.memory_space<vmem>>
        %dma_start3A_379 = arith.constant 0 : i32
        %dma_start3A_380 = arith.constant 0 : i32
        %dma_start3A_381 = tpu.memref_slice %arg2[%dma_start3A_379, %dma_start3A_380] : memref<10000x128xf32, #tpu.memory_space<hbm>> -> memref<10000x128xf32, #tpu.memory_space<hbm>>
        tpu.enqueue_indirect_dma source(%dma_start3A_381 : memref<10000x128xf32, #tpu.memory_space<hbm>>) target(%arg15 : memref<64x128xf32, #tpu.memory_space<vmem>>) offsets(%dma_start3A_378 : memref<64xi32, #tpu.memory_space<vmem>>) semaphore(%arg20 : memref<!tpu.dma_semaphore, #tpu.memory_space<semaphore_mem>>)
      } else {
      }
      %mul3A_262 = arith.constant 5 : i32
      %mul3A_263 = arith.muli %mul3A_262, %scan3A_237 : i32
      %add3A_264 = arith.constant 1 : i32
      %add3A_265 = arith.addi %mul3A_263, %add3A_264 : i32
      %mul3A_266 = arith.constant 64 : i32
      %mul3A_267 = arith.muli %add3A_265, %mul3A_266 : i32
      %dma_wait3A_268 = tpu.memref_slice %arg9[%mul3A_267] : memref<2560xi32, #tpu.memory_space<vmem>> -> memref<64xi32, #tpu.memory_space<vmem>>
      %dma_wait3A_269 = arith.constant 0 : i32
      %dma_wait3A_270 = arith.constant 0 : i32
      %dma_wait3A_271 = tpu.memref_slice %arg2[%dma_wait3A_269, %dma_wait3A_270] : memref<10000x128xf32, #tpu.memory_space<hbm>> -> memref<10000x128xf32, #tpu.memory_space<hbm>>
      tpu.wait_indirect_dma semaphore(%arg17 : memref<!tpu.dma_semaphore, #tpu.memory_space<semaphore_mem>>) src(%dma_wait3A_271 : memref<10000x128xf32, #tpu.memory_space<hbm>>) dst(%arg12 : memref<64x128xf32, #tpu.memory_space<vmem>>)
      %dma_start3A_272 = arith.constant 0 : i32
      %dma_start3A_273 = tpu.memref_slice %arg10[%add3A_265, %dma_start3A_272] : memref<40x64xi32, #tpu.memory_space<vmem>> -> memref<1x64xi32, #tpu.memory_space<vmem>>
      %dma_start3A_274 = tpu.memref_squeeze %dma_start3A_273 : memref<1x64xi32, #tpu.memory_space<vmem>> -> memref<64xi32, #tpu.memory_space<vmem>>
      %dma_start3A_275 = arith.constant 0 : i32
      %dma_start3A_276 = arith.constant 0 : i32
      %dma_start3A_277 = tpu.memref_slice %arg26[%dma_start3A_275, %dma_start3A_276] : memref<10112x128xf32, #tpu.memory_space<vmem_shared>> -> memref<10112x128xf32, #tpu.memory_space<vmem_shared>>
      tpu.enqueue_indirect_dma source(%arg12 : memref<64x128xf32, #tpu.memory_space<vmem>>) target(%dma_start3A_277 : memref<10112x128xf32, #tpu.memory_space<vmem_shared>>) offsets(%dma_start3A_274 : memref<64xi32, #tpu.memory_space<vmem>>) semaphore(%arg22 : memref<!tpu.dma_semaphore, #tpu.memory_space<semaphore_mem>>) {add = true}
      %ge3A_278 = arith.constant 1 : i32
      %ge3A_279 = arith.cmpi sge, %add3A_265, %ge3A_278 : i32
      %convert_element_type3A_280 = arith.extui %ge3A_279 : i1 to i32
      %cond3A_281 = arith.constant 0 : i32
      %cond3A_282 = arith.cmpi ne, %convert_element_type3A_280, %cond3A_281 : i32
      scf.if %cond3A_282 {
        %dma_wait3A_374 = arith.constant 0 : i32
        %dma_wait3A_375 = arith.constant 0 : i32
        %dma_wait3A_376 = tpu.memref_slice %arg10[%dma_wait3A_374, %dma_wait3A_375] : memref<40x64xi32, #tpu.memory_space<vmem>> -> memref<1x64xi32, #tpu.memory_space<vmem>>
        %dma_wait3A_377 = tpu.memref_squeeze %dma_wait3A_376 : memref<1x64xi32, #tpu.memory_space<vmem>> -> memref<64xi32, #tpu.memory_space<vmem>>
        %dma_wait3A_378 = arith.constant 0 : i32
        %dma_wait3A_379 = arith.constant 0 : i32
        %dma_wait3A_380 = tpu.memref_slice %arg26[%dma_wait3A_378, %dma_wait3A_379] : memref<10112x128xf32, #tpu.memory_space<vmem_shared>> -> memref<10112x128xf32, #tpu.memory_space<vmem_shared>>
        tpu.wait_indirect_dma semaphore(%arg21 : memref<!tpu.dma_semaphore, #tpu.memory_space<semaphore_mem>>) src(%arg11 : memref<64x128xf32, #tpu.memory_space<vmem>>) dst(%dma_wait3A_380 : memref<10112x128xf32, #tpu.memory_space<vmem_shared>>)
      } else {
      }
      %add3A_283 = arith.constant 4 : i32
      %add3A_284 = arith.addi %add3A_265, %add3A_283 : i32
      %lt3A_285 = arith.constant 40 : i32
      %lt3A_286 = arith.cmpi slt, %add3A_284, %lt3A_285 : i32
      %convert_element_type3A_287 = arith.extui %lt3A_286 : i1 to i32
      %cond3A_288 = arith.constant 0 : i32
      %cond3A_289 = arith.cmpi ne, %convert_element_type3A_287, %cond3A_288 : i32
      scf.if %cond3A_289 {
        %add3A_374 = arith.constant 4 : i32
        %add3A_375 = arith.addi %add3A_265, %add3A_374 : i32
        %mul3A_376 = arith.constant 64 : i32
        %mul3A_377 = arith.muli %add3A_375, %mul3A_376 : i32
        %dma_start3A_378 = tpu.memref_slice %arg9[%mul3A_377] : memref<2560xi32, #tpu.memory_space<vmem>> -> memref<64xi32, #tpu.memory_space<vmem>>
        %dma_start3A_379 = arith.constant 0 : i32
        %dma_start3A_380 = arith.constant 0 : i32
        %dma_start3A_381 = tpu.memref_slice %arg2[%dma_start3A_379, %dma_start3A_380] : memref<10000x128xf32, #tpu.memory_space<hbm>> -> memref<10000x128xf32, #tpu.memory_space<hbm>>
        tpu.enqueue_indirect_dma source(%dma_start3A_381 : memref<10000x128xf32, #tpu.memory_space<hbm>>) target(%arg11 : memref<64x128xf32, #tpu.memory_space<vmem>>) offsets(%dma_start3A_378 : memref<64xi32, #tpu.memory_space<vmem>>) semaphore(%arg16 : memref<!tpu.dma_semaphore, #tpu.memory_space<semaphore_mem>>)
      } else {
      }
      %mul3A_290 = arith.constant 5 : i32
      %mul3A_291 = arith.muli %mul3A_290, %scan3A_237 : i32
      %add3A_292 = arith.constant 2 : i32
      %add3A_293 = arith.addi %mul3A_291, %add3A_292 : i32
      %mul3A_294 = arith.constant 64 : i32
      %mul3A_295 = arith.muli %add3A_293, %mul3A_294 : i32
      %dma_wait3A_296 = tpu.memref_slice %arg9[%mul3A_295] : memref<2560xi32, #tpu.memory_space<vmem>> -> memref<64xi32, #tpu.memory_space<vmem>>
      %dma_wait3A_297 = arith.constant 0 : i32
      %dma_wait3A_298 = arith.constant 0 : i32
      %dma_wait3A_299 = tpu.memref_slice %arg2[%dma_wait3A_297, %dma_wait3A_298] : memref<10000x128xf32, #tpu.memory_space<hbm>> -> memref<10000x128xf32, #tpu.memory_space<hbm>>
      tpu.wait_indirect_dma semaphore(%arg18 : memref<!tpu.dma_semaphore, #tpu.memory_space<semaphore_mem>>) src(%dma_wait3A_299 : memref<10000x128xf32, #tpu.memory_space<hbm>>) dst(%arg13 : memref<64x128xf32, #tpu.memory_space<vmem>>)
      %dma_start3A_300 = arith.constant 0 : i32
      %dma_start3A_301 = tpu.memref_slice %arg10[%add3A_293, %dma_start3A_300] : memref<40x64xi32, #tpu.memory_space<vmem>> -> memref<1x64xi32, #tpu.memory_space<vmem>>
      %dma_start3A_302 = tpu.memref_squeeze %dma_start3A_301 : memref<1x64xi32, #tpu.memory_space<vmem>> -> memref<64xi32, #tpu.memory_space<vmem>>
      %dma_start3A_303 = arith.constant 0 : i32
      %dma_start3A_304 = arith.constant 0 : i32
      %dma_start3A_305 = tpu.memref_slice %arg26[%dma_start3A_303, %dma_start3A_304] : memref<10112x128xf32, #tpu.memory_space<vmem_shared>> -> memref<10112x128xf32, #tpu.memory_space<vmem_shared>>
      tpu.enqueue_indirect_dma source(%arg13 : memref<64x128xf32, #tpu.memory_space<vmem>>) target(%dma_start3A_305 : memref<10112x128xf32, #tpu.memory_space<vmem_shared>>) offsets(%dma_start3A_302 : memref<64xi32, #tpu.memory_space<vmem>>) semaphore(%arg23 : memref<!tpu.dma_semaphore, #tpu.memory_space<semaphore_mem>>) {add = true}
      %ge3A_306 = arith.constant 1 : i32
      %ge3A_307 = arith.cmpi sge, %add3A_293, %ge3A_306 : i32
      %convert_element_type3A_308 = arith.extui %ge3A_307 : i1 to i32
      %cond3A_309 = arith.constant 0 : i32
      %cond3A_310 = arith.cmpi ne, %convert_element_type3A_308, %cond3A_309 : i32
      scf.if %cond3A_310 {
        %dma_wait3A_374 = arith.constant 0 : i32
        %dma_wait3A_375 = arith.constant 0 : i32
        %dma_wait3A_376 = tpu.memref_slice %arg10[%dma_wait3A_374, %dma_wait3A_375] : memref<40x64xi32, #tpu.memory_space<vmem>> -> memref<1x64xi32, #tpu.memory_space<vmem>>
        %dma_wait3A_377 = tpu.memref_squeeze %dma_wait3A_376 : memref<1x64xi32, #tpu.memory_space<vmem>> -> memref<64xi32, #tpu.memory_space<vmem>>
        %dma_wait3A_378 = arith.constant 0 : i32
        %dma_wait3A_379 = arith.constant 0 : i32
        %dma_wait3A_380 = tpu.memref_slice %arg26[%dma_wait3A_378, %dma_wait3A_379] : memref<10112x128xf32, #tpu.memory_space<vmem_shared>> -> memref<10112x128xf32, #tpu.memory_space<vmem_shared>>
        tpu.wait_indirect_dma semaphore(%arg22 : memref<!tpu.dma_semaphore, #tpu.memory_space<semaphore_mem>>) src(%arg12 : memref<64x128xf32, #tpu.memory_space<vmem>>) dst(%dma_wait3A_380 : memref<10112x128xf32, #tpu.memory_space<vmem_shared>>)
      } else {
      }
      %add3A_311 = arith.constant 4 : i32
      %add3A_312 = arith.addi %add3A_293, %add3A_311 : i32
      %lt3A_313 = arith.constant 40 : i32
      %lt3A_314 = arith.cmpi slt, %add3A_312, %lt3A_313 : i32
      %convert_element_type3A_315 = arith.extui %lt3A_314 : i1 to i32
      %cond3A_316 = arith.constant 0 : i32
      %cond3A_317 = arith.cmpi ne, %convert_element_type3A_315, %cond3A_316 : i32
      scf.if %cond3A_317 {
        %add3A_374 = arith.constant 4 : i32
        %add3A_375 = arith.addi %add3A_293, %add3A_374 : i32
        %mul3A_376 = arith.constant 64 : i32
        %mul3A_377 = arith.muli %add3A_375, %mul3A_376 : i32
        %dma_start3A_378 = tpu.memref_slice %arg9[%mul3A_377] : memref<2560xi32, #tpu.memory_space<vmem>> -> memref<64xi32, #tpu.memory_space<vmem>>
        %dma_start3A_379 = arith.constant 0 : i32
        %dma_start3A_380 = arith.constant 0 : i32
        %dma_start3A_381 = tpu.memref_slice %arg2[%dma_start3A_379, %dma_start3A_380] : memref<10000x128xf32, #tpu.memory_space<hbm>> -> memref<10000x128xf32, #tpu.memory_space<hbm>>
        tpu.enqueue_indirect_dma source(%dma_start3A_381 : memref<10000x128xf32, #tpu.memory_space<hbm>>) target(%arg12 : memref<64x128xf32, #tpu.memory_space<vmem>>) offsets(%dma_start3A_378 : memref<64xi32, #tpu.memory_space<vmem>>) semaphore(%arg17 : memref<!tpu.dma_semaphore, #tpu.memory_space<semaphore_mem>>)
      } else {
      }
      %mul3A_318 = arith.constant 5 : i32
      %mul3A_319 = arith.muli %mul3A_318, %scan3A_237 : i32
      %add3A_320 = arith.constant 3 : i32
      %add3A_321 = arith.addi %mul3A_319, %add3A_320 : i32
      %mul3A_322 = arith.constant 64 : i32
      %mul3A_323 = arith.muli %add3A_321, %mul3A_322 : i32
      %dma_wait3A_324 = tpu.memref_slice %arg9[%mul3A_323] : memref<2560xi32, #tpu.memory_space<vmem>> -> memref<64xi32, #tpu.memory_space<vmem>>
      %dma_wait3A_325 = arith.constant 0 : i32
      %dma_wait3A_326 = arith.constant 0 : i32
      %dma_wait3A_327 = tpu.memref_slice %arg2[%dma_wait3A_325, %dma_wait3A_326] : memref<10000x128xf32, #tpu.memory_space<hbm>> -> memref<10000x128xf32, #tpu.memory_space<hbm>>
      tpu.wait_indirect_dma semaphore(%arg19 : memref<!tpu.dma_semaphore, #tpu.memory_space<semaphore_mem>>) src(%dma_wait3A_327 : memref<10000x128xf32, #tpu.memory_space<hbm>>) dst(%arg14 : memref<64x128xf32, #tpu.memory_space<vmem>>)
      %dma_start3A_328 = arith.constant 0 : i32
      %dma_start3A_329 = tpu.memref_slice %arg10[%add3A_321, %dma_start3A_328] : memref<40x64xi32, #tpu.memory_space<vmem>> -> memref<1x64xi32, #tpu.memory_space<vmem>>
      %dma_start3A_330 = tpu.memref_squeeze %dma_start3A_329 : memref<1x64xi32, #tpu.memory_space<vmem>> -> memref<64xi32, #tpu.memory_space<vmem>>
      %dma_start3A_331 = arith.constant 0 : i32
      %dma_start3A_332 = arith.constant 0 : i32
      %dma_start3A_333 = tpu.memref_slice %arg26[%dma_start3A_331, %dma_start3A_332] : memref<10112x128xf32, #tpu.memory_space<vmem_shared>> -> memref<10112x128xf32, #tpu.memory_space<vmem_shared>>
      tpu.enqueue_indirect_dma source(%arg14 : memref<64x128xf32, #tpu.memory_space<vmem>>) target(%dma_start3A_333 : memref<10112x128xf32, #tpu.memory_space<vmem_shared>>) offsets(%dma_start3A_330 : memref<64xi32, #tpu.memory_space<vmem>>) semaphore(%arg24 : memref<!tpu.dma_semaphore, #tpu.memory_space<semaphore_mem>>) {add = true}
      %ge3A_334 = arith.constant 1 : i32
      %ge3A_335 = arith.cmpi sge, %add3A_321, %ge3A_334 : i32
      %convert_element_type3A_336 = arith.extui %ge3A_335 : i1 to i32
      %cond3A_337 = arith.constant 0 : i32
      %cond3A_338 = arith.cmpi ne, %convert_element_type3A_336, %cond3A_337 : i32
      scf.if %cond3A_338 {
        %dma_wait3A_374 = arith.constant 0 : i32
        %dma_wait3A_375 = arith.constant 0 : i32
        %dma_wait3A_376 = tpu.memref_slice %arg10[%dma_wait3A_374, %dma_wait3A_375] : memref<40x64xi32, #tpu.memory_space<vmem>> -> memref<1x64xi32, #tpu.memory_space<vmem>>
        %dma_wait3A_377 = tpu.memref_squeeze %dma_wait3A_376 : memref<1x64xi32, #tpu.memory_space<vmem>> -> memref<64xi32, #tpu.memory_space<vmem>>
        %dma_wait3A_378 = arith.constant 0 : i32
        %dma_wait3A_379 = arith.constant 0 : i32
        %dma_wait3A_380 = tpu.memref_slice %arg26[%dma_wait3A_378, %dma_wait3A_379] : memref<10112x128xf32, #tpu.memory_space<vmem_shared>> -> memref<10112x128xf32, #tpu.memory_space<vmem_shared>>
        tpu.wait_indirect_dma semaphore(%arg23 : memref<!tpu.dma_semaphore, #tpu.memory_space<semaphore_mem>>) src(%arg13 : memref<64x128xf32, #tpu.memory_space<vmem>>) dst(%dma_wait3A_380 : memref<10112x128xf32, #tpu.memory_space<vmem_shared>>)
      } else {
      }
      %add3A_339 = arith.constant 4 : i32
      %add3A_340 = arith.addi %add3A_321, %add3A_339 : i32
      %lt3A_341 = arith.constant 40 : i32
      %lt3A_342 = arith.cmpi slt, %add3A_340, %lt3A_341 : i32
      %convert_element_type3A_343 = arith.extui %lt3A_342 : i1 to i32
      %cond3A_344 = arith.constant 0 : i32
      %cond3A_345 = arith.cmpi ne, %convert_element_type3A_343, %cond3A_344 : i32
      scf.if %cond3A_345 {
        %add3A_374 = arith.constant 4 : i32
        %add3A_375 = arith.addi %add3A_321, %add3A_374 : i32
        %mul3A_376 = arith.constant 64 : i32
        %mul3A_377 = arith.muli %add3A_375, %mul3A_376 : i32
        %dma_start3A_378 = tpu.memref_slice %arg9[%mul3A_377] : memref<2560xi32, #tpu.memory_space<vmem>> -> memref<64xi32, #tpu.memory_space<vmem>>
        %dma_start3A_379 = arith.constant 0 : i32
        %dma_start3A_380 = arith.constant 0 : i32
        %dma_start3A_381 = tpu.memref_slice %arg2[%dma_start3A_379, %dma_start3A_380] : memref<10000x128xf32, #tpu.memory_space<hbm>> -> memref<10000x128xf32, #tpu.memory_space<hbm>>
        tpu.enqueue_indirect_dma source(%dma_start3A_381 : memref<10000x128xf32, #tpu.memory_space<hbm>>) target(%arg13 : memref<64x128xf32, #tpu.memory_space<vmem>>) offsets(%dma_start3A_378 : memref<64xi32, #tpu.memory_space<vmem>>) semaphore(%arg18 : memref<!tpu.dma_semaphore, #tpu.memory_space<semaphore_mem>>)
      } else {
      }
      %mul3A_346 = arith.constant 5 : i32
      %mul3A_347 = arith.muli %mul3A_346, %scan3A_237 : i32
      %add3A_348 = arith.constant 4 : i32
      %add3A_349 = arith.addi %mul3A_347, %add3A_348 : i32
      %mul3A_350 = arith.constant 64 : i32
      %mul3A_351 = arith.muli %add3A_349, %mul3A_350 : i32
      %dma_wait3A_352 = tpu.memref_slice %arg9[%mul3A_351] : memref<2560xi32, #tpu.memory_space<vmem>> -> memref<64xi32, #tpu.memory_space<vmem>>
      %dma_wait3A_353 = arith.constant 0 : i32
      %dma_wait3A_354 = arith.constant 0 : i32
      %dma_wait3A_355 = tpu.memref_slice %arg2[%dma_wait3A_353, %dma_wait3A_354] : memref<10000x128xf32, #tpu.memory_space<hbm>> -> memref<10000x128xf32, #tpu.memory_space<hbm>>
      tpu.wait_indirect_dma semaphore(%arg20 : memref<!tpu.dma_semaphore, #tpu.memory_space<semaphore_mem>>) src(%dma_wait3A_355 : memref<10000x128xf32, #tpu.memory_space<hbm>>) dst(%arg15 : memref<64x128xf32, #tpu.memory_space<vmem>>)
      %dma_start3A_356 = arith.constant 0 : i32
      %dma_start3A_357 = tpu.memref_slice %arg10[%add3A_349, %dma_start3A_356] : memref<40x64xi32, #tpu.memory_space<vmem>> -> memref<1x64xi32, #tpu.memory_space<vmem>>
      %dma_start3A_358 = tpu.memref_squeeze %dma_start3A_357 : memref<1x64xi32, #tpu.memory_space<vmem>> -> memref<64xi32, #tpu.memory_space<vmem>>
      %dma_start3A_359 = arith.constant 0 : i32
      %dma_start3A_360 = arith.constant 0 : i32
      %dma_start3A_361 = tpu.memref_slice %arg26[%dma_start3A_359, %dma_start3A_360] : memref<10112x128xf32, #tpu.memory_space<vmem_shared>> -> memref<10112x128xf32, #tpu.memory_space<vmem_shared>>
      tpu.enqueue_indirect_dma source(%arg15 : memref<64x128xf32, #tpu.memory_space<vmem>>) target(%dma_start3A_361 : memref<10112x128xf32, #tpu.memory_space<vmem_shared>>) offsets(%dma_start3A_358 : memref<64xi32, #tpu.memory_space<vmem>>) semaphore(%arg25 : memref<!tpu.dma_semaphore, #tpu.memory_space<semaphore_mem>>) {add = true}
      %ge3A_362 = arith.constant 1 : i32
      %ge3A_363 = arith.cmpi sge, %add3A_349, %ge3A_362 : i32
      %convert_element_type3A_364 = arith.extui %ge3A_363 : i1 to i32
      %cond3A_365 = arith.constant 0 : i32
      %cond3A_366 = arith.cmpi ne, %convert_element_type3A_364, %cond3A_365 : i32
      scf.if %cond3A_366 {
        %dma_wait3A_374 = arith.constant 0 : i32
        %dma_wait3A_375 = arith.constant 0 : i32
        %dma_wait3A_376 = tpu.memref_slice %arg10[%dma_wait3A_374, %dma_wait3A_375] : memref<40x64xi32, #tpu.memory_space<vmem>> -> memref<1x64xi32, #tpu.memory_space<vmem>>
        %dma_wait3A_377 = tpu.memref_squeeze %dma_wait3A_376 : memref<1x64xi32, #tpu.memory_space<vmem>> -> memref<64xi32, #tpu.memory_space<vmem>>
        %dma_wait3A_378 = arith.constant 0 : i32
        %dma_wait3A_379 = arith.constant 0 : i32
        %dma_wait3A_380 = tpu.memref_slice %arg26[%dma_wait3A_378, %dma_wait3A_379] : memref<10112x128xf32, #tpu.memory_space<vmem_shared>> -> memref<10112x128xf32, #tpu.memory_space<vmem_shared>>
        tpu.wait_indirect_dma semaphore(%arg24 : memref<!tpu.dma_semaphore, #tpu.memory_space<semaphore_mem>>) src(%arg14 : memref<64x128xf32, #tpu.memory_space<vmem>>) dst(%dma_wait3A_380 : memref<10112x128xf32, #tpu.memory_space<vmem_shared>>)
      } else {
      }
      %add3A_367 = arith.constant 4 : i32
      %add3A_368 = arith.addi %add3A_349, %add3A_367 : i32
      %lt3A_369 = arith.constant 40 : i32
      %lt3A_370 = arith.cmpi slt, %add3A_368, %lt3A_369 : i32
      %convert_element_type3A_371 = arith.extui %lt3A_370 : i1 to i32
      %cond3A_372 = arith.constant 0 : i32
      %cond3A_373 = arith.cmpi ne, %convert_element_type3A_371, %cond3A_372 : i32
      scf.if %cond3A_373 {
        %add3A_374 = arith.constant 4 : i32
        %add3A_375 = arith.addi %add3A_349, %add3A_374 : i32
        %mul3A_376 = arith.constant 64 : i32
        %mul3A_377 = arith.muli %add3A_375, %mul3A_376 : i32
        %dma_start3A_378 = tpu.memref_slice %arg9[%mul3A_377] : memref<2560xi32, #tpu.memory_space<vmem>> -> memref<64xi32, #tpu.memory_space<vmem>>
        %dma_start3A_379 = arith.constant 0 : i32
        %dma_start3A_380 = arith.constant 0 : i32
        %dma_start3A_381 = tpu.memref_slice %arg2[%dma_start3A_379, %dma_start3A_380] : memref<10000x128xf32, #tpu.memory_space<hbm>> -> memref<10000x128xf32, #tpu.memory_space<hbm>>
        tpu.enqueue_indirect_dma source(%dma_start3A_381 : memref<10000x128xf32, #tpu.memory_space<hbm>>) target(%arg14 : memref<64x128xf32, #tpu.memory_space<vmem>>) offsets(%dma_start3A_378 : memref<64xi32, #tpu.memory_space<vmem>>) semaphore(%arg19 : memref<!tpu.dma_semaphore, #tpu.memory_space<semaphore_mem>>)
      } else {
      }
    }
    %scan3A_224 = arith.constant 8 : i32
    %dma_wait3A_225 = arith.constant 0 : i32
    %dma_wait3A_226 = arith.constant 0 : i32
    %dma_wait3A_227 = tpu.memref_slice %arg10[%dma_wait3A_225, %dma_wait3A_226] : memref<40x64xi32, #tpu.memory_space<vmem>> -> memref<1x64xi32, #tpu.memory_space<vmem>>
    %dma_wait3A_228 = tpu.memref_squeeze %dma_wait3A_227 : memref<1x64xi32, #tpu.memory_space<vmem>> -> memref<64xi32, #tpu.memory_space<vmem>>
    %dma_wait3A_229 = arith.constant 0 : i32
    %dma_wait3A_230 = arith.constant 0 : i32
    %dma_wait3A_231 = tpu.memref_slice %arg26[%dma_wait3A_229, %dma_wait3A_230] : memref<10112x128xf32, #tpu.memory_space<vmem_shared>> -> memref<10112x128xf32, #tpu.memory_space<vmem_shared>>
    tpu.wait_indirect_dma semaphore(%arg25 : memref<!tpu.dma_semaphore, #tpu.memory_space<semaphore_mem>>) src(%arg15 : memref<64x128xf32, #tpu.memory_space<vmem>>) dst(%dma_wait3A_231 : memref<10112x128xf32, #tpu.memory_space<vmem_shared>>)
    %barrier3A_232 = arith.constant 0 : index
    tpu.barrier barrier_id(%barrier3A_232)
    %mul3A_233 = arith.constant 632 : i32
    %mul3A_234 = arith.muli %arg1, %mul3A_233 : i32
    %mul3A_235 = arith.constant 632 : i32
    %mul3A_236 = arith.muli %arg1, %mul3A_235 : i32
    "tpu.region"() ({
      %run_scoped3A_237 = tpu.sem_alloc : memref<!tpu.dma_semaphore, #tpu.memory_space<semaphore_mem>>
      %dma_start3A_238 = arith.constant 0 : i32
      %dma_start3A_239 = tpu.memref_slice %arg7[%arg0, %mul3A_236, %dma_start3A_238] : memref<2x10112x128xf32, #tpu.memory_space<hbm>> -> memref<1x632x128xf32, #tpu.memory_space<hbm>>
      %dma_start3A_240 = tpu.memref_squeeze %dma_start3A_239 : memref<1x632x128xf32, #tpu.memory_space<hbm>> -> memref<632x128xf32, #tpu.memory_space<hbm>>
      %dma_start3A_241 = arith.constant 0 : i32
      %dma_start3A_242 = tpu.memref_slice %arg26[%mul3A_234, %dma_start3A_241] : memref<10112x128xf32, #tpu.memory_space<vmem_shared>> -> memref<632x128xf32, #tpu.memory_space<vmem_shared>>
      tpu.enqueue_dma source(%dma_start3A_242 : memref<632x128xf32, #tpu.memory_space<vmem_shared>>) target(%dma_start3A_240 : memref<632x128xf32, #tpu.memory_space<hbm>>) target_semaphore(%run_scoped3A_237 : memref<!tpu.dma_semaphore, #tpu.memory_space<semaphore_mem>>)
      %dma_wait3A_243 = arith.constant 0 : i32
      %dma_wait3A_244 = tpu.memref_slice %arg7[%arg0, %mul3A_236, %dma_wait3A_243] : memref<2x10112x128xf32, #tpu.memory_space<hbm>> -> memref<1x632x128xf32, #tpu.memory_space<hbm>>
      %dma_wait3A_245 = tpu.memref_squeeze %dma_wait3A_244 : memref<1x632x128xf32, #tpu.memory_space<hbm>> -> memref<632x128xf32, #tpu.memory_space<hbm>>
      %dma_wait3A_246 = arith.constant 0 : i32
      %dma_wait3A_247 = tpu.memref_slice %arg26[%mul3A_234, %dma_wait3A_246] : memref<10112x128xf32, #tpu.memory_space<vmem_shared>> -> memref<632x128xf32, #tpu.memory_space<vmem_shared>>
      tpu.wait_dma2 semaphore(%run_scoped3A_237 : memref<!tpu.dma_semaphore, #tpu.memory_space<semaphore_mem>>) src(%dma_wait3A_247 : memref<632x128xf32, #tpu.memory_space<vmem_shared>>) dst(%dma_wait3A_245 : memref<632x128xf32, #tpu.memory_space<hbm>>)
      tpu.yield
    }) : () -> ()
    return
  }
}

#map = affine_map<(d0, d1) -> (0, 0)>
#map1 = affine_map<(d0, d1) -> (0)>
#map2 = affine_map<(d0, d1) -> (0, 0, 0, 0, 0)>
#map3 = affine_map<(d0, d1) -> (0, 0, 0)>
module attributes {stable_mosaic.version = 14 : i64} {
  func.func @_sc_agg_body(%arg0: i32, %arg1: i32, %arg2: memref<10000x128xf32, #tpu.memory_space<hbm>>, %arg3: memref<327680xi32, #tpu.memory_space<hbm>>, %arg4: memref<2x16x4x40x64xi32, #tpu.memory_space<hbm>>, %arg5: memref<10112x128xf32, #tpu.memory_space<hbm>>, %arg6: memref<64x128xf32, #tpu.memory_space<hbm>>, %arg7: memref<2x10112x128xf32, #tpu.memory_space<hbm>>, %arg8: memref<2560xi32, #tpu.memory_space<vmem>>, %arg9: memref<40x64xi32, #tpu.memory_space<vmem>>, %arg10: memref<64x128xf32, #tpu.memory_space<vmem>>, %arg11: memref<64x128xf32, #tpu.memory_space<vmem>>, %arg12: memref<64x128xf32, #tpu.memory_space<vmem>>, %arg13: memref<64x128xf32, #tpu.memory_space<vmem>>, %arg14: memref<64x128xf32, #tpu.memory_space<vmem>>, %arg15: memref<!tpu.dma_semaphore, #tpu.memory_space<semaphore_mem>>, %arg16: memref<!tpu.dma_semaphore, #tpu.memory_space<semaphore_mem>>, %arg17: memref<!tpu.dma_semaphore, #tpu.memory_space<semaphore_mem>>, %arg18: memref<!tpu.dma_semaphore, #tpu.memory_space<semaphore_mem>>, %arg19: memref<!tpu.dma_semaphore, #tpu.memory_space<semaphore_mem>>, %arg20: memref<!tpu.dma_semaphore, #tpu.memory_space<semaphore_mem>>, %arg21: memref<!tpu.dma_semaphore, #tpu.memory_space<semaphore_mem>>, %arg22: memref<!tpu.dma_semaphore, #tpu.memory_space<semaphore_mem>>, %arg23: memref<!tpu.dma_semaphore, #tpu.memory_space<semaphore_mem>>, %arg24: memref<!tpu.dma_semaphore, #tpu.memory_space<semaphore_mem>>, %arg25: memref<10112x128xf32, #tpu.memory_space<vmem_shared>>) attributes {dimension_semantics = [#tpu.dimension_semantics<core_parallel>, #tpu.dimension_semantics<subcore_parallel>], iteration_bounds = array<i64: 2, 16>, scalar_prefetch = 0 : i64, scratch_operands = 18 : i64, tpu.core_type = #tpu.core_type<sc_vector_subcore>, window_params = [{transform_indices = #map}, {transform_indices = #map1}, {transform_indices = #map2}, {transform_indices = #map}, {transform_indices = #map}, {transform_indices = #map3}]} {
    %mul3A = arith.constant 16 : i32
    %mul3A_0 = arith.muli %arg0, %mul3A : i32
    %add3A = arith.addi %mul3A_0, %arg1 : i32
    %mul3A_1 = arith.constant 4 : i32
    %mul3A_2 = arith.muli %add3A, %mul3A_1 : i32
    %add3A_3 = arith.constant 0 : i32
    %add3A_4 = arith.addi %mul3A_2, %add3A_3 : i32
    %mul3A_5 = arith.constant 2560 : i32
    %mul3A_6 = arith.muli %add3A_4, %mul3A_5 : i32
    "tpu.region"() ({
      %run_scoped3A_175 = tpu.sem_alloc : memref<!tpu.dma_semaphore, #tpu.memory_space<semaphore_mem>>
      %dma_start3A_176 = tpu.memref_slice %arg3[%mul3A_6] : memref<327680xi32, #tpu.memory_space<hbm>> -> memref<2560xi32, #tpu.memory_space<hbm>>
      %dma_start3A_177 = tpu.memref_slice %arg3[%mul3A_6] : memref<327680xi32, #tpu.memory_space<hbm>> -> memref<2560xi32, #tpu.memory_space<hbm>>
      tpu.enqueue_dma source(%dma_start3A_177 : memref<2560xi32, #tpu.memory_space<hbm>>) target(%arg8 : memref<2560xi32, #tpu.memory_space<vmem>>) target_semaphore(%run_scoped3A_175 : memref<!tpu.dma_semaphore, #tpu.memory_space<semaphore_mem>>)
      %dma_wait3A_178 = tpu.memref_slice %arg3[%mul3A_6] : memref<327680xi32, #tpu.memory_space<hbm>> -> memref<2560xi32, #tpu.memory_space<hbm>>
      %dma_wait3A_179 = tpu.memref_slice %arg3[%mul3A_6] : memref<327680xi32, #tpu.memory_space<hbm>> -> memref<2560xi32, #tpu.memory_space<hbm>>
      tpu.wait_dma2 semaphore(%run_scoped3A_175 : memref<!tpu.dma_semaphore, #tpu.memory_space<semaphore_mem>>) src(%dma_wait3A_179 : memref<2560xi32, #tpu.memory_space<hbm>>) dst(%arg8 : memref<2560xi32, #tpu.memory_space<vmem>>)
      tpu.yield
    }) : () -> ()
    %run_scoped3A = arith.constant 0 : i32
    "tpu.region"() ({
      %run_scoped3A_175 = tpu.sem_alloc : memref<!tpu.dma_semaphore, #tpu.memory_space<semaphore_mem>>
      %dma_start3A_176 = arith.constant 0 : i32
      %dma_start3A_177 = arith.constant 0 : i32
      %dma_start3A_178 = tpu.memref_slice %arg4[%arg0, %arg1, %run_scoped3A, %dma_start3A_176, %dma_start3A_177] : memref<2x16x4x40x64xi32, #tpu.memory_space<hbm>> -> memref<1x1x1x40x64xi32, #tpu.memory_space<hbm>>
      %dma_start3A_179 = tpu.memref_squeeze %dma_start3A_178 : memref<1x1x1x40x64xi32, #tpu.memory_space<hbm>> -> memref<40x64xi32, #tpu.memory_space<hbm>>
      %dma_start3A_180 = arith.constant 0 : i32
      %dma_start3A_181 = arith.constant 0 : i32
      %dma_start3A_182 = tpu.memref_slice %arg4[%arg0, %arg1, %run_scoped3A, %dma_start3A_180, %dma_start3A_181] : memref<2x16x4x40x64xi32, #tpu.memory_space<hbm>> -> memref<1x1x1x40x64xi32, #tpu.memory_space<hbm>>
      %dma_start3A_183 = tpu.memref_squeeze %dma_start3A_182 : memref<1x1x1x40x64xi32, #tpu.memory_space<hbm>> -> memref<40x64xi32, #tpu.memory_space<hbm>>
      tpu.enqueue_dma source(%dma_start3A_183 : memref<40x64xi32, #tpu.memory_space<hbm>>) target(%arg9 : memref<40x64xi32, #tpu.memory_space<vmem>>) target_semaphore(%run_scoped3A_175 : memref<!tpu.dma_semaphore, #tpu.memory_space<semaphore_mem>>)
      %dma_wait3A_184 = arith.constant 0 : i32
      %dma_wait3A_185 = arith.constant 0 : i32
      %dma_wait3A_186 = tpu.memref_slice %arg4[%arg0, %arg1, %run_scoped3A, %dma_wait3A_184, %dma_wait3A_185] : memref<2x16x4x40x64xi32, #tpu.memory_space<hbm>> -> memref<1x1x1x40x64xi32, #tpu.memory_space<hbm>>
      %dma_wait3A_187 = tpu.memref_squeeze %dma_wait3A_186 : memref<1x1x1x40x64xi32, #tpu.memory_space<hbm>> -> memref<40x64xi32, #tpu.memory_space<hbm>>
      %dma_wait3A_188 = arith.constant 0 : i32
      %dma_wait3A_189 = arith.constant 0 : i32
      %dma_wait3A_190 = tpu.memref_slice %arg4[%arg0, %arg1, %run_scoped3A, %dma_wait3A_188, %dma_wait3A_189] : memref<2x16x4x40x64xi32, #tpu.memory_space<hbm>> -> memref<1x1x1x40x64xi32, #tpu.memory_space<hbm>>
      %dma_wait3A_191 = tpu.memref_squeeze %dma_wait3A_190 : memref<1x1x1x40x64xi32, #tpu.memory_space<hbm>> -> memref<40x64xi32, #tpu.memory_space<hbm>>
      tpu.wait_dma2 semaphore(%run_scoped3A_175 : memref<!tpu.dma_semaphore, #tpu.memory_space<semaphore_mem>>) src(%dma_wait3A_191 : memref<40x64xi32, #tpu.memory_space<hbm>>) dst(%arg9 : memref<40x64xi32, #tpu.memory_space<vmem>>)
      tpu.yield
    }) : () -> ()
    %dma_start3A = arith.constant 0 : i32
    %dma_start3A_7 = tpu.memref_slice %arg8[%dma_start3A] : memref<2560xi32, #tpu.memory_space<vmem>> -> memref<64xi32, #tpu.memory_space<vmem>>
    %dma_start3A_8 = arith.constant 0 : i32
    %dma_start3A_9 = arith.constant 0 : i32
    %dma_start3A_10 = tpu.memref_slice %arg2[%dma_start3A_8, %dma_start3A_9] : memref<10000x128xf32, #tpu.memory_space<hbm>> -> memref<10000x128xf32, #tpu.memory_space<hbm>>
    tpu.enqueue_indirect_dma source(%dma_start3A_10 : memref<10000x128xf32, #tpu.memory_space<hbm>>) target(%arg10 : memref<64x128xf32, #tpu.memory_space<vmem>>) offsets(%dma_start3A_7 : memref<64xi32, #tpu.memory_space<vmem>>) semaphore(%arg15 : memref<!tpu.dma_semaphore, #tpu.memory_space<semaphore_mem>>)
    %dma_start3A_11 = arith.constant 64 : i32
    %dma_start3A_12 = tpu.memref_slice %arg8[%dma_start3A_11] : memref<2560xi32, #tpu.memory_space<vmem>> -> memref<64xi32, #tpu.memory_space<vmem>>
    %dma_start3A_13 = arith.constant 0 : i32
    %dma_start3A_14 = arith.constant 0 : i32
    %dma_start3A_15 = tpu.memref_slice %arg2[%dma_start3A_13, %dma_start3A_14] : memref<10000x128xf32, #tpu.memory_space<hbm>> -> memref<10000x128xf32, #tpu.memory_space<hbm>>
    tpu.enqueue_indirect_dma source(%dma_start3A_15 : memref<10000x128xf32, #tpu.memory_space<hbm>>) target(%arg11 : memref<64x128xf32, #tpu.memory_space<vmem>>) offsets(%dma_start3A_12 : memref<64xi32, #tpu.memory_space<vmem>>) semaphore(%arg16 : memref<!tpu.dma_semaphore, #tpu.memory_space<semaphore_mem>>)
    %dma_start3A_16 = arith.constant 128 : i32
    %dma_start3A_17 = tpu.memref_slice %arg8[%dma_start3A_16] : memref<2560xi32, #tpu.memory_space<vmem>> -> memref<64xi32, #tpu.memory_space<vmem>>
    %dma_start3A_18 = arith.constant 0 : i32
    %dma_start3A_19 = arith.constant 0 : i32
    %dma_start3A_20 = tpu.memref_slice %arg2[%dma_start3A_18, %dma_start3A_19] : memref<10000x128xf32, #tpu.memory_space<hbm>> -> memref<10000x128xf32, #tpu.memory_space<hbm>>
    tpu.enqueue_indirect_dma source(%dma_start3A_20 : memref<10000x128xf32, #tpu.memory_space<hbm>>) target(%arg12 : memref<64x128xf32, #tpu.memory_space<vmem>>) offsets(%dma_start3A_17 : memref<64xi32, #tpu.memory_space<vmem>>) semaphore(%arg17 : memref<!tpu.dma_semaphore, #tpu.memory_space<semaphore_mem>>)
    %dma_start3A_21 = arith.constant 192 : i32
    %dma_start3A_22 = tpu.memref_slice %arg8[%dma_start3A_21] : memref<2560xi32, #tpu.memory_space<vmem>> -> memref<64xi32, #tpu.memory_space<vmem>>
    %dma_start3A_23 = arith.constant 0 : i32
    %dma_start3A_24 = arith.constant 0 : i32
    %dma_start3A_25 = tpu.memref_slice %arg2[%dma_start3A_23, %dma_start3A_24] : memref<10000x128xf32, #tpu.memory_space<hbm>> -> memref<10000x128xf32, #tpu.memory_space<hbm>>
    tpu.enqueue_indirect_dma source(%dma_start3A_25 : memref<10000x128xf32, #tpu.memory_space<hbm>>) target(%arg13 : memref<64x128xf32, #tpu.memory_space<vmem>>) offsets(%dma_start3A_22 : memref<64xi32, #tpu.memory_space<vmem>>) semaphore(%arg18 : memref<!tpu.dma_semaphore, #tpu.memory_space<semaphore_mem>>)
    %mul3A_26 = arith.constant 632 : i32
    %mul3A_27 = arith.muli %arg1, %mul3A_26 : i32
    %mul3A_28 = arith.constant 632 : i32
    %mul3A_29 = arith.muli %arg1, %mul3A_28 : i32
    "tpu.region"() ({
      %run_scoped3A_175 = tpu.sem_alloc : memref<!tpu.dma_semaphore, #tpu.memory_space<semaphore_mem>>
      %dma_start3A_176 = arith.constant 0 : i32
      %dma_start3A_177 = tpu.memref_slice %arg25[%mul3A_29, %dma_start3A_176] : memref<10112x128xf32, #tpu.memory_space<vmem_shared>> -> memref<632x128xf32, #tpu.memory_space<vmem_shared>>
      %dma_start3A_178 = arith.constant 0 : i32
      %dma_start3A_179 = tpu.memref_slice %arg5[%mul3A_27, %dma_start3A_178] : memref<10112x128xf32, #tpu.memory_space<hbm>> -> memref<632x128xf32, #tpu.memory_space<hbm>>
      tpu.enqueue_dma source(%dma_start3A_179 : memref<632x128xf32, #tpu.memory_space<hbm>>) target(%dma_start3A_177 : memref<632x128xf32, #tpu.memory_space<vmem_shared>>) target_semaphore(%run_scoped3A_175 : memref<!tpu.dma_semaphore, #tpu.memory_space<semaphore_mem>>)
      %dma_wait3A_180 = arith.constant 0 : i32
      %dma_wait3A_181 = tpu.memref_slice %arg25[%mul3A_29, %dma_wait3A_180] : memref<10112x128xf32, #tpu.memory_space<vmem_shared>> -> memref<632x128xf32, #tpu.memory_space<vmem_shared>>
      %dma_wait3A_182 = arith.constant 0 : i32
      %dma_wait3A_183 = tpu.memref_slice %arg5[%mul3A_27, %dma_wait3A_182] : memref<10112x128xf32, #tpu.memory_space<hbm>> -> memref<632x128xf32, #tpu.memory_space<hbm>>
      tpu.wait_dma2 semaphore(%run_scoped3A_175 : memref<!tpu.dma_semaphore, #tpu.memory_space<semaphore_mem>>) src(%dma_wait3A_183 : memref<632x128xf32, #tpu.memory_space<hbm>>) dst(%dma_wait3A_181 : memref<632x128xf32, #tpu.memory_space<vmem_shared>>)
      tpu.yield
    }) : () -> ()
    %barrier3A = arith.constant 0 : index
    tpu.barrier barrier_id(%barrier3A)
    %scan3A = arith.constant 0 : i32
    %scan3A_30 = arith.constant 0 : i32
    %scan3A_31 = arith.constant 8 : i32
    %scan3A_32 = arith.addi %scan3A_30, %scan3A_31 : i32
    %scan3A_33 = arith.constant 1 : i32
    scf.for %scan3A_175 = %scan3A_30 to %scan3A_32 step %scan3A_33  : i32 {
      %mul3A_176 = arith.constant 5 : i32
      %mul3A_177 = arith.muli %mul3A_176, %scan3A_175 : i32
      %add3A_178 = arith.constant 0 : i32
      %add3A_179 = arith.addi %mul3A_177, %add3A_178 : i32
      %mul3A_180 = arith.constant 64 : i32
      %mul3A_181 = arith.muli %add3A_179, %mul3A_180 : i32
      %dma_wait3A_182 = tpu.memref_slice %arg8[%mul3A_181] : memref<2560xi32, #tpu.memory_space<vmem>> -> memref<64xi32, #tpu.memory_space<vmem>>
      %dma_wait3A_183 = arith.constant 0 : i32
      %dma_wait3A_184 = arith.constant 0 : i32
      %dma_wait3A_185 = tpu.memref_slice %arg2[%dma_wait3A_183, %dma_wait3A_184] : memref<10000x128xf32, #tpu.memory_space<hbm>> -> memref<10000x128xf32, #tpu.memory_space<hbm>>
      tpu.wait_indirect_dma semaphore(%arg15 : memref<!tpu.dma_semaphore, #tpu.memory_space<semaphore_mem>>) src(%dma_wait3A_185 : memref<10000x128xf32, #tpu.memory_space<hbm>>) dst(%arg10 : memref<64x128xf32, #tpu.memory_space<vmem>>)
      %dma_start3A_186 = arith.constant 0 : i32
      %dma_start3A_187 = tpu.memref_slice %arg9[%add3A_179, %dma_start3A_186] : memref<40x64xi32, #tpu.memory_space<vmem>> -> memref<1x64xi32, #tpu.memory_space<vmem>>
      %dma_start3A_188 = tpu.memref_squeeze %dma_start3A_187 : memref<1x64xi32, #tpu.memory_space<vmem>> -> memref<64xi32, #tpu.memory_space<vmem>>
      %dma_start3A_189 = arith.constant 0 : i32
      %dma_start3A_190 = arith.constant 0 : i32
      %dma_start3A_191 = tpu.memref_slice %arg25[%dma_start3A_189, %dma_start3A_190] : memref<10112x128xf32, #tpu.memory_space<vmem_shared>> -> memref<10112x128xf32, #tpu.memory_space<vmem_shared>>
      tpu.enqueue_indirect_dma source(%arg10 : memref<64x128xf32, #tpu.memory_space<vmem>>) target(%dma_start3A_191 : memref<10112x128xf32, #tpu.memory_space<vmem_shared>>) offsets(%dma_start3A_188 : memref<64xi32, #tpu.memory_space<vmem>>) semaphore(%arg20 : memref<!tpu.dma_semaphore, #tpu.memory_space<semaphore_mem>>) {add = true}
      %ge3A = arith.constant 1 : i32
      %ge3A_192 = arith.cmpi sge, %add3A_179, %ge3A : i32
      %convert_element_type3A = arith.extui %ge3A_192 : i1 to i32
      %cond3A = arith.constant 0 : i32
      %cond3A_193 = arith.cmpi ne, %convert_element_type3A, %cond3A : i32
      scf.if %cond3A_193 {
        %dma_wait3A_312 = arith.constant 0 : i32
        %dma_wait3A_313 = arith.constant 0 : i32
        %dma_wait3A_314 = tpu.memref_slice %arg9[%dma_wait3A_312, %dma_wait3A_313] : memref<40x64xi32, #tpu.memory_space<vmem>> -> memref<1x64xi32, #tpu.memory_space<vmem>>
        %dma_wait3A_315 = tpu.memref_squeeze %dma_wait3A_314 : memref<1x64xi32, #tpu.memory_space<vmem>> -> memref<64xi32, #tpu.memory_space<vmem>>
        %dma_wait3A_316 = arith.constant 0 : i32
        %dma_wait3A_317 = arith.constant 0 : i32
        %dma_wait3A_318 = tpu.memref_slice %arg25[%dma_wait3A_316, %dma_wait3A_317] : memref<10112x128xf32, #tpu.memory_space<vmem_shared>> -> memref<10112x128xf32, #tpu.memory_space<vmem_shared>>
        tpu.wait_indirect_dma semaphore(%arg24 : memref<!tpu.dma_semaphore, #tpu.memory_space<semaphore_mem>>) src(%arg14 : memref<64x128xf32, #tpu.memory_space<vmem>>) dst(%dma_wait3A_318 : memref<10112x128xf32, #tpu.memory_space<vmem_shared>>)
      } else {
      }
      %add3A_194 = arith.constant 4 : i32
      %add3A_195 = arith.addi %add3A_179, %add3A_194 : i32
      %lt3A = arith.constant 40 : i32
      %lt3A_196 = arith.cmpi slt, %add3A_195, %lt3A : i32
      %convert_element_type3A_197 = arith.extui %lt3A_196 : i1 to i32
      %cond3A_198 = arith.constant 0 : i32
      %cond3A_199 = arith.cmpi ne, %convert_element_type3A_197, %cond3A_198 : i32
      scf.if %cond3A_199 {
        %add3A_312 = arith.constant 4 : i32
        %add3A_313 = arith.addi %add3A_179, %add3A_312 : i32
        %mul3A_314 = arith.constant 64 : i32
        %mul3A_315 = arith.muli %add3A_313, %mul3A_314 : i32
        %dma_start3A_316 = tpu.memref_slice %arg8[%mul3A_315] : memref<2560xi32, #tpu.memory_space<vmem>> -> memref<64xi32, #tpu.memory_space<vmem>>
        %dma_start3A_317 = arith.constant 0 : i32
        %dma_start3A_318 = arith.constant 0 : i32
        %dma_start3A_319 = tpu.memref_slice %arg2[%dma_start3A_317, %dma_start3A_318] : memref<10000x128xf32, #tpu.memory_space<hbm>> -> memref<10000x128xf32, #tpu.memory_space<hbm>>
        tpu.enqueue_indirect_dma source(%dma_start3A_319 : memref<10000x128xf32, #tpu.memory_space<hbm>>) target(%arg14 : memref<64x128xf32, #tpu.memory_space<vmem>>) offsets(%dma_start3A_316 : memref<64xi32, #tpu.memory_space<vmem>>) semaphore(%arg19 : memref<!tpu.dma_semaphore, #tpu.memory_space<semaphore_mem>>)
      } else {
      }
      %mul3A_200 = arith.constant 5 : i32
      %mul3A_201 = arith.muli %mul3A_200, %scan3A_175 : i32
      %add3A_202 = arith.constant 1 : i32
      %add3A_203 = arith.addi %mul3A_201, %add3A_202 : i32
      %mul3A_204 = arith.constant 64 : i32
      %mul3A_205 = arith.muli %add3A_203, %mul3A_204 : i32
      %dma_wait3A_206 = tpu.memref_slice %arg8[%mul3A_205] : memref<2560xi32, #tpu.memory_space<vmem>> -> memref<64xi32, #tpu.memory_space<vmem>>
      %dma_wait3A_207 = arith.constant 0 : i32
      %dma_wait3A_208 = arith.constant 0 : i32
      %dma_wait3A_209 = tpu.memref_slice %arg2[%dma_wait3A_207, %dma_wait3A_208] : memref<10000x128xf32, #tpu.memory_space<hbm>> -> memref<10000x128xf32, #tpu.memory_space<hbm>>
      tpu.wait_indirect_dma semaphore(%arg16 : memref<!tpu.dma_semaphore, #tpu.memory_space<semaphore_mem>>) src(%dma_wait3A_209 : memref<10000x128xf32, #tpu.memory_space<hbm>>) dst(%arg11 : memref<64x128xf32, #tpu.memory_space<vmem>>)
      %dma_start3A_210 = arith.constant 0 : i32
      %dma_start3A_211 = tpu.memref_slice %arg9[%add3A_203, %dma_start3A_210] : memref<40x64xi32, #tpu.memory_space<vmem>> -> memref<1x64xi32, #tpu.memory_space<vmem>>
      %dma_start3A_212 = tpu.memref_squeeze %dma_start3A_211 : memref<1x64xi32, #tpu.memory_space<vmem>> -> memref<64xi32, #tpu.memory_space<vmem>>
      %dma_start3A_213 = arith.constant 0 : i32
      %dma_start3A_214 = arith.constant 0 : i32
      %dma_start3A_215 = tpu.memref_slice %arg25[%dma_start3A_213, %dma_start3A_214] : memref<10112x128xf32, #tpu.memory_space<vmem_shared>> -> memref<10112x128xf32, #tpu.memory_space<vmem_shared>>
      tpu.enqueue_indirect_dma source(%arg11 : memref<64x128xf32, #tpu.memory_space<vmem>>) target(%dma_start3A_215 : memref<10112x128xf32, #tpu.memory_space<vmem_shared>>) offsets(%dma_start3A_212 : memref<64xi32, #tpu.memory_space<vmem>>) semaphore(%arg21 : memref<!tpu.dma_semaphore, #tpu.memory_space<semaphore_mem>>) {add = true}
      %ge3A_216 = arith.constant 1 : i32
      %ge3A_217 = arith.cmpi sge, %add3A_203, %ge3A_216 : i32
      %convert_element_type3A_218 = arith.extui %ge3A_217 : i1 to i32
      %cond3A_219 = arith.constant 0 : i32
      %cond3A_220 = arith.cmpi ne, %convert_element_type3A_218, %cond3A_219 : i32
      scf.if %cond3A_220 {
        %dma_wait3A_312 = arith.constant 0 : i32
        %dma_wait3A_313 = arith.constant 0 : i32
        %dma_wait3A_314 = tpu.memref_slice %arg9[%dma_wait3A_312, %dma_wait3A_313] : memref<40x64xi32, #tpu.memory_space<vmem>> -> memref<1x64xi32, #tpu.memory_space<vmem>>
        %dma_wait3A_315 = tpu.memref_squeeze %dma_wait3A_314 : memref<1x64xi32, #tpu.memory_space<vmem>> -> memref<64xi32, #tpu.memory_space<vmem>>
        %dma_wait3A_316 = arith.constant 0 : i32
        %dma_wait3A_317 = arith.constant 0 : i32
        %dma_wait3A_318 = tpu.memref_slice %arg25[%dma_wait3A_316, %dma_wait3A_317] : memref<10112x128xf32, #tpu.memory_space<vmem_shared>> -> memref<10112x128xf32, #tpu.memory_space<vmem_shared>>
        tpu.wait_indirect_dma semaphore(%arg20 : memref<!tpu.dma_semaphore, #tpu.memory_space<semaphore_mem>>) src(%arg10 : memref<64x128xf32, #tpu.memory_space<vmem>>) dst(%dma_wait3A_318 : memref<10112x128xf32, #tpu.memory_space<vmem_shared>>)
      } else {
      }
      %add3A_221 = arith.constant 4 : i32
      %add3A_222 = arith.addi %add3A_203, %add3A_221 : i32
      %lt3A_223 = arith.constant 40 : i32
      %lt3A_224 = arith.cmpi slt, %add3A_222, %lt3A_223 : i32
      %convert_element_type3A_225 = arith.extui %lt3A_224 : i1 to i32
      %cond3A_226 = arith.constant 0 : i32
      %cond3A_227 = arith.cmpi ne, %convert_element_type3A_225, %cond3A_226 : i32
      scf.if %cond3A_227 {
        %add3A_312 = arith.constant 4 : i32
        %add3A_313 = arith.addi %add3A_203, %add3A_312 : i32
        %mul3A_314 = arith.constant 64 : i32
        %mul3A_315 = arith.muli %add3A_313, %mul3A_314 : i32
        %dma_start3A_316 = tpu.memref_slice %arg8[%mul3A_315] : memref<2560xi32, #tpu.memory_space<vmem>> -> memref<64xi32, #tpu.memory_space<vmem>>
        %dma_start3A_317 = arith.constant 0 : i32
        %dma_start3A_318 = arith.constant 0 : i32
        %dma_start3A_319 = tpu.memref_slice %arg2[%dma_start3A_317, %dma_start3A_318] : memref<10000x128xf32, #tpu.memory_space<hbm>> -> memref<10000x128xf32, #tpu.memory_space<hbm>>
        tpu.enqueue_indirect_dma source(%dma_start3A_319 : memref<10000x128xf32, #tpu.memory_space<hbm>>) target(%arg10 : memref<64x128xf32, #tpu.memory_space<vmem>>) offsets(%dma_start3A_316 : memref<64xi32, #tpu.memory_space<vmem>>) semaphore(%arg15 : memref<!tpu.dma_semaphore, #tpu.memory_space<semaphore_mem>>)
      } else {
      }
      %mul3A_228 = arith.constant 5 : i32
      %mul3A_229 = arith.muli %mul3A_228, %scan3A_175 : i32
      %add3A_230 = arith.constant 2 : i32
      %add3A_231 = arith.addi %mul3A_229, %add3A_230 : i32
      %mul3A_232 = arith.constant 64 : i32
      %mul3A_233 = arith.muli %add3A_231, %mul3A_232 : i32
      %dma_wait3A_234 = tpu.memref_slice %arg8[%mul3A_233] : memref<2560xi32, #tpu.memory_space<vmem>> -> memref<64xi32, #tpu.memory_space<vmem>>
      %dma_wait3A_235 = arith.constant 0 : i32
      %dma_wait3A_236 = arith.constant 0 : i32
      %dma_wait3A_237 = tpu.memref_slice %arg2[%dma_wait3A_235, %dma_wait3A_236] : memref<10000x128xf32, #tpu.memory_space<hbm>> -> memref<10000x128xf32, #tpu.memory_space<hbm>>
      tpu.wait_indirect_dma semaphore(%arg17 : memref<!tpu.dma_semaphore, #tpu.memory_space<semaphore_mem>>) src(%dma_wait3A_237 : memref<10000x128xf32, #tpu.memory_space<hbm>>) dst(%arg12 : memref<64x128xf32, #tpu.memory_space<vmem>>)
      %dma_start3A_238 = arith.constant 0 : i32
      %dma_start3A_239 = tpu.memref_slice %arg9[%add3A_231, %dma_start3A_238] : memref<40x64xi32, #tpu.memory_space<vmem>> -> memref<1x64xi32, #tpu.memory_space<vmem>>
      %dma_start3A_240 = tpu.memref_squeeze %dma_start3A_239 : memref<1x64xi32, #tpu.memory_space<vmem>> -> memref<64xi32, #tpu.memory_space<vmem>>
      %dma_start3A_241 = arith.constant 0 : i32
      %dma_start3A_242 = arith.constant 0 : i32
      %dma_start3A_243 = tpu.memref_slice %arg25[%dma_start3A_241, %dma_start3A_242] : memref<10112x128xf32, #tpu.memory_space<vmem_shared>> -> memref<10112x128xf32, #tpu.memory_space<vmem_shared>>
      tpu.enqueue_indirect_dma source(%arg12 : memref<64x128xf32, #tpu.memory_space<vmem>>) target(%dma_start3A_243 : memref<10112x128xf32, #tpu.memory_space<vmem_shared>>) offsets(%dma_start3A_240 : memref<64xi32, #tpu.memory_space<vmem>>) semaphore(%arg22 : memref<!tpu.dma_semaphore, #tpu.memory_space<semaphore_mem>>) {add = true}
      %ge3A_244 = arith.constant 1 : i32
      %ge3A_245 = arith.cmpi sge, %add3A_231, %ge3A_244 : i32
      %convert_element_type3A_246 = arith.extui %ge3A_245 : i1 to i32
      %cond3A_247 = arith.constant 0 : i32
      %cond3A_248 = arith.cmpi ne, %convert_element_type3A_246, %cond3A_247 : i32
      scf.if %cond3A_248 {
        %dma_wait3A_312 = arith.constant 0 : i32
        %dma_wait3A_313 = arith.constant 0 : i32
        %dma_wait3A_314 = tpu.memref_slice %arg9[%dma_wait3A_312, %dma_wait3A_313] : memref<40x64xi32, #tpu.memory_space<vmem>> -> memref<1x64xi32, #tpu.memory_space<vmem>>
        %dma_wait3A_315 = tpu.memref_squeeze %dma_wait3A_314 : memref<1x64xi32, #tpu.memory_space<vmem>> -> memref<64xi32, #tpu.memory_space<vmem>>
        %dma_wait3A_316 = arith.constant 0 : i32
        %dma_wait3A_317 = arith.constant 0 : i32
        %dma_wait3A_318 = tpu.memref_slice %arg25[%dma_wait3A_316, %dma_wait3A_317] : memref<10112x128xf32, #tpu.memory_space<vmem_shared>> -> memref<10112x128xf32, #tpu.memory_space<vmem_shared>>
        tpu.wait_indirect_dma semaphore(%arg21 : memref<!tpu.dma_semaphore, #tpu.memory_space<semaphore_mem>>) src(%arg11 : memref<64x128xf32, #tpu.memory_space<vmem>>) dst(%dma_wait3A_318 : memref<10112x128xf32, #tpu.memory_space<vmem_shared>>)
      } else {
      }
      %add3A_249 = arith.constant 4 : i32
      %add3A_250 = arith.addi %add3A_231, %add3A_249 : i32
      %lt3A_251 = arith.constant 40 : i32
      %lt3A_252 = arith.cmpi slt, %add3A_250, %lt3A_251 : i32
      %convert_element_type3A_253 = arith.extui %lt3A_252 : i1 to i32
      %cond3A_254 = arith.constant 0 : i32
      %cond3A_255 = arith.cmpi ne, %convert_element_type3A_253, %cond3A_254 : i32
      scf.if %cond3A_255 {
        %add3A_312 = arith.constant 4 : i32
        %add3A_313 = arith.addi %add3A_231, %add3A_312 : i32
        %mul3A_314 = arith.constant 64 : i32
        %mul3A_315 = arith.muli %add3A_313, %mul3A_314 : i32
        %dma_start3A_316 = tpu.memref_slice %arg8[%mul3A_315] : memref<2560xi32, #tpu.memory_space<vmem>> -> memref<64xi32, #tpu.memory_space<vmem>>
        %dma_start3A_317 = arith.constant 0 : i32
        %dma_start3A_318 = arith.constant 0 : i32
        %dma_start3A_319 = tpu.memref_slice %arg2[%dma_start3A_317, %dma_start3A_318] : memref<10000x128xf32, #tpu.memory_space<hbm>> -> memref<10000x128xf32, #tpu.memory_space<hbm>>
        tpu.enqueue_indirect_dma source(%dma_start3A_319 : memref<10000x128xf32, #tpu.memory_space<hbm>>) target(%arg11 : memref<64x128xf32, #tpu.memory_space<vmem>>) offsets(%dma_start3A_316 : memref<64xi32, #tpu.memory_space<vmem>>) semaphore(%arg16 : memref<!tpu.dma_semaphore, #tpu.memory_space<semaphore_mem>>)
      } else {
      }
      %mul3A_256 = arith.constant 5 : i32
      %mul3A_257 = arith.muli %mul3A_256, %scan3A_175 : i32
      %add3A_258 = arith.constant 3 : i32
      %add3A_259 = arith.addi %mul3A_257, %add3A_258 : i32
      %mul3A_260 = arith.constant 64 : i32
      %mul3A_261 = arith.muli %add3A_259, %mul3A_260 : i32
      %dma_wait3A_262 = tpu.memref_slice %arg8[%mul3A_261] : memref<2560xi32, #tpu.memory_space<vmem>> -> memref<64xi32, #tpu.memory_space<vmem>>
      %dma_wait3A_263 = arith.constant 0 : i32
      %dma_wait3A_264 = arith.constant 0 : i32
      %dma_wait3A_265 = tpu.memref_slice %arg2[%dma_wait3A_263, %dma_wait3A_264] : memref<10000x128xf32, #tpu.memory_space<hbm>> -> memref<10000x128xf32, #tpu.memory_space<hbm>>
      tpu.wait_indirect_dma semaphore(%arg18 : memref<!tpu.dma_semaphore, #tpu.memory_space<semaphore_mem>>) src(%dma_wait3A_265 : memref<10000x128xf32, #tpu.memory_space<hbm>>) dst(%arg13 : memref<64x128xf32, #tpu.memory_space<vmem>>)
      %dma_start3A_266 = arith.constant 0 : i32
      %dma_start3A_267 = tpu.memref_slice %arg9[%add3A_259, %dma_start3A_266] : memref<40x64xi32, #tpu.memory_space<vmem>> -> memref<1x64xi32, #tpu.memory_space<vmem>>
      %dma_start3A_268 = tpu.memref_squeeze %dma_start3A_267 : memref<1x64xi32, #tpu.memory_space<vmem>> -> memref<64xi32, #tpu.memory_space<vmem>>
      %dma_start3A_269 = arith.constant 0 : i32
      %dma_start3A_270 = arith.constant 0 : i32
      %dma_start3A_271 = tpu.memref_slice %arg25[%dma_start3A_269, %dma_start3A_270] : memref<10112x128xf32, #tpu.memory_space<vmem_shared>> -> memref<10112x128xf32, #tpu.memory_space<vmem_shared>>
      tpu.enqueue_indirect_dma source(%arg13 : memref<64x128xf32, #tpu.memory_space<vmem>>) target(%dma_start3A_271 : memref<10112x128xf32, #tpu.memory_space<vmem_shared>>) offsets(%dma_start3A_268 : memref<64xi32, #tpu.memory_space<vmem>>) semaphore(%arg23 : memref<!tpu.dma_semaphore, #tpu.memory_space<semaphore_mem>>) {add = true}
      %ge3A_272 = arith.constant 1 : i32
      %ge3A_273 = arith.cmpi sge, %add3A_259, %ge3A_272 : i32
      %convert_element_type3A_274 = arith.extui %ge3A_273 : i1 to i32
      %cond3A_275 = arith.constant 0 : i32
      %cond3A_276 = arith.cmpi ne, %convert_element_type3A_274, %cond3A_275 : i32
      scf.if %cond3A_276 {
        %dma_wait3A_312 = arith.constant 0 : i32
        %dma_wait3A_313 = arith.constant 0 : i32
        %dma_wait3A_314 = tpu.memref_slice %arg9[%dma_wait3A_312, %dma_wait3A_313] : memref<40x64xi32, #tpu.memory_space<vmem>> -> memref<1x64xi32, #tpu.memory_space<vmem>>
        %dma_wait3A_315 = tpu.memref_squeeze %dma_wait3A_314 : memref<1x64xi32, #tpu.memory_space<vmem>> -> memref<64xi32, #tpu.memory_space<vmem>>
        %dma_wait3A_316 = arith.constant 0 : i32
        %dma_wait3A_317 = arith.constant 0 : i32
        %dma_wait3A_318 = tpu.memref_slice %arg25[%dma_wait3A_316, %dma_wait3A_317] : memref<10112x128xf32, #tpu.memory_space<vmem_shared>> -> memref<10112x128xf32, #tpu.memory_space<vmem_shared>>
        tpu.wait_indirect_dma semaphore(%arg22 : memref<!tpu.dma_semaphore, #tpu.memory_space<semaphore_mem>>) src(%arg12 : memref<64x128xf32, #tpu.memory_space<vmem>>) dst(%dma_wait3A_318 : memref<10112x128xf32, #tpu.memory_space<vmem_shared>>)
      } else {
      }
      %add3A_277 = arith.constant 4 : i32
      %add3A_278 = arith.addi %add3A_259, %add3A_277 : i32
      %lt3A_279 = arith.constant 40 : i32
      %lt3A_280 = arith.cmpi slt, %add3A_278, %lt3A_279 : i32
      %convert_element_type3A_281 = arith.extui %lt3A_280 : i1 to i32
      %cond3A_282 = arith.constant 0 : i32
      %cond3A_283 = arith.cmpi ne, %convert_element_type3A_281, %cond3A_282 : i32
      scf.if %cond3A_283 {
        %add3A_312 = arith.constant 4 : i32
        %add3A_313 = arith.addi %add3A_259, %add3A_312 : i32
        %mul3A_314 = arith.constant 64 : i32
        %mul3A_315 = arith.muli %add3A_313, %mul3A_314 : i32
        %dma_start3A_316 = tpu.memref_slice %arg8[%mul3A_315] : memref<2560xi32, #tpu.memory_space<vmem>> -> memref<64xi32, #tpu.memory_space<vmem>>
        %dma_start3A_317 = arith.constant 0 : i32
        %dma_start3A_318 = arith.constant 0 : i32
        %dma_start3A_319 = tpu.memref_slice %arg2[%dma_start3A_317, %dma_start3A_318] : memref<10000x128xf32, #tpu.memory_space<hbm>> -> memref<10000x128xf32, #tpu.memory_space<hbm>>
        tpu.enqueue_indirect_dma source(%dma_start3A_319 : memref<10000x128xf32, #tpu.memory_space<hbm>>) target(%arg12 : memref<64x128xf32, #tpu.memory_space<vmem>>) offsets(%dma_start3A_316 : memref<64xi32, #tpu.memory_space<vmem>>) semaphore(%arg17 : memref<!tpu.dma_semaphore, #tpu.memory_space<semaphore_mem>>)
      } else {
      }
      %mul3A_284 = arith.constant 5 : i32
      %mul3A_285 = arith.muli %mul3A_284, %scan3A_175 : i32
      %add3A_286 = arith.constant 4 : i32
      %add3A_287 = arith.addi %mul3A_285, %add3A_286 : i32
      %mul3A_288 = arith.constant 64 : i32
      %mul3A_289 = arith.muli %add3A_287, %mul3A_288 : i32
      %dma_wait3A_290 = tpu.memref_slice %arg8[%mul3A_289] : memref<2560xi32, #tpu.memory_space<vmem>> -> memref<64xi32, #tpu.memory_space<vmem>>
      %dma_wait3A_291 = arith.constant 0 : i32
      %dma_wait3A_292 = arith.constant 0 : i32
      %dma_wait3A_293 = tpu.memref_slice %arg2[%dma_wait3A_291, %dma_wait3A_292] : memref<10000x128xf32, #tpu.memory_space<hbm>> -> memref<10000x128xf32, #tpu.memory_space<hbm>>
      tpu.wait_indirect_dma semaphore(%arg19 : memref<!tpu.dma_semaphore, #tpu.memory_space<semaphore_mem>>) src(%dma_wait3A_293 : memref<10000x128xf32, #tpu.memory_space<hbm>>) dst(%arg14 : memref<64x128xf32, #tpu.memory_space<vmem>>)
      %dma_start3A_294 = arith.constant 0 : i32
      %dma_start3A_295 = tpu.memref_slice %arg9[%add3A_287, %dma_start3A_294] : memref<40x64xi32, #tpu.memory_space<vmem>> -> memref<1x64xi32, #tpu.memory_space<vmem>>
      %dma_start3A_296 = tpu.memref_squeeze %dma_start3A_295 : memref<1x64xi32, #tpu.memory_space<vmem>> -> memref<64xi32, #tpu.memory_space<vmem>>
      %dma_start3A_297 = arith.constant 0 : i32
      %dma_start3A_298 = arith.constant 0 : i32
      %dma_start3A_299 = tpu.memref_slice %arg25[%dma_start3A_297, %dma_start3A_298] : memref<10112x128xf32, #tpu.memory_space<vmem_shared>> -> memref<10112x128xf32, #tpu.memory_space<vmem_shared>>
      tpu.enqueue_indirect_dma source(%arg14 : memref<64x128xf32, #tpu.memory_space<vmem>>) target(%dma_start3A_299 : memref<10112x128xf32, #tpu.memory_space<vmem_shared>>) offsets(%dma_start3A_296 : memref<64xi32, #tpu.memory_space<vmem>>) semaphore(%arg24 : memref<!tpu.dma_semaphore, #tpu.memory_space<semaphore_mem>>) {add = true}
      %ge3A_300 = arith.constant 1 : i32
      %ge3A_301 = arith.cmpi sge, %add3A_287, %ge3A_300 : i32
      %convert_element_type3A_302 = arith.extui %ge3A_301 : i1 to i32
      %cond3A_303 = arith.constant 0 : i32
      %cond3A_304 = arith.cmpi ne, %convert_element_type3A_302, %cond3A_303 : i32
      scf.if %cond3A_304 {
        %dma_wait3A_312 = arith.constant 0 : i32
        %dma_wait3A_313 = arith.constant 0 : i32
        %dma_wait3A_314 = tpu.memref_slice %arg9[%dma_wait3A_312, %dma_wait3A_313] : memref<40x64xi32, #tpu.memory_space<vmem>> -> memref<1x64xi32, #tpu.memory_space<vmem>>
        %dma_wait3A_315 = tpu.memref_squeeze %dma_wait3A_314 : memref<1x64xi32, #tpu.memory_space<vmem>> -> memref<64xi32, #tpu.memory_space<vmem>>
        %dma_wait3A_316 = arith.constant 0 : i32
        %dma_wait3A_317 = arith.constant 0 : i32
        %dma_wait3A_318 = tpu.memref_slice %arg25[%dma_wait3A_316, %dma_wait3A_317] : memref<10112x128xf32, #tpu.memory_space<vmem_shared>> -> memref<10112x128xf32, #tpu.memory_space<vmem_shared>>
        tpu.wait_indirect_dma semaphore(%arg23 : memref<!tpu.dma_semaphore, #tpu.memory_space<semaphore_mem>>) src(%arg13 : memref<64x128xf32, #tpu.memory_space<vmem>>) dst(%dma_wait3A_318 : memref<10112x128xf32, #tpu.memory_space<vmem_shared>>)
      } else {
      }
      %add3A_305 = arith.constant 4 : i32
      %add3A_306 = arith.addi %add3A_287, %add3A_305 : i32
      %lt3A_307 = arith.constant 40 : i32
      %lt3A_308 = arith.cmpi slt, %add3A_306, %lt3A_307 : i32
      %convert_element_type3A_309 = arith.extui %lt3A_308 : i1 to i32
      %cond3A_310 = arith.constant 0 : i32
      %cond3A_311 = arith.cmpi ne, %convert_element_type3A_309, %cond3A_310 : i32
      scf.if %cond3A_311 {
        %add3A_312 = arith.constant 4 : i32
        %add3A_313 = arith.addi %add3A_287, %add3A_312 : i32
        %mul3A_314 = arith.constant 64 : i32
        %mul3A_315 = arith.muli %add3A_313, %mul3A_314 : i32
        %dma_start3A_316 = tpu.memref_slice %arg8[%mul3A_315] : memref<2560xi32, #tpu.memory_space<vmem>> -> memref<64xi32, #tpu.memory_space<vmem>>
        %dma_start3A_317 = arith.constant 0 : i32
        %dma_start3A_318 = arith.constant 0 : i32
        %dma_start3A_319 = tpu.memref_slice %arg2[%dma_start3A_317, %dma_start3A_318] : memref<10000x128xf32, #tpu.memory_space<hbm>> -> memref<10000x128xf32, #tpu.memory_space<hbm>>
        tpu.enqueue_indirect_dma source(%dma_start3A_319 : memref<10000x128xf32, #tpu.memory_space<hbm>>) target(%arg13 : memref<64x128xf32, #tpu.memory_space<vmem>>) offsets(%dma_start3A_316 : memref<64xi32, #tpu.memory_space<vmem>>) semaphore(%arg18 : memref<!tpu.dma_semaphore, #tpu.memory_space<semaphore_mem>>)
      } else {
      }
    }
    %scan3A_34 = arith.constant 8 : i32
    %dma_wait3A = arith.constant 0 : i32
    %dma_wait3A_35 = arith.constant 0 : i32
    %dma_wait3A_36 = tpu.memref_slice %arg9[%dma_wait3A, %dma_wait3A_35] : memref<40x64xi32, #tpu.memory_space<vmem>> -> memref<1x64xi32, #tpu.memory_space<vmem>>
    %dma_wait3A_37 = tpu.memref_squeeze %dma_wait3A_36 : memref<1x64xi32, #tpu.memory_space<vmem>> -> memref<64xi32, #tpu.memory_space<vmem>>
    %dma_wait3A_38 = arith.constant 0 : i32
    %dma_wait3A_39 = arith.constant 0 : i32
    %dma_wait3A_40 = tpu.memref_slice %arg25[%dma_wait3A_38, %dma_wait3A_39] : memref<10112x128xf32, #tpu.memory_space<vmem_shared>> -> memref<10112x128xf32, #tpu.memory_space<vmem_shared>>
    tpu.wait_indirect_dma semaphore(%arg24 : memref<!tpu.dma_semaphore, #tpu.memory_space<semaphore_mem>>) src(%arg14 : memref<64x128xf32, #tpu.memory_space<vmem>>) dst(%dma_wait3A_40 : memref<10112x128xf32, #tpu.memory_space<vmem_shared>>)
    %mul3A_41 = arith.constant 16 : i32
    %mul3A_42 = arith.muli %arg0, %mul3A_41 : i32
    %add3A_43 = arith.addi %mul3A_42, %arg1 : i32
    %mul3A_44 = arith.constant 4 : i32
    %mul3A_45 = arith.muli %add3A_43, %mul3A_44 : i32
    %add3A_46 = arith.constant 1 : i32
    %add3A_47 = arith.addi %mul3A_45, %add3A_46 : i32
    %mul3A_48 = arith.constant 2560 : i32
    %mul3A_49 = arith.muli %add3A_47, %mul3A_48 : i32
    "tpu.region"() ({
      %run_scoped3A_175 = tpu.sem_alloc : memref<!tpu.dma_semaphore, #tpu.memory_space<semaphore_mem>>
      %dma_start3A_176 = tpu.memref_slice %arg3[%mul3A_49] : memref<327680xi32, #tpu.memory_space<hbm>> -> memref<2560xi32, #tpu.memory_space<hbm>>
      %dma_start3A_177 = tpu.memref_slice %arg3[%mul3A_49] : memref<327680xi32, #tpu.memory_space<hbm>> -> memref<2560xi32, #tpu.memory_space<hbm>>
      tpu.enqueue_dma source(%dma_start3A_177 : memref<2560xi32, #tpu.memory_space<hbm>>) target(%arg8 : memref<2560xi32, #tpu.memory_space<vmem>>) target_semaphore(%run_scoped3A_175 : memref<!tpu.dma_semaphore, #tpu.memory_space<semaphore_mem>>)
      %dma_wait3A_178 = tpu.memref_slice %arg3[%mul3A_49] : memref<327680xi32, #tpu.memory_space<hbm>> -> memref<2560xi32, #tpu.memory_space<hbm>>
      %dma_wait3A_179 = tpu.memref_slice %arg3[%mul3A_49] : memref<327680xi32, #tpu.memory_space<hbm>> -> memref<2560xi32, #tpu.memory_space<hbm>>
      tpu.wait_dma2 semaphore(%run_scoped3A_175 : memref<!tpu.dma_semaphore, #tpu.memory_space<semaphore_mem>>) src(%dma_wait3A_179 : memref<2560xi32, #tpu.memory_space<hbm>>) dst(%arg8 : memref<2560xi32, #tpu.memory_space<vmem>>)
      tpu.yield
    }) : () -> ()
    %run_scoped3A_50 = arith.constant 1 : i32
    "tpu.region"() ({
      %run_scoped3A_175 = tpu.sem_alloc : memref<!tpu.dma_semaphore, #tpu.memory_space<semaphore_mem>>
      %dma_start3A_176 = arith.constant 0 : i32
      %dma_start3A_177 = arith.constant 0 : i32
      %dma_start3A_178 = tpu.memref_slice %arg4[%arg0, %arg1, %run_scoped3A_50, %dma_start3A_176, %dma_start3A_177] : memref<2x16x4x40x64xi32, #tpu.memory_space<hbm>> -> memref<1x1x1x40x64xi32, #tpu.memory_space<hbm>>
      %dma_start3A_179 = tpu.memref_squeeze %dma_start3A_178 : memref<1x1x1x40x64xi32, #tpu.memory_space<hbm>> -> memref<40x64xi32, #tpu.memory_space<hbm>>
      %dma_start3A_180 = arith.constant 0 : i32
      %dma_start3A_181 = arith.constant 0 : i32
      %dma_start3A_182 = tpu.memref_slice %arg4[%arg0, %arg1, %run_scoped3A_50, %dma_start3A_180, %dma_start3A_181] : memref<2x16x4x40x64xi32, #tpu.memory_space<hbm>> -> memref<1x1x1x40x64xi32, #tpu.memory_space<hbm>>
      %dma_start3A_183 = tpu.memref_squeeze %dma_start3A_182 : memref<1x1x1x40x64xi32, #tpu.memory_space<hbm>> -> memref<40x64xi32, #tpu.memory_space<hbm>>
      tpu.enqueue_dma source(%dma_start3A_183 : memref<40x64xi32, #tpu.memory_space<hbm>>) target(%arg9 : memref<40x64xi32, #tpu.memory_space<vmem>>) target_semaphore(%run_scoped3A_175 : memref<!tpu.dma_semaphore, #tpu.memory_space<semaphore_mem>>)
      %dma_wait3A_184 = arith.constant 0 : i32
      %dma_wait3A_185 = arith.constant 0 : i32
      %dma_wait3A_186 = tpu.memref_slice %arg4[%arg0, %arg1, %run_scoped3A_50, %dma_wait3A_184, %dma_wait3A_185] : memref<2x16x4x40x64xi32, #tpu.memory_space<hbm>> -> memref<1x1x1x40x64xi32, #tpu.memory_space<hbm>>
      %dma_wait3A_187 = tpu.memref_squeeze %dma_wait3A_186 : memref<1x1x1x40x64xi32, #tpu.memory_space<hbm>> -> memref<40x64xi32, #tpu.memory_space<hbm>>
      %dma_wait3A_188 = arith.constant 0 : i32
      %dma_wait3A_189 = arith.constant 0 : i32
      %dma_wait3A_190 = tpu.memref_slice %arg4[%arg0, %arg1, %run_scoped3A_50, %dma_wait3A_188, %dma_wait3A_189] : memref<2x16x4x40x64xi32, #tpu.memory_space<hbm>> -> memref<1x1x1x40x64xi32, #tpu.memory_space<hbm>>
      %dma_wait3A_191 = tpu.memref_squeeze %dma_wait3A_190 : memref<1x1x1x40x64xi32, #tpu.memory_space<hbm>> -> memref<40x64xi32, #tpu.memory_space<hbm>>
      tpu.wait_dma2 semaphore(%run_scoped3A_175 : memref<!tpu.dma_semaphore, #tpu.memory_space<semaphore_mem>>) src(%dma_wait3A_191 : memref<40x64xi32, #tpu.memory_space<hbm>>) dst(%arg9 : memref<40x64xi32, #tpu.memory_space<vmem>>)
      tpu.yield
    }) : () -> ()
    %dma_start3A_51 = arith.constant 0 : i32
    %dma_start3A_52 = tpu.memref_slice %arg8[%dma_start3A_51] : memref<2560xi32, #tpu.memory_space<vmem>> -> memref<64xi32, #tpu.memory_space<vmem>>
    %dma_start3A_53 = arith.constant 0 : i32
    %dma_start3A_54 = arith.constant 0 : i32
    %dma_start3A_55 = tpu.memref_slice %arg2[%dma_start3A_53, %dma_start3A_54] : memref<10000x128xf32, #tpu.memory_space<hbm>> -> memref<10000x128xf32, #tpu.memory_space<hbm>>
    tpu.enqueue_indirect_dma source(%dma_start3A_55 : memref<10000x128xf32, #tpu.memory_space<hbm>>) target(%arg10 : memref<64x128xf32, #tpu.memory_space<vmem>>) offsets(%dma_start3A_52 : memref<64xi32, #tpu.memory_space<vmem>>) semaphore(%arg15 : memref<!tpu.dma_semaphore, #tpu.memory_space<semaphore_mem>>)
    %dma_start3A_56 = arith.constant 64 : i32
    %dma_start3A_57 = tpu.memref_slice %arg8[%dma_start3A_56] : memref<2560xi32, #tpu.memory_space<vmem>> -> memref<64xi32, #tpu.memory_space<vmem>>
    %dma_start3A_58 = arith.constant 0 : i32
    %dma_start3A_59 = arith.constant 0 : i32
    %dma_start3A_60 = tpu.memref_slice %arg2[%dma_start3A_58, %dma_start3A_59] : memref<10000x128xf32, #tpu.memory_space<hbm>> -> memref<10000x128xf32, #tpu.memory_space<hbm>>
    tpu.enqueue_indirect_dma source(%dma_start3A_60 : memref<10000x128xf32, #tpu.memory_space<hbm>>) target(%arg11 : memref<64x128xf32, #tpu.memory_space<vmem>>) offsets(%dma_start3A_57 : memref<64xi32, #tpu.memory_space<vmem>>) semaphore(%arg16 : memref<!tpu.dma_semaphore, #tpu.memory_space<semaphore_mem>>)
    %dma_start3A_61 = arith.constant 128 : i32
    %dma_start3A_62 = tpu.memref_slice %arg8[%dma_start3A_61] : memref<2560xi32, #tpu.memory_space<vmem>> -> memref<64xi32, #tpu.memory_space<vmem>>
    %dma_start3A_63 = arith.constant 0 : i32
    %dma_start3A_64 = arith.constant 0 : i32
    %dma_start3A_65 = tpu.memref_slice %arg2[%dma_start3A_63, %dma_start3A_64] : memref<10000x128xf32, #tpu.memory_space<hbm>> -> memref<10000x128xf32, #tpu.memory_space<hbm>>
    tpu.enqueue_indirect_dma source(%dma_start3A_65 : memref<10000x128xf32, #tpu.memory_space<hbm>>) target(%arg12 : memref<64x128xf32, #tpu.memory_space<vmem>>) offsets(%dma_start3A_62 : memref<64xi32, #tpu.memory_space<vmem>>) semaphore(%arg17 : memref<!tpu.dma_semaphore, #tpu.memory_space<semaphore_mem>>)
    %dma_start3A_66 = arith.constant 192 : i32
    %dma_start3A_67 = tpu.memref_slice %arg8[%dma_start3A_66] : memref<2560xi32, #tpu.memory_space<vmem>> -> memref<64xi32, #tpu.memory_space<vmem>>
    %dma_start3A_68 = arith.constant 0 : i32
    %dma_start3A_69 = arith.constant 0 : i32
    %dma_start3A_70 = tpu.memref_slice %arg2[%dma_start3A_68, %dma_start3A_69] : memref<10000x128xf32, #tpu.memory_space<hbm>> -> memref<10000x128xf32, #tpu.memory_space<hbm>>
    tpu.enqueue_indirect_dma source(%dma_start3A_70 : memref<10000x128xf32, #tpu.memory_space<hbm>>) target(%arg13 : memref<64x128xf32, #tpu.memory_space<vmem>>) offsets(%dma_start3A_67 : memref<64xi32, #tpu.memory_space<vmem>>) semaphore(%arg18 : memref<!tpu.dma_semaphore, #tpu.memory_space<semaphore_mem>>)
    %scan3A_71 = arith.constant 0 : i32
    %scan3A_72 = arith.constant 0 : i32
    %scan3A_73 = arith.constant 8 : i32
    %scan3A_74 = arith.addi %scan3A_72, %scan3A_73 : i32
    %scan3A_75 = arith.constant 1 : i32
    scf.for %scan3A_175 = %scan3A_72 to %scan3A_74 step %scan3A_75  : i32 {
      %mul3A_176 = arith.constant 5 : i32
      %mul3A_177 = arith.muli %mul3A_176, %scan3A_175 : i32
      %add3A_178 = arith.constant 0 : i32
      %add3A_179 = arith.addi %mul3A_177, %add3A_178 : i32
      %mul3A_180 = arith.constant 64 : i32
      %mul3A_181 = arith.muli %add3A_179, %mul3A_180 : i32
      %dma_wait3A_182 = tpu.memref_slice %arg8[%mul3A_181] : memref<2560xi32, #tpu.memory_space<vmem>> -> memref<64xi32, #tpu.memory_space<vmem>>
      %dma_wait3A_183 = arith.constant 0 : i32
      %dma_wait3A_184 = arith.constant 0 : i32
      %dma_wait3A_185 = tpu.memref_slice %arg2[%dma_wait3A_183, %dma_wait3A_184] : memref<10000x128xf32, #tpu.memory_space<hbm>> -> memref<10000x128xf32, #tpu.memory_space<hbm>>
      tpu.wait_indirect_dma semaphore(%arg15 : memref<!tpu.dma_semaphore, #tpu.memory_space<semaphore_mem>>) src(%dma_wait3A_185 : memref<10000x128xf32, #tpu.memory_space<hbm>>) dst(%arg10 : memref<64x128xf32, #tpu.memory_space<vmem>>)
      %dma_start3A_186 = arith.constant 0 : i32
      %dma_start3A_187 = tpu.memref_slice %arg9[%add3A_179, %dma_start3A_186] : memref<40x64xi32, #tpu.memory_space<vmem>> -> memref<1x64xi32, #tpu.memory_space<vmem>>
      %dma_start3A_188 = tpu.memref_squeeze %dma_start3A_187 : memref<1x64xi32, #tpu.memory_space<vmem>> -> memref<64xi32, #tpu.memory_space<vmem>>
      %dma_start3A_189 = arith.constant 0 : i32
      %dma_start3A_190 = arith.constant 0 : i32
      %dma_start3A_191 = tpu.memref_slice %arg25[%dma_start3A_189, %dma_start3A_190] : memref<10112x128xf32, #tpu.memory_space<vmem_shared>> -> memref<10112x128xf32, #tpu.memory_space<vmem_shared>>
      tpu.enqueue_indirect_dma source(%arg10 : memref<64x128xf32, #tpu.memory_space<vmem>>) target(%dma_start3A_191 : memref<10112x128xf32, #tpu.memory_space<vmem_shared>>) offsets(%dma_start3A_188 : memref<64xi32, #tpu.memory_space<vmem>>) semaphore(%arg20 : memref<!tpu.dma_semaphore, #tpu.memory_space<semaphore_mem>>) {add = true}
      %ge3A = arith.constant 1 : i32
      %ge3A_192 = arith.cmpi sge, %add3A_179, %ge3A : i32
      %convert_element_type3A = arith.extui %ge3A_192 : i1 to i32
      %cond3A = arith.constant 0 : i32
      %cond3A_193 = arith.cmpi ne, %convert_element_type3A, %cond3A : i32
      scf.if %cond3A_193 {
        %dma_wait3A_312 = arith.constant 0 : i32
        %dma_wait3A_313 = arith.constant 0 : i32
        %dma_wait3A_314 = tpu.memref_slice %arg9[%dma_wait3A_312, %dma_wait3A_313] : memref<40x64xi32, #tpu.memory_space<vmem>> -> memref<1x64xi32, #tpu.memory_space<vmem>>
        %dma_wait3A_315 = tpu.memref_squeeze %dma_wait3A_314 : memref<1x64xi32, #tpu.memory_space<vmem>> -> memref<64xi32, #tpu.memory_space<vmem>>
        %dma_wait3A_316 = arith.constant 0 : i32
        %dma_wait3A_317 = arith.constant 0 : i32
        %dma_wait3A_318 = tpu.memref_slice %arg25[%dma_wait3A_316, %dma_wait3A_317] : memref<10112x128xf32, #tpu.memory_space<vmem_shared>> -> memref<10112x128xf32, #tpu.memory_space<vmem_shared>>
        tpu.wait_indirect_dma semaphore(%arg24 : memref<!tpu.dma_semaphore, #tpu.memory_space<semaphore_mem>>) src(%arg14 : memref<64x128xf32, #tpu.memory_space<vmem>>) dst(%dma_wait3A_318 : memref<10112x128xf32, #tpu.memory_space<vmem_shared>>)
      } else {
      }
      %add3A_194 = arith.constant 4 : i32
      %add3A_195 = arith.addi %add3A_179, %add3A_194 : i32
      %lt3A = arith.constant 40 : i32
      %lt3A_196 = arith.cmpi slt, %add3A_195, %lt3A : i32
      %convert_element_type3A_197 = arith.extui %lt3A_196 : i1 to i32
      %cond3A_198 = arith.constant 0 : i32
      %cond3A_199 = arith.cmpi ne, %convert_element_type3A_197, %cond3A_198 : i32
      scf.if %cond3A_199 {
        %add3A_312 = arith.constant 4 : i32
        %add3A_313 = arith.addi %add3A_179, %add3A_312 : i32
        %mul3A_314 = arith.constant 64 : i32
        %mul3A_315 = arith.muli %add3A_313, %mul3A_314 : i32
        %dma_start3A_316 = tpu.memref_slice %arg8[%mul3A_315] : memref<2560xi32, #tpu.memory_space<vmem>> -> memref<64xi32, #tpu.memory_space<vmem>>
        %dma_start3A_317 = arith.constant 0 : i32
        %dma_start3A_318 = arith.constant 0 : i32
        %dma_start3A_319 = tpu.memref_slice %arg2[%dma_start3A_317, %dma_start3A_318] : memref<10000x128xf32, #tpu.memory_space<hbm>> -> memref<10000x128xf32, #tpu.memory_space<hbm>>
        tpu.enqueue_indirect_dma source(%dma_start3A_319 : memref<10000x128xf32, #tpu.memory_space<hbm>>) target(%arg14 : memref<64x128xf32, #tpu.memory_space<vmem>>) offsets(%dma_start3A_316 : memref<64xi32, #tpu.memory_space<vmem>>) semaphore(%arg19 : memref<!tpu.dma_semaphore, #tpu.memory_space<semaphore_mem>>)
      } else {
      }
      %mul3A_200 = arith.constant 5 : i32
      %mul3A_201 = arith.muli %mul3A_200, %scan3A_175 : i32
      %add3A_202 = arith.constant 1 : i32
      %add3A_203 = arith.addi %mul3A_201, %add3A_202 : i32
      %mul3A_204 = arith.constant 64 : i32
      %mul3A_205 = arith.muli %add3A_203, %mul3A_204 : i32
      %dma_wait3A_206 = tpu.memref_slice %arg8[%mul3A_205] : memref<2560xi32, #tpu.memory_space<vmem>> -> memref<64xi32, #tpu.memory_space<vmem>>
      %dma_wait3A_207 = arith.constant 0 : i32
      %dma_wait3A_208 = arith.constant 0 : i32
      %dma_wait3A_209 = tpu.memref_slice %arg2[%dma_wait3A_207, %dma_wait3A_208] : memref<10000x128xf32, #tpu.memory_space<hbm>> -> memref<10000x128xf32, #tpu.memory_space<hbm>>
      tpu.wait_indirect_dma semaphore(%arg16 : memref<!tpu.dma_semaphore, #tpu.memory_space<semaphore_mem>>) src(%dma_wait3A_209 : memref<10000x128xf32, #tpu.memory_space<hbm>>) dst(%arg11 : memref<64x128xf32, #tpu.memory_space<vmem>>)
      %dma_start3A_210 = arith.constant 0 : i32
      %dma_start3A_211 = tpu.memref_slice %arg9[%add3A_203, %dma_start3A_210] : memref<40x64xi32, #tpu.memory_space<vmem>> -> memref<1x64xi32, #tpu.memory_space<vmem>>
      %dma_start3A_212 = tpu.memref_squeeze %dma_start3A_211 : memref<1x64xi32, #tpu.memory_space<vmem>> -> memref<64xi32, #tpu.memory_space<vmem>>
      %dma_start3A_213 = arith.constant 0 : i32
      %dma_start3A_214 = arith.constant 0 : i32
      %dma_start3A_215 = tpu.memref_slice %arg25[%dma_start3A_213, %dma_start3A_214] : memref<10112x128xf32, #tpu.memory_space<vmem_shared>> -> memref<10112x128xf32, #tpu.memory_space<vmem_shared>>
      tpu.enqueue_indirect_dma source(%arg11 : memref<64x128xf32, #tpu.memory_space<vmem>>) target(%dma_start3A_215 : memref<10112x128xf32, #tpu.memory_space<vmem_shared>>) offsets(%dma_start3A_212 : memref<64xi32, #tpu.memory_space<vmem>>) semaphore(%arg21 : memref<!tpu.dma_semaphore, #tpu.memory_space<semaphore_mem>>) {add = true}
      %ge3A_216 = arith.constant 1 : i32
      %ge3A_217 = arith.cmpi sge, %add3A_203, %ge3A_216 : i32
      %convert_element_type3A_218 = arith.extui %ge3A_217 : i1 to i32
      %cond3A_219 = arith.constant 0 : i32
      %cond3A_220 = arith.cmpi ne, %convert_element_type3A_218, %cond3A_219 : i32
      scf.if %cond3A_220 {
        %dma_wait3A_312 = arith.constant 0 : i32
        %dma_wait3A_313 = arith.constant 0 : i32
        %dma_wait3A_314 = tpu.memref_slice %arg9[%dma_wait3A_312, %dma_wait3A_313] : memref<40x64xi32, #tpu.memory_space<vmem>> -> memref<1x64xi32, #tpu.memory_space<vmem>>
        %dma_wait3A_315 = tpu.memref_squeeze %dma_wait3A_314 : memref<1x64xi32, #tpu.memory_space<vmem>> -> memref<64xi32, #tpu.memory_space<vmem>>
        %dma_wait3A_316 = arith.constant 0 : i32
        %dma_wait3A_317 = arith.constant 0 : i32
        %dma_wait3A_318 = tpu.memref_slice %arg25[%dma_wait3A_316, %dma_wait3A_317] : memref<10112x128xf32, #tpu.memory_space<vmem_shared>> -> memref<10112x128xf32, #tpu.memory_space<vmem_shared>>
        tpu.wait_indirect_dma semaphore(%arg20 : memref<!tpu.dma_semaphore, #tpu.memory_space<semaphore_mem>>) src(%arg10 : memref<64x128xf32, #tpu.memory_space<vmem>>) dst(%dma_wait3A_318 : memref<10112x128xf32, #tpu.memory_space<vmem_shared>>)
      } else {
      }
      %add3A_221 = arith.constant 4 : i32
      %add3A_222 = arith.addi %add3A_203, %add3A_221 : i32
      %lt3A_223 = arith.constant 40 : i32
      %lt3A_224 = arith.cmpi slt, %add3A_222, %lt3A_223 : i32
      %convert_element_type3A_225 = arith.extui %lt3A_224 : i1 to i32
      %cond3A_226 = arith.constant 0 : i32
      %cond3A_227 = arith.cmpi ne, %convert_element_type3A_225, %cond3A_226 : i32
      scf.if %cond3A_227 {
        %add3A_312 = arith.constant 4 : i32
        %add3A_313 = arith.addi %add3A_203, %add3A_312 : i32
        %mul3A_314 = arith.constant 64 : i32
        %mul3A_315 = arith.muli %add3A_313, %mul3A_314 : i32
        %dma_start3A_316 = tpu.memref_slice %arg8[%mul3A_315] : memref<2560xi32, #tpu.memory_space<vmem>> -> memref<64xi32, #tpu.memory_space<vmem>>
        %dma_start3A_317 = arith.constant 0 : i32
        %dma_start3A_318 = arith.constant 0 : i32
        %dma_start3A_319 = tpu.memref_slice %arg2[%dma_start3A_317, %dma_start3A_318] : memref<10000x128xf32, #tpu.memory_space<hbm>> -> memref<10000x128xf32, #tpu.memory_space<hbm>>
        tpu.enqueue_indirect_dma source(%dma_start3A_319 : memref<10000x128xf32, #tpu.memory_space<hbm>>) target(%arg10 : memref<64x128xf32, #tpu.memory_space<vmem>>) offsets(%dma_start3A_316 : memref<64xi32, #tpu.memory_space<vmem>>) semaphore(%arg15 : memref<!tpu.dma_semaphore, #tpu.memory_space<semaphore_mem>>)
      } else {
      }
      %mul3A_228 = arith.constant 5 : i32
      %mul3A_229 = arith.muli %mul3A_228, %scan3A_175 : i32
      %add3A_230 = arith.constant 2 : i32
      %add3A_231 = arith.addi %mul3A_229, %add3A_230 : i32
      %mul3A_232 = arith.constant 64 : i32
      %mul3A_233 = arith.muli %add3A_231, %mul3A_232 : i32
      %dma_wait3A_234 = tpu.memref_slice %arg8[%mul3A_233] : memref<2560xi32, #tpu.memory_space<vmem>> -> memref<64xi32, #tpu.memory_space<vmem>>
      %dma_wait3A_235 = arith.constant 0 : i32
      %dma_wait3A_236 = arith.constant 0 : i32
      %dma_wait3A_237 = tpu.memref_slice %arg2[%dma_wait3A_235, %dma_wait3A_236] : memref<10000x128xf32, #tpu.memory_space<hbm>> -> memref<10000x128xf32, #tpu.memory_space<hbm>>
      tpu.wait_indirect_dma semaphore(%arg17 : memref<!tpu.dma_semaphore, #tpu.memory_space<semaphore_mem>>) src(%dma_wait3A_237 : memref<10000x128xf32, #tpu.memory_space<hbm>>) dst(%arg12 : memref<64x128xf32, #tpu.memory_space<vmem>>)
      %dma_start3A_238 = arith.constant 0 : i32
      %dma_start3A_239 = tpu.memref_slice %arg9[%add3A_231, %dma_start3A_238] : memref<40x64xi32, #tpu.memory_space<vmem>> -> memref<1x64xi32, #tpu.memory_space<vmem>>
      %dma_start3A_240 = tpu.memref_squeeze %dma_start3A_239 : memref<1x64xi32, #tpu.memory_space<vmem>> -> memref<64xi32, #tpu.memory_space<vmem>>
      %dma_start3A_241 = arith.constant 0 : i32
      %dma_start3A_242 = arith.constant 0 : i32
      %dma_start3A_243 = tpu.memref_slice %arg25[%dma_start3A_241, %dma_start3A_242] : memref<10112x128xf32, #tpu.memory_space<vmem_shared>> -> memref<10112x128xf32, #tpu.memory_space<vmem_shared>>
      tpu.enqueue_indirect_dma source(%arg12 : memref<64x128xf32, #tpu.memory_space<vmem>>) target(%dma_start3A_243 : memref<10112x128xf32, #tpu.memory_space<vmem_shared>>) offsets(%dma_start3A_240 : memref<64xi32, #tpu.memory_space<vmem>>) semaphore(%arg22 : memref<!tpu.dma_semaphore, #tpu.memory_space<semaphore_mem>>) {add = true}
      %ge3A_244 = arith.constant 1 : i32
      %ge3A_245 = arith.cmpi sge, %add3A_231, %ge3A_244 : i32
      %convert_element_type3A_246 = arith.extui %ge3A_245 : i1 to i32
      %cond3A_247 = arith.constant 0 : i32
      %cond3A_248 = arith.cmpi ne, %convert_element_type3A_246, %cond3A_247 : i32
      scf.if %cond3A_248 {
        %dma_wait3A_312 = arith.constant 0 : i32
        %dma_wait3A_313 = arith.constant 0 : i32
        %dma_wait3A_314 = tpu.memref_slice %arg9[%dma_wait3A_312, %dma_wait3A_313] : memref<40x64xi32, #tpu.memory_space<vmem>> -> memref<1x64xi32, #tpu.memory_space<vmem>>
        %dma_wait3A_315 = tpu.memref_squeeze %dma_wait3A_314 : memref<1x64xi32, #tpu.memory_space<vmem>> -> memref<64xi32, #tpu.memory_space<vmem>>
        %dma_wait3A_316 = arith.constant 0 : i32
        %dma_wait3A_317 = arith.constant 0 : i32
        %dma_wait3A_318 = tpu.memref_slice %arg25[%dma_wait3A_316, %dma_wait3A_317] : memref<10112x128xf32, #tpu.memory_space<vmem_shared>> -> memref<10112x128xf32, #tpu.memory_space<vmem_shared>>
        tpu.wait_indirect_dma semaphore(%arg21 : memref<!tpu.dma_semaphore, #tpu.memory_space<semaphore_mem>>) src(%arg11 : memref<64x128xf32, #tpu.memory_space<vmem>>) dst(%dma_wait3A_318 : memref<10112x128xf32, #tpu.memory_space<vmem_shared>>)
      } else {
      }
      %add3A_249 = arith.constant 4 : i32
      %add3A_250 = arith.addi %add3A_231, %add3A_249 : i32
      %lt3A_251 = arith.constant 40 : i32
      %lt3A_252 = arith.cmpi slt, %add3A_250, %lt3A_251 : i32
      %convert_element_type3A_253 = arith.extui %lt3A_252 : i1 to i32
      %cond3A_254 = arith.constant 0 : i32
      %cond3A_255 = arith.cmpi ne, %convert_element_type3A_253, %cond3A_254 : i32
      scf.if %cond3A_255 {
        %add3A_312 = arith.constant 4 : i32
        %add3A_313 = arith.addi %add3A_231, %add3A_312 : i32
        %mul3A_314 = arith.constant 64 : i32
        %mul3A_315 = arith.muli %add3A_313, %mul3A_314 : i32
        %dma_start3A_316 = tpu.memref_slice %arg8[%mul3A_315] : memref<2560xi32, #tpu.memory_space<vmem>> -> memref<64xi32, #tpu.memory_space<vmem>>
        %dma_start3A_317 = arith.constant 0 : i32
        %dma_start3A_318 = arith.constant 0 : i32
        %dma_start3A_319 = tpu.memref_slice %arg2[%dma_start3A_317, %dma_start3A_318] : memref<10000x128xf32, #tpu.memory_space<hbm>> -> memref<10000x128xf32, #tpu.memory_space<hbm>>
        tpu.enqueue_indirect_dma source(%dma_start3A_319 : memref<10000x128xf32, #tpu.memory_space<hbm>>) target(%arg11 : memref<64x128xf32, #tpu.memory_space<vmem>>) offsets(%dma_start3A_316 : memref<64xi32, #tpu.memory_space<vmem>>) semaphore(%arg16 : memref<!tpu.dma_semaphore, #tpu.memory_space<semaphore_mem>>)
      } else {
      }
      %mul3A_256 = arith.constant 5 : i32
      %mul3A_257 = arith.muli %mul3A_256, %scan3A_175 : i32
      %add3A_258 = arith.constant 3 : i32
      %add3A_259 = arith.addi %mul3A_257, %add3A_258 : i32
      %mul3A_260 = arith.constant 64 : i32
      %mul3A_261 = arith.muli %add3A_259, %mul3A_260 : i32
      %dma_wait3A_262 = tpu.memref_slice %arg8[%mul3A_261] : memref<2560xi32, #tpu.memory_space<vmem>> -> memref<64xi32, #tpu.memory_space<vmem>>
      %dma_wait3A_263 = arith.constant 0 : i32
      %dma_wait3A_264 = arith.constant 0 : i32
      %dma_wait3A_265 = tpu.memref_slice %arg2[%dma_wait3A_263, %dma_wait3A_264] : memref<10000x128xf32, #tpu.memory_space<hbm>> -> memref<10000x128xf32, #tpu.memory_space<hbm>>
      tpu.wait_indirect_dma semaphore(%arg18 : memref<!tpu.dma_semaphore, #tpu.memory_space<semaphore_mem>>) src(%dma_wait3A_265 : memref<10000x128xf32, #tpu.memory_space<hbm>>) dst(%arg13 : memref<64x128xf32, #tpu.memory_space<vmem>>)
      %dma_start3A_266 = arith.constant 0 : i32
      %dma_start3A_267 = tpu.memref_slice %arg9[%add3A_259, %dma_start3A_266] : memref<40x64xi32, #tpu.memory_space<vmem>> -> memref<1x64xi32, #tpu.memory_space<vmem>>
      %dma_start3A_268 = tpu.memref_squeeze %dma_start3A_267 : memref<1x64xi32, #tpu.memory_space<vmem>> -> memref<64xi32, #tpu.memory_space<vmem>>
      %dma_start3A_269 = arith.constant 0 : i32
      %dma_start3A_270 = arith.constant 0 : i32
      %dma_start3A_271 = tpu.memref_slice %arg25[%dma_start3A_269, %dma_start3A_270] : memref<10112x128xf32, #tpu.memory_space<vmem_shared>> -> memref<10112x128xf32, #tpu.memory_space<vmem_shared>>
      tpu.enqueue_indirect_dma source(%arg13 : memref<64x128xf32, #tpu.memory_space<vmem>>) target(%dma_start3A_271 : memref<10112x128xf32, #tpu.memory_space<vmem_shared>>) offsets(%dma_start3A_268 : memref<64xi32, #tpu.memory_space<vmem>>) semaphore(%arg23 : memref<!tpu.dma_semaphore, #tpu.memory_space<semaphore_mem>>) {add = true}
      %ge3A_272 = arith.constant 1 : i32
      %ge3A_273 = arith.cmpi sge, %add3A_259, %ge3A_272 : i32
      %convert_element_type3A_274 = arith.extui %ge3A_273 : i1 to i32
      %cond3A_275 = arith.constant 0 : i32
      %cond3A_276 = arith.cmpi ne, %convert_element_type3A_274, %cond3A_275 : i32
      scf.if %cond3A_276 {
        %dma_wait3A_312 = arith.constant 0 : i32
        %dma_wait3A_313 = arith.constant 0 : i32
        %dma_wait3A_314 = tpu.memref_slice %arg9[%dma_wait3A_312, %dma_wait3A_313] : memref<40x64xi32, #tpu.memory_space<vmem>> -> memref<1x64xi32, #tpu.memory_space<vmem>>
        %dma_wait3A_315 = tpu.memref_squeeze %dma_wait3A_314 : memref<1x64xi32, #tpu.memory_space<vmem>> -> memref<64xi32, #tpu.memory_space<vmem>>
        %dma_wait3A_316 = arith.constant 0 : i32
        %dma_wait3A_317 = arith.constant 0 : i32
        %dma_wait3A_318 = tpu.memref_slice %arg25[%dma_wait3A_316, %dma_wait3A_317] : memref<10112x128xf32, #tpu.memory_space<vmem_shared>> -> memref<10112x128xf32, #tpu.memory_space<vmem_shared>>
        tpu.wait_indirect_dma semaphore(%arg22 : memref<!tpu.dma_semaphore, #tpu.memory_space<semaphore_mem>>) src(%arg12 : memref<64x128xf32, #tpu.memory_space<vmem>>) dst(%dma_wait3A_318 : memref<10112x128xf32, #tpu.memory_space<vmem_shared>>)
      } else {
      }
      %add3A_277 = arith.constant 4 : i32
      %add3A_278 = arith.addi %add3A_259, %add3A_277 : i32
      %lt3A_279 = arith.constant 40 : i32
      %lt3A_280 = arith.cmpi slt, %add3A_278, %lt3A_279 : i32
      %convert_element_type3A_281 = arith.extui %lt3A_280 : i1 to i32
      %cond3A_282 = arith.constant 0 : i32
      %cond3A_283 = arith.cmpi ne, %convert_element_type3A_281, %cond3A_282 : i32
      scf.if %cond3A_283 {
        %add3A_312 = arith.constant 4 : i32
        %add3A_313 = arith.addi %add3A_259, %add3A_312 : i32
        %mul3A_314 = arith.constant 64 : i32
        %mul3A_315 = arith.muli %add3A_313, %mul3A_314 : i32
        %dma_start3A_316 = tpu.memref_slice %arg8[%mul3A_315] : memref<2560xi32, #tpu.memory_space<vmem>> -> memref<64xi32, #tpu.memory_space<vmem>>
        %dma_start3A_317 = arith.constant 0 : i32
        %dma_start3A_318 = arith.constant 0 : i32
        %dma_start3A_319 = tpu.memref_slice %arg2[%dma_start3A_317, %dma_start3A_318] : memref<10000x128xf32, #tpu.memory_space<hbm>> -> memref<10000x128xf32, #tpu.memory_space<hbm>>
        tpu.enqueue_indirect_dma source(%dma_start3A_319 : memref<10000x128xf32, #tpu.memory_space<hbm>>) target(%arg12 : memref<64x128xf32, #tpu.memory_space<vmem>>) offsets(%dma_start3A_316 : memref<64xi32, #tpu.memory_space<vmem>>) semaphore(%arg17 : memref<!tpu.dma_semaphore, #tpu.memory_space<semaphore_mem>>)
      } else {
      }
      %mul3A_284 = arith.constant 5 : i32
      %mul3A_285 = arith.muli %mul3A_284, %scan3A_175 : i32
      %add3A_286 = arith.constant 4 : i32
      %add3A_287 = arith.addi %mul3A_285, %add3A_286 : i32
      %mul3A_288 = arith.constant 64 : i32
      %mul3A_289 = arith.muli %add3A_287, %mul3A_288 : i32
      %dma_wait3A_290 = tpu.memref_slice %arg8[%mul3A_289] : memref<2560xi32, #tpu.memory_space<vmem>> -> memref<64xi32, #tpu.memory_space<vmem>>
      %dma_wait3A_291 = arith.constant 0 : i32
      %dma_wait3A_292 = arith.constant 0 : i32
      %dma_wait3A_293 = tpu.memref_slice %arg2[%dma_wait3A_291, %dma_wait3A_292] : memref<10000x128xf32, #tpu.memory_space<hbm>> -> memref<10000x128xf32, #tpu.memory_space<hbm>>
      tpu.wait_indirect_dma semaphore(%arg19 : memref<!tpu.dma_semaphore, #tpu.memory_space<semaphore_mem>>) src(%dma_wait3A_293 : memref<10000x128xf32, #tpu.memory_space<hbm>>) dst(%arg14 : memref<64x128xf32, #tpu.memory_space<vmem>>)
      %dma_start3A_294 = arith.constant 0 : i32
      %dma_start3A_295 = tpu.memref_slice %arg9[%add3A_287, %dma_start3A_294] : memref<40x64xi32, #tpu.memory_space<vmem>> -> memref<1x64xi32, #tpu.memory_space<vmem>>
      %dma_start3A_296 = tpu.memref_squeeze %dma_start3A_295 : memref<1x64xi32, #tpu.memory_space<vmem>> -> memref<64xi32, #tpu.memory_space<vmem>>
      %dma_start3A_297 = arith.constant 0 : i32
      %dma_start3A_298 = arith.constant 0 : i32
      %dma_start3A_299 = tpu.memref_slice %arg25[%dma_start3A_297, %dma_start3A_298] : memref<10112x128xf32, #tpu.memory_space<vmem_shared>> -> memref<10112x128xf32, #tpu.memory_space<vmem_shared>>
      tpu.enqueue_indirect_dma source(%arg14 : memref<64x128xf32, #tpu.memory_space<vmem>>) target(%dma_start3A_299 : memref<10112x128xf32, #tpu.memory_space<vmem_shared>>) offsets(%dma_start3A_296 : memref<64xi32, #tpu.memory_space<vmem>>) semaphore(%arg24 : memref<!tpu.dma_semaphore, #tpu.memory_space<semaphore_mem>>) {add = true}
      %ge3A_300 = arith.constant 1 : i32
      %ge3A_301 = arith.cmpi sge, %add3A_287, %ge3A_300 : i32
      %convert_element_type3A_302 = arith.extui %ge3A_301 : i1 to i32
      %cond3A_303 = arith.constant 0 : i32
      %cond3A_304 = arith.cmpi ne, %convert_element_type3A_302, %cond3A_303 : i32
      scf.if %cond3A_304 {
        %dma_wait3A_312 = arith.constant 0 : i32
        %dma_wait3A_313 = arith.constant 0 : i32
        %dma_wait3A_314 = tpu.memref_slice %arg9[%dma_wait3A_312, %dma_wait3A_313] : memref<40x64xi32, #tpu.memory_space<vmem>> -> memref<1x64xi32, #tpu.memory_space<vmem>>
        %dma_wait3A_315 = tpu.memref_squeeze %dma_wait3A_314 : memref<1x64xi32, #tpu.memory_space<vmem>> -> memref<64xi32, #tpu.memory_space<vmem>>
        %dma_wait3A_316 = arith.constant 0 : i32
        %dma_wait3A_317 = arith.constant 0 : i32
        %dma_wait3A_318 = tpu.memref_slice %arg25[%dma_wait3A_316, %dma_wait3A_317] : memref<10112x128xf32, #tpu.memory_space<vmem_shared>> -> memref<10112x128xf32, #tpu.memory_space<vmem_shared>>
        tpu.wait_indirect_dma semaphore(%arg23 : memref<!tpu.dma_semaphore, #tpu.memory_space<semaphore_mem>>) src(%arg13 : memref<64x128xf32, #tpu.memory_space<vmem>>) dst(%dma_wait3A_318 : memref<10112x128xf32, #tpu.memory_space<vmem_shared>>)
      } else {
      }
      %add3A_305 = arith.constant 4 : i32
      %add3A_306 = arith.addi %add3A_287, %add3A_305 : i32
      %lt3A_307 = arith.constant 40 : i32
      %lt3A_308 = arith.cmpi slt, %add3A_306, %lt3A_307 : i32
      %convert_element_type3A_309 = arith.extui %lt3A_308 : i1 to i32
      %cond3A_310 = arith.constant 0 : i32
      %cond3A_311 = arith.cmpi ne, %convert_element_type3A_309, %cond3A_310 : i32
      scf.if %cond3A_311 {
        %add3A_312 = arith.constant 4 : i32
        %add3A_313 = arith.addi %add3A_287, %add3A_312 : i32
        %mul3A_314 = arith.constant 64 : i32
        %mul3A_315 = arith.muli %add3A_313, %mul3A_314 : i32
        %dma_start3A_316 = tpu.memref_slice %arg8[%mul3A_315] : memref<2560xi32, #tpu.memory_space<vmem>> -> memref<64xi32, #tpu.memory_space<vmem>>
        %dma_start3A_317 = arith.constant 0 : i32
        %dma_start3A_318 = arith.constant 0 : i32
        %dma_start3A_319 = tpu.memref_slice %arg2[%dma_start3A_317, %dma_start3A_318] : memref<10000x128xf32, #tpu.memory_space<hbm>> -> memref<10000x128xf32, #tpu.memory_space<hbm>>
        tpu.enqueue_indirect_dma source(%dma_start3A_319 : memref<10000x128xf32, #tpu.memory_space<hbm>>) target(%arg13 : memref<64x128xf32, #tpu.memory_space<vmem>>) offsets(%dma_start3A_316 : memref<64xi32, #tpu.memory_space<vmem>>) semaphore(%arg18 : memref<!tpu.dma_semaphore, #tpu.memory_space<semaphore_mem>>)
      } else {
      }
    }
    %scan3A_76 = arith.constant 8 : i32
    %dma_wait3A_77 = arith.constant 0 : i32
    %dma_wait3A_78 = arith.constant 0 : i32
    %dma_wait3A_79 = tpu.memref_slice %arg9[%dma_wait3A_77, %dma_wait3A_78] : memref<40x64xi32, #tpu.memory_space<vmem>> -> memref<1x64xi32, #tpu.memory_space<vmem>>
    %dma_wait3A_80 = tpu.memref_squeeze %dma_wait3A_79 : memref<1x64xi32, #tpu.memory_space<vmem>> -> memref<64xi32, #tpu.memory_space<vmem>>
    %dma_wait3A_81 = arith.constant 0 : i32
    %dma_wait3A_82 = arith.constant 0 : i32
    %dma_wait3A_83 = tpu.memref_slice %arg25[%dma_wait3A_81, %dma_wait3A_82] : memref<10112x128xf32, #tpu.memory_space<vmem_shared>> -> memref<10112x128xf32, #tpu.memory_space<vmem_shared>>
    tpu.wait_indirect_dma semaphore(%arg24 : memref<!tpu.dma_semaphore, #tpu.memory_space<semaphore_mem>>) src(%arg14 : memref<64x128xf32, #tpu.memory_space<vmem>>) dst(%dma_wait3A_83 : memref<10112x128xf32, #tpu.memory_space<vmem_shared>>)
    %mul3A_84 = arith.constant 16 : i32
    %mul3A_85 = arith.muli %arg0, %mul3A_84 : i32
    %add3A_86 = arith.addi %mul3A_85, %arg1 : i32
    %mul3A_87 = arith.constant 4 : i32
    %mul3A_88 = arith.muli %add3A_86, %mul3A_87 : i32
    %add3A_89 = arith.constant 2 : i32
    %add3A_90 = arith.addi %mul3A_88, %add3A_89 : i32
    %mul3A_91 = arith.constant 2560 : i32
    %mul3A_92 = arith.muli %add3A_90, %mul3A_91 : i32
    "tpu.region"() ({
      %run_scoped3A_175 = tpu.sem_alloc : memref<!tpu.dma_semaphore, #tpu.memory_space<semaphore_mem>>
      %dma_start3A_176 = tpu.memref_slice %arg3[%mul3A_92] : memref<327680xi32, #tpu.memory_space<hbm>> -> memref<2560xi32, #tpu.memory_space<hbm>>
      %dma_start3A_177 = tpu.memref_slice %arg3[%mul3A_92] : memref<327680xi32, #tpu.memory_space<hbm>> -> memref<2560xi32, #tpu.memory_space<hbm>>
      tpu.enqueue_dma source(%dma_start3A_177 : memref<2560xi32, #tpu.memory_space<hbm>>) target(%arg8 : memref<2560xi32, #tpu.memory_space<vmem>>) target_semaphore(%run_scoped3A_175 : memref<!tpu.dma_semaphore, #tpu.memory_space<semaphore_mem>>)
      %dma_wait3A_178 = tpu.memref_slice %arg3[%mul3A_92] : memref<327680xi32, #tpu.memory_space<hbm>> -> memref<2560xi32, #tpu.memory_space<hbm>>
      %dma_wait3A_179 = tpu.memref_slice %arg3[%mul3A_92] : memref<327680xi32, #tpu.memory_space<hbm>> -> memref<2560xi32, #tpu.memory_space<hbm>>
      tpu.wait_dma2 semaphore(%run_scoped3A_175 : memref<!tpu.dma_semaphore, #tpu.memory_space<semaphore_mem>>) src(%dma_wait3A_179 : memref<2560xi32, #tpu.memory_space<hbm>>) dst(%arg8 : memref<2560xi32, #tpu.memory_space<vmem>>)
      tpu.yield
    }) : () -> ()
    %run_scoped3A_93 = arith.constant 2 : i32
    "tpu.region"() ({
      %run_scoped3A_175 = tpu.sem_alloc : memref<!tpu.dma_semaphore, #tpu.memory_space<semaphore_mem>>
      %dma_start3A_176 = arith.constant 0 : i32
      %dma_start3A_177 = arith.constant 0 : i32
      %dma_start3A_178 = tpu.memref_slice %arg4[%arg0, %arg1, %run_scoped3A_93, %dma_start3A_176, %dma_start3A_177] : memref<2x16x4x40x64xi32, #tpu.memory_space<hbm>> -> memref<1x1x1x40x64xi32, #tpu.memory_space<hbm>>
      %dma_start3A_179 = tpu.memref_squeeze %dma_start3A_178 : memref<1x1x1x40x64xi32, #tpu.memory_space<hbm>> -> memref<40x64xi32, #tpu.memory_space<hbm>>
      %dma_start3A_180 = arith.constant 0 : i32
      %dma_start3A_181 = arith.constant 0 : i32
      %dma_start3A_182 = tpu.memref_slice %arg4[%arg0, %arg1, %run_scoped3A_93, %dma_start3A_180, %dma_start3A_181] : memref<2x16x4x40x64xi32, #tpu.memory_space<hbm>> -> memref<1x1x1x40x64xi32, #tpu.memory_space<hbm>>
      %dma_start3A_183 = tpu.memref_squeeze %dma_start3A_182 : memref<1x1x1x40x64xi32, #tpu.memory_space<hbm>> -> memref<40x64xi32, #tpu.memory_space<hbm>>
      tpu.enqueue_dma source(%dma_start3A_183 : memref<40x64xi32, #tpu.memory_space<hbm>>) target(%arg9 : memref<40x64xi32, #tpu.memory_space<vmem>>) target_semaphore(%run_scoped3A_175 : memref<!tpu.dma_semaphore, #tpu.memory_space<semaphore_mem>>)
      %dma_wait3A_184 = arith.constant 0 : i32
      %dma_wait3A_185 = arith.constant 0 : i32
      %dma_wait3A_186 = tpu.memref_slice %arg4[%arg0, %arg1, %run_scoped3A_93, %dma_wait3A_184, %dma_wait3A_185] : memref<2x16x4x40x64xi32, #tpu.memory_space<hbm>> -> memref<1x1x1x40x64xi32, #tpu.memory_space<hbm>>
      %dma_wait3A_187 = tpu.memref_squeeze %dma_wait3A_186 : memref<1x1x1x40x64xi32, #tpu.memory_space<hbm>> -> memref<40x64xi32, #tpu.memory_space<hbm>>
      %dma_wait3A_188 = arith.constant 0 : i32
      %dma_wait3A_189 = arith.constant 0 : i32
      %dma_wait3A_190 = tpu.memref_slice %arg4[%arg0, %arg1, %run_scoped3A_93, %dma_wait3A_188, %dma_wait3A_189] : memref<2x16x4x40x64xi32, #tpu.memory_space<hbm>> -> memref<1x1x1x40x64xi32, #tpu.memory_space<hbm>>
      %dma_wait3A_191 = tpu.memref_squeeze %dma_wait3A_190 : memref<1x1x1x40x64xi32, #tpu.memory_space<hbm>> -> memref<40x64xi32, #tpu.memory_space<hbm>>
      tpu.wait_dma2 semaphore(%run_scoped3A_175 : memref<!tpu.dma_semaphore, #tpu.memory_space<semaphore_mem>>) src(%dma_wait3A_191 : memref<40x64xi32, #tpu.memory_space<hbm>>) dst(%arg9 : memref<40x64xi32, #tpu.memory_space<vmem>>)
      tpu.yield
    }) : () -> ()
    %dma_start3A_94 = arith.constant 0 : i32
    %dma_start3A_95 = tpu.memref_slice %arg8[%dma_start3A_94] : memref<2560xi32, #tpu.memory_space<vmem>> -> memref<64xi32, #tpu.memory_space<vmem>>
    %dma_start3A_96 = arith.constant 0 : i32
    %dma_start3A_97 = arith.constant 0 : i32
    %dma_start3A_98 = tpu.memref_slice %arg2[%dma_start3A_96, %dma_start3A_97] : memref<10000x128xf32, #tpu.memory_space<hbm>> -> memref<10000x128xf32, #tpu.memory_space<hbm>>
    tpu.enqueue_indirect_dma source(%dma_start3A_98 : memref<10000x128xf32, #tpu.memory_space<hbm>>) target(%arg10 : memref<64x128xf32, #tpu.memory_space<vmem>>) offsets(%dma_start3A_95 : memref<64xi32, #tpu.memory_space<vmem>>) semaphore(%arg15 : memref<!tpu.dma_semaphore, #tpu.memory_space<semaphore_mem>>)
    %dma_start3A_99 = arith.constant 64 : i32
    %dma_start3A_100 = tpu.memref_slice %arg8[%dma_start3A_99] : memref<2560xi32, #tpu.memory_space<vmem>> -> memref<64xi32, #tpu.memory_space<vmem>>
    %dma_start3A_101 = arith.constant 0 : i32
    %dma_start3A_102 = arith.constant 0 : i32
    %dma_start3A_103 = tpu.memref_slice %arg2[%dma_start3A_101, %dma_start3A_102] : memref<10000x128xf32, #tpu.memory_space<hbm>> -> memref<10000x128xf32, #tpu.memory_space<hbm>>
    tpu.enqueue_indirect_dma source(%dma_start3A_103 : memref<10000x128xf32, #tpu.memory_space<hbm>>) target(%arg11 : memref<64x128xf32, #tpu.memory_space<vmem>>) offsets(%dma_start3A_100 : memref<64xi32, #tpu.memory_space<vmem>>) semaphore(%arg16 : memref<!tpu.dma_semaphore, #tpu.memory_space<semaphore_mem>>)
    %dma_start3A_104 = arith.constant 128 : i32
    %dma_start3A_105 = tpu.memref_slice %arg8[%dma_start3A_104] : memref<2560xi32, #tpu.memory_space<vmem>> -> memref<64xi32, #tpu.memory_space<vmem>>
    %dma_start3A_106 = arith.constant 0 : i32
    %dma_start3A_107 = arith.constant 0 : i32
    %dma_start3A_108 = tpu.memref_slice %arg2[%dma_start3A_106, %dma_start3A_107] : memref<10000x128xf32, #tpu.memory_space<hbm>> -> memref<10000x128xf32, #tpu.memory_space<hbm>>
    tpu.enqueue_indirect_dma source(%dma_start3A_108 : memref<10000x128xf32, #tpu.memory_space<hbm>>) target(%arg12 : memref<64x128xf32, #tpu.memory_space<vmem>>) offsets(%dma_start3A_105 : memref<64xi32, #tpu.memory_space<vmem>>) semaphore(%arg17 : memref<!tpu.dma_semaphore, #tpu.memory_space<semaphore_mem>>)
    %dma_start3A_109 = arith.constant 192 : i32
    %dma_start3A_110 = tpu.memref_slice %arg8[%dma_start3A_109] : memref<2560xi32, #tpu.memory_space<vmem>> -> memref<64xi32, #tpu.memory_space<vmem>>
    %dma_start3A_111 = arith.constant 0 : i32
    %dma_start3A_112 = arith.constant 0 : i32
    %dma_start3A_113 = tpu.memref_slice %arg2[%dma_start3A_111, %dma_start3A_112] : memref<10000x128xf32, #tpu.memory_space<hbm>> -> memref<10000x128xf32, #tpu.memory_space<hbm>>
    tpu.enqueue_indirect_dma source(%dma_start3A_113 : memref<10000x128xf32, #tpu.memory_space<hbm>>) target(%arg13 : memref<64x128xf32, #tpu.memory_space<vmem>>) offsets(%dma_start3A_110 : memref<64xi32, #tpu.memory_space<vmem>>) semaphore(%arg18 : memref<!tpu.dma_semaphore, #tpu.memory_space<semaphore_mem>>)
    %scan3A_114 = arith.constant 0 : i32
    %scan3A_115 = arith.constant 0 : i32
    %scan3A_116 = arith.constant 8 : i32
    %scan3A_117 = arith.addi %scan3A_115, %scan3A_116 : i32
    %scan3A_118 = arith.constant 1 : i32
    scf.for %scan3A_175 = %scan3A_115 to %scan3A_117 step %scan3A_118  : i32 {
      %mul3A_176 = arith.constant 5 : i32
      %mul3A_177 = arith.muli %mul3A_176, %scan3A_175 : i32
      %add3A_178 = arith.constant 0 : i32
      %add3A_179 = arith.addi %mul3A_177, %add3A_178 : i32
      %mul3A_180 = arith.constant 64 : i32
      %mul3A_181 = arith.muli %add3A_179, %mul3A_180 : i32
      %dma_wait3A_182 = tpu.memref_slice %arg8[%mul3A_181] : memref<2560xi32, #tpu.memory_space<vmem>> -> memref<64xi32, #tpu.memory_space<vmem>>
      %dma_wait3A_183 = arith.constant 0 : i32
      %dma_wait3A_184 = arith.constant 0 : i32
      %dma_wait3A_185 = tpu.memref_slice %arg2[%dma_wait3A_183, %dma_wait3A_184] : memref<10000x128xf32, #tpu.memory_space<hbm>> -> memref<10000x128xf32, #tpu.memory_space<hbm>>
      tpu.wait_indirect_dma semaphore(%arg15 : memref<!tpu.dma_semaphore, #tpu.memory_space<semaphore_mem>>) src(%dma_wait3A_185 : memref<10000x128xf32, #tpu.memory_space<hbm>>) dst(%arg10 : memref<64x128xf32, #tpu.memory_space<vmem>>)
      %dma_start3A_186 = arith.constant 0 : i32
      %dma_start3A_187 = tpu.memref_slice %arg9[%add3A_179, %dma_start3A_186] : memref<40x64xi32, #tpu.memory_space<vmem>> -> memref<1x64xi32, #tpu.memory_space<vmem>>
      %dma_start3A_188 = tpu.memref_squeeze %dma_start3A_187 : memref<1x64xi32, #tpu.memory_space<vmem>> -> memref<64xi32, #tpu.memory_space<vmem>>
      %dma_start3A_189 = arith.constant 0 : i32
      %dma_start3A_190 = arith.constant 0 : i32
      %dma_start3A_191 = tpu.memref_slice %arg25[%dma_start3A_189, %dma_start3A_190] : memref<10112x128xf32, #tpu.memory_space<vmem_shared>> -> memref<10112x128xf32, #tpu.memory_space<vmem_shared>>
      tpu.enqueue_indirect_dma source(%arg10 : memref<64x128xf32, #tpu.memory_space<vmem>>) target(%dma_start3A_191 : memref<10112x128xf32, #tpu.memory_space<vmem_shared>>) offsets(%dma_start3A_188 : memref<64xi32, #tpu.memory_space<vmem>>) semaphore(%arg20 : memref<!tpu.dma_semaphore, #tpu.memory_space<semaphore_mem>>) {add = true}
      %ge3A = arith.constant 1 : i32
      %ge3A_192 = arith.cmpi sge, %add3A_179, %ge3A : i32
      %convert_element_type3A = arith.extui %ge3A_192 : i1 to i32
      %cond3A = arith.constant 0 : i32
      %cond3A_193 = arith.cmpi ne, %convert_element_type3A, %cond3A : i32
      scf.if %cond3A_193 {
        %dma_wait3A_312 = arith.constant 0 : i32
        %dma_wait3A_313 = arith.constant 0 : i32
        %dma_wait3A_314 = tpu.memref_slice %arg9[%dma_wait3A_312, %dma_wait3A_313] : memref<40x64xi32, #tpu.memory_space<vmem>> -> memref<1x64xi32, #tpu.memory_space<vmem>>
        %dma_wait3A_315 = tpu.memref_squeeze %dma_wait3A_314 : memref<1x64xi32, #tpu.memory_space<vmem>> -> memref<64xi32, #tpu.memory_space<vmem>>
        %dma_wait3A_316 = arith.constant 0 : i32
        %dma_wait3A_317 = arith.constant 0 : i32
        %dma_wait3A_318 = tpu.memref_slice %arg25[%dma_wait3A_316, %dma_wait3A_317] : memref<10112x128xf32, #tpu.memory_space<vmem_shared>> -> memref<10112x128xf32, #tpu.memory_space<vmem_shared>>
        tpu.wait_indirect_dma semaphore(%arg24 : memref<!tpu.dma_semaphore, #tpu.memory_space<semaphore_mem>>) src(%arg14 : memref<64x128xf32, #tpu.memory_space<vmem>>) dst(%dma_wait3A_318 : memref<10112x128xf32, #tpu.memory_space<vmem_shared>>)
      } else {
      }
      %add3A_194 = arith.constant 4 : i32
      %add3A_195 = arith.addi %add3A_179, %add3A_194 : i32
      %lt3A = arith.constant 40 : i32
      %lt3A_196 = arith.cmpi slt, %add3A_195, %lt3A : i32
      %convert_element_type3A_197 = arith.extui %lt3A_196 : i1 to i32
      %cond3A_198 = arith.constant 0 : i32
      %cond3A_199 = arith.cmpi ne, %convert_element_type3A_197, %cond3A_198 : i32
      scf.if %cond3A_199 {
        %add3A_312 = arith.constant 4 : i32
        %add3A_313 = arith.addi %add3A_179, %add3A_312 : i32
        %mul3A_314 = arith.constant 64 : i32
        %mul3A_315 = arith.muli %add3A_313, %mul3A_314 : i32
        %dma_start3A_316 = tpu.memref_slice %arg8[%mul3A_315] : memref<2560xi32, #tpu.memory_space<vmem>> -> memref<64xi32, #tpu.memory_space<vmem>>
        %dma_start3A_317 = arith.constant 0 : i32
        %dma_start3A_318 = arith.constant 0 : i32
        %dma_start3A_319 = tpu.memref_slice %arg2[%dma_start3A_317, %dma_start3A_318] : memref<10000x128xf32, #tpu.memory_space<hbm>> -> memref<10000x128xf32, #tpu.memory_space<hbm>>
        tpu.enqueue_indirect_dma source(%dma_start3A_319 : memref<10000x128xf32, #tpu.memory_space<hbm>>) target(%arg14 : memref<64x128xf32, #tpu.memory_space<vmem>>) offsets(%dma_start3A_316 : memref<64xi32, #tpu.memory_space<vmem>>) semaphore(%arg19 : memref<!tpu.dma_semaphore, #tpu.memory_space<semaphore_mem>>)
      } else {
      }
      %mul3A_200 = arith.constant 5 : i32
      %mul3A_201 = arith.muli %mul3A_200, %scan3A_175 : i32
      %add3A_202 = arith.constant 1 : i32
      %add3A_203 = arith.addi %mul3A_201, %add3A_202 : i32
      %mul3A_204 = arith.constant 64 : i32
      %mul3A_205 = arith.muli %add3A_203, %mul3A_204 : i32
      %dma_wait3A_206 = tpu.memref_slice %arg8[%mul3A_205] : memref<2560xi32, #tpu.memory_space<vmem>> -> memref<64xi32, #tpu.memory_space<vmem>>
      %dma_wait3A_207 = arith.constant 0 : i32
      %dma_wait3A_208 = arith.constant 0 : i32
      %dma_wait3A_209 = tpu.memref_slice %arg2[%dma_wait3A_207, %dma_wait3A_208] : memref<10000x128xf32, #tpu.memory_space<hbm>> -> memref<10000x128xf32, #tpu.memory_space<hbm>>
      tpu.wait_indirect_dma semaphore(%arg16 : memref<!tpu.dma_semaphore, #tpu.memory_space<semaphore_mem>>) src(%dma_wait3A_209 : memref<10000x128xf32, #tpu.memory_space<hbm>>) dst(%arg11 : memref<64x128xf32, #tpu.memory_space<vmem>>)
      %dma_start3A_210 = arith.constant 0 : i32
      %dma_start3A_211 = tpu.memref_slice %arg9[%add3A_203, %dma_start3A_210] : memref<40x64xi32, #tpu.memory_space<vmem>> -> memref<1x64xi32, #tpu.memory_space<vmem>>
      %dma_start3A_212 = tpu.memref_squeeze %dma_start3A_211 : memref<1x64xi32, #tpu.memory_space<vmem>> -> memref<64xi32, #tpu.memory_space<vmem>>
      %dma_start3A_213 = arith.constant 0 : i32
      %dma_start3A_214 = arith.constant 0 : i32
      %dma_start3A_215 = tpu.memref_slice %arg25[%dma_start3A_213, %dma_start3A_214] : memref<10112x128xf32, #tpu.memory_space<vmem_shared>> -> memref<10112x128xf32, #tpu.memory_space<vmem_shared>>
      tpu.enqueue_indirect_dma source(%arg11 : memref<64x128xf32, #tpu.memory_space<vmem>>) target(%dma_start3A_215 : memref<10112x128xf32, #tpu.memory_space<vmem_shared>>) offsets(%dma_start3A_212 : memref<64xi32, #tpu.memory_space<vmem>>) semaphore(%arg21 : memref<!tpu.dma_semaphore, #tpu.memory_space<semaphore_mem>>) {add = true}
      %ge3A_216 = arith.constant 1 : i32
      %ge3A_217 = arith.cmpi sge, %add3A_203, %ge3A_216 : i32
      %convert_element_type3A_218 = arith.extui %ge3A_217 : i1 to i32
      %cond3A_219 = arith.constant 0 : i32
      %cond3A_220 = arith.cmpi ne, %convert_element_type3A_218, %cond3A_219 : i32
      scf.if %cond3A_220 {
        %dma_wait3A_312 = arith.constant 0 : i32
        %dma_wait3A_313 = arith.constant 0 : i32
        %dma_wait3A_314 = tpu.memref_slice %arg9[%dma_wait3A_312, %dma_wait3A_313] : memref<40x64xi32, #tpu.memory_space<vmem>> -> memref<1x64xi32, #tpu.memory_space<vmem>>
        %dma_wait3A_315 = tpu.memref_squeeze %dma_wait3A_314 : memref<1x64xi32, #tpu.memory_space<vmem>> -> memref<64xi32, #tpu.memory_space<vmem>>
        %dma_wait3A_316 = arith.constant 0 : i32
        %dma_wait3A_317 = arith.constant 0 : i32
        %dma_wait3A_318 = tpu.memref_slice %arg25[%dma_wait3A_316, %dma_wait3A_317] : memref<10112x128xf32, #tpu.memory_space<vmem_shared>> -> memref<10112x128xf32, #tpu.memory_space<vmem_shared>>
        tpu.wait_indirect_dma semaphore(%arg20 : memref<!tpu.dma_semaphore, #tpu.memory_space<semaphore_mem>>) src(%arg10 : memref<64x128xf32, #tpu.memory_space<vmem>>) dst(%dma_wait3A_318 : memref<10112x128xf32, #tpu.memory_space<vmem_shared>>)
      } else {
      }
      %add3A_221 = arith.constant 4 : i32
      %add3A_222 = arith.addi %add3A_203, %add3A_221 : i32
      %lt3A_223 = arith.constant 40 : i32
      %lt3A_224 = arith.cmpi slt, %add3A_222, %lt3A_223 : i32
      %convert_element_type3A_225 = arith.extui %lt3A_224 : i1 to i32
      %cond3A_226 = arith.constant 0 : i32
      %cond3A_227 = arith.cmpi ne, %convert_element_type3A_225, %cond3A_226 : i32
      scf.if %cond3A_227 {
        %add3A_312 = arith.constant 4 : i32
        %add3A_313 = arith.addi %add3A_203, %add3A_312 : i32
        %mul3A_314 = arith.constant 64 : i32
        %mul3A_315 = arith.muli %add3A_313, %mul3A_314 : i32
        %dma_start3A_316 = tpu.memref_slice %arg8[%mul3A_315] : memref<2560xi32, #tpu.memory_space<vmem>> -> memref<64xi32, #tpu.memory_space<vmem>>
        %dma_start3A_317 = arith.constant 0 : i32
        %dma_start3A_318 = arith.constant 0 : i32
        %dma_start3A_319 = tpu.memref_slice %arg2[%dma_start3A_317, %dma_start3A_318] : memref<10000x128xf32, #tpu.memory_space<hbm>> -> memref<10000x128xf32, #tpu.memory_space<hbm>>
        tpu.enqueue_indirect_dma source(%dma_start3A_319 : memref<10000x128xf32, #tpu.memory_space<hbm>>) target(%arg10 : memref<64x128xf32, #tpu.memory_space<vmem>>) offsets(%dma_start3A_316 : memref<64xi32, #tpu.memory_space<vmem>>) semaphore(%arg15 : memref<!tpu.dma_semaphore, #tpu.memory_space<semaphore_mem>>)
      } else {
      }
      %mul3A_228 = arith.constant 5 : i32
      %mul3A_229 = arith.muli %mul3A_228, %scan3A_175 : i32
      %add3A_230 = arith.constant 2 : i32
      %add3A_231 = arith.addi %mul3A_229, %add3A_230 : i32
      %mul3A_232 = arith.constant 64 : i32
      %mul3A_233 = arith.muli %add3A_231, %mul3A_232 : i32
      %dma_wait3A_234 = tpu.memref_slice %arg8[%mul3A_233] : memref<2560xi32, #tpu.memory_space<vmem>> -> memref<64xi32, #tpu.memory_space<vmem>>
      %dma_wait3A_235 = arith.constant 0 : i32
      %dma_wait3A_236 = arith.constant 0 : i32
      %dma_wait3A_237 = tpu.memref_slice %arg2[%dma_wait3A_235, %dma_wait3A_236] : memref<10000x128xf32, #tpu.memory_space<hbm>> -> memref<10000x128xf32, #tpu.memory_space<hbm>>
      tpu.wait_indirect_dma semaphore(%arg17 : memref<!tpu.dma_semaphore, #tpu.memory_space<semaphore_mem>>) src(%dma_wait3A_237 : memref<10000x128xf32, #tpu.memory_space<hbm>>) dst(%arg12 : memref<64x128xf32, #tpu.memory_space<vmem>>)
      %dma_start3A_238 = arith.constant 0 : i32
      %dma_start3A_239 = tpu.memref_slice %arg9[%add3A_231, %dma_start3A_238] : memref<40x64xi32, #tpu.memory_space<vmem>> -> memref<1x64xi32, #tpu.memory_space<vmem>>
      %dma_start3A_240 = tpu.memref_squeeze %dma_start3A_239 : memref<1x64xi32, #tpu.memory_space<vmem>> -> memref<64xi32, #tpu.memory_space<vmem>>
      %dma_start3A_241 = arith.constant 0 : i32
      %dma_start3A_242 = arith.constant 0 : i32
      %dma_start3A_243 = tpu.memref_slice %arg25[%dma_start3A_241, %dma_start3A_242] : memref<10112x128xf32, #tpu.memory_space<vmem_shared>> -> memref<10112x128xf32, #tpu.memory_space<vmem_shared>>
      tpu.enqueue_indirect_dma source(%arg12 : memref<64x128xf32, #tpu.memory_space<vmem>>) target(%dma_start3A_243 : memref<10112x128xf32, #tpu.memory_space<vmem_shared>>) offsets(%dma_start3A_240 : memref<64xi32, #tpu.memory_space<vmem>>) semaphore(%arg22 : memref<!tpu.dma_semaphore, #tpu.memory_space<semaphore_mem>>) {add = true}
      %ge3A_244 = arith.constant 1 : i32
      %ge3A_245 = arith.cmpi sge, %add3A_231, %ge3A_244 : i32
      %convert_element_type3A_246 = arith.extui %ge3A_245 : i1 to i32
      %cond3A_247 = arith.constant 0 : i32
      %cond3A_248 = arith.cmpi ne, %convert_element_type3A_246, %cond3A_247 : i32
      scf.if %cond3A_248 {
        %dma_wait3A_312 = arith.constant 0 : i32
        %dma_wait3A_313 = arith.constant 0 : i32
        %dma_wait3A_314 = tpu.memref_slice %arg9[%dma_wait3A_312, %dma_wait3A_313] : memref<40x64xi32, #tpu.memory_space<vmem>> -> memref<1x64xi32, #tpu.memory_space<vmem>>
        %dma_wait3A_315 = tpu.memref_squeeze %dma_wait3A_314 : memref<1x64xi32, #tpu.memory_space<vmem>> -> memref<64xi32, #tpu.memory_space<vmem>>
        %dma_wait3A_316 = arith.constant 0 : i32
        %dma_wait3A_317 = arith.constant 0 : i32
        %dma_wait3A_318 = tpu.memref_slice %arg25[%dma_wait3A_316, %dma_wait3A_317] : memref<10112x128xf32, #tpu.memory_space<vmem_shared>> -> memref<10112x128xf32, #tpu.memory_space<vmem_shared>>
        tpu.wait_indirect_dma semaphore(%arg21 : memref<!tpu.dma_semaphore, #tpu.memory_space<semaphore_mem>>) src(%arg11 : memref<64x128xf32, #tpu.memory_space<vmem>>) dst(%dma_wait3A_318 : memref<10112x128xf32, #tpu.memory_space<vmem_shared>>)
      } else {
      }
      %add3A_249 = arith.constant 4 : i32
      %add3A_250 = arith.addi %add3A_231, %add3A_249 : i32
      %lt3A_251 = arith.constant 40 : i32
      %lt3A_252 = arith.cmpi slt, %add3A_250, %lt3A_251 : i32
      %convert_element_type3A_253 = arith.extui %lt3A_252 : i1 to i32
      %cond3A_254 = arith.constant 0 : i32
      %cond3A_255 = arith.cmpi ne, %convert_element_type3A_253, %cond3A_254 : i32
      scf.if %cond3A_255 {
        %add3A_312 = arith.constant 4 : i32
        %add3A_313 = arith.addi %add3A_231, %add3A_312 : i32
        %mul3A_314 = arith.constant 64 : i32
        %mul3A_315 = arith.muli %add3A_313, %mul3A_314 : i32
        %dma_start3A_316 = tpu.memref_slice %arg8[%mul3A_315] : memref<2560xi32, #tpu.memory_space<vmem>> -> memref<64xi32, #tpu.memory_space<vmem>>
        %dma_start3A_317 = arith.constant 0 : i32
        %dma_start3A_318 = arith.constant 0 : i32
        %dma_start3A_319 = tpu.memref_slice %arg2[%dma_start3A_317, %dma_start3A_318] : memref<10000x128xf32, #tpu.memory_space<hbm>> -> memref<10000x128xf32, #tpu.memory_space<hbm>>
        tpu.enqueue_indirect_dma source(%dma_start3A_319 : memref<10000x128xf32, #tpu.memory_space<hbm>>) target(%arg11 : memref<64x128xf32, #tpu.memory_space<vmem>>) offsets(%dma_start3A_316 : memref<64xi32, #tpu.memory_space<vmem>>) semaphore(%arg16 : memref<!tpu.dma_semaphore, #tpu.memory_space<semaphore_mem>>)
      } else {
      }
      %mul3A_256 = arith.constant 5 : i32
      %mul3A_257 = arith.muli %mul3A_256, %scan3A_175 : i32
      %add3A_258 = arith.constant 3 : i32
      %add3A_259 = arith.addi %mul3A_257, %add3A_258 : i32
      %mul3A_260 = arith.constant 64 : i32
      %mul3A_261 = arith.muli %add3A_259, %mul3A_260 : i32
      %dma_wait3A_262 = tpu.memref_slice %arg8[%mul3A_261] : memref<2560xi32, #tpu.memory_space<vmem>> -> memref<64xi32, #tpu.memory_space<vmem>>
      %dma_wait3A_263 = arith.constant 0 : i32
      %dma_wait3A_264 = arith.constant 0 : i32
      %dma_wait3A_265 = tpu.memref_slice %arg2[%dma_wait3A_263, %dma_wait3A_264] : memref<10000x128xf32, #tpu.memory_space<hbm>> -> memref<10000x128xf32, #tpu.memory_space<hbm>>
      tpu.wait_indirect_dma semaphore(%arg18 : memref<!tpu.dma_semaphore, #tpu.memory_space<semaphore_mem>>) src(%dma_wait3A_265 : memref<10000x128xf32, #tpu.memory_space<hbm>>) dst(%arg13 : memref<64x128xf32, #tpu.memory_space<vmem>>)
      %dma_start3A_266 = arith.constant 0 : i32
      %dma_start3A_267 = tpu.memref_slice %arg9[%add3A_259, %dma_start3A_266] : memref<40x64xi32, #tpu.memory_space<vmem>> -> memref<1x64xi32, #tpu.memory_space<vmem>>
      %dma_start3A_268 = tpu.memref_squeeze %dma_start3A_267 : memref<1x64xi32, #tpu.memory_space<vmem>> -> memref<64xi32, #tpu.memory_space<vmem>>
      %dma_start3A_269 = arith.constant 0 : i32
      %dma_start3A_270 = arith.constant 0 : i32
      %dma_start3A_271 = tpu.memref_slice %arg25[%dma_start3A_269, %dma_start3A_270] : memref<10112x128xf32, #tpu.memory_space<vmem_shared>> -> memref<10112x128xf32, #tpu.memory_space<vmem_shared>>
      tpu.enqueue_indirect_dma source(%arg13 : memref<64x128xf32, #tpu.memory_space<vmem>>) target(%dma_start3A_271 : memref<10112x128xf32, #tpu.memory_space<vmem_shared>>) offsets(%dma_start3A_268 : memref<64xi32, #tpu.memory_space<vmem>>) semaphore(%arg23 : memref<!tpu.dma_semaphore, #tpu.memory_space<semaphore_mem>>) {add = true}
      %ge3A_272 = arith.constant 1 : i32
      %ge3A_273 = arith.cmpi sge, %add3A_259, %ge3A_272 : i32
      %convert_element_type3A_274 = arith.extui %ge3A_273 : i1 to i32
      %cond3A_275 = arith.constant 0 : i32
      %cond3A_276 = arith.cmpi ne, %convert_element_type3A_274, %cond3A_275 : i32
      scf.if %cond3A_276 {
        %dma_wait3A_312 = arith.constant 0 : i32
        %dma_wait3A_313 = arith.constant 0 : i32
        %dma_wait3A_314 = tpu.memref_slice %arg9[%dma_wait3A_312, %dma_wait3A_313] : memref<40x64xi32, #tpu.memory_space<vmem>> -> memref<1x64xi32, #tpu.memory_space<vmem>>
        %dma_wait3A_315 = tpu.memref_squeeze %dma_wait3A_314 : memref<1x64xi32, #tpu.memory_space<vmem>> -> memref<64xi32, #tpu.memory_space<vmem>>
        %dma_wait3A_316 = arith.constant 0 : i32
        %dma_wait3A_317 = arith.constant 0 : i32
        %dma_wait3A_318 = tpu.memref_slice %arg25[%dma_wait3A_316, %dma_wait3A_317] : memref<10112x128xf32, #tpu.memory_space<vmem_shared>> -> memref<10112x128xf32, #tpu.memory_space<vmem_shared>>
        tpu.wait_indirect_dma semaphore(%arg22 : memref<!tpu.dma_semaphore, #tpu.memory_space<semaphore_mem>>) src(%arg12 : memref<64x128xf32, #tpu.memory_space<vmem>>) dst(%dma_wait3A_318 : memref<10112x128xf32, #tpu.memory_space<vmem_shared>>)
      } else {
      }
      %add3A_277 = arith.constant 4 : i32
      %add3A_278 = arith.addi %add3A_259, %add3A_277 : i32
      %lt3A_279 = arith.constant 40 : i32
      %lt3A_280 = arith.cmpi slt, %add3A_278, %lt3A_279 : i32
      %convert_element_type3A_281 = arith.extui %lt3A_280 : i1 to i32
      %cond3A_282 = arith.constant 0 : i32
      %cond3A_283 = arith.cmpi ne, %convert_element_type3A_281, %cond3A_282 : i32
      scf.if %cond3A_283 {
        %add3A_312 = arith.constant 4 : i32
        %add3A_313 = arith.addi %add3A_259, %add3A_312 : i32
        %mul3A_314 = arith.constant 64 : i32
        %mul3A_315 = arith.muli %add3A_313, %mul3A_314 : i32
        %dma_start3A_316 = tpu.memref_slice %arg8[%mul3A_315] : memref<2560xi32, #tpu.memory_space<vmem>> -> memref<64xi32, #tpu.memory_space<vmem>>
        %dma_start3A_317 = arith.constant 0 : i32
        %dma_start3A_318 = arith.constant 0 : i32
        %dma_start3A_319 = tpu.memref_slice %arg2[%dma_start3A_317, %dma_start3A_318] : memref<10000x128xf32, #tpu.memory_space<hbm>> -> memref<10000x128xf32, #tpu.memory_space<hbm>>
        tpu.enqueue_indirect_dma source(%dma_start3A_319 : memref<10000x128xf32, #tpu.memory_space<hbm>>) target(%arg12 : memref<64x128xf32, #tpu.memory_space<vmem>>) offsets(%dma_start3A_316 : memref<64xi32, #tpu.memory_space<vmem>>) semaphore(%arg17 : memref<!tpu.dma_semaphore, #tpu.memory_space<semaphore_mem>>)
      } else {
      }
      %mul3A_284 = arith.constant 5 : i32
      %mul3A_285 = arith.muli %mul3A_284, %scan3A_175 : i32
      %add3A_286 = arith.constant 4 : i32
      %add3A_287 = arith.addi %mul3A_285, %add3A_286 : i32
      %mul3A_288 = arith.constant 64 : i32
      %mul3A_289 = arith.muli %add3A_287, %mul3A_288 : i32
      %dma_wait3A_290 = tpu.memref_slice %arg8[%mul3A_289] : memref<2560xi32, #tpu.memory_space<vmem>> -> memref<64xi32, #tpu.memory_space<vmem>>
      %dma_wait3A_291 = arith.constant 0 : i32
      %dma_wait3A_292 = arith.constant 0 : i32
      %dma_wait3A_293 = tpu.memref_slice %arg2[%dma_wait3A_291, %dma_wait3A_292] : memref<10000x128xf32, #tpu.memory_space<hbm>> -> memref<10000x128xf32, #tpu.memory_space<hbm>>
      tpu.wait_indirect_dma semaphore(%arg19 : memref<!tpu.dma_semaphore, #tpu.memory_space<semaphore_mem>>) src(%dma_wait3A_293 : memref<10000x128xf32, #tpu.memory_space<hbm>>) dst(%arg14 : memref<64x128xf32, #tpu.memory_space<vmem>>)
      %dma_start3A_294 = arith.constant 0 : i32
      %dma_start3A_295 = tpu.memref_slice %arg9[%add3A_287, %dma_start3A_294] : memref<40x64xi32, #tpu.memory_space<vmem>> -> memref<1x64xi32, #tpu.memory_space<vmem>>
      %dma_start3A_296 = tpu.memref_squeeze %dma_start3A_295 : memref<1x64xi32, #tpu.memory_space<vmem>> -> memref<64xi32, #tpu.memory_space<vmem>>
      %dma_start3A_297 = arith.constant 0 : i32
      %dma_start3A_298 = arith.constant 0 : i32
      %dma_start3A_299 = tpu.memref_slice %arg25[%dma_start3A_297, %dma_start3A_298] : memref<10112x128xf32, #tpu.memory_space<vmem_shared>> -> memref<10112x128xf32, #tpu.memory_space<vmem_shared>>
      tpu.enqueue_indirect_dma source(%arg14 : memref<64x128xf32, #tpu.memory_space<vmem>>) target(%dma_start3A_299 : memref<10112x128xf32, #tpu.memory_space<vmem_shared>>) offsets(%dma_start3A_296 : memref<64xi32, #tpu.memory_space<vmem>>) semaphore(%arg24 : memref<!tpu.dma_semaphore, #tpu.memory_space<semaphore_mem>>) {add = true}
      %ge3A_300 = arith.constant 1 : i32
      %ge3A_301 = arith.cmpi sge, %add3A_287, %ge3A_300 : i32
      %convert_element_type3A_302 = arith.extui %ge3A_301 : i1 to i32
      %cond3A_303 = arith.constant 0 : i32
      %cond3A_304 = arith.cmpi ne, %convert_element_type3A_302, %cond3A_303 : i32
      scf.if %cond3A_304 {
        %dma_wait3A_312 = arith.constant 0 : i32
        %dma_wait3A_313 = arith.constant 0 : i32
        %dma_wait3A_314 = tpu.memref_slice %arg9[%dma_wait3A_312, %dma_wait3A_313] : memref<40x64xi32, #tpu.memory_space<vmem>> -> memref<1x64xi32, #tpu.memory_space<vmem>>
        %dma_wait3A_315 = tpu.memref_squeeze %dma_wait3A_314 : memref<1x64xi32, #tpu.memory_space<vmem>> -> memref<64xi32, #tpu.memory_space<vmem>>
        %dma_wait3A_316 = arith.constant 0 : i32
        %dma_wait3A_317 = arith.constant 0 : i32
        %dma_wait3A_318 = tpu.memref_slice %arg25[%dma_wait3A_316, %dma_wait3A_317] : memref<10112x128xf32, #tpu.memory_space<vmem_shared>> -> memref<10112x128xf32, #tpu.memory_space<vmem_shared>>
        tpu.wait_indirect_dma semaphore(%arg23 : memref<!tpu.dma_semaphore, #tpu.memory_space<semaphore_mem>>) src(%arg13 : memref<64x128xf32, #tpu.memory_space<vmem>>) dst(%dma_wait3A_318 : memref<10112x128xf32, #tpu.memory_space<vmem_shared>>)
      } else {
      }
      %add3A_305 = arith.constant 4 : i32
      %add3A_306 = arith.addi %add3A_287, %add3A_305 : i32
      %lt3A_307 = arith.constant 40 : i32
      %lt3A_308 = arith.cmpi slt, %add3A_306, %lt3A_307 : i32
      %convert_element_type3A_309 = arith.extui %lt3A_308 : i1 to i32
      %cond3A_310 = arith.constant 0 : i32
      %cond3A_311 = arith.cmpi ne, %convert_element_type3A_309, %cond3A_310 : i32
      scf.if %cond3A_311 {
        %add3A_312 = arith.constant 4 : i32
        %add3A_313 = arith.addi %add3A_287, %add3A_312 : i32
        %mul3A_314 = arith.constant 64 : i32
        %mul3A_315 = arith.muli %add3A_313, %mul3A_314 : i32
        %dma_start3A_316 = tpu.memref_slice %arg8[%mul3A_315] : memref<2560xi32, #tpu.memory_space<vmem>> -> memref<64xi32, #tpu.memory_space<vmem>>
        %dma_start3A_317 = arith.constant 0 : i32
        %dma_start3A_318 = arith.constant 0 : i32
        %dma_start3A_319 = tpu.memref_slice %arg2[%dma_start3A_317, %dma_start3A_318] : memref<10000x128xf32, #tpu.memory_space<hbm>> -> memref<10000x128xf32, #tpu.memory_space<hbm>>
        tpu.enqueue_indirect_dma source(%dma_start3A_319 : memref<10000x128xf32, #tpu.memory_space<hbm>>) target(%arg13 : memref<64x128xf32, #tpu.memory_space<vmem>>) offsets(%dma_start3A_316 : memref<64xi32, #tpu.memory_space<vmem>>) semaphore(%arg18 : memref<!tpu.dma_semaphore, #tpu.memory_space<semaphore_mem>>)
      } else {
      }
    }
    %scan3A_119 = arith.constant 8 : i32
    %dma_wait3A_120 = arith.constant 0 : i32
    %dma_wait3A_121 = arith.constant 0 : i32
    %dma_wait3A_122 = tpu.memref_slice %arg9[%dma_wait3A_120, %dma_wait3A_121] : memref<40x64xi32, #tpu.memory_space<vmem>> -> memref<1x64xi32, #tpu.memory_space<vmem>>
    %dma_wait3A_123 = tpu.memref_squeeze %dma_wait3A_122 : memref<1x64xi32, #tpu.memory_space<vmem>> -> memref<64xi32, #tpu.memory_space<vmem>>
    %dma_wait3A_124 = arith.constant 0 : i32
    %dma_wait3A_125 = arith.constant 0 : i32
    %dma_wait3A_126 = tpu.memref_slice %arg25[%dma_wait3A_124, %dma_wait3A_125] : memref<10112x128xf32, #tpu.memory_space<vmem_shared>> -> memref<10112x128xf32, #tpu.memory_space<vmem_shared>>
    tpu.wait_indirect_dma semaphore(%arg24 : memref<!tpu.dma_semaphore, #tpu.memory_space<semaphore_mem>>) src(%arg14 : memref<64x128xf32, #tpu.memory_space<vmem>>) dst(%dma_wait3A_126 : memref<10112x128xf32, #tpu.memory_space<vmem_shared>>)
    %mul3A_127 = arith.constant 16 : i32
    %mul3A_128 = arith.muli %arg0, %mul3A_127 : i32
    %add3A_129 = arith.addi %mul3A_128, %arg1 : i32
    %mul3A_130 = arith.constant 4 : i32
    %mul3A_131 = arith.muli %add3A_129, %mul3A_130 : i32
    %add3A_132 = arith.constant 3 : i32
    %add3A_133 = arith.addi %mul3A_131, %add3A_132 : i32
    %mul3A_134 = arith.constant 2560 : i32
    %mul3A_135 = arith.muli %add3A_133, %mul3A_134 : i32
    "tpu.region"() ({
      %run_scoped3A_175 = tpu.sem_alloc : memref<!tpu.dma_semaphore, #tpu.memory_space<semaphore_mem>>
      %dma_start3A_176 = tpu.memref_slice %arg3[%mul3A_135] : memref<327680xi32, #tpu.memory_space<hbm>> -> memref<2560xi32, #tpu.memory_space<hbm>>
      %dma_start3A_177 = tpu.memref_slice %arg3[%mul3A_135] : memref<327680xi32, #tpu.memory_space<hbm>> -> memref<2560xi32, #tpu.memory_space<hbm>>
      tpu.enqueue_dma source(%dma_start3A_177 : memref<2560xi32, #tpu.memory_space<hbm>>) target(%arg8 : memref<2560xi32, #tpu.memory_space<vmem>>) target_semaphore(%run_scoped3A_175 : memref<!tpu.dma_semaphore, #tpu.memory_space<semaphore_mem>>)
      %dma_wait3A_178 = tpu.memref_slice %arg3[%mul3A_135] : memref<327680xi32, #tpu.memory_space<hbm>> -> memref<2560xi32, #tpu.memory_space<hbm>>
      %dma_wait3A_179 = tpu.memref_slice %arg3[%mul3A_135] : memref<327680xi32, #tpu.memory_space<hbm>> -> memref<2560xi32, #tpu.memory_space<hbm>>
      tpu.wait_dma2 semaphore(%run_scoped3A_175 : memref<!tpu.dma_semaphore, #tpu.memory_space<semaphore_mem>>) src(%dma_wait3A_179 : memref<2560xi32, #tpu.memory_space<hbm>>) dst(%arg8 : memref<2560xi32, #tpu.memory_space<vmem>>)
      tpu.yield
    }) : () -> ()
    %run_scoped3A_136 = arith.constant 3 : i32
    "tpu.region"() ({
      %run_scoped3A_175 = tpu.sem_alloc : memref<!tpu.dma_semaphore, #tpu.memory_space<semaphore_mem>>
      %dma_start3A_176 = arith.constant 0 : i32
      %dma_start3A_177 = arith.constant 0 : i32
      %dma_start3A_178 = tpu.memref_slice %arg4[%arg0, %arg1, %run_scoped3A_136, %dma_start3A_176, %dma_start3A_177] : memref<2x16x4x40x64xi32, #tpu.memory_space<hbm>> -> memref<1x1x1x40x64xi32, #tpu.memory_space<hbm>>
      %dma_start3A_179 = tpu.memref_squeeze %dma_start3A_178 : memref<1x1x1x40x64xi32, #tpu.memory_space<hbm>> -> memref<40x64xi32, #tpu.memory_space<hbm>>
      %dma_start3A_180 = arith.constant 0 : i32
      %dma_start3A_181 = arith.constant 0 : i32
      %dma_start3A_182 = tpu.memref_slice %arg4[%arg0, %arg1, %run_scoped3A_136, %dma_start3A_180, %dma_start3A_181] : memref<2x16x4x40x64xi32, #tpu.memory_space<hbm>> -> memref<1x1x1x40x64xi32, #tpu.memory_space<hbm>>
      %dma_start3A_183 = tpu.memref_squeeze %dma_start3A_182 : memref<1x1x1x40x64xi32, #tpu.memory_space<hbm>> -> memref<40x64xi32, #tpu.memory_space<hbm>>
      tpu.enqueue_dma source(%dma_start3A_183 : memref<40x64xi32, #tpu.memory_space<hbm>>) target(%arg9 : memref<40x64xi32, #tpu.memory_space<vmem>>) target_semaphore(%run_scoped3A_175 : memref<!tpu.dma_semaphore, #tpu.memory_space<semaphore_mem>>)
      %dma_wait3A_184 = arith.constant 0 : i32
      %dma_wait3A_185 = arith.constant 0 : i32
      %dma_wait3A_186 = tpu.memref_slice %arg4[%arg0, %arg1, %run_scoped3A_136, %dma_wait3A_184, %dma_wait3A_185] : memref<2x16x4x40x64xi32, #tpu.memory_space<hbm>> -> memref<1x1x1x40x64xi32, #tpu.memory_space<hbm>>
      %dma_wait3A_187 = tpu.memref_squeeze %dma_wait3A_186 : memref<1x1x1x40x64xi32, #tpu.memory_space<hbm>> -> memref<40x64xi32, #tpu.memory_space<hbm>>
      %dma_wait3A_188 = arith.constant 0 : i32
      %dma_wait3A_189 = arith.constant 0 : i32
      %dma_wait3A_190 = tpu.memref_slice %arg4[%arg0, %arg1, %run_scoped3A_136, %dma_wait3A_188, %dma_wait3A_189] : memref<2x16x4x40x64xi32, #tpu.memory_space<hbm>> -> memref<1x1x1x40x64xi32, #tpu.memory_space<hbm>>
      %dma_wait3A_191 = tpu.memref_squeeze %dma_wait3A_190 : memref<1x1x1x40x64xi32, #tpu.memory_space<hbm>> -> memref<40x64xi32, #tpu.memory_space<hbm>>
      tpu.wait_dma2 semaphore(%run_scoped3A_175 : memref<!tpu.dma_semaphore, #tpu.memory_space<semaphore_mem>>) src(%dma_wait3A_191 : memref<40x64xi32, #tpu.memory_space<hbm>>) dst(%arg9 : memref<40x64xi32, #tpu.memory_space<vmem>>)
      tpu.yield
    }) : () -> ()
    %dma_start3A_137 = arith.constant 0 : i32
    %dma_start3A_138 = tpu.memref_slice %arg8[%dma_start3A_137] : memref<2560xi32, #tpu.memory_space<vmem>> -> memref<64xi32, #tpu.memory_space<vmem>>
    %dma_start3A_139 = arith.constant 0 : i32
    %dma_start3A_140 = arith.constant 0 : i32
    %dma_start3A_141 = tpu.memref_slice %arg2[%dma_start3A_139, %dma_start3A_140] : memref<10000x128xf32, #tpu.memory_space<hbm>> -> memref<10000x128xf32, #tpu.memory_space<hbm>>
    tpu.enqueue_indirect_dma source(%dma_start3A_141 : memref<10000x128xf32, #tpu.memory_space<hbm>>) target(%arg10 : memref<64x128xf32, #tpu.memory_space<vmem>>) offsets(%dma_start3A_138 : memref<64xi32, #tpu.memory_space<vmem>>) semaphore(%arg15 : memref<!tpu.dma_semaphore, #tpu.memory_space<semaphore_mem>>)
    %dma_start3A_142 = arith.constant 64 : i32
    %dma_start3A_143 = tpu.memref_slice %arg8[%dma_start3A_142] : memref<2560xi32, #tpu.memory_space<vmem>> -> memref<64xi32, #tpu.memory_space<vmem>>
    %dma_start3A_144 = arith.constant 0 : i32
    %dma_start3A_145 = arith.constant 0 : i32
    %dma_start3A_146 = tpu.memref_slice %arg2[%dma_start3A_144, %dma_start3A_145] : memref<10000x128xf32, #tpu.memory_space<hbm>> -> memref<10000x128xf32, #tpu.memory_space<hbm>>
    tpu.enqueue_indirect_dma source(%dma_start3A_146 : memref<10000x128xf32, #tpu.memory_space<hbm>>) target(%arg11 : memref<64x128xf32, #tpu.memory_space<vmem>>) offsets(%dma_start3A_143 : memref<64xi32, #tpu.memory_space<vmem>>) semaphore(%arg16 : memref<!tpu.dma_semaphore, #tpu.memory_space<semaphore_mem>>)
    %dma_start3A_147 = arith.constant 128 : i32
    %dma_start3A_148 = tpu.memref_slice %arg8[%dma_start3A_147] : memref<2560xi32, #tpu.memory_space<vmem>> -> memref<64xi32, #tpu.memory_space<vmem>>
    %dma_start3A_149 = arith.constant 0 : i32
    %dma_start3A_150 = arith.constant 0 : i32
    %dma_start3A_151 = tpu.memref_slice %arg2[%dma_start3A_149, %dma_start3A_150] : memref<10000x128xf32, #tpu.memory_space<hbm>> -> memref<10000x128xf32, #tpu.memory_space<hbm>>
    tpu.enqueue_indirect_dma source(%dma_start3A_151 : memref<10000x128xf32, #tpu.memory_space<hbm>>) target(%arg12 : memref<64x128xf32, #tpu.memory_space<vmem>>) offsets(%dma_start3A_148 : memref<64xi32, #tpu.memory_space<vmem>>) semaphore(%arg17 : memref<!tpu.dma_semaphore, #tpu.memory_space<semaphore_mem>>)
    %dma_start3A_152 = arith.constant 192 : i32
    %dma_start3A_153 = tpu.memref_slice %arg8[%dma_start3A_152] : memref<2560xi32, #tpu.memory_space<vmem>> -> memref<64xi32, #tpu.memory_space<vmem>>
    %dma_start3A_154 = arith.constant 0 : i32
    %dma_start3A_155 = arith.constant 0 : i32
    %dma_start3A_156 = tpu.memref_slice %arg2[%dma_start3A_154, %dma_start3A_155] : memref<10000x128xf32, #tpu.memory_space<hbm>> -> memref<10000x128xf32, #tpu.memory_space<hbm>>
    tpu.enqueue_indirect_dma source(%dma_start3A_156 : memref<10000x128xf32, #tpu.memory_space<hbm>>) target(%arg13 : memref<64x128xf32, #tpu.memory_space<vmem>>) offsets(%dma_start3A_153 : memref<64xi32, #tpu.memory_space<vmem>>) semaphore(%arg18 : memref<!tpu.dma_semaphore, #tpu.memory_space<semaphore_mem>>)
    %scan3A_157 = arith.constant 0 : i32
    %scan3A_158 = arith.constant 0 : i32
    %scan3A_159 = arith.constant 8 : i32
    %scan3A_160 = arith.addi %scan3A_158, %scan3A_159 : i32
    %scan3A_161 = arith.constant 1 : i32
    scf.for %scan3A_175 = %scan3A_158 to %scan3A_160 step %scan3A_161  : i32 {
      %mul3A_176 = arith.constant 5 : i32
      %mul3A_177 = arith.muli %mul3A_176, %scan3A_175 : i32
      %add3A_178 = arith.constant 0 : i32
      %add3A_179 = arith.addi %mul3A_177, %add3A_178 : i32
      %mul3A_180 = arith.constant 64 : i32
      %mul3A_181 = arith.muli %add3A_179, %mul3A_180 : i32
      %dma_wait3A_182 = tpu.memref_slice %arg8[%mul3A_181] : memref<2560xi32, #tpu.memory_space<vmem>> -> memref<64xi32, #tpu.memory_space<vmem>>
      %dma_wait3A_183 = arith.constant 0 : i32
      %dma_wait3A_184 = arith.constant 0 : i32
      %dma_wait3A_185 = tpu.memref_slice %arg2[%dma_wait3A_183, %dma_wait3A_184] : memref<10000x128xf32, #tpu.memory_space<hbm>> -> memref<10000x128xf32, #tpu.memory_space<hbm>>
      tpu.wait_indirect_dma semaphore(%arg15 : memref<!tpu.dma_semaphore, #tpu.memory_space<semaphore_mem>>) src(%dma_wait3A_185 : memref<10000x128xf32, #tpu.memory_space<hbm>>) dst(%arg10 : memref<64x128xf32, #tpu.memory_space<vmem>>)
      %dma_start3A_186 = arith.constant 0 : i32
      %dma_start3A_187 = tpu.memref_slice %arg9[%add3A_179, %dma_start3A_186] : memref<40x64xi32, #tpu.memory_space<vmem>> -> memref<1x64xi32, #tpu.memory_space<vmem>>
      %dma_start3A_188 = tpu.memref_squeeze %dma_start3A_187 : memref<1x64xi32, #tpu.memory_space<vmem>> -> memref<64xi32, #tpu.memory_space<vmem>>
      %dma_start3A_189 = arith.constant 0 : i32
      %dma_start3A_190 = arith.constant 0 : i32
      %dma_start3A_191 = tpu.memref_slice %arg25[%dma_start3A_189, %dma_start3A_190] : memref<10112x128xf32, #tpu.memory_space<vmem_shared>> -> memref<10112x128xf32, #tpu.memory_space<vmem_shared>>
      tpu.enqueue_indirect_dma source(%arg10 : memref<64x128xf32, #tpu.memory_space<vmem>>) target(%dma_start3A_191 : memref<10112x128xf32, #tpu.memory_space<vmem_shared>>) offsets(%dma_start3A_188 : memref<64xi32, #tpu.memory_space<vmem>>) semaphore(%arg20 : memref<!tpu.dma_semaphore, #tpu.memory_space<semaphore_mem>>) {add = true}
      %ge3A = arith.constant 1 : i32
      %ge3A_192 = arith.cmpi sge, %add3A_179, %ge3A : i32
      %convert_element_type3A = arith.extui %ge3A_192 : i1 to i32
      %cond3A = arith.constant 0 : i32
      %cond3A_193 = arith.cmpi ne, %convert_element_type3A, %cond3A : i32
      scf.if %cond3A_193 {
        %dma_wait3A_312 = arith.constant 0 : i32
        %dma_wait3A_313 = arith.constant 0 : i32
        %dma_wait3A_314 = tpu.memref_slice %arg9[%dma_wait3A_312, %dma_wait3A_313] : memref<40x64xi32, #tpu.memory_space<vmem>> -> memref<1x64xi32, #tpu.memory_space<vmem>>
        %dma_wait3A_315 = tpu.memref_squeeze %dma_wait3A_314 : memref<1x64xi32, #tpu.memory_space<vmem>> -> memref<64xi32, #tpu.memory_space<vmem>>
        %dma_wait3A_316 = arith.constant 0 : i32
        %dma_wait3A_317 = arith.constant 0 : i32
        %dma_wait3A_318 = tpu.memref_slice %arg25[%dma_wait3A_316, %dma_wait3A_317] : memref<10112x128xf32, #tpu.memory_space<vmem_shared>> -> memref<10112x128xf32, #tpu.memory_space<vmem_shared>>
        tpu.wait_indirect_dma semaphore(%arg24 : memref<!tpu.dma_semaphore, #tpu.memory_space<semaphore_mem>>) src(%arg14 : memref<64x128xf32, #tpu.memory_space<vmem>>) dst(%dma_wait3A_318 : memref<10112x128xf32, #tpu.memory_space<vmem_shared>>)
      } else {
      }
      %add3A_194 = arith.constant 4 : i32
      %add3A_195 = arith.addi %add3A_179, %add3A_194 : i32
      %lt3A = arith.constant 40 : i32
      %lt3A_196 = arith.cmpi slt, %add3A_195, %lt3A : i32
      %convert_element_type3A_197 = arith.extui %lt3A_196 : i1 to i32
      %cond3A_198 = arith.constant 0 : i32
      %cond3A_199 = arith.cmpi ne, %convert_element_type3A_197, %cond3A_198 : i32
      scf.if %cond3A_199 {
        %add3A_312 = arith.constant 4 : i32
        %add3A_313 = arith.addi %add3A_179, %add3A_312 : i32
        %mul3A_314 = arith.constant 64 : i32
        %mul3A_315 = arith.muli %add3A_313, %mul3A_314 : i32
        %dma_start3A_316 = tpu.memref_slice %arg8[%mul3A_315] : memref<2560xi32, #tpu.memory_space<vmem>> -> memref<64xi32, #tpu.memory_space<vmem>>
        %dma_start3A_317 = arith.constant 0 : i32
        %dma_start3A_318 = arith.constant 0 : i32
        %dma_start3A_319 = tpu.memref_slice %arg2[%dma_start3A_317, %dma_start3A_318] : memref<10000x128xf32, #tpu.memory_space<hbm>> -> memref<10000x128xf32, #tpu.memory_space<hbm>>
        tpu.enqueue_indirect_dma source(%dma_start3A_319 : memref<10000x128xf32, #tpu.memory_space<hbm>>) target(%arg14 : memref<64x128xf32, #tpu.memory_space<vmem>>) offsets(%dma_start3A_316 : memref<64xi32, #tpu.memory_space<vmem>>) semaphore(%arg19 : memref<!tpu.dma_semaphore, #tpu.memory_space<semaphore_mem>>)
      } else {
      }
      %mul3A_200 = arith.constant 5 : i32
      %mul3A_201 = arith.muli %mul3A_200, %scan3A_175 : i32
      %add3A_202 = arith.constant 1 : i32
      %add3A_203 = arith.addi %mul3A_201, %add3A_202 : i32
      %mul3A_204 = arith.constant 64 : i32
      %mul3A_205 = arith.muli %add3A_203, %mul3A_204 : i32
      %dma_wait3A_206 = tpu.memref_slice %arg8[%mul3A_205] : memref<2560xi32, #tpu.memory_space<vmem>> -> memref<64xi32, #tpu.memory_space<vmem>>
      %dma_wait3A_207 = arith.constant 0 : i32
      %dma_wait3A_208 = arith.constant 0 : i32
      %dma_wait3A_209 = tpu.memref_slice %arg2[%dma_wait3A_207, %dma_wait3A_208] : memref<10000x128xf32, #tpu.memory_space<hbm>> -> memref<10000x128xf32, #tpu.memory_space<hbm>>
      tpu.wait_indirect_dma semaphore(%arg16 : memref<!tpu.dma_semaphore, #tpu.memory_space<semaphore_mem>>) src(%dma_wait3A_209 : memref<10000x128xf32, #tpu.memory_space<hbm>>) dst(%arg11 : memref<64x128xf32, #tpu.memory_space<vmem>>)
      %dma_start3A_210 = arith.constant 0 : i32
      %dma_start3A_211 = tpu.memref_slice %arg9[%add3A_203, %dma_start3A_210] : memref<40x64xi32, #tpu.memory_space<vmem>> -> memref<1x64xi32, #tpu.memory_space<vmem>>
      %dma_start3A_212 = tpu.memref_squeeze %dma_start3A_211 : memref<1x64xi32, #tpu.memory_space<vmem>> -> memref<64xi32, #tpu.memory_space<vmem>>
      %dma_start3A_213 = arith.constant 0 : i32
      %dma_start3A_214 = arith.constant 0 : i32
      %dma_start3A_215 = tpu.memref_slice %arg25[%dma_start3A_213, %dma_start3A_214] : memref<10112x128xf32, #tpu.memory_space<vmem_shared>> -> memref<10112x128xf32, #tpu.memory_space<vmem_shared>>
      tpu.enqueue_indirect_dma source(%arg11 : memref<64x128xf32, #tpu.memory_space<vmem>>) target(%dma_start3A_215 : memref<10112x128xf32, #tpu.memory_space<vmem_shared>>) offsets(%dma_start3A_212 : memref<64xi32, #tpu.memory_space<vmem>>) semaphore(%arg21 : memref<!tpu.dma_semaphore, #tpu.memory_space<semaphore_mem>>) {add = true}
      %ge3A_216 = arith.constant 1 : i32
      %ge3A_217 = arith.cmpi sge, %add3A_203, %ge3A_216 : i32
      %convert_element_type3A_218 = arith.extui %ge3A_217 : i1 to i32
      %cond3A_219 = arith.constant 0 : i32
      %cond3A_220 = arith.cmpi ne, %convert_element_type3A_218, %cond3A_219 : i32
      scf.if %cond3A_220 {
        %dma_wait3A_312 = arith.constant 0 : i32
        %dma_wait3A_313 = arith.constant 0 : i32
        %dma_wait3A_314 = tpu.memref_slice %arg9[%dma_wait3A_312, %dma_wait3A_313] : memref<40x64xi32, #tpu.memory_space<vmem>> -> memref<1x64xi32, #tpu.memory_space<vmem>>
        %dma_wait3A_315 = tpu.memref_squeeze %dma_wait3A_314 : memref<1x64xi32, #tpu.memory_space<vmem>> -> memref<64xi32, #tpu.memory_space<vmem>>
        %dma_wait3A_316 = arith.constant 0 : i32
        %dma_wait3A_317 = arith.constant 0 : i32
        %dma_wait3A_318 = tpu.memref_slice %arg25[%dma_wait3A_316, %dma_wait3A_317] : memref<10112x128xf32, #tpu.memory_space<vmem_shared>> -> memref<10112x128xf32, #tpu.memory_space<vmem_shared>>
        tpu.wait_indirect_dma semaphore(%arg20 : memref<!tpu.dma_semaphore, #tpu.memory_space<semaphore_mem>>) src(%arg10 : memref<64x128xf32, #tpu.memory_space<vmem>>) dst(%dma_wait3A_318 : memref<10112x128xf32, #tpu.memory_space<vmem_shared>>)
      } else {
      }
      %add3A_221 = arith.constant 4 : i32
      %add3A_222 = arith.addi %add3A_203, %add3A_221 : i32
      %lt3A_223 = arith.constant 40 : i32
      %lt3A_224 = arith.cmpi slt, %add3A_222, %lt3A_223 : i32
      %convert_element_type3A_225 = arith.extui %lt3A_224 : i1 to i32
      %cond3A_226 = arith.constant 0 : i32
      %cond3A_227 = arith.cmpi ne, %convert_element_type3A_225, %cond3A_226 : i32
      scf.if %cond3A_227 {
        %add3A_312 = arith.constant 4 : i32
        %add3A_313 = arith.addi %add3A_203, %add3A_312 : i32
        %mul3A_314 = arith.constant 64 : i32
        %mul3A_315 = arith.muli %add3A_313, %mul3A_314 : i32
        %dma_start3A_316 = tpu.memref_slice %arg8[%mul3A_315] : memref<2560xi32, #tpu.memory_space<vmem>> -> memref<64xi32, #tpu.memory_space<vmem>>
        %dma_start3A_317 = arith.constant 0 : i32
        %dma_start3A_318 = arith.constant 0 : i32
        %dma_start3A_319 = tpu.memref_slice %arg2[%dma_start3A_317, %dma_start3A_318] : memref<10000x128xf32, #tpu.memory_space<hbm>> -> memref<10000x128xf32, #tpu.memory_space<hbm>>
        tpu.enqueue_indirect_dma source(%dma_start3A_319 : memref<10000x128xf32, #tpu.memory_space<hbm>>) target(%arg10 : memref<64x128xf32, #tpu.memory_space<vmem>>) offsets(%dma_start3A_316 : memref<64xi32, #tpu.memory_space<vmem>>) semaphore(%arg15 : memref<!tpu.dma_semaphore, #tpu.memory_space<semaphore_mem>>)
      } else {
      }
      %mul3A_228 = arith.constant 5 : i32
      %mul3A_229 = arith.muli %mul3A_228, %scan3A_175 : i32
      %add3A_230 = arith.constant 2 : i32
      %add3A_231 = arith.addi %mul3A_229, %add3A_230 : i32
      %mul3A_232 = arith.constant 64 : i32
      %mul3A_233 = arith.muli %add3A_231, %mul3A_232 : i32
      %dma_wait3A_234 = tpu.memref_slice %arg8[%mul3A_233] : memref<2560xi32, #tpu.memory_space<vmem>> -> memref<64xi32, #tpu.memory_space<vmem>>
      %dma_wait3A_235 = arith.constant 0 : i32
      %dma_wait3A_236 = arith.constant 0 : i32
      %dma_wait3A_237 = tpu.memref_slice %arg2[%dma_wait3A_235, %dma_wait3A_236] : memref<10000x128xf32, #tpu.memory_space<hbm>> -> memref<10000x128xf32, #tpu.memory_space<hbm>>
      tpu.wait_indirect_dma semaphore(%arg17 : memref<!tpu.dma_semaphore, #tpu.memory_space<semaphore_mem>>) src(%dma_wait3A_237 : memref<10000x128xf32, #tpu.memory_space<hbm>>) dst(%arg12 : memref<64x128xf32, #tpu.memory_space<vmem>>)
      %dma_start3A_238 = arith.constant 0 : i32
      %dma_start3A_239 = tpu.memref_slice %arg9[%add3A_231, %dma_start3A_238] : memref<40x64xi32, #tpu.memory_space<vmem>> -> memref<1x64xi32, #tpu.memory_space<vmem>>
      %dma_start3A_240 = tpu.memref_squeeze %dma_start3A_239 : memref<1x64xi32, #tpu.memory_space<vmem>> -> memref<64xi32, #tpu.memory_space<vmem>>
      %dma_start3A_241 = arith.constant 0 : i32
      %dma_start3A_242 = arith.constant 0 : i32
      %dma_start3A_243 = tpu.memref_slice %arg25[%dma_start3A_241, %dma_start3A_242] : memref<10112x128xf32, #tpu.memory_space<vmem_shared>> -> memref<10112x128xf32, #tpu.memory_space<vmem_shared>>
      tpu.enqueue_indirect_dma source(%arg12 : memref<64x128xf32, #tpu.memory_space<vmem>>) target(%dma_start3A_243 : memref<10112x128xf32, #tpu.memory_space<vmem_shared>>) offsets(%dma_start3A_240 : memref<64xi32, #tpu.memory_space<vmem>>) semaphore(%arg22 : memref<!tpu.dma_semaphore, #tpu.memory_space<semaphore_mem>>) {add = true}
      %ge3A_244 = arith.constant 1 : i32
      %ge3A_245 = arith.cmpi sge, %add3A_231, %ge3A_244 : i32
      %convert_element_type3A_246 = arith.extui %ge3A_245 : i1 to i32
      %cond3A_247 = arith.constant 0 : i32
      %cond3A_248 = arith.cmpi ne, %convert_element_type3A_246, %cond3A_247 : i32
      scf.if %cond3A_248 {
        %dma_wait3A_312 = arith.constant 0 : i32
        %dma_wait3A_313 = arith.constant 0 : i32
        %dma_wait3A_314 = tpu.memref_slice %arg9[%dma_wait3A_312, %dma_wait3A_313] : memref<40x64xi32, #tpu.memory_space<vmem>> -> memref<1x64xi32, #tpu.memory_space<vmem>>
        %dma_wait3A_315 = tpu.memref_squeeze %dma_wait3A_314 : memref<1x64xi32, #tpu.memory_space<vmem>> -> memref<64xi32, #tpu.memory_space<vmem>>
        %dma_wait3A_316 = arith.constant 0 : i32
        %dma_wait3A_317 = arith.constant 0 : i32
        %dma_wait3A_318 = tpu.memref_slice %arg25[%dma_wait3A_316, %dma_wait3A_317] : memref<10112x128xf32, #tpu.memory_space<vmem_shared>> -> memref<10112x128xf32, #tpu.memory_space<vmem_shared>>
        tpu.wait_indirect_dma semaphore(%arg21 : memref<!tpu.dma_semaphore, #tpu.memory_space<semaphore_mem>>) src(%arg11 : memref<64x128xf32, #tpu.memory_space<vmem>>) dst(%dma_wait3A_318 : memref<10112x128xf32, #tpu.memory_space<vmem_shared>>)
      } else {
      }
      %add3A_249 = arith.constant 4 : i32
      %add3A_250 = arith.addi %add3A_231, %add3A_249 : i32
      %lt3A_251 = arith.constant 40 : i32
      %lt3A_252 = arith.cmpi slt, %add3A_250, %lt3A_251 : i32
      %convert_element_type3A_253 = arith.extui %lt3A_252 : i1 to i32
      %cond3A_254 = arith.constant 0 : i32
      %cond3A_255 = arith.cmpi ne, %convert_element_type3A_253, %cond3A_254 : i32
      scf.if %cond3A_255 {
        %add3A_312 = arith.constant 4 : i32
        %add3A_313 = arith.addi %add3A_231, %add3A_312 : i32
        %mul3A_314 = arith.constant 64 : i32
        %mul3A_315 = arith.muli %add3A_313, %mul3A_314 : i32
        %dma_start3A_316 = tpu.memref_slice %arg8[%mul3A_315] : memref<2560xi32, #tpu.memory_space<vmem>> -> memref<64xi32, #tpu.memory_space<vmem>>
        %dma_start3A_317 = arith.constant 0 : i32
        %dma_start3A_318 = arith.constant 0 : i32
        %dma_start3A_319 = tpu.memref_slice %arg2[%dma_start3A_317, %dma_start3A_318] : memref<10000x128xf32, #tpu.memory_space<hbm>> -> memref<10000x128xf32, #tpu.memory_space<hbm>>
        tpu.enqueue_indirect_dma source(%dma_start3A_319 : memref<10000x128xf32, #tpu.memory_space<hbm>>) target(%arg11 : memref<64x128xf32, #tpu.memory_space<vmem>>) offsets(%dma_start3A_316 : memref<64xi32, #tpu.memory_space<vmem>>) semaphore(%arg16 : memref<!tpu.dma_semaphore, #tpu.memory_space<semaphore_mem>>)
      } else {
      }
      %mul3A_256 = arith.constant 5 : i32
      %mul3A_257 = arith.muli %mul3A_256, %scan3A_175 : i32
      %add3A_258 = arith.constant 3 : i32
      %add3A_259 = arith.addi %mul3A_257, %add3A_258 : i32
      %mul3A_260 = arith.constant 64 : i32
      %mul3A_261 = arith.muli %add3A_259, %mul3A_260 : i32
      %dma_wait3A_262 = tpu.memref_slice %arg8[%mul3A_261] : memref<2560xi32, #tpu.memory_space<vmem>> -> memref<64xi32, #tpu.memory_space<vmem>>
      %dma_wait3A_263 = arith.constant 0 : i32
      %dma_wait3A_264 = arith.constant 0 : i32
      %dma_wait3A_265 = tpu.memref_slice %arg2[%dma_wait3A_263, %dma_wait3A_264] : memref<10000x128xf32, #tpu.memory_space<hbm>> -> memref<10000x128xf32, #tpu.memory_space<hbm>>
      tpu.wait_indirect_dma semaphore(%arg18 : memref<!tpu.dma_semaphore, #tpu.memory_space<semaphore_mem>>) src(%dma_wait3A_265 : memref<10000x128xf32, #tpu.memory_space<hbm>>) dst(%arg13 : memref<64x128xf32, #tpu.memory_space<vmem>>)
      %dma_start3A_266 = arith.constant 0 : i32
      %dma_start3A_267 = tpu.memref_slice %arg9[%add3A_259, %dma_start3A_266] : memref<40x64xi32, #tpu.memory_space<vmem>> -> memref<1x64xi32, #tpu.memory_space<vmem>>
      %dma_start3A_268 = tpu.memref_squeeze %dma_start3A_267 : memref<1x64xi32, #tpu.memory_space<vmem>> -> memref<64xi32, #tpu.memory_space<vmem>>
      %dma_start3A_269 = arith.constant 0 : i32
      %dma_start3A_270 = arith.constant 0 : i32
      %dma_start3A_271 = tpu.memref_slice %arg25[%dma_start3A_269, %dma_start3A_270] : memref<10112x128xf32, #tpu.memory_space<vmem_shared>> -> memref<10112x128xf32, #tpu.memory_space<vmem_shared>>
      tpu.enqueue_indirect_dma source(%arg13 : memref<64x128xf32, #tpu.memory_space<vmem>>) target(%dma_start3A_271 : memref<10112x128xf32, #tpu.memory_space<vmem_shared>>) offsets(%dma_start3A_268 : memref<64xi32, #tpu.memory_space<vmem>>) semaphore(%arg23 : memref<!tpu.dma_semaphore, #tpu.memory_space<semaphore_mem>>) {add = true}
      %ge3A_272 = arith.constant 1 : i32
      %ge3A_273 = arith.cmpi sge, %add3A_259, %ge3A_272 : i32
      %convert_element_type3A_274 = arith.extui %ge3A_273 : i1 to i32
      %cond3A_275 = arith.constant 0 : i32
      %cond3A_276 = arith.cmpi ne, %convert_element_type3A_274, %cond3A_275 : i32
      scf.if %cond3A_276 {
        %dma_wait3A_312 = arith.constant 0 : i32
        %dma_wait3A_313 = arith.constant 0 : i32
        %dma_wait3A_314 = tpu.memref_slice %arg9[%dma_wait3A_312, %dma_wait3A_313] : memref<40x64xi32, #tpu.memory_space<vmem>> -> memref<1x64xi32, #tpu.memory_space<vmem>>
        %dma_wait3A_315 = tpu.memref_squeeze %dma_wait3A_314 : memref<1x64xi32, #tpu.memory_space<vmem>> -> memref<64xi32, #tpu.memory_space<vmem>>
        %dma_wait3A_316 = arith.constant 0 : i32
        %dma_wait3A_317 = arith.constant 0 : i32
        %dma_wait3A_318 = tpu.memref_slice %arg25[%dma_wait3A_316, %dma_wait3A_317] : memref<10112x128xf32, #tpu.memory_space<vmem_shared>> -> memref<10112x128xf32, #tpu.memory_space<vmem_shared>>
        tpu.wait_indirect_dma semaphore(%arg22 : memref<!tpu.dma_semaphore, #tpu.memory_space<semaphore_mem>>) src(%arg12 : memref<64x128xf32, #tpu.memory_space<vmem>>) dst(%dma_wait3A_318 : memref<10112x128xf32, #tpu.memory_space<vmem_shared>>)
      } else {
      }
      %add3A_277 = arith.constant 4 : i32
      %add3A_278 = arith.addi %add3A_259, %add3A_277 : i32
      %lt3A_279 = arith.constant 40 : i32
      %lt3A_280 = arith.cmpi slt, %add3A_278, %lt3A_279 : i32
      %convert_element_type3A_281 = arith.extui %lt3A_280 : i1 to i32
      %cond3A_282 = arith.constant 0 : i32
      %cond3A_283 = arith.cmpi ne, %convert_element_type3A_281, %cond3A_282 : i32
      scf.if %cond3A_283 {
        %add3A_312 = arith.constant 4 : i32
        %add3A_313 = arith.addi %add3A_259, %add3A_312 : i32
        %mul3A_314 = arith.constant 64 : i32
        %mul3A_315 = arith.muli %add3A_313, %mul3A_314 : i32
        %dma_start3A_316 = tpu.memref_slice %arg8[%mul3A_315] : memref<2560xi32, #tpu.memory_space<vmem>> -> memref<64xi32, #tpu.memory_space<vmem>>
        %dma_start3A_317 = arith.constant 0 : i32
        %dma_start3A_318 = arith.constant 0 : i32
        %dma_start3A_319 = tpu.memref_slice %arg2[%dma_start3A_317, %dma_start3A_318] : memref<10000x128xf32, #tpu.memory_space<hbm>> -> memref<10000x128xf32, #tpu.memory_space<hbm>>
        tpu.enqueue_indirect_dma source(%dma_start3A_319 : memref<10000x128xf32, #tpu.memory_space<hbm>>) target(%arg12 : memref<64x128xf32, #tpu.memory_space<vmem>>) offsets(%dma_start3A_316 : memref<64xi32, #tpu.memory_space<vmem>>) semaphore(%arg17 : memref<!tpu.dma_semaphore, #tpu.memory_space<semaphore_mem>>)
      } else {
      }
      %mul3A_284 = arith.constant 5 : i32
      %mul3A_285 = arith.muli %mul3A_284, %scan3A_175 : i32
      %add3A_286 = arith.constant 4 : i32
      %add3A_287 = arith.addi %mul3A_285, %add3A_286 : i32
      %mul3A_288 = arith.constant 64 : i32
      %mul3A_289 = arith.muli %add3A_287, %mul3A_288 : i32
      %dma_wait3A_290 = tpu.memref_slice %arg8[%mul3A_289] : memref<2560xi32, #tpu.memory_space<vmem>> -> memref<64xi32, #tpu.memory_space<vmem>>
      %dma_wait3A_291 = arith.constant 0 : i32
      %dma_wait3A_292 = arith.constant 0 : i32
      %dma_wait3A_293 = tpu.memref_slice %arg2[%dma_wait3A_291, %dma_wait3A_292] : memref<10000x128xf32, #tpu.memory_space<hbm>> -> memref<10000x128xf32, #tpu.memory_space<hbm>>
      tpu.wait_indirect_dma semaphore(%arg19 : memref<!tpu.dma_semaphore, #tpu.memory_space<semaphore_mem>>) src(%dma_wait3A_293 : memref<10000x128xf32, #tpu.memory_space<hbm>>) dst(%arg14 : memref<64x128xf32, #tpu.memory_space<vmem>>)
      %dma_start3A_294 = arith.constant 0 : i32
      %dma_start3A_295 = tpu.memref_slice %arg9[%add3A_287, %dma_start3A_294] : memref<40x64xi32, #tpu.memory_space<vmem>> -> memref<1x64xi32, #tpu.memory_space<vmem>>
      %dma_start3A_296 = tpu.memref_squeeze %dma_start3A_295 : memref<1x64xi32, #tpu.memory_space<vmem>> -> memref<64xi32, #tpu.memory_space<vmem>>
      %dma_start3A_297 = arith.constant 0 : i32
      %dma_start3A_298 = arith.constant 0 : i32
      %dma_start3A_299 = tpu.memref_slice %arg25[%dma_start3A_297, %dma_start3A_298] : memref<10112x128xf32, #tpu.memory_space<vmem_shared>> -> memref<10112x128xf32, #tpu.memory_space<vmem_shared>>
      tpu.enqueue_indirect_dma source(%arg14 : memref<64x128xf32, #tpu.memory_space<vmem>>) target(%dma_start3A_299 : memref<10112x128xf32, #tpu.memory_space<vmem_shared>>) offsets(%dma_start3A_296 : memref<64xi32, #tpu.memory_space<vmem>>) semaphore(%arg24 : memref<!tpu.dma_semaphore, #tpu.memory_space<semaphore_mem>>) {add = true}
      %ge3A_300 = arith.constant 1 : i32
      %ge3A_301 = arith.cmpi sge, %add3A_287, %ge3A_300 : i32
      %convert_element_type3A_302 = arith.extui %ge3A_301 : i1 to i32
      %cond3A_303 = arith.constant 0 : i32
      %cond3A_304 = arith.cmpi ne, %convert_element_type3A_302, %cond3A_303 : i32
      scf.if %cond3A_304 {
        %dma_wait3A_312 = arith.constant 0 : i32
        %dma_wait3A_313 = arith.constant 0 : i32
        %dma_wait3A_314 = tpu.memref_slice %arg9[%dma_wait3A_312, %dma_wait3A_313] : memref<40x64xi32, #tpu.memory_space<vmem>> -> memref<1x64xi32, #tpu.memory_space<vmem>>
        %dma_wait3A_315 = tpu.memref_squeeze %dma_wait3A_314 : memref<1x64xi32, #tpu.memory_space<vmem>> -> memref<64xi32, #tpu.memory_space<vmem>>
        %dma_wait3A_316 = arith.constant 0 : i32
        %dma_wait3A_317 = arith.constant 0 : i32
        %dma_wait3A_318 = tpu.memref_slice %arg25[%dma_wait3A_316, %dma_wait3A_317] : memref<10112x128xf32, #tpu.memory_space<vmem_shared>> -> memref<10112x128xf32, #tpu.memory_space<vmem_shared>>
        tpu.wait_indirect_dma semaphore(%arg23 : memref<!tpu.dma_semaphore, #tpu.memory_space<semaphore_mem>>) src(%arg13 : memref<64x128xf32, #tpu.memory_space<vmem>>) dst(%dma_wait3A_318 : memref<10112x128xf32, #tpu.memory_space<vmem_shared>>)
      } else {
      }
      %add3A_305 = arith.constant 4 : i32
      %add3A_306 = arith.addi %add3A_287, %add3A_305 : i32
      %lt3A_307 = arith.constant 40 : i32
      %lt3A_308 = arith.cmpi slt, %add3A_306, %lt3A_307 : i32
      %convert_element_type3A_309 = arith.extui %lt3A_308 : i1 to i32
      %cond3A_310 = arith.constant 0 : i32
      %cond3A_311 = arith.cmpi ne, %convert_element_type3A_309, %cond3A_310 : i32
      scf.if %cond3A_311 {
        %add3A_312 = arith.constant 4 : i32
        %add3A_313 = arith.addi %add3A_287, %add3A_312 : i32
        %mul3A_314 = arith.constant 64 : i32
        %mul3A_315 = arith.muli %add3A_313, %mul3A_314 : i32
        %dma_start3A_316 = tpu.memref_slice %arg8[%mul3A_315] : memref<2560xi32, #tpu.memory_space<vmem>> -> memref<64xi32, #tpu.memory_space<vmem>>
        %dma_start3A_317 = arith.constant 0 : i32
        %dma_start3A_318 = arith.constant 0 : i32
        %dma_start3A_319 = tpu.memref_slice %arg2[%dma_start3A_317, %dma_start3A_318] : memref<10000x128xf32, #tpu.memory_space<hbm>> -> memref<10000x128xf32, #tpu.memory_space<hbm>>
        tpu.enqueue_indirect_dma source(%dma_start3A_319 : memref<10000x128xf32, #tpu.memory_space<hbm>>) target(%arg13 : memref<64x128xf32, #tpu.memory_space<vmem>>) offsets(%dma_start3A_316 : memref<64xi32, #tpu.memory_space<vmem>>) semaphore(%arg18 : memref<!tpu.dma_semaphore, #tpu.memory_space<semaphore_mem>>)
      } else {
      }
    }
    %scan3A_162 = arith.constant 8 : i32
    %dma_wait3A_163 = arith.constant 0 : i32
    %dma_wait3A_164 = arith.constant 0 : i32
    %dma_wait3A_165 = tpu.memref_slice %arg9[%dma_wait3A_163, %dma_wait3A_164] : memref<40x64xi32, #tpu.memory_space<vmem>> -> memref<1x64xi32, #tpu.memory_space<vmem>>
    %dma_wait3A_166 = tpu.memref_squeeze %dma_wait3A_165 : memref<1x64xi32, #tpu.memory_space<vmem>> -> memref<64xi32, #tpu.memory_space<vmem>>
    %dma_wait3A_167 = arith.constant 0 : i32
    %dma_wait3A_168 = arith.constant 0 : i32
    %dma_wait3A_169 = tpu.memref_slice %arg25[%dma_wait3A_167, %dma_wait3A_168] : memref<10112x128xf32, #tpu.memory_space<vmem_shared>> -> memref<10112x128xf32, #tpu.memory_space<vmem_shared>>
    tpu.wait_indirect_dma semaphore(%arg24 : memref<!tpu.dma_semaphore, #tpu.memory_space<semaphore_mem>>) src(%arg14 : memref<64x128xf32, #tpu.memory_space<vmem>>) dst(%dma_wait3A_169 : memref<10112x128xf32, #tpu.memory_space<vmem_shared>>)
    %barrier3A_170 = arith.constant 0 : index
    tpu.barrier barrier_id(%barrier3A_170)
    %mul3A_171 = arith.constant 632 : i32
    %mul3A_172 = arith.muli %arg1, %mul3A_171 : i32
    %mul3A_173 = arith.constant 632 : i32
    %mul3A_174 = arith.muli %arg1, %mul3A_173 : i32
    "tpu.region"() ({
      %run_scoped3A_175 = tpu.sem_alloc : memref<!tpu.dma_semaphore, #tpu.memory_space<semaphore_mem>>
      %dma_start3A_176 = arith.constant 0 : i32
      %dma_start3A_177 = tpu.memref_slice %arg7[%arg0, %mul3A_174, %dma_start3A_176] : memref<2x10112x128xf32, #tpu.memory_space<hbm>> -> memref<1x632x128xf32, #tpu.memory_space<hbm>>
      %dma_start3A_178 = tpu.memref_squeeze %dma_start3A_177 : memref<1x632x128xf32, #tpu.memory_space<hbm>> -> memref<632x128xf32, #tpu.memory_space<hbm>>
      %dma_start3A_179 = arith.constant 0 : i32
      %dma_start3A_180 = tpu.memref_slice %arg25[%mul3A_172, %dma_start3A_179] : memref<10112x128xf32, #tpu.memory_space<vmem_shared>> -> memref<632x128xf32, #tpu.memory_space<vmem_shared>>
      tpu.enqueue_dma source(%dma_start3A_180 : memref<632x128xf32, #tpu.memory_space<vmem_shared>>) target(%dma_start3A_178 : memref<632x128xf32, #tpu.memory_space<hbm>>) target_semaphore(%run_scoped3A_175 : memref<!tpu.dma_semaphore, #tpu.memory_space<semaphore_mem>>)
      %dma_wait3A_181 = arith.constant 0 : i32
      %dma_wait3A_182 = tpu.memref_slice %arg7[%arg0, %mul3A_174, %dma_wait3A_181] : memref<2x10112x128xf32, #tpu.memory_space<hbm>> -> memref<1x632x128xf32, #tpu.memory_space<hbm>>
      %dma_wait3A_183 = tpu.memref_squeeze %dma_wait3A_182 : memref<1x632x128xf32, #tpu.memory_space<hbm>> -> memref<632x128xf32, #tpu.memory_space<hbm>>
      %dma_wait3A_184 = arith.constant 0 : i32
      %dma_wait3A_185 = tpu.memref_slice %arg25[%mul3A_172, %dma_wait3A_184] : memref<10112x128xf32, #tpu.memory_space<vmem_shared>> -> memref<632x128xf32, #tpu.memory_space<vmem_shared>>
      tpu.wait_dma2 semaphore(%run_scoped3A_175 : memref<!tpu.dma_semaphore, #tpu.memory_space<semaphore_mem>>) src(%dma_wait3A_185 : memref<632x128xf32, #tpu.memory_space<vmem_shared>>) dst(%dma_wait3A_183 : memref<632x128xf32, #tpu.memory_space<hbm>>)
      tpu.yield
    }) : () -> ()
    return
  }
}

module attributes {stable_mosaic.version = 14 : i64} {
  func.func @_combine1_body(%arg0: i32, %arg1: memref<2x1024x128xf32, #tpu.memory_space<vmem>>, %arg2: memref<2x1024x128xf32, #tpu.memory_space<vmem>>, %arg3: memref<1024x128xf32, #tpu.memory_space<vmem>>, %arg4: memref<128x128xf32, #tpu.memory_space<vmem>>, %arg5: memref<128x128xf32, #tpu.memory_space<vmem>>, %arg6: memref<1x128xf32, #tpu.memory_space<vmem>>, %arg7: memref<1024x128xf32, #tpu.memory_space<vmem>>, %arg8: memref<1024x1xf32, #tpu.memory_space<vmem>>) attributes {dimension_semantics = [#tpu.dimension_semantics<arbitrary>], iteration_bounds = array<i64: 10>, scalar_prefetch = 0 : i64, scratch_operands = 0 : i64, tpu.core_type = #tpu.core_type<tc>, window_params = [{transform_indices = @transform_0, window_bounds = array<i64: 2, 1024, 128>}, {transform_indices = @transform_1, window_bounds = array<i64: 2, 1024, 128>}, {transform_indices = @transform_2, window_bounds = array<i64: 1024, 128>}, {pipeline_mode = #tpu.pipeline_mode<synchronous>, transform_indices = @transform_3, window_bounds = array<i64: 128, 128>}, {pipeline_mode = #tpu.pipeline_mode<synchronous>, transform_indices = @transform_4, window_bounds = array<i64: 128, 128>}, {pipeline_mode = #tpu.pipeline_mode<synchronous>, transform_indices = @transform_5, window_bounds = array<i64: 1, 128>}, {transform_indices = @transform_6, window_bounds = array<i64: 1024, 128>}, {transform_indices = @transform_7, window_bounds = array<i64: 1024, 1>}]} {
    %get3A = arith.constant 0 : index
    %get3A_0 = arith.constant 0 : index
    %get3A_1 = arith.constant 0 : index
    %get3A_2 = vector.load %arg1[%get3A, %get3A_0, %get3A_1] : memref<2x1024x128xf32, #tpu.memory_space<vmem>>, vector<1x1024x128xf32>
    %get3A_3 = vector.shape_cast %get3A_2 : vector<1x1024x128xf32> to vector<1024x128xf32>
    %get3A_4 = arith.constant 1 : index
    %get3A_5 = arith.constant 0 : index
    %get3A_6 = arith.constant 0 : index
    %get3A_7 = vector.load %arg1[%get3A_4, %get3A_5, %get3A_6] : memref<2x1024x128xf32, #tpu.memory_space<vmem>>, vector<1x1024x128xf32>
    %get3A_8 = vector.shape_cast %get3A_7 : vector<1x1024x128xf32> to vector<1024x128xf32>
    %add3A = arith.addf %get3A_3, %get3A_8 : vector<1024x128xf32>
    %get3A_9 = arith.constant 0 : index
    %get3A_10 = arith.constant 0 : index
    %get3A_11 = arith.constant 0 : index
    %get3A_12 = vector.load %arg2[%get3A_9, %get3A_10, %get3A_11] : memref<2x1024x128xf32, #tpu.memory_space<vmem>>, vector<1x1024x1xf32>
    %get3A_13 = vector.shape_cast %get3A_12 : vector<1x1024x1xf32> to vector<1024xf32>
    %get3A_14 = arith.constant 1 : index
    %get3A_15 = arith.constant 0 : index
    %get3A_16 = arith.constant 0 : index
    %get3A_17 = vector.load %arg2[%get3A_14, %get3A_15, %get3A_16] : memref<2x1024x128xf32, #tpu.memory_space<vmem>>, vector<1x1024x1xf32>
    %get3A_18 = vector.shape_cast %get3A_17 : vector<1x1024x1xf32> to vector<1024xf32>
    %add3A_19 = arith.addf %get3A_13, %get3A_18 : vector<1024xf32>
    %max3A = arith.constant 1.000000e+00 : f32
    %max3A_20 = vector.broadcast %max3A : f32 to vector<1024xf32>
    %max3A_21 = arith.maximumf %add3A_19, %max3A_20 : vector<1024xf32>
    %div3A = arith.constant 1.000000e+00 : f32
    %div3A_22 = vector.broadcast %div3A : f32 to vector<1024xf32>
    %div3A_23 = arith.divf %div3A_22, %max3A_21 : vector<1024xf32>
    %broadcast_in_dim3A = vector.shape_cast %div3A_23 : vector<1024xf32> to vector<1024x1xf32>
    %mul3A = vector.broadcast %broadcast_in_dim3A : vector<1024x1xf32> to vector<1024x128xf32>
    %mul3A_24 = arith.mulf %add3A, %mul3A : vector<1024x128xf32>
    %get3A_25 = arith.constant 0 : index
    %get3A_26 = arith.constant 0 : index
    %get3A_27 = vector.load %arg4[%get3A_25, %get3A_26] : memref<128x128xf32, #tpu.memory_space<vmem>>, vector<128x128xf32>
    %dot_general3A = arith.constant dense<0.000000e+00> : vector<1024x128xf32>
    %dot_general3A_28 = tpu.matmul %mul3A_24, %get3A_27, %dot_general3A {dimension_numbers = #tpu.dot_dimension_numbers<[1], [1], [0], [0], [0, 0, 1, 0], [], []>, transpose_lhs_hint = false} : vector<1024x128xf32>, vector<128x128xf32>, vector<1024x128xf32> -> vector<1024x128xf32>
    %get3A_29 = arith.constant 0 : index
    %get3A_30 = arith.constant 0 : index
    %get3A_31 = vector.load %arg3[%get3A_29, %get3A_30] : memref<1024x128xf32, #tpu.memory_space<vmem>>, vector<1024x128xf32>
    %get3A_32 = arith.constant 0 : index
    %get3A_33 = arith.constant 0 : index
    %get3A_34 = vector.load %arg5[%get3A_32, %get3A_33] : memref<128x128xf32, #tpu.memory_space<vmem>>, vector<128x128xf32>
    %dot_general3A_35 = arith.constant dense<0.000000e+00> : vector<1024x128xf32>
    %dot_general3A_36 = tpu.matmul %get3A_31, %get3A_34, %dot_general3A_35 {dimension_numbers = #tpu.dot_dimension_numbers<[1], [1], [0], [0], [0, 0, 1, 0], [], []>, transpose_lhs_hint = false} : vector<1024x128xf32>, vector<128x128xf32>, vector<1024x128xf32> -> vector<1024x128xf32>
    %add3A_37 = arith.addf %dot_general3A_28, %dot_general3A_36 : vector<1024x128xf32>
    %get3A_38 = arith.constant 0 : index
    %get3A_39 = arith.constant 0 : index
    %get3A_40 = vector.load %arg6[%get3A_38, %get3A_39] : memref<1x128xf32, #tpu.memory_space<vmem>>, vector<1x128xf32>
    %add3A_41 = vector.broadcast %get3A_40 : vector<1x128xf32> to vector<1024x128xf32>
    %add3A_42 = arith.addf %add3A_37, %add3A_41 : vector<1024x128xf32>
    %max3A_43 = arith.constant 0.000000e+00 : f32
    %max3A_44 = vector.broadcast %max3A_43 : f32 to vector<1024x128xf32>
    %max3A_45 = arith.maximumf %add3A_42, %max3A_44 : vector<1024x128xf32>
    %swap3A = arith.constant 0 : index
    %swap3A_46 = arith.constant 0 : index
    %swap3A_47 = vector.load %arg7[%swap3A, %swap3A_46] : memref<1024x128xf32, #tpu.memory_space<vmem>>, vector<1024x128xf32>
    tpu.vector_store %arg7[%swap3A, %swap3A_46], %max3A_45 {strides = array<i32>} : memref<1024x128xf32, #tpu.memory_space<vmem>>, vector<1024x128xf32>,
    %broadcast_in_dim3A_48 = vector.shape_cast %div3A_23 : vector<1024xf32> to vector<1024x1xf32>
    %swap3A_49 = arith.constant 0 : index
    %swap3A_50 = arith.constant 0 : index
    %swap3A_51 = vector.load %arg8[%swap3A_49, %swap3A_50] : memref<1024x1xf32, #tpu.memory_space<vmem>>, vector<1024x1xf32>
    tpu.vector_store %arg8[%swap3A_49, %swap3A_50], %broadcast_in_dim3A_48 {strides = array<i32>} : memref<1024x1xf32, #tpu.memory_space<vmem>>, vector<1024x1xf32>,
    return
  }
  func.func @transform_0(%arg0: i32) -> (i32, i32, i32) {
    %c0_i32 = arith.constant 0 : i32
    %c0_i32_0 = arith.constant 0 : i32
    %c0_i32_1 = arith.constant 0 : i32
    return %c0_i32, %arg0, %c0_i32_0 : i32, i32, i32
  }
  func.func @transform_1(%arg0: i32) -> (i32, i32, i32) {
    %c0_i32 = arith.constant 0 : i32
    %c0_i32_0 = arith.constant 0 : i32
    %c0_i32_1 = arith.constant 0 : i32
    return %c0_i32, %arg0, %c0_i32_0 : i32, i32, i32
  }
  func.func @transform_2(%arg0: i32) -> (i32, i32) {
    %c0_i32 = arith.constant 0 : i32
    %c0_i32_0 = arith.constant 0 : i32
    return %arg0, %c0_i32 : i32, i32
  }
  func.func @transform_3(%arg0: i32) -> (i32, i32) {
    %c0_i32 = arith.constant 0 : i32
    %c0_i32_0 = arith.constant 0 : i32
    %c0_i32_1 = arith.constant 0 : i32
    return %c0_i32, %c0_i32_0 : i32, i32
  }
  func.func @transform_4(%arg0: i32) -> (i32, i32) {
    %c0_i32 = arith.constant 0 : i32
    %c0_i32_0 = arith.constant 0 : i32
    %c0_i32_1 = arith.constant 0 : i32
    return %c0_i32, %c0_i32_0 : i32, i32
  }
  func.func @transform_5(%arg0: i32) -> (i32, i32) {
    %c0_i32 = arith.constant 0 : i32
    %c0_i32_0 = arith.constant 0 : i32
    %c0_i32_1 = arith.constant 0 : i32
    return %c0_i32, %c0_i32_0 : i32, i32
  }
  func.func @transform_6(%arg0: i32) -> (i32, i32) {
    %c0_i32 = arith.constant 0 : i32
    %c0_i32_0 = arith.constant 0 : i32
    return %arg0, %c0_i32 : i32, i32
  }
  func.func @transform_7(%arg0: i32) -> (i32, i32) {
    %c0_i32 = arith.constant 0 : i32
    %c0_i32_0 = arith.constant 0 : i32
    return %arg0, %c0_i32 : i32, i32
  }
}

module attributes {stable_mosaic.version = 14 : i64} {
  func.func @_combine2_body(%arg0: i32, %arg1: memref<2x1024x128xf32, #tpu.memory_space<vmem>>, %arg2: memref<1024x1xf32, #tpu.memory_space<vmem>>, %arg3: memref<1024x128xf32, #tpu.memory_space<vmem>>, %arg4: memref<128x128xf32, #tpu.memory_space<vmem>>, %arg5: memref<128x128xf32, #tpu.memory_space<vmem>>, %arg6: memref<1x128xf32, #tpu.memory_space<vmem>>, %arg7: memref<1024x128xf32, #tpu.memory_space<vmem>>) attributes {dimension_semantics = [#tpu.dimension_semantics<arbitrary>], iteration_bounds = array<i64: 10>, scalar_prefetch = 0 : i64, scratch_operands = 0 : i64, tpu.core_type = #tpu.core_type<tc>, window_params = [{transform_indices = @transform_0, window_bounds = array<i64: 2, 1024, 128>}, {transform_indices = @transform_1, window_bounds = array<i64: 1024, 1>}, {transform_indices = @transform_2, window_bounds = array<i64: 1024, 128>}, {pipeline_mode = #tpu.pipeline_mode<synchronous>, transform_indices = @transform_3, window_bounds = array<i64: 128, 128>}, {pipeline_mode = #tpu.pipeline_mode<synchronous>, transform_indices = @transform_4, window_bounds = array<i64: 128, 128>}, {pipeline_mode = #tpu.pipeline_mode<synchronous>, transform_indices = @transform_5, window_bounds = array<i64: 1, 128>}, {transform_indices = @transform_6, window_bounds = array<i64: 1024, 128>}]} {
    %get3A = arith.constant 0 : index
    %get3A_0 = arith.constant 0 : index
    %get3A_1 = arith.constant 0 : index
    %get3A_2 = vector.load %arg1[%get3A, %get3A_0, %get3A_1] : memref<2x1024x128xf32, #tpu.memory_space<vmem>>, vector<1x1024x128xf32>
    %get3A_3 = vector.shape_cast %get3A_2 : vector<1x1024x128xf32> to vector<1024x128xf32>
    %get3A_4 = arith.constant 1 : index
    %get3A_5 = arith.constant 0 : index
    %get3A_6 = arith.constant 0 : index
    %get3A_7 = vector.load %arg1[%get3A_4, %get3A_5, %get3A_6] : memref<2x1024x128xf32, #tpu.memory_space<vmem>>, vector<1x1024x128xf32>
    %get3A_8 = vector.shape_cast %get3A_7 : vector<1x1024x128xf32> to vector<1024x128xf32>
    %add3A = arith.addf %get3A_3, %get3A_8 : vector<1024x128xf32>
    %get3A_9 = arith.constant 0 : index
    %get3A_10 = arith.constant 0 : index
    %get3A_11 = vector.load %arg2[%get3A_9, %get3A_10] : memref<1024x1xf32, #tpu.memory_space<vmem>>, vector<1024x1xf32>
    %mul3A = vector.broadcast %get3A_11 : vector<1024x1xf32> to vector<1024x128xf32>
    %mul3A_12 = arith.mulf %add3A, %mul3A : vector<1024x128xf32>
    %get3A_13 = arith.constant 0 : index
    %get3A_14 = arith.constant 0 : index
    %get3A_15 = vector.load %arg4[%get3A_13, %get3A_14] : memref<128x128xf32, #tpu.memory_space<vmem>>, vector<128x128xf32>
    %dot_general3A = arith.constant dense<0.000000e+00> : vector<1024x128xf32>
    %dot_general3A_16 = tpu.matmul %mul3A_12, %get3A_15, %dot_general3A {dimension_numbers = #tpu.dot_dimension_numbers<[1], [1], [0], [0], [0, 0, 1, 0], [], []>, transpose_lhs_hint = false} : vector<1024x128xf32>, vector<128x128xf32>, vector<1024x128xf32> -> vector<1024x128xf32>
    %get3A_17 = arith.constant 0 : index
    %get3A_18 = arith.constant 0 : index
    %get3A_19 = vector.load %arg3[%get3A_17, %get3A_18] : memref<1024x128xf32, #tpu.memory_space<vmem>>, vector<1024x128xf32>
    %get3A_20 = arith.constant 0 : index
    %get3A_21 = arith.constant 0 : index
    %get3A_22 = vector.load %arg5[%get3A_20, %get3A_21] : memref<128x128xf32, #tpu.memory_space<vmem>>, vector<128x128xf32>
    %dot_general3A_23 = arith.constant dense<0.000000e+00> : vector<1024x128xf32>
    %dot_general3A_24 = tpu.matmul %get3A_19, %get3A_22, %dot_general3A_23 {dimension_numbers = #tpu.dot_dimension_numbers<[1], [1], [0], [0], [0, 0, 1, 0], [], []>, transpose_lhs_hint = false} : vector<1024x128xf32>, vector<128x128xf32>, vector<1024x128xf32> -> vector<1024x128xf32>
    %add3A_25 = arith.addf %dot_general3A_16, %dot_general3A_24 : vector<1024x128xf32>
    %get3A_26 = arith.constant 0 : index
    %get3A_27 = arith.constant 0 : index
    %get3A_28 = vector.load %arg6[%get3A_26, %get3A_27] : memref<1x128xf32, #tpu.memory_space<vmem>>, vector<1x128xf32>
    %add3A_29 = vector.broadcast %get3A_28 : vector<1x128xf32> to vector<1024x128xf32>
    %add3A_30 = arith.addf %add3A_25, %add3A_29 : vector<1024x128xf32>
    %reduce_max3A = arith.constant dense<0xFF800000> : vector<1024xf32>
    %reduce_max3A_31 = vector.multi_reduction <maximumf>, %add3A_30, %reduce_max3A [1] : vector<1024x128xf32> to vector<1024xf32>
    %broadcast_in_dim3A = vector.shape_cast %reduce_max3A_31 : vector<1024xf32> to vector<1024x1xf32>
    %sub3A = vector.broadcast %broadcast_in_dim3A : vector<1024x1xf32> to vector<1024x128xf32>
    %sub3A_32 = arith.subf %add3A_30, %sub3A : vector<1024x128xf32>
    %exp3A = math.exp %sub3A_32 : vector<1024x128xf32>
    %reduce_sum3A = arith.constant dense<0.000000e+00> : vector<1024xf32>
    %reduce_sum3A_33 = vector.multi_reduction <add>, %exp3A, %reduce_sum3A [1] : vector<1024x128xf32> to vector<1024xf32>
    %broadcast_in_dim3A_34 = vector.shape_cast %reduce_sum3A_33 : vector<1024xf32> to vector<1024x1xf32>
    %log3A = math.log %broadcast_in_dim3A_34 : vector<1024x1xf32>
    %sub3A_35 = vector.broadcast %log3A : vector<1024x1xf32> to vector<1024x128xf32>
    %sub3A_36 = arith.subf %sub3A_32, %sub3A_35 : vector<1024x128xf32>
    %swap3A = arith.constant 0 : index
    %swap3A_37 = arith.constant 0 : index
    %swap3A_38 = vector.load %arg7[%swap3A, %swap3A_37] : memref<1024x128xf32, #tpu.memory_space<vmem>>, vector<1024x128xf32>
    tpu.vector_store %arg7[%swap3A, %swap3A_37], %sub3A_36 {strides = array<i32>} : memref<1024x128xf32, #tpu.memory_space<vmem>>, vector<1024x128xf32>,
    return
  }
  func.func @transform_0(%arg0: i32) -> (i32, i32, i32) {
    %c0_i32 = arith.constant 0 : i32
    %c0_i32_0 = arith.constant 0 : i32
    %c0_i32_1 = arith.constant 0 : i32
    return %c0_i32, %arg0, %c0_i32_0 : i32, i32, i32
  }
  func.func @transform_1(%arg0: i32) -> (i32, i32) {
    %c0_i32 = arith.constant 0 : i32
    %c0_i32_0 = arith.constant 0 : i32
    return %arg0, %c0_i32 : i32, i32
  }
  func.func @transform_2(%arg0: i32) -> (i32, i32) {
    %c0_i32 = arith.constant 0 : i32
    %c0_i32_0 = arith.constant 0 : i32
    return %arg0, %c0_i32 : i32, i32
  }
  func.func @transform_3(%arg0: i32) -> (i32, i32) {
    %c0_i32 = arith.constant 0 : i32
    %c0_i32_0 = arith.constant 0 : i32
    %c0_i32_1 = arith.constant 0 : i32
    return %c0_i32, %c0_i32_0 : i32, i32
  }
  func.func @transform_4(%arg0: i32) -> (i32, i32) {
    %c0_i32 = arith.constant 0 : i32
    %c0_i32_0 = arith.constant 0 : i32
    %c0_i32_1 = arith.constant 0 : i32
    return %c0_i32, %c0_i32_0 : i32, i32
  }
  func.func @transform_5(%arg0: i32) -> (i32, i32) {
    %c0_i32 = arith.constant 0 : i32
    %c0_i32_0 = arith.constant 0 : i32
    %c0_i32_1 = arith.constant 0 : i32
    return %c0_i32, %c0_i32_0 : i32, i32
  }
  func.func @transform_6(%arg0: i32) -> (i32, i32) {
    %c0_i32 = arith.constant 0 : i32
    %c0_i32_0 = arith.constant 0 : i32
    return %arg0, %c0_i32 : i32, i32
  }
}

</mosaic_0001>

<sc_bundles>
// kernel: kernel.6.cloned.1.call-start
scs
__scs_entry_jumppad:
0x0: {  	(pc) =	sbr.rel $0x88, $3  }
0x1: {  	(tag) =	ssettag $0x0;
	lr =	simm.s32 $0x1  }
0x2: {  	[smem:$0x3F99] =	sst lr;
	_ =	strace $0xD0000000  }
0x3: {  	_ = 	snop  }
0x4: {  	_ = 	snop  }
0x5: {  	_ = 	snop  }
0x6: {  	_ = 	snop  }
0x7: {  	_ = 	snop  }
__scs_overlays_trampoline_lowered:
0x8: {  	[smem:$0x3FA8] =	sst s0  }
0x9: {  	[smem:$0x3FA9] =	sst s1  }
0xa: {  	[smem:$0x3FAA] =	sst s2  }
0xb: {  	[smem:$0x3FAB] =	sst s3  }
0xc: {  	[smem:$0x3FAC] =	sst s4  }
0xd: {  	[smem:$0x3FAD] =	sst s5  }
0xe: {  	[smem:$0x3FAE] =	sst s6  }
0xf: {  	[smem:$0x3FAF] =	sst s7  }
0x10: {  	[smem:$0x3FB0] =	sst s8  }
0x11: {  	[smem:$0x3FB1] =	sst s9;
	s0 =	simm.s32 @!p0 $0x0  }
0x12: {  	s1 =	sld [smem:$0x3F97];
	s0 =	simm.s32 @p0 $0x1  }
0x13: {  	[smem:$0x3FB2] =	sst s0;
	s0 =	simm.s32 @!p1 $0x0  }
0x14: {  	s2 =	sld [smem:$0x3F96];
	s0 =	simm.s32 @p1 $0x1  }
0x15: {  	[smem:$0x3FB3] =	sst s0;
	s0 =	simm.s32 @!p2 $0x0  }
0x16: {  	s3 =	sld [smem:$0x3FDB];
	s0 =	simm.s32 @p2 $0x1  }
0x17: {  	s4 =	simm.s32 $0x1BF5;
	[smem:$0x3FB5] =	sst s0  }
0x18: {  	s0 =	sld [smem:$0x3F98];
	_ =	swait.ge [sflag:s4], $0x0  }
0x19: {  	s7 =	sld [smem:$0x3F99]  }
0x1a: {  	s8 =	sadd.s32 $0xFFFFE003, lr  }
0x1b: {  	s9 =	sadd.s32 $0xFFFFFEF7, lr;
	s5 =	simm.s32 $0xFFFFFFFF;
	p2 =	slt.u32 s8, $0xFFFFF086  }
0x1c: {  	p1 =	slt.u32 s9, $0xF7A;
	s5 =	simm.s32 @!p2 $0x0  }
0x1d: {  	s5 =	simm.s32 @p1 $0x1;
	p0 =	seq.s32 s7, s2  }
0x1e: {  	s7 =	smul.u32 @!p0 $0xF7A, s2;
	p2 =	seq.s32 @!p0 s5, $0x0  }
0x1f: {  	s9 =	smul.u32 $0xF7A, s1;
	s8 =	simm.s32 @!p0 $0x1BF5;
	p2 =	por !p2, p0  }
0x20: {  	[sflag:s8] =	ssyncset.s32 @!p0 $0xFFFFF086;
	s6 =	sadd.s32 @!p0 s3, s7;
	s7 =	simm.s32 @!p0 $0x108  }
0x21: {  	s3 =	sadd.s32 s3, s9;
	s6 =	sadd.s32 @!p0 $0x88, s6;
	s7 =	simm.s32 @p2 $0x1082  }
0x22: {  	[simem:s7], [sflag:s8] =	dma.local @!p0 [hbm:s6], $0xF7A  }
0x23: {  	s9 =	sor.u32 $0xD0000000, s2;
	s6 =	simm.s32 $0x108;
	_ =	swait.ge @!p0 [sflag:s8], $0x0  }
0x24: {  	s3 =	sadd.s32 $0x88, s3;
	s6 =	simm.s32 @!p1 $0x1082;
	[sflag:s4] =	ssyncset.s32 $0xFFFFF086  }
0x25: {  	[simem:s6], [sflag:s4] =	dma.local [hbm:s3], $0xF7A  }
0x26: {  	[smem:$0x3F99] =	sst s1;
	(tag) =	ssettag s2;
	_ =	strace s9  }
0x27: {  	s1 =	sld [smem:$0x3FA9]  }
0x28: {  	s2 =	sld [smem:$0x3FAA]  }
0x29: {  	s4 =	sld [smem:$0x3FAC]  }
0x2a: {  	p0 =	seq.s32 s5, $0x0;
	s5 =	sld [smem:$0x3FAD]  }
0x2b: {  	s6 =	sld [smem:$0x3FAE]  }
0x2c: {  	s7 =	sld [smem:$0x3FAF]  }
0x2d: {  	s3 =	simm.s32 $0x108;
	s8 =	sld [smem:$0x3FB0]  }
0x2e: {  	s3 =	simm.s32 @!p0 $0x1082;
	s9 =	sld [smem:$0x3FB1]  }
0x2f: {  	lr =	sadd.s32 s0, s3;
	s0 =	sld [smem:$0x3FA8]  }
0x30: {  	s3 =	sld [smem:$0x3FAB]  }
0x31: {  	[smem:$0x3FB4] =	sst s10  }
0x32: {  	s10 =	sld [smem:$0x3FB2];
	_ =	sdelay $0x3  }
0x33: {  	p0 =	seq.s32 s10, $0x1;
	s10 =	sld [smem:$0x3FB4];
	_ =	sdelay $0x3  }
0x34: {  	[smem:$0x3FB4] =	sst s10  }
0x35: {  	s10 =	sld [smem:$0x3FB3];
	_ =	sdelay $0x3  }
0x36: {  	p1 =	seq.s32 s10, $0x1;
	s10 =	sld [smem:$0x3FB4];
	_ =	sdelay $0x3  }
0x37: {  	[smem:$0x3FB4] =	sst s10  }
0x38: {  	s10 =	sld [smem:$0x3FB5]  }
0x39: {  	_ = 	snop;
	(pc) =	sbr.ind lr, $3  }
0x3a: {  	_ = 	snop  }
0x3b: {  	_ = 	snop  }
0x3c: {  	p2 =	seq.s32 s10, $0x1;
	s10 =	sld [smem:$0x3FB4]  }
0x3d: {  	_ =	shalt  }
0x3e: {  	_ =	shalt  }
0x3f: {  	_ =	shalt  }
0x40: {  	_ =	shalt  }
0x41: {  	_ =	shalt  }
0x42: {  	_ =	shalt  }
0x43: {  	_ =	shalt  }
0x44: {  	_ =	shalt  }
0x45: {  	_ =	shalt  }
0x46: {  	_ =	shalt  }
0x47: {  	_ =	shalt  }
0x48: {  	_ =	shalt  }
0x49: {  	_ =	shalt  }
0x4a: {  	_ =	shalt  }
0x4b: {  	_ =	shalt  }
0x4c: {  	_ =	shalt  }
0x4d: {  	_ =	shalt  }
0x4e: {  	_ =	shalt  }
0x4f: {  	_ =	shalt  }
0x50: {  	_ =	shalt  }
0x51: {  	_ =	shalt  }
0x52: {  	_ =	shalt  }
0x53: {  	_ =	shalt  }
0x54: {  	_ =	shalt  }
0x55: {  	_ =	shalt  }
0x56: {  	_ =	shalt  }
0x57: {  	_ =	shalt  }
0x58: {  	_ =	shalt  }
0x59: {  	_ =	shalt  }
0x5a: {  	_ =	shalt  }
0x5b: {  	_ =	shalt  }
0x5c: {  	_ =	shalt  }
0x5d: {  	_ =	shalt  }
0x5e: {  	_ =	shalt  }
0x5f: {  	_ =	shalt  }
0x60: {  	_ =	shalt  }
0x61: {  	_ =	shalt  }
0x62: {  	_ =	shalt  }
0x63: {  	_ =	shalt  }
0x64: {  	_ =	shalt  }
0x65: {  	_ =	shalt  }
0x66: {  	_ =	shalt  }
0x67: {  	_ =	shalt  }
0x68: {  	_ =	shalt  }
0x69: {  	_ =	shalt  }
0x6a: {  	_ =	shalt  }
0x6b: {  	_ =	shalt  }
0x6c: {  	_ =	shalt  }
0x6d: {  	_ =	shalt  }
0x6e: {  	_ =	shalt  }
0x6f: {  	_ =	shalt  }
0x70: {  	_ =	shalt  }
0x71: {  	_ =	shalt  }
0x72: {  	_ =	shalt  }
0x73: {  	_ =	shalt  }
0x74: {  	_ =	shalt  }
0x75: {  	_ =	shalt  }
0x76: {  	_ =	shalt  }
0x77: {  	_ =	shalt  }
0x78: {  	_ =	shalt  }
0x79: {  	_ =	shalt  }
0x7a: {  	_ =	shalt  }
0x7b: {  	_ =	shalt  }
0x7c: {  	_ =	shalt  }
0x7d: {  	_ =	shalt  }
0x7e: {  	_ =	shalt  }
0x7f: {  	_ =	shalt  }
0x80: {  	_ =	shalt  }
0x81: {  	_ =	shalt  }
0x82: {  	_ =	shalt  }
0x83: {  	_ =	shalt  }
0x84: {  	_ =	shalt  }
0x85: {  	_ =	shalt  }
0x86: {  	_ =	shalt  }
0x87: {  	_ =	shalt  }
.Lfunc_end0:
.L_simem_size_0:
called_computation_lowered:
.L_overlay_start_0:
0x88: {  	s2 =	sld [smem:$0x3FD9]  }
0x89: {  	s3 =	sld [smem:$0x3FFE];
	_ =	sdelay $0x1  }
0x8a: {  	s1 =	srdreg.scid  }
0x8b: {  	s0 =	sand.u32 $0x1, s1  }
0x8c: {  	s17 =	sshll.u32 s0, $0xA;
	s2 =	sadd.s32 s3, s2  }
0x8d: {  	s2 =	sadd.s32 s2, s17  }
0x8e: {  	[smem:$0x3FC0] =	sst s2  }
0x8f: {  	_ = 	snop  }
0x90: {  	s2 =	sld [smem:$0x3FC9];
	(tm) =	ssettm $0x1  }
0x91: {  	s18 =	sld [smem:$0x3FFB];
	_ =	sdelay $0x3  }
0x92: {  	_ =	strace s18  }
0x93: {  	s3 =	sld [smem:$0x3FFC];
	_ =	sdelay $0x3  }
0x94: {  	_ =	strace s3  }
0x95: {  	s3 =	sld [smem:$0x3FFD];
	_ =	sdelay $0x3  }
0x96: {  	_ =	strace s3  }
0x97: {  	_ =	strace $0x8FFFFFFF  }
0x98: {  	s19 =	sld [smem:$0x3FDB];
	_ =	sdelay $0x1  }
0x99: {  	s4 =	simm.s32 $_scs_section_size  }
0x9a: {  	s5 =	simm.s32 $_size__tile_overlayer_lowered;
	s6 =	simm.s32 $_tile_overlayer_lowered  }
0x9b: {  	s22 =	simm.s32 $0x1BFF;
	s21 =	sshll.u32 s6, $0x1;
	s3 =	sadd.s32 s4, s19  }
0x9c: {  	s7 =	simm.s32 $0x0;
	s20 =	sshll.u32 s5, $0x1;
	s5 =	sadd.s32 s21, s3  }
0x9d: {  	[timem:s7], [sflag:s22] =	dma.local [hbm:s5], s20  }
0x9e: {  	_ =	swait.ge [sflag:s22], s20  }
0x9f: {  	s4 =	ssub.s32 $0x0, s20;
	[sflag:s22] =	ssyncset.done $0x0  }
0xa0: {  	[sflag:s22] =	ssyncadd.s32 s4;
	_ =	sdelay $0x1  }
0xa1: {  	s23 =	simm.s32 $0x1B8B  }
0xa2: {  	_ =	swait.ge [sflag:s23], $0x1  }
0xa3: {  	[sflag:s23] =	ssyncset.done $0x0  }
0xa4: {  	s25 =	simm.s32 $0x1B8E;
	s24 =	sld [smem:$0x3FFE];
	[sflag:s23] =	ssyncadd.s32 $0xFFFFFFFF  }
0xa5: {  	s26 =	simm.s32 $execute0_lowered;
	[smem:$0x3FD2] =	sst s25  }
0xa6: {  	s5 =	sshll.u32 s26, $0x1;
	_ =	strace $0x80000046;
	[dreg:$0x1] =	wrdreg $0xFFFFFFFF  }
0xa7: {  	s28 =	simm.s32 $_size_execute0_lowered;
	s3 =	sadd.s32 s3, s5;
	[dreg:$0x0] =	wrdreg $0x0  }
0xa8: {  	s5 =	sshll.u32 s28, $0x1;
	[dreg:$0x2] =	wrdreg s3  }
0xa9: {  	[dreg:$0x3] =	wrdreg s5  }
0xaa: {  	[dreg:$0x4] =	wrdreg $0xC0  }
0xab: {  	_ =	task [dreg:s7], $0x5FFFF  }
0xac: {  	[dreg:$0x1] =	wrdreg $0xFFFFFFFF  }
0xad: {  	[dreg:$0x0] =	wrdreg $0x60  }
0xae: {  	[dreg:$0x2] =	wrdreg s2  }
0xaf: {  	[dreg:$0x3] =	wrdreg s24  }
0xb0: {  	[dreg:$0x4] =	wrdreg $0xBE000  }
0xb1: {  	[dreg:$0x5] =	wrdreg $0x9  }
0xb2: {  	_ =	task.clear_ibuf [dreg:s7], $0x6FFFF;
	_ =	strace $0x90000046  }
0xb3: {  	s29 =	simm.s32 $0x9;
	_ =	strace $0x80000048  }
0xb4: {  	_ =	swait.ge [sflag:s29], $0x1  }
0xb5: {  	[sflag:s29] =	ssyncadd.s32 $0xFFFFFFFF  }
0xb6: {  	_ =	strace $0x90000048  }
0xb7: {  	_ =	sfence  }
0xb8: {  	s30 =	sld [smem:$0x0];
	_ =	sdelay $0x2  }
0xb9: {  	s31 =	sshll.u32 s1, $0xD;
	s1 =	sshrl.u32 s1, $0x2  }
0xba: {  	s3 =	sand.u32 $0x4000, s31;
	s1 =	sadd.s32 s1, s30  }
0xbb: {  	s0 =	sor.u32 s3, s0;
	s1 =	sshll.u32 s1, $0x11  }
0xbc: {  	s0 =	sor.u32 s1, s0  }
0xbd: {  	s0 =	sadd.s32 $0x8F2B, s0  }
0xbe: {  	[sflag:s0] =	ssyncadd.remote.s32 $0x1  }
0xbf: {  	_ =	sfence.sel $0xFFFF  }
0xc0: {  	[dreg:$0x0] =	wrdreg $0xFFFFFFFF;
	(pc) =	sbr.abs _section_cstart, $3  }
0xc1: {  	[dreg:$0x1] =	wrdreg $0xFFFFFFFF  }
0xc2: {  	_ =	task.clear_ibuf [dreg:s7], $0x2FFFF;
	_ =	strace $0x9FFFFFFF  }
0xc3: {  	(tm) =	ssettm $0x7FFFFFFF  }
tec
execute0_lowered:
.L_overlay_start_1:
0x0: {  	(tag) =	ssettag $0x1  }
0x1: {  	s1 =	rddreg [dreg:$0x0]  }
0x2: {  	s0 =	srdreg.scid;
	s2 =	rddreg [dreg:$0x1]  }
0x3: {  	s10 =	stileid.u32;
	s3 =	rddreg [dreg:$0x2]  }
0x4: {  	s12 =	simm.s32 $0x0;
	s28 =	simm.s32 $0xC00;
	s5 =	smul.u32 $0x5000, s10  }
0x5: {  	s29 =	simm.s32 $0x3E00;
	s31 =	simm.s32 $0x5E00;
	s6 =	smul.u32 $0x13C00, s10  }
0x6: {  	s30 =	simm.s32 $0x5;
	s0 =	sand.u32 $0x1, s0;
	s24 =	smul.u32 $0x4F000, s10  }
0x7: {  	[smem:$0x7FF] =	sst s12;
	s8 =	sadd.s32 $0x2800, s2;
	s4 =	smul.u32 $0x50000, s0  }
0x8: {  	s9 =	sadd.s32 $0x20800, s2;
	s13 =	sshll.u32 s10, $0x6;
	s22 =	smul.u32 $0x13C000, s0  }
0x9: {  	_ =	strace $0x80000047;
	[dreg:$0x4] =	wrdreg s9;
	s25 =	ssub.s32 $0x2, s0  }
0xa: {  	s0 =	sshll.u32 s0, $0x4;
	s19 =	sor.u32 $0x1C0B, s13;
	s9 =	simm.s32 $0xC80  }
0xb: {  	s13 =	simm.s32 $0x9E00;
	s7 =	sshrl.u32 s6, $0x3;
	s26 =	sshrl.u32 s25, $0x1  }
0xc: {  	s0 =	sor.u32 s10, s0;
	s10 =	simm.s32 $0x1D80;
	[dreg:$0x6] =	wrdreg s19  }
0xd: {  	s4 =	sadd.s32 s5, s4;
	s5 =	sadd.s32 s6, s22;
	s14 =	smul.u32 $0x2800, s0  }
0xe: {  	s23 =	sadd.s32 s7, s2;
	s7 =	sshrl.u32 s24, $0x2;
	s0 =	smul.u32 $0x500, s0  }
0xf: {  	s6 =	simm.s32 $0x4;
	s4 =	sshrl.u32 s4, $0x3;
	s5 =	sshrl.u32 s5, $0x3  }
0x10: {  	s11 =	sadd.s32 s7, s3;
	s7 =	sadd.s32 $0x20C00, s23;
	s4 =	sadd.s32 s4, s2  }
0x11: {  	s2 =	sadd.s32 s5, s2;
	s5 =	ssub.s32 s25, s26;
	s17 =	sshrl.u32 s14, $0x3  }
0x12: {  	s0 =	sadd.s32 s8, s0;
	s14 =	simm.s32 $0x2;
	[dreg:$0x5] =	wrdreg s7  }
0x13: {  	s24 =	sadd.s32 $0xC800, s4;
	s15 =	sadd.s32 $0xCA80, s4;
	s16 =	sadd.s32 $0xCD00, s4  }
0x14: {  	s4 =	sadd.s32 $0xCF80, s4;
	s18 =	sadd.s32 $0x97400, s2;
	[dreg:$0xc] =	wrdreg s0  }
0x15: {  	s20 =	sadd.s32 s8, s17;
	s25 =	sadd.s32 $0x48400, s2;
	[dreg:$0x8] =	wrdreg s15  }
0x16: {  	s26 =	smax.u32 s5, $0x1;
	s0 =	simm.s32 $0x7E00;
	[dreg:$0x9] =	wrdreg s16  }
0x17: {  	s5 =	simm.s32 $0x1;
	s17 =	simm.s32 $0x7;
	[dreg:$0xa] =	wrdreg s4  }
0x18: {  	s8 =	simm.s32 $0x8;
	s2 =	simm.s32 $0x9;
	[dreg:$0xb] =	wrdreg s18  }
0x19: {  	s21 =	sadd.s32 $0x140, s20;
	s22 =	sadd.s32 $0x280, s20;
	[dreg:$0x10] =	wrdreg s25  }
0x1a: {  	s23 =	sadd.s32 $0x3C0, s20;
	[dreg:$0x11] =	wrdreg s26;
	s25 =	sshrl.u32 s11, $0x3  }
.Ltmp0:
0x1b: {  	s20 =	simm.s32 $0xB;
	[dreg:$0x7] =	wrdreg s24;
	(pc) =	sbr.rel .LBB2_1-.Ltmp0, $4  }
0x1c: {  	s26 =	simm.s32 $0xB80;
	s11 =	simm.s32 $0x6;
	[dreg:$0xd] =	wrdreg s21  }
0x1d: {  	s16 =	simm.s32 $0x3;
	s15 =	simm.s32 $0xA;
	[dreg:$0xe] =	wrdreg s22  }
0x1e: {  	s18 =	simm.s32 $0x0;
	[dreg:$0xf] =	wrdreg s23;
	s21 =	simm.s32 $0x1E00  }
0x1f: {  	s22 =	simm.s32 $0xA00;
	s23 =	simm.s32 $0x40;
	[dreg:$0x12] =	wrdreg s25  }
.LBB2_21:
0x20: {  	_ =	swait.ge [sflag:s30], $0x2000  }
0x21: {  	[sflag:s30] =	ssyncset.done $0x0  }
0x22: {  	[sflag:s30] =	ssyncadd.s32 $0xFFFFE000  }
0x23: {  	[spmem:s3] =	stream.indirect.scatter.add.f32 [tilespmem:s13], [sflag:$0xA], $0x80, s10, s23, $0xb8;
	[tilespmem:$0x1FA00] =	vst v63  }
0x24: {  	_ =	swait.ge [sflag:s2], $0x2000  }
0x25: {  	[sflag:s2] =	ssyncset.done $0x0  }
0x26: {  	[sflag:s2] =	ssyncadd.s32 $0xFFFFE000  }
0x27: {  	_ =	swait.ge [sflag:s15], $0x2000  }
0x28: {  	[sflag:s15] =	ssyncset.done $0x0  }
0x29: {  	[sflag:s15] =	ssyncadd.s32 $0xFFFFE000  }
0x2a: {  	[bflag:$0x0] =	sbarrier.arrive $0xFFFF  }
0x2b: {  	s19 =	rddreg [dreg:$0x6]  }
0x2c: {  	s4 =	rddreg [dreg:$0x10]  }
0x2d: {  	s25 =	rddreg [dreg:$0x12]  }
0x2e: {  	[hbm:s4], [sflag:s19] =	dma.local [spmem:s25], $0x2780  }
0x2f: {  	_ =	swait.ge [sflag:s20], $0x2780  }
0x30: {  	s18 =	sadd.s32 $0x1, s18;
	s24 =	rddreg [dreg:$0x11]  }
0x31: {  	p0 =	sne.s32 s18, s24  }
.Ltmp1:
0x32: {  	_ = 	snop;
	(pc) =	sbr.rel @!p0 .LBB2_22-.Ltmp1, $3  }
0x33: {  	_ =	sdelay $0x1  }
0x34: {  	s12 =	simm.s32 $0x0;
	[sflag:s20] =	ssyncset.done $0x0;
	s7 =	rddreg [dreg:$0x5]  }
0x35: {  	s9 =	simm.s32 $0xC80;
	[sflag:s20] =	ssyncadd.s32 $0xFFFFD880;
	s24 =	rddreg [dreg:$0x7]  }
.LBB2_1:
0x36: {  	[spmem:s25], [sflag:s19] =	dma.local [hbm:s7], $0x2780  }
0x37: {  	_ =	swait.ge [sflag:s20], $0x2780  }
0x38: {  	[sflag:s20] =	ssyncset.done $0x0  }
0x39: {  	s4 =	rddreg [dreg:$0x4];
	[sflag:s20] =	ssyncadd.s32 $0xFFFFD880  }
0x3a: {  	[tilespmem:s21], [sflag:$0xB] =	stream.linear.gather [hbm4b:s4+s12], $0x2000, $0x38;
	[tilespmem:$0x1FA00] =	vst v63  }
0x3b: {  	_ =	swait.ge [sflag:s20], $0x2000  }
0x3c: {  	[sflag:s20] =	ssyncset.done $0x0  }
0x3d: {  	[sflag:s20] =	ssyncadd.s32 $0xFFFFE000  }
0x3e: {  	[bflag:$0x0] =	sbarrier.arrive $0xFFFF  }
0x3f: {  	[tilespmem:s22], [sflag:$0xB] =	stream.linear.gather [hbm4b:s24+s12], $0x1400, $0x38;
	[tilespmem:$0x1FA00] =	vst v63  }
0x40: {  	_ =	swait.ge [sflag:s20], $0x1400  }
0x41: {  	[sflag:s20] =	ssyncset.done $0x0  }
0x42: {  	[sflag:s20] =	ssyncadd.s32 $0xFFFFEC00  }
0x43: {  	[spmem:s3] =	stream.indirect.scatter.add.f32 [tilespmem:s21], [sflag:$0x6], $0x80, s22, s23, $0xb8;
	[tilespmem:$0x1FA00] =	vst v63  }
0x44: {  	s4 =	simm.s32 $0xA80  }
0x45: {  	[spmem:s3] =	stream.indirect.scatter.add.f32 [tilespmem:s21], [sflag:$0x6], $0x80, s4, s23, $0xb8;
	[tilespmem:$0x1FA00] =	vst v63  }
0x46: {  	s4 =	simm.s32 $0xB00  }
0x47: {  	[spmem:s3] =	stream.indirect.scatter.add.f32 [tilespmem:s21], [sflag:$0x6], $0x80, s4, s23, $0xb8;
	[tilespmem:$0x1FA00] =	vst v63  }
0x48: {  	_ = 	snop  }
0x49: {  	[spmem:s3] =	stream.indirect.scatter.add.f32 [tilespmem:s21], [sflag:$0x6], $0x80, s26, s23, $0xb8;
	[tilespmem:$0x1FA00] =	vst v63  }
0x4a: {  	_ = 	snop  }
0x4b: {  	[spmem:s3] =	stream.indirect.scatter.add.f32 [tilespmem:s21], [sflag:$0x6], $0x80, s28, s23, $0xb8;
	[tilespmem:$0x1FA00] =	vst v63  }
0x4c: {  	_ = 	snop  }
0x4d: {  	[spmem:s3] =	stream.indirect.scatter.add.f32 [tilespmem:s21], [sflag:$0x6], $0x80, s9, s23, $0xb8;
	[tilespmem:$0x1FA00] =	vst v63  }
0x4e: {  	s4 =	simm.s32 $0xD00  }
0x4f: {  	[spmem:s3] =	stream.indirect.scatter.add.f32 [tilespmem:s21], [sflag:$0x6], $0x80, s4, s23, $0xb8;
	[tilespmem:$0x1FA00] =	vst v63  }
0x50: {  	s4 =	simm.s32 $0xD80  }
0x51: {  	[spmem:s3] =	stream.indirect.scatter.add.f32 [tilespmem:s21], [sflag:$0x6], $0x80, s4, s23, $0xb8;
	[tilespmem:$0x1FA00] =	vst v63  }
0x52: {  	s4 =	simm.s32 $0xE00  }
0x53: {  	[spmem:s3] =	stream.indirect.scatter.add.f32 [tilespmem:s21], [sflag:$0x6], $0x80, s4, s23, $0xb8;
	[tilespmem:$0x1FA00] =	vst v63  }
0x54: {  	s4 =	simm.s32 $0xE80  }
0x55: {  	[spmem:s3] =	stream.indirect.scatter.add.f32 [tilespmem:s21], [sflag:$0x6], $0x80, s4, s23, $0xb8;
	[tilespmem:$0x1FA00] =	vst v63  }
0x56: {  	s4 =	simm.s32 $0xF00  }
0x57: {  	[spmem:s3] =	stream.indirect.scatter.add.f32 [tilespmem:s21], [sflag:$0x6], $0x80, s4, s23, $0xb8;
	[tilespmem:$0x1FA00] =	vst v63  }
0x58: {  	s4 =	simm.s32 $0xF80  }
0x59: {  	[spmem:s3] =	stream.indirect.scatter.add.f32 [tilespmem:s21], [sflag:$0x6], $0x80, s4, s23, $0xb8;
	[tilespmem:$0x1FA00] =	vst v63  }
0x5a: {  	s4 =	simm.s32 $0x1000  }
0x5b: {  	[spmem:s3] =	stream.indirect.scatter.add.f32 [tilespmem:s21], [sflag:$0x6], $0x80, s4, s23, $0xb8;
	[tilespmem:$0x1FA00] =	vst v63  }
0x5c: {  	s4 =	simm.s32 $0x1080  }
0x5d: {  	[spmem:s3] =	stream.indirect.scatter.add.f32 [tilespmem:s21], [sflag:$0x6], $0x80, s4, s23, $0xb8;
	[tilespmem:$0x1FA00] =	vst v63  }
0x5e: {  	s4 =	simm.s32 $0x1100  }
0x5f: {  	[spmem:s3] =	stream.indirect.scatter.add.f32 [tilespmem:s21], [sflag:$0x6], $0x80, s4, s23, $0xb8;
	[tilespmem:$0x1FA00] =	vst v63  }
0x60: {  	s4 =	simm.s32 $0x1180  }
0x61: {  	[spmem:s3] =	stream.indirect.scatter.add.f32 [tilespmem:s21], [sflag:$0x6], $0x80, s4, s23, $0xb8;
	[tilespmem:$0x1FA00] =	vst v63  }
0x62: {  	s4 =	simm.s32 $0x1200  }
0x63: {  	[spmem:s3] =	stream.indirect.scatter.add.f32 [tilespmem:s21], [sflag:$0x6], $0x80, s4, s23, $0xb8;
	[tilespmem:$0x1FA00] =	vst v63  }
0x64: {  	s4 =	simm.s32 $0x1280  }
0x65: {  	[spmem:s3] =	stream.indirect.scatter.add.f32 [tilespmem:s21], [sflag:$0x6], $0x80, s4, s23, $0xb8;
	[tilespmem:$0x1FA00] =	vst v63  }
0x66: {  	s4 =	simm.s32 $0x1300  }
0x67: {  	[spmem:s3] =	stream.indirect.scatter.add.f32 [tilespmem:s21], [sflag:$0x6], $0x80, s4, s23, $0xb8;
	[tilespmem:$0x1FA00] =	vst v63  }
0x68: {  	s4 =	simm.s32 $0x1380  }
0x69: {  	[spmem:s3] =	stream.indirect.scatter.add.f32 [tilespmem:s21], [sflag:$0x6], $0x80, s4, s23, $0xb8;
	[tilespmem:$0x1FA00] =	vst v63  }
0x6a: {  	s4 =	simm.s32 $0x1400  }
0x6b: {  	[spmem:s3] =	stream.indirect.scatter.add.f32 [tilespmem:s21], [sflag:$0x6], $0x80, s4, s23, $0xb8;
	[tilespmem:$0x1FA00] =	vst v63  }
0x6c: {  	s4 =	simm.s32 $0x1480  }
0x6d: {  	[spmem:s3] =	stream.indirect.scatter.add.f32 [tilespmem:s21], [sflag:$0x6], $0x80, s4, s23, $0xb8;
	[tilespmem:$0x1FA00] =	vst v63  }
0x6e: {  	s4 =	simm.s32 $0x1500  }
0x6f: {  	[spmem:s3] =	stream.indirect.scatter.add.f32 [tilespmem:s21], [sflag:$0x6], $0x80, s4, s23, $0xb8;
	[tilespmem:$0x1FA00] =	vst v63  }
0x70: {  	s4 =	simm.s32 $0x1580  }
0x71: {  	[spmem:s3] =	stream.indirect.scatter.add.f32 [tilespmem:s21], [sflag:$0x6], $0x80, s4, s23, $0xb8;
	[tilespmem:$0x1FA00] =	vst v63  }
0x72: {  	s4 =	simm.s32 $0x1600  }
0x73: {  	[spmem:s3] =	stream.indirect.scatter.add.f32 [tilespmem:s21], [sflag:$0x6], $0x80, s4, s23, $0xb8;
	[tilespmem:$0x1FA00] =	vst v63  }
0x74: {  	s4 =	simm.s32 $0x1680  }
0x75: {  	[spmem:s3] =	stream.indirect.scatter.add.f32 [tilespmem:s21], [sflag:$0x6], $0x80, s4, s23, $0xb8;
	[tilespmem:$0x1FA00] =	vst v63  }
0x76: {  	s4 =	simm.s32 $0x1700  }
0x77: {  	[spmem:s3] =	stream.indirect.scatter.add.f32 [tilespmem:s21], [sflag:$0x6], $0x80, s4, s23, $0xb8;
	[tilespmem:$0x1FA00] =	vst v63  }
0x78: {  	s4 =	simm.s32 $0x1780  }
0x79: {  	[spmem:s3] =	stream.indirect.scatter.add.f32 [tilespmem:s21], [sflag:$0x6], $0x80, s4, s23, $0xb8;
	[tilespmem:$0x1FA00] =	vst v63  }
0x7a: {  	s4 =	simm.s32 $0x1800  }
0x7b: {  	[spmem:s3] =	stream.indirect.scatter.add.f32 [tilespmem:s21], [sflag:$0x6], $0x80, s4, s23, $0xb8;
	[tilespmem:$0x1FA00] =	vst v63  }
0x7c: {  	s4 =	simm.s32 $0x1880  }
0x7d: {  	[spmem:s3] =	stream.indirect.scatter.add.f32 [tilespmem:s21], [sflag:$0x6], $0x80, s4, s23, $0xb8;
	[tilespmem:$0x1FA00] =	vst v63  }
0x7e: {  	s4 =	simm.s32 $0x1900  }
0x7f: {  	[spmem:s3] =	stream.indirect.scatter.add.f32 [tilespmem:s21], [sflag:$0x6], $0x80, s4, s23, $0xb8;
	[tilespmem:$0x1FA00] =	vst v63  }
0x80: {  	s4 =	simm.s32 $0x1980  }
0x81: {  	[spmem:s3] =	stream.indirect.scatter.add.f32 [tilespmem:s21], [sflag:$0x6], $0x80, s4, s23, $0xb8;
	[tilespmem:$0x1FA00] =	vst v63  }
0x82: {  	s4 =	simm.s32 $0x1A00  }
0x83: {  	[spmem:s3] =	stream.indirect.scatter.add.f32 [tilespmem:s21], [sflag:$0x6], $0x80, s4, s23, $0xb8;
	[tilespmem:$0x1FA00] =	vst v63  }
0x84: {  	s4 =	simm.s32 $0x1A80  }
0x85: {  	[spmem:s3] =	stream.indirect.scatter.add.f32 [tilespmem:s21], [sflag:$0x6], $0x80, s4, s23, $0xb8;
	[tilespmem:$0x1FA00] =	vst v63  }
0x86: {  	s4 =	simm.s32 $0x1B00  }
0x87: {  	[spmem:s3] =	stream.indirect.scatter.add.f32 [tilespmem:s21], [sflag:$0x6], $0x80, s4, s23, $0xb8;
	[tilespmem:$0x1FA00] =	vst v63  }
0x88: {  	s4 =	simm.s32 $0x1B80  }
0x89: {  	[spmem:s3] =	stream.indirect.scatter.add.f32 [tilespmem:s21], [sflag:$0x6], $0x80, s4, s23, $0xb8;
	[tilespmem:$0x1FA00] =	vst v63  }
0x8a: {  	s4 =	simm.s32 $0x1C00  }
0x8b: {  	[spmem:s3] =	stream.indirect.scatter.add.f32 [tilespmem:s21], [sflag:$0x6], $0x80, s4, s23, $0xb8;
	[tilespmem:$0x1FA00] =	vst v63  }
0x8c: {  	s4 =	simm.s32 $0x1C80  }
0x8d: {  	[spmem:s3] =	stream.indirect.scatter.add.f32 [tilespmem:s21], [sflag:$0x6], $0x80, s4, s23, $0xb8;
	[tilespmem:$0x1FA00] =	vst v63  }
0x8e: {  	s4 =	simm.s32 $0x1D00  }
0x8f: {  	[spmem:s3] =	stream.indirect.scatter.add.f32 [tilespmem:s21], [sflag:$0x6], $0x80, s4, s23, $0xb8;
	[tilespmem:$0x1FA00] =	vst v63  }
0x90: {  	_ = 	snop  }
0x91: {  	[spmem:s3] =	stream.indirect.scatter.add.f32 [tilespmem:s21], [sflag:$0x6], $0x80, s10, s23, $0xb8;
	[tilespmem:$0x1FA00] =	vst v63  }
0x92: {  	_ =	swait.ge [sflag:s11], $0x2000  }
0x93: {  	s4 =	simm.s32 $0x27;
	[sflag:s11] =	ssyncset.done $0x0  }
.LBB2_2:
0x94: {  	p0 =	sne.s32 s4, $0x1;
	s4 =	sadd.s32 $0xFFFFFFFF, s4;
	[sflag:s11] =	ssyncadd.s32 $0xFFFFE000  }
.Ltmp2:
0x95: {  	(pc) =	sbr.rel @p0 .LBB2_2-.Ltmp2, $3  }
0x96: {  	_ =	sdelay $0x1  }
0x97: {  	_ =	swait.ge [sflag:s11], $0x2000  }
0x98: {  	[sflag:s11] =	ssyncset.done $0x0  }
0x99: {  	[sflag:s11] =	ssyncadd.s32 $0xFFFFE000;
	s4 =	rddreg [dreg:$0x8]  }
0x9a: {  	[tilespmem:s22], [sflag:$0xB] =	stream.linear.gather [hbm4b:s4+s12], $0x1400, $0x38;
	[tilespmem:$0x1FA00] =	vst v63  }
0x9b: {  	_ =	swait.ge [sflag:s20], $0x1400  }
0x9c: {  	[sflag:s20] =	ssyncset.done $0x0  }
0x9d: {  	[sflag:s20] =	ssyncadd.s32 $0xFFFFEC00  }
0x9e: {  	[spmem:s3] =	stream.indirect.scatter.add.f32 [tilespmem:s21], [sflag:$0x6], $0x80, s22, s23, $0xb8;
	[tilespmem:$0x1FA00] =	vst v63  }
0x9f: {  	s4 =	simm.s32 $0xA80  }
0xa0: {  	[spmem:s3] =	stream.indirect.scatter.add.f32 [tilespmem:s21], [sflag:$0x6], $0x80, s4, s23, $0xb8;
	[tilespmem:$0x1FA00] =	vst v63  }
0xa1: {  	s4 =	simm.s32 $0xB00  }
0xa2: {  	[spmem:s3] =	stream.indirect.scatter.add.f32 [tilespmem:s21], [sflag:$0x6], $0x80, s4, s23, $0xb8;
	[tilespmem:$0x1FA00] =	vst v63  }
0xa3: {  	_ = 	snop  }
0xa4: {  	[spmem:s3] =	stream.indirect.scatter.add.f32 [tilespmem:s21], [sflag:$0x6], $0x80, s26, s23, $0xb8;
	[tilespmem:$0x1FA00] =	vst v63  }
0xa5: {  	_ = 	snop  }
0xa6: {  	[spmem:s3] =	stream.indirect.scatter.add.f32 [tilespmem:s21], [sflag:$0x6], $0x80, s28, s23, $0xb8;
	[tilespmem:$0x1FA00] =	vst v63  }
0xa7: {  	_ = 	snop  }
0xa8: {  	[spmem:s3] =	stream.indirect.scatter.add.f32 [tilespmem:s21], [sflag:$0x6], $0x80, s9, s23, $0xb8;
	[tilespmem:$0x1FA00] =	vst v63  }
0xa9: {  	s4 =	simm.s32 $0xD00  }
0xaa: {  	[spmem:s3] =	stream.indirect.scatter.add.f32 [tilespmem:s21], [sflag:$0x6], $0x80, s4, s23, $0xb8;
	[tilespmem:$0x1FA00] =	vst v63  }
0xab: {  	s4 =	simm.s32 $0xD80  }
0xac: {  	[spmem:s3] =	stream.indirect.scatter.add.f32 [tilespmem:s21], [sflag:$0x6], $0x80, s4, s23, $0xb8;
	[tilespmem:$0x1FA00] =	vst v63  }
0xad: {  	s4 =	simm.s32 $0xE00  }
0xae: {  	[spmem:s3] =	stream.indirect.scatter.add.f32 [tilespmem:s21], [sflag:$0x6], $0x80, s4, s23, $0xb8;
	[tilespmem:$0x1FA00] =	vst v63  }
0xaf: {  	s4 =	simm.s32 $0xE80  }
0xb0: {  	[spmem:s3] =	stream.indirect.scatter.add.f32 [tilespmem:s21], [sflag:$0x6], $0x80, s4, s23, $0xb8;
	[tilespmem:$0x1FA00] =	vst v63  }
0xb1: {  	s4 =	simm.s32 $0xF00  }
0xb2: {  	[spmem:s3] =	stream.indirect.scatter.add.f32 [tilespmem:s21], [sflag:$0x6], $0x80, s4, s23, $0xb8;
	[tilespmem:$0x1FA00] =	vst v63  }
0xb3: {  	s4 =	simm.s32 $0xF80  }
0xb4: {  	[spmem:s3] =	stream.indirect.scatter.add.f32 [tilespmem:s21], [sflag:$0x6], $0x80, s4, s23, $0xb8;
	[tilespmem:$0x1FA00] =	vst v63  }
0xb5: {  	s4 =	simm.s32 $0x1000  }
0xb6: {  	[spmem:s3] =	stream.indirect.scatter.add.f32 [tilespmem:s21], [sflag:$0x6], $0x80, s4, s23, $0xb8;
	[tilespmem:$0x1FA00] =	vst v63  }
0xb7: {  	s4 =	simm.s32 $0x1080  }
0xb8: {  	[spmem:s3] =	stream.indirect.scatter.add.f32 [tilespmem:s21], [sflag:$0x6], $0x80, s4, s23, $0xb8;
	[tilespmem:$0x1FA00] =	vst v63  }
0xb9: {  	s4 =	simm.s32 $0x1100  }
0xba: {  	[spmem:s3] =	stream.indirect.scatter.add.f32 [tilespmem:s21], [sflag:$0x6], $0x80, s4, s23, $0xb8;
	[tilespmem:$0x1FA00] =	vst v63  }
0xbb: {  	s4 =	simm.s32 $0x1180  }
0xbc: {  	[spmem:s3] =	stream.indirect.scatter.add.f32 [tilespmem:s21], [sflag:$0x6], $0x80, s4, s23, $0xb8;
	[tilespmem:$0x1FA00] =	vst v63  }
0xbd: {  	s4 =	simm.s32 $0x1200  }
0xbe: {  	[spmem:s3] =	stream.indirect.scatter.add.f32 [tilespmem:s21], [sflag:$0x6], $0x80, s4, s23, $0xb8;
	[tilespmem:$0x1FA00] =	vst v63  }
0xbf: {  	s4 =	simm.s32 $0x1280  }
0xc0: {  	[spmem:s3] =	stream.indirect.scatter.add.f32 [tilespmem:s21], [sflag:$0x6], $0x80, s4, s23, $0xb8;
	[tilespmem:$0x1FA00] =	vst v63  }
0xc1: {  	s4 =	simm.s32 $0x1300  }
0xc2: {  	[spmem:s3] =	stream.indirect.scatter.add.f32 [tilespmem:s21], [sflag:$0x6], $0x80, s4, s23, $0xb8;
	[tilespmem:$0x1FA00] =	vst v63  }
0xc3: {  	s4 =	simm.s32 $0x1380  }
0xc4: {  	[spmem:s3] =	stream.indirect.scatter.add.f32 [tilespmem:s21], [sflag:$0x6], $0x80, s4, s23, $0xb8;
	[tilespmem:$0x1FA00] =	vst v63  }
0xc5: {  	s4 =	simm.s32 $0x1400  }
0xc6: {  	[spmem:s3] =	stream.indirect.scatter.add.f32 [tilespmem:s21], [sflag:$0x6], $0x80, s4, s23, $0xb8;
	[tilespmem:$0x1FA00] =	vst v63  }
0xc7: {  	s4 =	simm.s32 $0x1480  }
0xc8: {  	[spmem:s3] =	stream.indirect.scatter.add.f32 [tilespmem:s21], [sflag:$0x6], $0x80, s4, s23, $0xb8;
	[tilespmem:$0x1FA00] =	vst v63  }
0xc9: {  	s4 =	simm.s32 $0x1500  }
0xca: {  	[spmem:s3] =	stream.indirect.scatter.add.f32 [tilespmem:s21], [sflag:$0x6], $0x80, s4, s23, $0xb8;
	[tilespmem:$0x1FA00] =	vst v63  }
0xcb: {  	s4 =	simm.s32 $0x1580  }
0xcc: {  	[spmem:s3] =	stream.indirect.scatter.add.f32 [tilespmem:s21], [sflag:$0x6], $0x80, s4, s23, $0xb8;
	[tilespmem:$0x1FA00] =	vst v63  }
0xcd: {  	s4 =	simm.s32 $0x1600  }
0xce: {  	[spmem:s3] =	stream.indirect.scatter.add.f32 [tilespmem:s21], [sflag:$0x6], $0x80, s4, s23, $0xb8;
	[tilespmem:$0x1FA00] =	vst v63  }
0xcf: {  	s4 =	simm.s32 $0x1680  }
0xd0: {  	[spmem:s3] =	stream.indirect.scatter.add.f32 [tilespmem:s21], [sflag:$0x6], $0x80, s4, s23, $0xb8;
	[tilespmem:$0x1FA00] =	vst v63  }
0xd1: {  	s4 =	simm.s32 $0x1700  }
0xd2: {  	[spmem:s3] =	stream.indirect.scatter.add.f32 [tilespmem:s21], [sflag:$0x6], $0x80, s4, s23, $0xb8;
	[tilespmem:$0x1FA00] =	vst v63  }
0xd3: {  	s4 =	simm.s32 $0x1780  }
0xd4: {  	[spmem:s3] =	stream.indirect.scatter.add.f32 [tilespmem:s21], [sflag:$0x6], $0x80, s4, s23, $0xb8;
	[tilespmem:$0x1FA00] =	vst v63  }
0xd5: {  	s4 =	simm.s32 $0x1800  }
0xd6: {  	[spmem:s3] =	stream.indirect.scatter.add.f32 [tilespmem:s21], [sflag:$0x6], $0x80, s4, s23, $0xb8;
	[tilespmem:$0x1FA00] =	vst v63  }
0xd7: {  	s4 =	simm.s32 $0x1880  }
0xd8: {  	[spmem:s3] =	stream.indirect.scatter.add.f32 [tilespmem:s21], [sflag:$0x6], $0x80, s4, s23, $0xb8;
	[tilespmem:$0x1FA00] =	vst v63  }
0xd9: {  	s4 =	simm.s32 $0x1900  }
0xda: {  	[spmem:s3] =	stream.indirect.scatter.add.f32 [tilespmem:s21], [sflag:$0x6], $0x80, s4, s23, $0xb8;
	[tilespmem:$0x1FA00] =	vst v63  }
0xdb: {  	s4 =	simm.s32 $0x1980  }
0xdc: {  	[spmem:s3] =	stream.indirect.scatter.add.f32 [tilespmem:s21], [sflag:$0x6], $0x80, s4, s23, $0xb8;
	[tilespmem:$0x1FA00] =	vst v63  }
0xdd: {  	s4 =	simm.s32 $0x1A00  }
0xde: {  	[spmem:s3] =	stream.indirect.scatter.add.f32 [tilespmem:s21], [sflag:$0x6], $0x80, s4, s23, $0xb8;
	[tilespmem:$0x1FA00] =	vst v63  }
0xdf: {  	s4 =	simm.s32 $0x1A80  }
0xe0: {  	[spmem:s3] =	stream.indirect.scatter.add.f32 [tilespmem:s21], [sflag:$0x6], $0x80, s4, s23, $0xb8;
	[tilespmem:$0x1FA00] =	vst v63  }
0xe1: {  	s4 =	simm.s32 $0x1B00  }
0xe2: {  	[spmem:s3] =	stream.indirect.scatter.add.f32 [tilespmem:s21], [sflag:$0x6], $0x80, s4, s23, $0xb8;
	[tilespmem:$0x1FA00] =	vst v63  }
0xe3: {  	s4 =	simm.s32 $0x1B80  }
0xe4: {  	[spmem:s3] =	stream.indirect.scatter.add.f32 [tilespmem:s21], [sflag:$0x6], $0x80, s4, s23, $0xb8;
	[tilespmem:$0x1FA00] =	vst v63  }
0xe5: {  	s4 =	simm.s32 $0x1C00  }
0xe6: {  	[spmem:s3] =	stream.indirect.scatter.add.f32 [tilespmem:s21], [sflag:$0x6], $0x80, s4, s23, $0xb8;
	[tilespmem:$0x1FA00] =	vst v63  }
0xe7: {  	s4 =	simm.s32 $0x1C80  }
0xe8: {  	[spmem:s3] =	stream.indirect.scatter.add.f32 [tilespmem:s21], [sflag:$0x6], $0x80, s4, s23, $0xb8;
	[tilespmem:$0x1FA00] =	vst v63  }
0xe9: {  	s4 =	simm.s32 $0x1D00  }
0xea: {  	[spmem:s3] =	stream.indirect.scatter.add.f32 [tilespmem:s21], [sflag:$0x6], $0x80, s4, s23, $0xb8;
	[tilespmem:$0x1FA00] =	vst v63  }
0xeb: {  	_ = 	snop  }
0xec: {  	[spmem:s3] =	stream.indirect.scatter.add.f32 [tilespmem:s21], [sflag:$0x6], $0x80, s10, s23, $0xb8;
	[tilespmem:$0x1FA00] =	vst v63  }
0xed: {  	_ =	swait.ge [sflag:s11], $0x2000  }
0xee: {  	s4 =	simm.s32 $0x27;
	[sflag:s11] =	ssyncset.done $0x0  }
.LBB2_4:
0xef: {  	p0 =	sne.s32 s4, $0x1;
	s4 =	sadd.s32 $0xFFFFFFFF, s4;
	[sflag:s11] =	ssyncadd.s32 $0xFFFFE000  }
.Ltmp3:
0xf0: {  	(pc) =	sbr.rel @p0 .LBB2_4-.Ltmp3, $3  }
0xf1: {  	_ =	sdelay $0x1  }
0xf2: {  	_ =	swait.ge [sflag:s11], $0x2000  }
0xf3: {  	[sflag:s11] =	ssyncset.done $0x0  }
0xf4: {  	[sflag:s11] =	ssyncadd.s32 $0xFFFFE000;
	s4 =	rddreg [dreg:$0x9]  }
0xf5: {  	[tilespmem:s22], [sflag:$0xB] =	stream.linear.gather [hbm4b:s4+s12], $0x1400, $0x38;
	[tilespmem:$0x1FA00] =	vst v63  }
0xf6: {  	_ =	swait.ge [sflag:s20], $0x1400  }
0xf7: {  	[sflag:s20] =	ssyncset.done $0x0  }
0xf8: {  	[sflag:s20] =	ssyncadd.s32 $0xFFFFEC00  }
0xf9: {  	[spmem:s3] =	stream.indirect.scatter.add.f32 [tilespmem:s21], [sflag:$0x6], $0x80, s22, s23, $0xb8;
	[tilespmem:$0x1FA00] =	vst v63  }
0xfa: {  	s4 =	simm.s32 $0xA80  }
0xfb: {  	[spmem:s3] =	stream.indirect.scatter.add.f32 [tilespmem:s21], [sflag:$0x6], $0x80, s4, s23, $0xb8;
	[tilespmem:$0x1FA00] =	vst v63  }
0xfc: {  	s4 =	simm.s32 $0xB00  }
0xfd: {  	[spmem:s3] =	stream.indirect.scatter.add.f32 [tilespmem:s21], [sflag:$0x6], $0x80, s4, s23, $0xb8;
	[tilespmem:$0x1FA00] =	vst v63  }
0xfe: {  	_ = 	snop  }
0xff: {  	[spmem:s3] =	stream.indirect.scatter.add.f32 [tilespmem:s21], [sflag:$0x6], $0x80, s26, s23, $0xb8;
	[tilespmem:$0x1FA00] =	vst v63  }
0x100: {  	_ = 	snop  }
0x101: {  	[spmem:s3] =	stream.indirect.scatter.add.f32 [tilespmem:s21], [sflag:$0x6], $0x80, s28, s23, $0xb8;
	[tilespmem:$0x1FA00] =	vst v63  }
0x102: {  	_ = 	snop  }
0x103: {  	[spmem:s3] =	stream.indirect.scatter.add.f32 [tilespmem:s21], [sflag:$0x6], $0x80, s9, s23, $0xb8;
	[tilespmem:$0x1FA00] =	vst v63  }
0x104: {  	s4 =	simm.s32 $0xD00  }
0x105: {  	[spmem:s3] =	stream.indirect.scatter.add.f32 [tilespmem:s21], [sflag:$0x6], $0x80, s4, s23, $0xb8;
	[tilespmem:$0x1FA00] =	vst v63  }
0x106: {  	s4 =	simm.s32 $0xD80  }
0x107: {  	[spmem:s3] =	stream.indirect.scatter.add.f32 [tilespmem:s21], [sflag:$0x6], $0x80, s4, s23, $0xb8;
	[tilespmem:$0x1FA00] =	vst v63  }
0x108: {  	s4 =	simm.s32 $0xE00  }
0x109: {  	[spmem:s3] =	stream.indirect.scatter.add.f32 [tilespmem:s21], [sflag:$0x6], $0x80, s4, s23, $0xb8;
	[tilespmem:$0x1FA00] =	vst v63  }
0x10a: {  	s4 =	simm.s32 $0xE80  }
0x10b: {  	[spmem:s3] =	stream.indirect.scatter.add.f32 [tilespmem:s21], [sflag:$0x6], $0x80, s4, s23, $0xb8;
	[tilespmem:$0x1FA00] =	vst v63  }
0x10c: {  	s4 =	simm.s32 $0xF00  }
0x10d: {  	[spmem:s3] =	stream.indirect.scatter.add.f32 [tilespmem:s21], [sflag:$0x6], $0x80, s4, s23, $0xb8;
	[tilespmem:$0x1FA00] =	vst v63  }
0x10e: {  	s4 =	simm.s32 $0xF80  }
0x10f: {  	[spmem:s3] =	stream.indirect.scatter.add.f32 [tilespmem:s21], [sflag:$0x6], $0x80, s4, s23, $0xb8;
	[tilespmem:$0x1FA00] =	vst v63  }
0x110: {  	s4 =	simm.s32 $0x1000  }
0x111: {  	[spmem:s3] =	stream.indirect.scatter.add.f32 [tilespmem:s21], [sflag:$0x6], $0x80, s4, s23, $0xb8;
	[tilespmem:$0x1FA00] =	vst v63  }
0x112: {  	s4 =	simm.s32 $0x1080  }
0x113: {  	[spmem:s3] =	stream.indirect.scatter.add.f32 [tilespmem:s21], [sflag:$0x6], $0x80, s4, s23, $0xb8;
	[tilespmem:$0x1FA00] =	vst v63  }
0x114: {  	s4 =	simm.s32 $0x1100  }
0x115: {  	[spmem:s3] =	stream.indirect.scatter.add.f32 [tilespmem:s21], [sflag:$0x6], $0x80, s4, s23, $0xb8;
	[tilespmem:$0x1FA00] =	vst v63  }
0x116: {  	s4 =	simm.s32 $0x1180  }
0x117: {  	[spmem:s3] =	stream.indirect.scatter.add.f32 [tilespmem:s21], [sflag:$0x6], $0x80, s4, s23, $0xb8;
	[tilespmem:$0x1FA00] =	vst v63  }
0x118: {  	s4 =	simm.s32 $0x1200  }
0x119: {  	[spmem:s3] =	stream.indirect.scatter.add.f32 [tilespmem:s21], [sflag:$0x6], $0x80, s4, s23, $0xb8;
	[tilespmem:$0x1FA00] =	vst v63  }
0x11a: {  	s4 =	simm.s32 $0x1280  }
0x11b: {  	[spmem:s3] =	stream.indirect.scatter.add.f32 [tilespmem:s21], [sflag:$0x6], $0x80, s4, s23, $0xb8;
	[tilespmem:$0x1FA00] =	vst v63  }
0x11c: {  	s4 =	simm.s32 $0x1300  }
0x11d: {  	[spmem:s3] =	stream.indirect.scatter.add.f32 [tilespmem:s21], [sflag:$0x6], $0x80, s4, s23, $0xb8;
	[tilespmem:$0x1FA00] =	vst v63  }
0x11e: {  	s4 =	simm.s32 $0x1380  }
0x11f: {  	[spmem:s3] =	stream.indirect.scatter.add.f32 [tilespmem:s21], [sflag:$0x6], $0x80, s4, s23, $0xb8;
	[tilespmem:$0x1FA00] =	vst v63  }
0x120: {  	s4 =	simm.s32 $0x1400  }
0x121: {  	[spmem:s3] =	stream.indirect.scatter.add.f32 [tilespmem:s21], [sflag:$0x6], $0x80, s4, s23, $0xb8;
	[tilespmem:$0x1FA00] =	vst v63  }
0x122: {  	s4 =	simm.s32 $0x1480  }
0x123: {  	[spmem:s3] =	stream.indirect.scatter.add.f32 [tilespmem:s21], [sflag:$0x6], $0x80, s4, s23, $0xb8;
	[tilespmem:$0x1FA00] =	vst v63  }
0x124: {  	s4 =	simm.s32 $0x1500  }
0x125: {  	[spmem:s3] =	stream.indirect.scatter.add.f32 [tilespmem:s21], [sflag:$0x6], $0x80, s4, s23, $0xb8;
	[tilespmem:$0x1FA00] =	vst v63  }
0x126: {  	s4 =	simm.s32 $0x1580  }
0x127: {  	[spmem:s3] =	stream.indirect.scatter.add.f32 [tilespmem:s21], [sflag:$0x6], $0x80, s4, s23, $0xb8;
	[tilespmem:$0x1FA00] =	vst v63  }
0x128: {  	s4 =	simm.s32 $0x1600  }
0x129: {  	[spmem:s3] =	stream.indirect.scatter.add.f32 [tilespmem:s21], [sflag:$0x6], $0x80, s4, s23, $0xb8;
	[tilespmem:$0x1FA00] =	vst v63  }
0x12a: {  	s4 =	simm.s32 $0x1680  }
0x12b: {  	[spmem:s3] =	stream.indirect.scatter.add.f32 [tilespmem:s21], [sflag:$0x6], $0x80, s4, s23, $0xb8;
	[tilespmem:$0x1FA00] =	vst v63  }
0x12c: {  	s4 =	simm.s32 $0x1700  }
0x12d: {  	[spmem:s3] =	stream.indirect.scatter.add.f32 [tilespmem:s21], [sflag:$0x6], $0x80, s4, s23, $0xb8;
	[tilespmem:$0x1FA00] =	vst v63  }
0x12e: {  	s4 =	simm.s32 $0x1780  }
0x12f: {  	[spmem:s3] =	stream.indirect.scatter.add.f32 [tilespmem:s21], [sflag:$0x6], $0x80, s4, s23, $0xb8;
	[tilespmem:$0x1FA00] =	vst v63  }
0x130: {  	s4 =	simm.s32 $0x1800  }
0x131: {  	[spmem:s3] =	stream.indirect.scatter.add.f32 [tilespmem:s21], [sflag:$0x6], $0x80, s4, s23, $0xb8;
	[tilespmem:$0x1FA00] =	vst v63  }
0x132: {  	s4 =	simm.s32 $0x1880  }
0x133: {  	[spmem:s3] =	stream.indirect.scatter.add.f32 [tilespmem:s21], [sflag:$0x6], $0x80, s4, s23, $0xb8;
	[tilespmem:$0x1FA00] =	vst v63  }
0x134: {  	s4 =	simm.s32 $0x1900  }
0x135: {  	[spmem:s3] =	stream.indirect.scatter.add.f32 [tilespmem:s21], [sflag:$0x6], $0x80, s4, s23, $0xb8;
	[tilespmem:$0x1FA00] =	vst v63  }
0x136: {  	s4 =	simm.s32 $0x1980  }
0x137: {  	[spmem:s3] =	stream.indirect.scatter.add.f32 [tilespmem:s21], [sflag:$0x6], $0x80, s4, s23, $0xb8;
	[tilespmem:$0x1FA00] =	vst v63  }
0x138: {  	s4 =	simm.s32 $0x1A00  }
0x139: {  	[spmem:s3] =	stream.indirect.scatter.add.f32 [tilespmem:s21], [sflag:$0x6], $0x80, s4, s23, $0xb8;
	[tilespmem:$0x1FA00] =	vst v63  }
0x13a: {  	s4 =	simm.s32 $0x1A80  }
0x13b: {  	[spmem:s3] =	stream.indirect.scatter.add.f32 [tilespmem:s21], [sflag:$0x6], $0x80, s4, s23, $0xb8;
	[tilespmem:$0x1FA00] =	vst v63  }
0x13c: {  	s4 =	simm.s32 $0x1B00  }
0x13d: {  	[spmem:s3] =	stream.indirect.scatter.add.f32 [tilespmem:s21], [sflag:$0x6], $0x80, s4, s23, $0xb8;
	[tilespmem:$0x1FA00] =	vst v63  }
0x13e: {  	s4 =	simm.s32 $0x1B80  }
0x13f: {  	[spmem:s3] =	stream.indirect.scatter.add.f32 [tilespmem:s21], [sflag:$0x6], $0x80, s4, s23, $0xb8;
	[tilespmem:$0x1FA00] =	vst v63  }
0x140: {  	s4 =	simm.s32 $0x1C00  }
0x141: {  	[spmem:s3] =	stream.indirect.scatter.add.f32 [tilespmem:s21], [sflag:$0x6], $0x80, s4, s23, $0xb8;
	[tilespmem:$0x1FA00] =	vst v63  }
0x142: {  	s4 =	simm.s32 $0x1C80  }
0x143: {  	[spmem:s3] =	stream.indirect.scatter.add.f32 [tilespmem:s21], [sflag:$0x6], $0x80, s4, s23, $0xb8;
	[tilespmem:$0x1FA00] =	vst v63  }
0x144: {  	s4 =	simm.s32 $0x1D00  }
0x145: {  	[spmem:s3] =	stream.indirect.scatter.add.f32 [tilespmem:s21], [sflag:$0x6], $0x80, s4, s23, $0xb8;
	[tilespmem:$0x1FA00] =	vst v63  }
0x146: {  	_ = 	snop  }
0x147: {  	[spmem:s3] =	stream.indirect.scatter.add.f32 [tilespmem:s21], [sflag:$0x6], $0x80, s10, s23, $0xb8;
	[tilespmem:$0x1FA00] =	vst v63  }
0x148: {  	_ =	swait.ge [sflag:s11], $0x2000  }
0x149: {  	s4 =	simm.s32 $0x27;
	[sflag:s11] =	ssyncset.done $0x0  }
.LBB2_6:
0x14a: {  	p0 =	sne.s32 s4, $0x1;
	s4 =	sadd.s32 $0xFFFFFFFF, s4;
	[sflag:s11] =	ssyncadd.s32 $0xFFFFE000  }
.Ltmp4:
0x14b: {  	(pc) =	sbr.rel @p0 .LBB2_6-.Ltmp4, $3  }
0x14c: {  	_ =	sdelay $0x1  }
0x14d: {  	_ =	swait.ge [sflag:s11], $0x2000  }
0x14e: {  	[sflag:s11] =	ssyncset.done $0x0  }
0x14f: {  	[sflag:s11] =	ssyncadd.s32 $0xFFFFE000;
	s4 =	rddreg [dreg:$0xa]  }
0x150: {  	[tilespmem:s22], [sflag:$0xB] =	stream.linear.gather [hbm4b:s4+s12], $0x1400, $0x38;
	[tilespmem:$0x1FA00] =	vst v63  }
0x151: {  	_ =	swait.ge [sflag:s20], $0x1400  }
0x152: {  	[sflag:s20] =	ssyncset.done $0x0  }
0x153: {  	[sflag:s20] =	ssyncadd.s32 $0xFFFFEC00  }
0x154: {  	[spmem:s3] =	stream.indirect.scatter.add.f32 [tilespmem:s21], [sflag:$0x6], $0x80, s22, s23, $0xb8;
	[tilespmem:$0x1FA00] =	vst v63  }
0x155: {  	s12 =	simm.s32 $0xA80  }
0x156: {  	[spmem:s3] =	stream.indirect.scatter.add.f32 [tilespmem:s21], [sflag:$0x6], $0x80, s12, s23, $0xb8;
	[tilespmem:$0x1FA00] =	vst v63  }
0x157: {  	s12 =	simm.s32 $0xB00  }
0x158: {  	[spmem:s3] =	stream.indirect.scatter.add.f32 [tilespmem:s21], [sflag:$0x6], $0x80, s12, s23, $0xb8;
	[tilespmem:$0x1FA00] =	vst v63  }
0x159: {  	_ = 	snop  }
0x15a: {  	[spmem:s3] =	stream.indirect.scatter.add.f32 [tilespmem:s21], [sflag:$0x6], $0x80, s26, s23, $0xb8;
	[tilespmem:$0x1FA00] =	vst v63  }
0x15b: {  	_ = 	snop  }
0x15c: {  	[spmem:s3] =	stream.indirect.scatter.add.f32 [tilespmem:s21], [sflag:$0x6], $0x80, s28, s23, $0xb8;
	[tilespmem:$0x1FA00] =	vst v63  }
0x15d: {  	_ = 	snop  }
0x15e: {  	[spmem:s3] =	stream.indirect.scatter.add.f32 [tilespmem:s21], [sflag:$0x6], $0x80, s9, s23, $0xb8;
	[tilespmem:$0x1FA00] =	vst v63  }
0x15f: {  	s12 =	simm.s32 $0xD00  }
0x160: {  	[spmem:s3] =	stream.indirect.scatter.add.f32 [tilespmem:s21], [sflag:$0x6], $0x80, s12, s23, $0xb8;
	[tilespmem:$0x1FA00] =	vst v63  }
0x161: {  	s9 =	simm.s32 $0xD80  }
0x162: {  	[spmem:s3] =	stream.indirect.scatter.add.f32 [tilespmem:s21], [sflag:$0x6], $0x80, s9, s23, $0xb8;
	[tilespmem:$0x1FA00] =	vst v63  }
0x163: {  	s12 =	simm.s32 $0xE00  }
0x164: {  	[spmem:s3] =	stream.indirect.scatter.add.f32 [tilespmem:s21], [sflag:$0x6], $0x80, s12, s23, $0xb8;
	[tilespmem:$0x1FA00] =	vst v63  }
0x165: {  	s9 =	simm.s32 $0xE80  }
0x166: {  	[spmem:s3] =	stream.indirect.scatter.add.f32 [tilespmem:s21], [sflag:$0x6], $0x80, s9, s23, $0xb8;
	[tilespmem:$0x1FA00] =	vst v63  }
0x167: {  	s12 =	simm.s32 $0xF00  }
0x168: {  	[spmem:s3] =	stream.indirect.scatter.add.f32 [tilespmem:s21], [sflag:$0x6], $0x80, s12, s23, $0xb8;
	[tilespmem:$0x1FA00] =	vst v63  }
0x169: {  	s9 =	simm.s32 $0xF80  }
0x16a: {  	[spmem:s3] =	stream.indirect.scatter.add.f32 [tilespmem:s21], [sflag:$0x6], $0x80, s9, s23, $0xb8;
	[tilespmem:$0x1FA00] =	vst v63  }
0x16b: {  	s12 =	simm.s32 $0x1000  }
0x16c: {  	[spmem:s3] =	stream.indirect.scatter.add.f32 [tilespmem:s21], [sflag:$0x6], $0x80, s12, s23, $0xb8;
	[tilespmem:$0x1FA00] =	vst v63  }
0x16d: {  	s9 =	simm.s32 $0x1080  }
0x16e: {  	[spmem:s3] =	stream.indirect.scatter.add.f32 [tilespmem:s21], [sflag:$0x6], $0x80, s9, s23, $0xb8;
	[tilespmem:$0x1FA00] =	vst v63  }
0x16f: {  	s12 =	simm.s32 $0x1100  }
0x170: {  	[spmem:s3] =	stream.indirect.scatter.add.f32 [tilespmem:s21], [sflag:$0x6], $0x80, s12, s23, $0xb8;
	[tilespmem:$0x1FA00] =	vst v63  }
0x171: {  	s9 =	simm.s32 $0x1180  }
0x172: {  	[spmem:s3] =	stream.indirect.scatter.add.f32 [tilespmem:s21], [sflag:$0x6], $0x80, s9, s23, $0xb8;
	[tilespmem:$0x1FA00] =	vst v63  }
0x173: {  	s12 =	simm.s32 $0x1200  }
0x174: {  	[spmem:s3] =	stream.indirect.scatter.add.f32 [tilespmem:s21], [sflag:$0x6], $0x80, s12, s23, $0xb8;
	[tilespmem:$0x1FA00] =	vst v63  }
0x175: {  	s9 =	simm.s32 $0x1280  }
0x176: {  	[spmem:s3] =	stream.indirect.scatter.add.f32 [tilespmem:s21], [sflag:$0x6], $0x80, s9, s23, $0xb8;
	[tilespmem:$0x1FA00] =	vst v63  }
0x177: {  	s12 =	simm.s32 $0x1300  }
0x178: {  	[spmem:s3] =	stream.indirect.scatter.add.f32 [tilespmem:s21], [sflag:$0x6], $0x80, s12, s23, $0xb8;
	[tilespmem:$0x1FA00] =	vst v63  }
0x179: {  	s9 =	simm.s32 $0x1380  }
0x17a: {  	[spmem:s3] =	stream.indirect.scatter.add.f32 [tilespmem:s21], [sflag:$0x6], $0x80, s9, s23, $0xb8;
	[tilespmem:$0x1FA00] =	vst v63  }
0x17b: {  	s12 =	simm.s32 $0x1400  }
0x17c: {  	[spmem:s3] =	stream.indirect.scatter.add.f32 [tilespmem:s21], [sflag:$0x6], $0x80, s12, s23, $0xb8;
	[tilespmem:$0x1FA00] =	vst v63  }
0x17d: {  	s9 =	simm.s32 $0x1480  }
0x17e: {  	[spmem:s3] =	stream.indirect.scatter.add.f32 [tilespmem:s21], [sflag:$0x6], $0x80, s9, s23, $0xb8;
	[tilespmem:$0x1FA00] =	vst v63  }
0x17f: {  	s12 =	simm.s32 $0x1500  }
0x180: {  	[spmem:s3] =	stream.indirect.scatter.add.f32 [tilespmem:s21], [sflag:$0x6], $0x80, s12, s23, $0xb8;
	[tilespmem:$0x1FA00] =	vst v63  }
0x181: {  	s9 =	simm.s32 $0x1580  }
0x182: {  	[spmem:s3] =	stream.indirect.scatter.add.f32 [tilespmem:s21], [sflag:$0x6], $0x80, s9, s23, $0xb8;
	[tilespmem:$0x1FA00] =	vst v63  }
0x183: {  	s12 =	simm.s32 $0x1600  }
0x184: {  	[spmem:s3] =	stream.indirect.scatter.add.f32 [tilespmem:s21], [sflag:$0x6], $0x80, s12, s23, $0xb8;
	[tilespmem:$0x1FA00] =	vst v63  }
0x185: {  	s9 =	simm.s32 $0x1680  }
0x186: {  	[spmem:s3] =	stream.indirect.scatter.add.f32 [tilespmem:s21], [sflag:$0x6], $0x80, s9, s23, $0xb8;
	[tilespmem:$0x1FA00] =	vst v63  }
0x187: {  	s12 =	simm.s32 $0x1700  }
0x188: {  	[spmem:s3] =	stream.indirect.scatter.add.f32 [tilespmem:s21], [sflag:$0x6], $0x80, s12, s23, $0xb8;
	[tilespmem:$0x1FA00] =	vst v63  }
0x189: {  	s9 =	simm.s32 $0x1780  }
0x18a: {  	[spmem:s3] =	stream.indirect.scatter.add.f32 [tilespmem:s21], [sflag:$0x6], $0x80, s9, s23, $0xb8;
	[tilespmem:$0x1FA00] =	vst v63  }
0x18b: {  	s12 =	simm.s32 $0x1800  }
0x18c: {  	[spmem:s3] =	stream.indirect.scatter.add.f32 [tilespmem:s21], [sflag:$0x6], $0x80, s12, s23, $0xb8;
	[tilespmem:$0x1FA00] =	vst v63  }
0x18d: {  	s9 =	simm.s32 $0x1880  }
0x18e: {  	[spmem:s3] =	stream.indirect.scatter.add.f32 [tilespmem:s21], [sflag:$0x6], $0x80, s9, s23, $0xb8;
	[tilespmem:$0x1FA00] =	vst v63  }
0x18f: {  	s12 =	simm.s32 $0x1900  }
0x190: {  	[spmem:s3] =	stream.indirect.scatter.add.f32 [tilespmem:s21], [sflag:$0x6], $0x80, s12, s23, $0xb8;
	[tilespmem:$0x1FA00] =	vst v63  }
0x191: {  	s9 =	simm.s32 $0x1980  }
0x192: {  	[spmem:s3] =	stream.indirect.scatter.add.f32 [tilespmem:s21], [sflag:$0x6], $0x80, s9, s23, $0xb8;
	[tilespmem:$0x1FA00] =	vst v63  }
0x193: {  	s12 =	simm.s32 $0x1A00  }
0x194: {  	[spmem:s3] =	stream.indirect.scatter.add.f32 [tilespmem:s21], [sflag:$0x6], $0x80, s12, s23, $0xb8;
	[tilespmem:$0x1FA00] =	vst v63  }
0x195: {  	s9 =	simm.s32 $0x1A80  }
0x196: {  	[spmem:s3] =	stream.indirect.scatter.add.f32 [tilespmem:s21], [sflag:$0x6], $0x80, s9, s23, $0xb8;
	[tilespmem:$0x1FA00] =	vst v63  }
0x197: {  	s12 =	simm.s32 $0x1B00  }
0x198: {  	[spmem:s3] =	stream.indirect.scatter.add.f32 [tilespmem:s21], [sflag:$0x6], $0x80, s12, s23, $0xb8;
	[tilespmem:$0x1FA00] =	vst v63  }
0x199: {  	s9 =	simm.s32 $0x1B80  }
0x19a: {  	[spmem:s3] =	stream.indirect.scatter.add.f32 [tilespmem:s21], [sflag:$0x6], $0x80, s9, s23, $0xb8;
	[tilespmem:$0x1FA00] =	vst v63  }
0x19b: {  	s12 =	simm.s32 $0x1C00  }
0x19c: {  	[spmem:s3] =	stream.indirect.scatter.add.f32 [tilespmem:s21], [sflag:$0x6], $0x80, s12, s23, $0xb8;
	[tilespmem:$0x1FA00] =	vst v63  }
0x19d: {  	s9 =	simm.s32 $0x1C80  }
0x19e: {  	[spmem:s3] =	stream.indirect.scatter.add.f32 [tilespmem:s21], [sflag:$0x6], $0x80, s9, s23, $0xb8;
	[tilespmem:$0x1FA00] =	vst v63  }
0x19f: {  	s12 =	simm.s32 $0x1D00  }
0x1a0: {  	[spmem:s3] =	stream.indirect.scatter.add.f32 [tilespmem:s21], [sflag:$0x6], $0x80, s12, s23, $0xb8;
	[tilespmem:$0x1FA00] =	vst v63  }
0x1a1: {  	_ = 	snop  }
0x1a2: {  	[spmem:s3] =	stream.indirect.scatter.add.f32 [tilespmem:s21], [sflag:$0x6], $0x80, s10, s23, $0xb8;
	[tilespmem:$0x1FA00] =	vst v63  }
0x1a3: {  	_ =	swait.ge [sflag:s11], $0x2000  }
0x1a4: {  	s4 =	simm.s32 $0x27;
	[sflag:s11] =	ssyncset.done $0x0  }
.LBB2_8:
0x1a5: {  	p0 =	sne.s32 s4, $0x1;
	s4 =	sadd.s32 $0xFFFFFFFF, s4;
	[sflag:s11] =	ssyncadd.s32 $0xFFFFE000  }
.Ltmp5:
0x1a6: {  	(pc) =	sbr.rel @p0 .LBB2_8-.Ltmp5, $3  }
0x1a7: {  	_ =	sdelay $0x1  }
0x1a8: {  	_ =	swait.ge [sflag:s11], $0x2000  }
0x1a9: {  	[sflag:s11] =	ssyncset.done $0x0  }
0x1aa: {  	[sflag:s11] =	ssyncadd.s32 $0xFFFFE000  }
0x1ab: {  	[bflag:$0x0] =	sbarrier.arrive $0xFFFF  }
0x1ac: {  	s4 =	rddreg [dreg:$0xb]  }
0x1ad: {  	[hbm:s4], [sflag:s19] =	dma.local [spmem:s25], $0x2780  }
0x1ae: {  	_ =	swait.ge [sflag:s20], $0x2780  }
0x1af: {  	[sflag:s20] =	ssyncset.done $0x0  }
0x1b0: {  	s9 =	simm.s32 $0x0;
	s12 =	rddreg [dreg:$0xc];
	[sflag:s20] =	ssyncadd.s32 $0xFFFFD880  }
0x1b1: {  	[tilespmem:s9], [sflag:$0xB] =	stream.linear.gather [hbm4b:s12+s9], $0xA00, $0x38;
	[tilespmem:$0x1FA00] =	vst v63  }
0x1b2: {  	_ =	swait.ge [sflag:s20], $0xA00  }
0x1b3: {  	[sflag:s20] =	ssyncset.done $0x0  }
0x1b4: {  	[sflag:s20] =	ssyncadd.s32 $0xFFFFF600  }
0x1b5: {  	[tilespmem:s22], [sflag:$0xB] =	stream.linear.gather [hbm4b:s24+s9], $0x1400, $0x38;
	[tilespmem:$0x1FA00] =	vst v63  }
0x1b6: {  	_ =	swait.ge [sflag:s20], $0x1400  }
0x1b7: {  	[sflag:s20] =	ssyncset.done $0x0  }
0x1b8: {  	[sflag:s20] =	ssyncadd.s32 $0xFFFFEC00  }
0x1b9: {  	[tilespmem:s21], [sflag:$0x1] =	stream.indirect.gather [hbm4b:s1+s23], $0x80, s9, s23, $0xb8;
	[tilespmem:$0x1FA00] =	vst v63  }
0x1ba: {  	_ = 	snop  }
0x1bb: {  	[tilespmem:s29], [sflag:$0x2] =	stream.indirect.gather [hbm4b:s1+s23], $0x80, s23, s23, $0xb8;
	[tilespmem:$0x1FA00] =	vst v63  }
0x1bc: {  	s24 =	simm.s32 $0x80  }
0x1bd: {  	[tilespmem:s31], [sflag:$0x3] =	stream.indirect.gather [hbm4b:s1+s23], $0x80, s24, s23, $0xb8;
	[tilespmem:$0x1FA00] =	vst v63  }
0x1be: {  	s12 =	simm.s32 $0xC0  }
0x1bf: {  	[tilespmem:s0], [sflag:$0x4] =	stream.indirect.gather [hbm4b:s1+s23], $0x80, s12, s23, $0xb8;
	[tilespmem:$0x1FA00] =	vst v63  }
0x1c0: {  	[spmem:s25], [sflag:s19] =	dma.local [hbm:s7], $0x2780  }
0x1c1: {  	_ =	swait.ge [sflag:s20], $0x2780  }
0x1c2: {  	[sflag:s20] =	ssyncset.done $0x0  }
0x1c3: {  	[sflag:s20] =	ssyncadd.s32 $0xFFFFD880  }
0x1c4: {  	[bflag:$0x0] =	sbarrier.arrive $0xFFFF  }
0x1c5: {  	_ =	swait.ge [sflag:s5], $0x2000  }
0x1c6: {  	[sflag:s5] =	ssyncset.done $0x0  }
0x1c7: {  	[sflag:s5] =	ssyncadd.s32 $0xFFFFE000  }
0x1c8: {  	[spmem:s3] =	stream.indirect.scatter.add.f32 [tilespmem:s21], [sflag:$0x6], $0x80, s22, s23, $0xb8;
	[tilespmem:$0x1FA00] =	vst v63  }
0x1c9: {  	s24 =	simm.s32 $0x100  }
0x1ca: {  	[tilespmem:s13], [sflag:$0x5] =	stream.indirect.gather [hbm4b:s1+s23], $0x80, s24, s23, $0xb8;
	[tilespmem:$0x1FA00] =	vst v63  }
0x1cb: {  	_ =	swait.ge [sflag:s14], $0x2000  }
0x1cc: {  	[sflag:s14] =	ssyncset.done $0x0  }
0x1cd: {  	s25 =	simm.s32 $0xA80;
	[sflag:s14] =	ssyncadd.s32 $0xFFFFE000  }
0x1ce: {  	[spmem:s3] =	stream.indirect.scatter.add.f32 [tilespmem:s29], [sflag:$0x7], $0x80, s25, s23, $0xb8;
	[tilespmem:$0x1FA00] =	vst v63  }
0x1cf: {  	_ =	swait.ge [sflag:s11], $0x2000  }
0x1d0: {  	[sflag:s11] =	ssyncset.done $0x0  }
0x1d1: {  	s7 =	simm.s32 $0x140;
	[sflag:s11] =	ssyncadd.s32 $0xFFFFE000  }
0x1d2: {  	[tilespmem:s21], [sflag:$0x1] =	stream.indirect.gather [hbm4b:s1+s23], $0x80, s7, s23, $0xb8;
	[tilespmem:$0x1FA00] =	vst v63  }
0x1d3: {  	_ =	swait.ge [sflag:s16], $0x2000  }
0x1d4: {  	[sflag:s16] =	ssyncset.done $0x0  }
0x1d5: {  	s12 =	simm.s32 $0xB00;
	[sflag:s16] =	ssyncadd.s32 $0xFFFFE000  }
0x1d6: {  	[spmem:s3] =	stream.indirect.scatter.add.f32 [tilespmem:s31], [sflag:$0x8], $0x80, s12, s23, $0xb8;
	[tilespmem:$0x1FA00] =	vst v63  }
0x1d7: {  	_ =	swait.ge [sflag:s17], $0x2000  }
0x1d8: {  	[sflag:s17] =	ssyncset.done $0x0  }
0x1d9: {  	s19 =	simm.s32 $0x180;
	[sflag:s17] =	ssyncadd.s32 $0xFFFFE000  }
0x1da: {  	[tilespmem:s29], [sflag:$0x2] =	stream.indirect.gather [hbm4b:s1+s23], $0x80, s19, s23, $0xb8;
	[tilespmem:$0x1FA00] =	vst v63  }
0x1db: {  	_ =	swait.ge [sflag:s6], $0x2000  }
0x1dc: {  	[sflag:s6] =	ssyncset.done $0x0  }
0x1dd: {  	[sflag:s6] =	ssyncadd.s32 $0xFFFFE000  }
0x1de: {  	[spmem:s3] =	stream.indirect.scatter.add.f32 [tilespmem:s0], [sflag:$0x9], $0x80, s26, s23, $0xb8;
	[tilespmem:$0x1FA00] =	vst v63  }
0x1df: {  	_ =	swait.ge [sflag:s8], $0x2000  }
0x1e0: {  	[sflag:s8] =	ssyncset.done $0x0  }
0x1e1: {  	s24 =	simm.s32 $0x1C0;
	[sflag:s8] =	ssyncadd.s32 $0xFFFFE000  }
0x1e2: {  	[tilespmem:s31], [sflag:$0x3] =	stream.indirect.gather [hbm4b:s1+s23], $0x80, s24, s23, $0xb8;
	[tilespmem:$0x1FA00] =	vst v63  }
0x1e3: {  	_ =	swait.ge [sflag:s30], $0x2000  }
0x1e4: {  	[sflag:s30] =	ssyncset.done $0x0  }
0x1e5: {  	[sflag:s30] =	ssyncadd.s32 $0xFFFFE000  }
0x1e6: {  	[spmem:s3] =	stream.indirect.scatter.add.f32 [tilespmem:s13], [sflag:$0xA], $0x80, s28, s23, $0xb8;
	[tilespmem:$0x1FA00] =	vst v63  }
0x1e7: {  	_ =	swait.ge [sflag:s2], $0x2000  }
0x1e8: {  	[sflag:s2] =	ssyncset.done $0x0  }
0x1e9: {  	s25 =	simm.s32 $0x200;
	s12 =	simm.s32 $0xE80;
	[sflag:s2] =	ssyncadd.s32 $0xFFFFE000  }
0x1ea: {  	[tilespmem:s0], [sflag:$0x4] =	stream.indirect.gather [hbm4b:s1+s23], $0x80, s25, s23, $0xb8;
	[tilespmem:$0x1FA00] =	vst v63  }
.LBB2_10:
0x1eb: {  	_ =	swait.ge [sflag:s5], $0x2000  }
0x1ec: {  	[sflag:s5] =	ssyncset.done $0x0  }
0x1ed: {  	s4 =	sadd.s32 $0xFFFFFE00, s12;
	[sflag:s5] =	ssyncadd.s32 $0xFFFFE000  }
0x1ee: {  	[spmem:s3] =	stream.indirect.scatter.add.f32 [tilespmem:s21], [sflag:$0x6], $0x80, s4, s23, $0xb8;
	[tilespmem:$0x1FA00] =	vst v63  }
0x1ef: {  	_ =	swait.ge [sflag:s15], $0x2000  }
0x1f0: {  	s4 =	sshra.s32 s9, $0x2;
	[sflag:s15] =	ssyncset.done $0x0  }
0x1f1: {  	s7 =	sadd.s32 $0x240, s4;
	[sflag:s15] =	ssyncadd.s32 $0xFFFFE000  }
0x1f2: {  	[tilespmem:s13], [sflag:$0x5] =	stream.indirect.gather [hbm4b:s1+s23], $0x80, s7, s23, $0xb8;
	[tilespmem:$0x1FA00] =	vst v63  }
0x1f3: {  	_ =	swait.ge [sflag:s14], $0x2000  }
0x1f4: {  	[sflag:s14] =	ssyncset.done $0x0  }
0x1f5: {  	s24 =	sadd.s32 $0xFFFFFE80, s12;
	[sflag:s14] =	ssyncadd.s32 $0xFFFFE000  }
0x1f6: {  	[spmem:s3] =	stream.indirect.scatter.add.f32 [tilespmem:s29], [sflag:$0x7], $0x80, s24, s23, $0xb8;
	[tilespmem:$0x1FA00] =	vst v63  }
0x1f7: {  	_ =	swait.ge [sflag:s11], $0x2000  }
0x1f8: {  	p0 =	seq.s32 s9, $0x1E00;
	[sflag:s11] =	ssyncset.done $0x0  }
0x1f9: {  	s7 =	simm.s32 @p0 $0x3;
	[sflag:s11] =	ssyncadd.s32 $0xFFFFE000  }
0x1fa: {  	_ =	swait.ge @p0 [sflag:s7], $0x2000  }
0x1fb: {  	s19 =	simm.s32 @p0 $0x40;
	[sflag:s7] =	ssyncset.done @p0 $0x0  }
0x1fc: {  	s24 =	simm.s32 @p0 $0x5E00;
	[sflag:s7] =	ssyncadd.s32 @p0 $0xFFFFE000;
	s7 =	sadd.s32 @p0 $0xFFFFFF00, s12  }
0x1fd: {  	[spmem:s3] =	stream.indirect.scatter.add.f32 @p0 [tilespmem:s24], [sflag:$0x8], $0x80, s7, s19, $0xb8;
	[tilespmem:$0x1FA00] =	vst v63  }
0x1fe: {  	s7 =	simm.s32 @p0 $0x7  }
0x1ff: {  	_ =	swait.ge @p0 [sflag:s7], $0x2000  }
0x200: {  	[sflag:s7] =	ssyncset.done @p0 $0x0  }
0x201: {  	[sflag:s7] =	ssyncadd.s32 @p0 $0xFFFFE000;
	s7 =	sshra.s32 @!p0 s9, $0x2  }
0x202: {  	s25 =	simm.s32 @!p0 $0x1E00;
	s24 =	simm.s32 @!p0 $0x40;
	s19 =	sadd.s32 @!p0 $0x280, s7  }
0x203: {  	[tilespmem:s25], [sflag:$0x1] =	stream.indirect.gather @!p0 [hbm4b:s1+s24], $0x80, s19, s24, $0xb8;
	[tilespmem:$0x1FA00] =	vst v63  }
0x204: {  	s19 =	simm.s32 @!p0 $0x3  }
0x205: {  	_ =	swait.ge @!p0 [sflag:s19], $0x2000  }
0x206: {  	[sflag:s19] =	ssyncset.done @!p0 $0x0  }
0x207: {  	s25 =	simm.s32 @!p0 $0x5E00;
	[sflag:s19] =	ssyncadd.s32 @!p0 $0xFFFFE000;
	s19 =	sadd.s32 @!p0 $0xFFFFFF00, s12  }
0x208: {  	[spmem:s3] =	stream.indirect.scatter.add.f32 @!p0 [tilespmem:s25], [sflag:$0x8], $0x80, s19, s24, $0xb8;
	[tilespmem:$0x1FA00] =	vst v63  }
0x209: {  	s19 =	simm.s32 @!p0 $0x7  }
0x20a: {  	_ =	swait.ge @!p0 [sflag:s19], $0x2000  }
0x20b: {  	[sflag:s19] =	ssyncset.done @!p0 $0x0  }
0x20c: {  	s7 =	sadd.s32 @!p0 $0x2C0, s7;
	[sflag:s19] =	ssyncadd.s32 @!p0 $0xFFFFE000;
	s19 =	simm.s32 @!p0 $0x3E00  }
0x20d: {  	[tilespmem:s19], [sflag:$0x2] =	stream.indirect.gather @!p0 [hbm4b:s1+s24], $0x80, s7, s24, $0xb8;
	[tilespmem:$0x1FA00] =	vst v63  }
0x20e: {  	_ =	swait.ge [sflag:s6], $0x2000  }
0x20f: {  	[sflag:s6] =	ssyncset.done $0x0  }
.Ltmp6:
0x210: {  	s25 =	sadd.s32 $0xFFFFFF80, s12;
	[sflag:s6] =	ssyncadd.s32 $0xFFFFE000;
	(pc) =	sbr.rel @p0 .LBB2_12-.Ltmp6, $4  }
0x211: {  	[spmem:s3] =	stream.indirect.scatter.add.f32 [tilespmem:s0], [sflag:$0x9], $0x80, s25, s23, $0xb8;
	[tilespmem:$0x1FA00] =	vst v63  }
0x212: {  	_ =	swait.ge [sflag:s8], $0x2000  }
0x213: {  	[sflag:s8] =	ssyncset.done $0x0  }
0x214: {  	[sflag:s8] =	ssyncadd.s32 $0xFFFFE000  }
0x215: {  	s7 =	sadd.s32 $0x300, s4  }
0x216: {  	[tilespmem:s31], [sflag:$0x3] =	stream.indirect.gather [hbm4b:s1+s23], $0x80, s7, s23, $0xb8;
	[tilespmem:$0x1FA00] =	vst v63  }
0x217: {  	_ =	swait.ge [sflag:s30], $0x2000  }
0x218: {  	[sflag:s30] =	ssyncset.done $0x0  }
0x219: {  	[sflag:s30] =	ssyncadd.s32 $0xFFFFE000  }
0x21a: {  	[spmem:s3] =	stream.indirect.scatter.add.f32 [tilespmem:s13], [sflag:$0xA], $0x80, s12, s23, $0xb8;
	[tilespmem:$0x1FA00] =	vst v63  }
.Ltmp7:
0x21b: {  	_ = 	snop;
	(pc) =	sbr.rel .LBB2_10-.Ltmp7, $4  }
0x21c: {  	_ =	swait.ge [sflag:s2], $0x2000  }
0x21d: {  	s25 =	sadd.s32 $0x340, s4;
	[sflag:s2] =	ssyncset.done $0x0  }
0x21e: {  	s9 =	sadd.s32 $0x500, s9;
	s12 =	sadd.s32 $0x280, s12;
	[sflag:s2] =	ssyncadd.s32 $0xFFFFE000  }
0x21f: {  	[tilespmem:s0], [sflag:$0x4] =	stream.indirect.gather [hbm4b:s1+s23], $0x80, s25, s23, $0xb8;
	[tilespmem:$0x1FA00] =	vst v63  }
.LBB2_12:
0x220: {  	_ =	swait.ge [sflag:s30], $0x2000  }
0x221: {  	[sflag:s30] =	ssyncset.done $0x0  }
0x222: {  	[sflag:s30] =	ssyncadd.s32 $0xFFFFE000  }
0x223: {  	[spmem:s3] =	stream.indirect.scatter.add.f32 [tilespmem:s13], [sflag:$0xA], $0x80, s10, s23, $0xb8;
	[tilespmem:$0x1FA00] =	vst v63  }
0x224: {  	_ =	swait.ge [sflag:s2], $0x2000  }
0x225: {  	[sflag:s2] =	ssyncset.done $0x0  }
0x226: {  	[sflag:s2] =	ssyncadd.s32 $0xFFFFE000  }
0x227: {  	_ =	swait.ge [sflag:s15], $0x2000  }
0x228: {  	[sflag:s15] =	ssyncset.done $0x0  }
0x229: {  	s9 =	simm.s32 $0x0;
	s4 =	rddreg [dreg:$0xd];
	[sflag:s15] =	ssyncadd.s32 $0xFFFFE000  }
0x22a: {  	[tilespmem:s9], [sflag:$0xB] =	stream.linear.gather [hbm4b:s4+s9], $0xA00, $0x38;
	[tilespmem:$0x1FA00] =	vst v63  }
0x22b: {  	_ =	swait.ge [sflag:s20], $0xA00  }
0x22c: {  	[sflag:s20] =	ssyncset.done $0x0  }
0x22d: {  	s7 =	rddreg [dreg:$0x8];
	[sflag:s20] =	ssyncadd.s32 $0xFFFFF600  }
0x22e: {  	[tilespmem:s22], [sflag:$0xB] =	stream.linear.gather [hbm4b:s7+s9], $0x1400, $0x38;
	[tilespmem:$0x1FA00] =	vst v63  }
0x22f: {  	_ =	swait.ge [sflag:s20], $0x1400  }
0x230: {  	[sflag:s20] =	ssyncset.done $0x0  }
0x231: {  	[sflag:s20] =	ssyncadd.s32 $0xFFFFEC00  }
0x232: {  	[tilespmem:s21], [sflag:$0x1] =	stream.indirect.gather [hbm4b:s1+s23], $0x80, s9, s23, $0xb8;
	[tilespmem:$0x1FA00] =	vst v63  }
0x233: {  	_ = 	snop  }
0x234: {  	[tilespmem:s29], [sflag:$0x2] =	stream.indirect.gather [hbm4b:s1+s23], $0x80, s23, s23, $0xb8;
	[tilespmem:$0x1FA00] =	vst v63  }
0x235: {  	s12 =	simm.s32 $0x80  }
0x236: {  	[tilespmem:s31], [sflag:$0x3] =	stream.indirect.gather [hbm4b:s1+s23], $0x80, s12, s23, $0xb8;
	[tilespmem:$0x1FA00] =	vst v63  }
0x237: {  	s19 =	simm.s32 $0xC0  }
0x238: {  	[tilespmem:s0], [sflag:$0x4] =	stream.indirect.gather [hbm4b:s1+s23], $0x80, s19, s23, $0xb8;
	[tilespmem:$0x1FA00] =	vst v63  }
0x239: {  	_ =	swait.ge [sflag:s5], $0x2000  }
0x23a: {  	[sflag:s5] =	ssyncset.done $0x0  }
0x23b: {  	[sflag:s5] =	ssyncadd.s32 $0xFFFFE000  }
0x23c: {  	[spmem:s3] =	stream.indirect.scatter.add.f32 [tilespmem:s21], [sflag:$0x6], $0x80, s22, s23, $0xb8;
	[tilespmem:$0x1FA00] =	vst v63  }
0x23d: {  	s24 =	simm.s32 $0x100  }
0x23e: {  	[tilespmem:s13], [sflag:$0x5] =	stream.indirect.gather [hbm4b:s1+s23], $0x80, s24, s23, $0xb8;
	[tilespmem:$0x1FA00] =	vst v63  }
0x23f: {  	_ =	swait.ge [sflag:s14], $0x2000  }
0x240: {  	[sflag:s14] =	ssyncset.done $0x0  }
0x241: {  	s25 =	simm.s32 $0xA80;
	[sflag:s14] =	ssyncadd.s32 $0xFFFFE000  }
0x242: {  	[spmem:s3] =	stream.indirect.scatter.add.f32 [tilespmem:s29], [sflag:$0x7], $0x80, s25, s23, $0xb8;
	[tilespmem:$0x1FA00] =	vst v63  }
0x243: {  	_ =	swait.ge [sflag:s11], $0x2000  }
0x244: {  	[sflag:s11] =	ssyncset.done $0x0  }
0x245: {  	s7 =	simm.s32 $0x140;
	[sflag:s11] =	ssyncadd.s32 $0xFFFFE000  }
0x246: {  	[tilespmem:s21], [sflag:$0x1] =	stream.indirect.gather [hbm4b:s1+s23], $0x80, s7, s23, $0xb8;
	[tilespmem:$0x1FA00] =	vst v63  }
0x247: {  	_ =	swait.ge [sflag:s16], $0x2000  }
0x248: {  	[sflag:s16] =	ssyncset.done $0x0  }
0x249: {  	s12 =	simm.s32 $0xB00;
	[sflag:s16] =	ssyncadd.s32 $0xFFFFE000  }
0x24a: {  	[spmem:s3] =	stream.indirect.scatter.add.f32 [tilespmem:s31], [sflag:$0x8], $0x80, s12, s23, $0xb8;
	[tilespmem:$0x1FA00] =	vst v63  }
0x24b: {  	_ =	swait.ge [sflag:s17], $0x2000  }
0x24c: {  	[sflag:s17] =	ssyncset.done $0x0  }
0x24d: {  	s19 =	simm.s32 $0x180;
	[sflag:s17] =	ssyncadd.s32 $0xFFFFE000  }
0x24e: {  	[tilespmem:s29], [sflag:$0x2] =	stream.indirect.gather [hbm4b:s1+s23], $0x80, s19, s23, $0xb8;
	[tilespmem:$0x1FA00] =	vst v63  }
0x24f: {  	_ =	swait.ge [sflag:s6], $0x2000  }
0x250: {  	[sflag:s6] =	ssyncset.done $0x0  }
0x251: {  	[sflag:s6] =	ssyncadd.s32 $0xFFFFE000  }
0x252: {  	[spmem:s3] =	stream.indirect.scatter.add.f32 [tilespmem:s0], [sflag:$0x9], $0x80, s26, s23, $0xb8;
	[tilespmem:$0x1FA00] =	vst v63  }
0x253: {  	_ =	swait.ge [sflag:s8], $0x2000  }
0x254: {  	[sflag:s8] =	ssyncset.done $0x0  }
0x255: {  	s24 =	simm.s32 $0x1C0;
	[sflag:s8] =	ssyncadd.s32 $0xFFFFE000  }
0x256: {  	[tilespmem:s31], [sflag:$0x3] =	stream.indirect.gather [hbm4b:s1+s23], $0x80, s24, s23, $0xb8;
	[tilespmem:$0x1FA00] =	vst v63  }
0x257: {  	_ =	swait.ge [sflag:s30], $0x2000  }
0x258: {  	[sflag:s30] =	ssyncset.done $0x0  }
0x259: {  	[sflag:s30] =	ssyncadd.s32 $0xFFFFE000  }
0x25a: {  	[spmem:s3] =	stream.indirect.scatter.add.f32 [tilespmem:s13], [sflag:$0xA], $0x80, s28, s23, $0xb8;
	[tilespmem:$0x1FA00] =	vst v63  }
0x25b: {  	_ =	swait.ge [sflag:s2], $0x2000  }
0x25c: {  	[sflag:s2] =	ssyncset.done $0x0  }
0x25d: {  	s25 =	simm.s32 $0x200;
	s12 =	simm.s32 $0xE80;
	[sflag:s2] =	ssyncadd.s32 $0xFFFFE000  }
0x25e: {  	[tilespmem:s0], [sflag:$0x4] =	stream.indirect.gather [hbm4b:s1+s23], $0x80, s25, s23, $0xb8;
	[tilespmem:$0x1FA00] =	vst v63  }
.LBB2_13:
0x25f: {  	_ =	swait.ge [sflag:s5], $0x2000  }
0x260: {  	[sflag:s5] =	ssyncset.done $0x0  }
0x261: {  	s4 =	sadd.s32 $0xFFFFFE00, s12;
	[sflag:s5] =	ssyncadd.s32 $0xFFFFE000  }
0x262: {  	[spmem:s3] =	stream.indirect.scatter.add.f32 [tilespmem:s21], [sflag:$0x6], $0x80, s4, s23, $0xb8;
	[tilespmem:$0x1FA00] =	vst v63  }
0x263: {  	_ =	swait.ge [sflag:s15], $0x2000  }
0x264: {  	s4 =	sshra.s32 s9, $0x2;
	[sflag:s15] =	ssyncset.done $0x0  }
0x265: {  	s7 =	sadd.s32 $0x240, s4;
	[sflag:s15] =	ssyncadd.s32 $0xFFFFE000  }
0x266: {  	[tilespmem:s13], [sflag:$0x5] =	stream.indirect.gather [hbm4b:s1+s23], $0x80, s7, s23, $0xb8;
	[tilespmem:$0x1FA00] =	vst v63  }
0x267: {  	_ =	swait.ge [sflag:s14], $0x2000  }
0x268: {  	[sflag:s14] =	ssyncset.done $0x0  }
0x269: {  	s24 =	sadd.s32 $0xFFFFFE80, s12;
	[sflag:s14] =	ssyncadd.s32 $0xFFFFE000  }
0x26a: {  	[spmem:s3] =	stream.indirect.scatter.add.f32 [tilespmem:s29], [sflag:$0x7], $0x80, s24, s23, $0xb8;
	[tilespmem:$0x1FA00] =	vst v63  }
0x26b: {  	_ =	swait.ge [sflag:s11], $0x2000  }
0x26c: {  	p0 =	seq.s32 s9, $0x1E00;
	[sflag:s11] =	ssyncset.done $0x0  }
0x26d: {  	s7 =	simm.s32 @p0 $0x3;
	[sflag:s11] =	ssyncadd.s32 $0xFFFFE000  }
0x26e: {  	_ =	swait.ge @p0 [sflag:s7], $0x2000  }
0x26f: {  	s19 =	simm.s32 @p0 $0x40;
	[sflag:s7] =	ssyncset.done @p0 $0x0  }
0x270: {  	s24 =	simm.s32 @p0 $0x5E00;
	[sflag:s7] =	ssyncadd.s32 @p0 $0xFFFFE000;
	s7 =	sadd.s32 @p0 $0xFFFFFF00, s12  }
0x271: {  	[spmem:s3] =	stream.indirect.scatter.add.f32 @p0 [tilespmem:s24], [sflag:$0x8], $0x80, s7, s19, $0xb8;
	[tilespmem:$0x1FA00] =	vst v63  }
0x272: {  	s7 =	simm.s32 @p0 $0x7  }
0x273: {  	_ =	swait.ge @p0 [sflag:s7], $0x2000  }
0x274: {  	[sflag:s7] =	ssyncset.done @p0 $0x0  }
0x275: {  	[sflag:s7] =	ssyncadd.s32 @p0 $0xFFFFE000;
	s7 =	sshra.s32 @!p0 s9, $0x2  }
0x276: {  	s25 =	simm.s32 @!p0 $0x1E00;
	s24 =	simm.s32 @!p0 $0x40;
	s19 =	sadd.s32 @!p0 $0x280, s7  }
0x277: {  	[tilespmem:s25], [sflag:$0x1] =	stream.indirect.gather @!p0 [hbm4b:s1+s24], $0x80, s19, s24, $0xb8;
	[tilespmem:$0x1FA00] =	vst v63  }
0x278: {  	s19 =	simm.s32 @!p0 $0x3  }
0x279: {  	_ =	swait.ge @!p0 [sflag:s19], $0x2000  }
0x27a: {  	[sflag:s19] =	ssyncset.done @!p0 $0x0  }
0x27b: {  	s25 =	simm.s32 @!p0 $0x5E00;
	[sflag:s19] =	ssyncadd.s32 @!p0 $0xFFFFE000;
	s19 =	sadd.s32 @!p0 $0xFFFFFF00, s12  }
0x27c: {  	[spmem:s3] =	stream.indirect.scatter.add.f32 @!p0 [tilespmem:s25], [sflag:$0x8], $0x80, s19, s24, $0xb8;
	[tilespmem:$0x1FA00] =	vst v63  }
0x27d: {  	s19 =	simm.s32 @!p0 $0x7  }
0x27e: {  	_ =	swait.ge @!p0 [sflag:s19], $0x2000  }
0x27f: {  	[sflag:s19] =	ssyncset.done @!p0 $0x0  }
0x280: {  	s7 =	sadd.s32 @!p0 $0x2C0, s7;
	[sflag:s19] =	ssyncadd.s32 @!p0 $0xFFFFE000;
	s19 =	simm.s32 @!p0 $0x3E00  }
0x281: {  	[tilespmem:s19], [sflag:$0x2] =	stream.indirect.gather @!p0 [hbm4b:s1+s24], $0x80, s7, s24, $0xb8;
	[tilespmem:$0x1FA00] =	vst v63  }
0x282: {  	_ =	swait.ge [sflag:s6], $0x2000  }
0x283: {  	[sflag:s6] =	ssyncset.done $0x0  }
.Ltmp8:
0x284: {  	s25 =	sadd.s32 $0xFFFFFF80, s12;
	[sflag:s6] =	ssyncadd.s32 $0xFFFFE000;
	(pc) =	sbr.rel @p0 .LBB2_15-.Ltmp8, $4  }
0x285: {  	[spmem:s3] =	stream.indirect.scatter.add.f32 [tilespmem:s0], [sflag:$0x9], $0x80, s25, s23, $0xb8;
	[tilespmem:$0x1FA00] =	vst v63  }
0x286: {  	_ =	swait.ge [sflag:s8], $0x2000  }
0x287: {  	[sflag:s8] =	ssyncset.done $0x0  }
0x288: {  	[sflag:s8] =	ssyncadd.s32 $0xFFFFE000  }
0x289: {  	s7 =	sadd.s32 $0x300, s4  }
0x28a: {  	[tilespmem:s31], [sflag:$0x3] =	stream.indirect.gather [hbm4b:s1+s23], $0x80, s7, s23, $0xb8;
	[tilespmem:$0x1FA00] =	vst v63  }
0x28b: {  	_ =	swait.ge [sflag:s30], $0x2000  }
0x28c: {  	[sflag:s30] =	ssyncset.done $0x0  }
0x28d: {  	[sflag:s30] =	ssyncadd.s32 $0xFFFFE000  }
0x28e: {  	[spmem:s3] =	stream.indirect.scatter.add.f32 [tilespmem:s13], [sflag:$0xA], $0x80, s12, s23, $0xb8;
	[tilespmem:$0x1FA00] =	vst v63  }
.Ltmp9:
0x28f: {  	_ = 	snop;
	(pc) =	sbr.rel .LBB2_13-.Ltmp9, $4  }
0x290: {  	_ =	swait.ge [sflag:s2], $0x2000  }
0x291: {  	s25 =	sadd.s32 $0x340, s4;
	[sflag:s2] =	ssyncset.done $0x0  }
0x292: {  	s9 =	sadd.s32 $0x500, s9;
	s12 =	sadd.s32 $0x280, s12;
	[sflag:s2] =	ssyncadd.s32 $0xFFFFE000  }
0x293: {  	[tilespmem:s0], [sflag:$0x4] =	stream.indirect.gather [hbm4b:s1+s23], $0x80, s25, s23, $0xb8;
	[tilespmem:$0x1FA00] =	vst v63  }
.LBB2_15:
0x294: {  	_ =	swait.ge [sflag:s30], $0x2000  }
0x295: {  	[sflag:s30] =	ssyncset.done $0x0  }
0x296: {  	[sflag:s30] =	ssyncadd.s32 $0xFFFFE000  }
0x297: {  	[spmem:s3] =	stream.indirect.scatter.add.f32 [tilespmem:s13], [sflag:$0xA], $0x80, s10, s23, $0xb8;
	[tilespmem:$0x1FA00] =	vst v63  }
0x298: {  	_ =	swait.ge [sflag:s2], $0x2000  }
0x299: {  	[sflag:s2] =	ssyncset.done $0x0  }
0x29a: {  	[sflag:s2] =	ssyncadd.s32 $0xFFFFE000  }
0x29b: {  	_ =	swait.ge [sflag:s15], $0x2000  }
0x29c: {  	[sflag:s15] =	ssyncset.done $0x0  }
0x29d: {  	s9 =	simm.s32 $0x0;
	s4 =	rddreg [dreg:$0xe];
	[sflag:s15] =	ssyncadd.s32 $0xFFFFE000  }
0x29e: {  	[tilespmem:s9], [sflag:$0xB] =	stream.linear.gather [hbm4b:s4+s9], $0xA00, $0x38;
	[tilespmem:$0x1FA00] =	vst v63  }
0x29f: {  	_ =	swait.ge [sflag:s20], $0xA00  }
0x2a0: {  	[sflag:s20] =	ssyncset.done $0x0  }
0x2a1: {  	s7 =	rddreg [dreg:$0x9];
	[sflag:s20] =	ssyncadd.s32 $0xFFFFF600  }
0x2a2: {  	[tilespmem:s22], [sflag:$0xB] =	stream.linear.gather [hbm4b:s7+s9], $0x1400, $0x38;
	[tilespmem:$0x1FA00] =	vst v63  }
0x2a3: {  	_ =	swait.ge [sflag:s20], $0x1400  }
0x2a4: {  	[sflag:s20] =	ssyncset.done $0x0  }
0x2a5: {  	[sflag:s20] =	ssyncadd.s32 $0xFFFFEC00  }
0x2a6: {  	[tilespmem:s21], [sflag:$0x1] =	stream.indirect.gather [hbm4b:s1+s23], $0x80, s9, s23, $0xb8;
	[tilespmem:$0x1FA00] =	vst v63  }
0x2a7: {  	_ = 	snop  }
0x2a8: {  	[tilespmem:s29], [sflag:$0x2] =	stream.indirect.gather [hbm4b:s1+s23], $0x80, s23, s23, $0xb8;
	[tilespmem:$0x1FA00] =	vst v63  }
0x2a9: {  	s12 =	simm.s32 $0x80  }
0x2aa: {  	[tilespmem:s31], [sflag:$0x3] =	stream.indirect.gather [hbm4b:s1+s23], $0x80, s12, s23, $0xb8;
	[tilespmem:$0x1FA00] =	vst v63  }
0x2ab: {  	s19 =	simm.s32 $0xC0  }
0x2ac: {  	[tilespmem:s0], [sflag:$0x4] =	stream.indirect.gather [hbm4b:s1+s23], $0x80, s19, s23, $0xb8;
	[tilespmem:$0x1FA00] =	vst v63  }
0x2ad: {  	_ =	swait.ge [sflag:s5], $0x2000  }
0x2ae: {  	[sflag:s5] =	ssyncset.done $0x0  }
0x2af: {  	[sflag:s5] =	ssyncadd.s32 $0xFFFFE000  }
0x2b0: {  	[spmem:s3] =	stream.indirect.scatter.add.f32 [tilespmem:s21], [sflag:$0x6], $0x80, s22, s23, $0xb8;
	[tilespmem:$0x1FA00] =	vst v63  }
0x2b1: {  	s24 =	simm.s32 $0x100  }
0x2b2: {  	[tilespmem:s13], [sflag:$0x5] =	stream.indirect.gather [hbm4b:s1+s23], $0x80, s24, s23, $0xb8;
	[tilespmem:$0x1FA00] =	vst v63  }
0x2b3: {  	_ =	swait.ge [sflag:s14], $0x2000  }
0x2b4: {  	[sflag:s14] =	ssyncset.done $0x0  }
0x2b5: {  	s25 =	simm.s32 $0xA80;
	[sflag:s14] =	ssyncadd.s32 $0xFFFFE000  }
0x2b6: {  	[spmem:s3] =	stream.indirect.scatter.add.f32 [tilespmem:s29], [sflag:$0x7], $0x80, s25, s23, $0xb8;
	[tilespmem:$0x1FA00] =	vst v63  }
0x2b7: {  	_ =	swait.ge [sflag:s11], $0x2000  }
0x2b8: {  	[sflag:s11] =	ssyncset.done $0x0  }
0x2b9: {  	s7 =	simm.s32 $0x140;
	[sflag:s11] =	ssyncadd.s32 $0xFFFFE000  }
0x2ba: {  	[tilespmem:s21], [sflag:$0x1] =	stream.indirect.gather [hbm4b:s1+s23], $0x80, s7, s23, $0xb8;
	[tilespmem:$0x1FA00] =	vst v63  }
0x2bb: {  	_ =	swait.ge [sflag:s16], $0x2000  }
0x2bc: {  	[sflag:s16] =	ssyncset.done $0x0  }
0x2bd: {  	s12 =	simm.s32 $0xB00;
	[sflag:s16] =	ssyncadd.s32 $0xFFFFE000  }
0x2be: {  	[spmem:s3] =	stream.indirect.scatter.add.f32 [tilespmem:s31], [sflag:$0x8], $0x80, s12, s23, $0xb8;
	[tilespmem:$0x1FA00] =	vst v63  }
0x2bf: {  	_ =	swait.ge [sflag:s17], $0x2000  }
0x2c0: {  	[sflag:s17] =	ssyncset.done $0x0  }
0x2c1: {  	s19 =	simm.s32 $0x180;
	[sflag:s17] =	ssyncadd.s32 $0xFFFFE000  }
0x2c2: {  	[tilespmem:s29], [sflag:$0x2] =	stream.indirect.gather [hbm4b:s1+s23], $0x80, s19, s23, $0xb8;
	[tilespmem:$0x1FA00] =	vst v63  }
0x2c3: {  	_ =	swait.ge [sflag:s6], $0x2000  }
0x2c4: {  	[sflag:s6] =	ssyncset.done $0x0  }
0x2c5: {  	[sflag:s6] =	ssyncadd.s32 $0xFFFFE000  }
0x2c6: {  	[spmem:s3] =	stream.indirect.scatter.add.f32 [tilespmem:s0], [sflag:$0x9], $0x80, s26, s23, $0xb8;
	[tilespmem:$0x1FA00] =	vst v63  }
0x2c7: {  	_ =	swait.ge [sflag:s8], $0x2000  }
0x2c8: {  	[sflag:s8] =	ssyncset.done $0x0  }
0x2c9: {  	s24 =	simm.s32 $0x1C0;
	[sflag:s8] =	ssyncadd.s32 $0xFFFFE000  }
0x2ca: {  	[tilespmem:s31], [sflag:$0x3] =	stream.indirect.gather [hbm4b:s1+s23], $0x80, s24, s23, $0xb8;
	[tilespmem:$0x1FA00] =	vst v63  }
0x2cb: {  	_ =	swait.ge [sflag:s30], $0x2000  }
0x2cc: {  	[sflag:s30] =	ssyncset.done $0x0  }
0x2cd: {  	[sflag:s30] =	ssyncadd.s32 $0xFFFFE000  }
0x2ce: {  	[spmem:s3] =	stream.indirect.scatter.add.f32 [tilespmem:s13], [sflag:$0xA], $0x80, s28, s23, $0xb8;
	[tilespmem:$0x1FA00] =	vst v63  }
0x2cf: {  	_ =	swait.ge [sflag:s2], $0x2000  }
0x2d0: {  	[sflag:s2] =	ssyncset.done $0x0  }
0x2d1: {  	s25 =	simm.s32 $0x200;
	s12 =	simm.s32 $0xE80;
	[sflag:s2] =	ssyncadd.s32 $0xFFFFE000  }
0x2d2: {  	[tilespmem:s0], [sflag:$0x4] =	stream.indirect.gather [hbm4b:s1+s23], $0x80, s25, s23, $0xb8;
	[tilespmem:$0x1FA00] =	vst v63  }
.LBB2_16:
0x2d3: {  	_ =	swait.ge [sflag:s5], $0x2000  }
0x2d4: {  	[sflag:s5] =	ssyncset.done $0x0  }
0x2d5: {  	s4 =	sadd.s32 $0xFFFFFE00, s12;
	[sflag:s5] =	ssyncadd.s32 $0xFFFFE000  }
0x2d6: {  	[spmem:s3] =	stream.indirect.scatter.add.f32 [tilespmem:s21], [sflag:$0x6], $0x80, s4, s23, $0xb8;
	[tilespmem:$0x1FA00] =	vst v63  }
0x2d7: {  	_ =	swait.ge [sflag:s15], $0x2000  }
0x2d8: {  	s4 =	sshra.s32 s9, $0x2;
	[sflag:s15] =	ssyncset.done $0x0  }
0x2d9: {  	s7 =	sadd.s32 $0x240, s4;
	[sflag:s15] =	ssyncadd.s32 $0xFFFFE000  }
0x2da: {  	[tilespmem:s13], [sflag:$0x5] =	stream.indirect.gather [hbm4b:s1+s23], $0x80, s7, s23, $0xb8;
	[tilespmem:$0x1FA00] =	vst v63  }
0x2db: {  	_ =	swait.ge [sflag:s14], $0x2000  }
0x2dc: {  	[sflag:s14] =	ssyncset.done $0x0  }
0x2dd: {  	s24 =	sadd.s32 $0xFFFFFE80, s12;
	[sflag:s14] =	ssyncadd.s32 $0xFFFFE000  }
0x2de: {  	[spmem:s3] =	stream.indirect.scatter.add.f32 [tilespmem:s29], [sflag:$0x7], $0x80, s24, s23, $0xb8;
	[tilespmem:$0x1FA00] =	vst v63  }
0x2df: {  	_ =	swait.ge [sflag:s11], $0x2000  }
0x2e0: {  	p0 =	seq.s32 s9, $0x1E00;
	[sflag:s11] =	ssyncset.done $0x0  }
0x2e1: {  	s7 =	simm.s32 @p0 $0x3;
	[sflag:s11] =	ssyncadd.s32 $0xFFFFE000  }
0x2e2: {  	_ =	swait.ge @p0 [sflag:s7], $0x2000  }
0x2e3: {  	s19 =	simm.s32 @p0 $0x40;
	[sflag:s7] =	ssyncset.done @p0 $0x0  }
0x2e4: {  	s24 =	simm.s32 @p0 $0x5E00;
	[sflag:s7] =	ssyncadd.s32 @p0 $0xFFFFE000;
	s7 =	sadd.s32 @p0 $0xFFFFFF00, s12  }
0x2e5: {  	[spmem:s3] =	stream.indirect.scatter.add.f32 @p0 [tilespmem:s24], [sflag:$0x8], $0x80, s7, s19, $0xb8;
	[tilespmem:$0x1FA00] =	vst v63  }
0x2e6: {  	s7 =	simm.s32 @p0 $0x7  }
0x2e7: {  	_ =	swait.ge @p0 [sflag:s7], $0x2000  }
0x2e8: {  	[sflag:s7] =	ssyncset.done @p0 $0x0  }
0x2e9: {  	[sflag:s7] =	ssyncadd.s32 @p0 $0xFFFFE000;
	s7 =	sshra.s32 @!p0 s9, $0x2  }
0x2ea: {  	s25 =	simm.s32 @!p0 $0x1E00;
	s24 =	simm.s32 @!p0 $0x40;
	s19 =	sadd.s32 @!p0 $0x280, s7  }
0x2eb: {  	[tilespmem:s25], [sflag:$0x1] =	stream.indirect.gather @!p0 [hbm4b:s1+s24], $0x80, s19, s24, $0xb8;
	[tilespmem:$0x1FA00] =	vst v63  }
0x2ec: {  	s19 =	simm.s32 @!p0 $0x3  }
0x2ed: {  	_ =	swait.ge @!p0 [sflag:s19], $0x2000  }
0x2ee: {  	[sflag:s19] =	ssyncset.done @!p0 $0x0  }
0x2ef: {  	s25 =	simm.s32 @!p0 $0x5E00;
	[sflag:s19] =	ssyncadd.s32 @!p0 $0xFFFFE000;
	s19 =	sadd.s32 @!p0 $0xFFFFFF00, s12  }
0x2f0: {  	[spmem:s3] =	stream.indirect.scatter.add.f32 @!p0 [tilespmem:s25], [sflag:$0x8], $0x80, s19, s24, $0xb8;
	[tilespmem:$0x1FA00] =	vst v63  }
0x2f1: {  	s19 =	simm.s32 @!p0 $0x7  }
0x2f2: {  	_ =	swait.ge @!p0 [sflag:s19], $0x2000  }
0x2f3: {  	[sflag:s19] =	ssyncset.done @!p0 $0x0  }
0x2f4: {  	s7 =	sadd.s32 @!p0 $0x2C0, s7;
	[sflag:s19] =	ssyncadd.s32 @!p0 $0xFFFFE000;
	s19 =	simm.s32 @!p0 $0x3E00  }
0x2f5: {  	[tilespmem:s19], [sflag:$0x2] =	stream.indirect.gather @!p0 [hbm4b:s1+s24], $0x80, s7, s24, $0xb8;
	[tilespmem:$0x1FA00] =	vst v63  }
0x2f6: {  	_ =	swait.ge [sflag:s6], $0x2000  }
0x2f7: {  	[sflag:s6] =	ssyncset.done $0x0  }
.Ltmp10:
0x2f8: {  	s25 =	sadd.s32 $0xFFFFFF80, s12;
	[sflag:s6] =	ssyncadd.s32 $0xFFFFE000;
	(pc) =	sbr.rel @p0 .LBB2_18-.Ltmp10, $4  }
0x2f9: {  	[spmem:s3] =	stream.indirect.scatter.add.f32 [tilespmem:s0], [sflag:$0x9], $0x80, s25, s23, $0xb8;
	[tilespmem:$0x1FA00] =	vst v63  }
0x2fa: {  	_ =	swait.ge [sflag:s8], $0x2000  }
0x2fb: {  	[sflag:s8] =	ssyncset.done $0x0  }
0x2fc: {  	[sflag:s8] =	ssyncadd.s32 $0xFFFFE000  }
0x2fd: {  	s7 =	sadd.s32 $0x300, s4  }
0x2fe: {  	[tilespmem:s31], [sflag:$0x3] =	stream.indirect.gather [hbm4b:s1+s23], $0x80, s7, s23, $0xb8;
	[tilespmem:$0x1FA00] =	vst v63  }
0x2ff: {  	_ =	swait.ge [sflag:s30], $0x2000  }
0x300: {  	[sflag:s30] =	ssyncset.done $0x0  }
0x301: {  	[sflag:s30] =	ssyncadd.s32 $0xFFFFE000  }
0x302: {  	[spmem:s3] =	stream.indirect.scatter.add.f32 [tilespmem:s13], [sflag:$0xA], $0x80, s12, s23, $0xb8;
	[tilespmem:$0x1FA00] =	vst v63  }
.Ltmp11:
0x303: {  	_ = 	snop;
	(pc) =	sbr.rel .LBB2_16-.Ltmp11, $4  }
0x304: {  	_ =	swait.ge [sflag:s2], $0x2000  }
0x305: {  	s25 =	sadd.s32 $0x340, s4;
	[sflag:s2] =	ssyncset.done $0x0  }
0x306: {  	s9 =	sadd.s32 $0x500, s9;
	s12 =	sadd.s32 $0x280, s12;
	[sflag:s2] =	ssyncadd.s32 $0xFFFFE000  }
0x307: {  	[tilespmem:s0], [sflag:$0x4] =	stream.indirect.gather [hbm4b:s1+s23], $0x80, s25, s23, $0xb8;
	[tilespmem:$0x1FA00] =	vst v63  }
.LBB2_18:
0x308: {  	_ =	swait.ge [sflag:s30], $0x2000  }
0x309: {  	[sflag:s30] =	ssyncset.done $0x0  }
0x30a: {  	[sflag:s30] =	ssyncadd.s32 $0xFFFFE000  }
0x30b: {  	[spmem:s3] =	stream.indirect.scatter.add.f32 [tilespmem:s13], [sflag:$0xA], $0x80, s10, s23, $0xb8;
	[tilespmem:$0x1FA00] =	vst v63  }
0x30c: {  	_ =	swait.ge [sflag:s2], $0x2000  }
0x30d: {  	[sflag:s2] =	ssyncset.done $0x0  }
0x30e: {  	[sflag:s2] =	ssyncadd.s32 $0xFFFFE000  }
0x30f: {  	_ =	swait.ge [sflag:s15], $0x2000  }
0x310: {  	[sflag:s15] =	ssyncset.done $0x0  }
0x311: {  	s9 =	simm.s32 $0x0;
	s4 =	rddreg [dreg:$0xf];
	[sflag:s15] =	ssyncadd.s32 $0xFFFFE000  }
0x312: {  	[tilespmem:s9], [sflag:$0xB] =	stream.linear.gather [hbm4b:s4+s9], $0xA00, $0x38;
	[tilespmem:$0x1FA00] =	vst v63  }
0x313: {  	_ =	swait.ge [sflag:s20], $0xA00  }
0x314: {  	[sflag:s20] =	ssyncset.done $0x0  }
0x315: {  	s7 =	rddreg [dreg:$0xa];
	[sflag:s20] =	ssyncadd.s32 $0xFFFFF600  }
0x316: {  	[tilespmem:s22], [sflag:$0xB] =	stream.linear.gather [hbm4b:s7+s9], $0x1400, $0x38;
	[tilespmem:$0x1FA00] =	vst v63  }
0x317: {  	_ =	swait.ge [sflag:s20], $0x1400  }
0x318: {  	[sflag:s20] =	ssyncset.done $0x0  }
0x319: {  	[sflag:s20] =	ssyncadd.s32 $0xFFFFEC00  }
0x31a: {  	[tilespmem:s21], [sflag:$0x1] =	stream.indirect.gather [hbm4b:s1+s23], $0x80, s9, s23, $0xb8;
	[tilespmem:$0x1FA00] =	vst v63  }
0x31b: {  	_ = 	snop  }
0x31c: {  	[tilespmem:s29], [sflag:$0x2] =	stream.indirect.gather [hbm4b:s1+s23], $0x80, s23, s23, $0xb8;
	[tilespmem:$0x1FA00] =	vst v63  }
0x31d: {  	s12 =	simm.s32 $0x80  }
0x31e: {  	[tilespmem:s31], [sflag:$0x3] =	stream.indirect.gather [hbm4b:s1+s23], $0x80, s12, s23, $0xb8;
	[tilespmem:$0x1FA00] =	vst v63  }
0x31f: {  	s19 =	simm.s32 $0xC0  }
0x320: {  	[tilespmem:s0], [sflag:$0x4] =	stream.indirect.gather [hbm4b:s1+s23], $0x80, s19, s23, $0xb8;
	[tilespmem:$0x1FA00] =	vst v63  }
0x321: {  	_ =	swait.ge [sflag:s5], $0x2000  }
0x322: {  	[sflag:s5] =	ssyncset.done $0x0  }
0x323: {  	[sflag:s5] =	ssyncadd.s32 $0xFFFFE000  }
0x324: {  	[spmem:s3] =	stream.indirect.scatter.add.f32 [tilespmem:s21], [sflag:$0x6], $0x80, s22, s23, $0xb8;
	[tilespmem:$0x1FA00] =	vst v63  }
0x325: {  	s24 =	simm.s32 $0x100  }
0x326: {  	[tilespmem:s13], [sflag:$0x5] =	stream.indirect.gather [hbm4b:s1+s23], $0x80, s24, s23, $0xb8;
	[tilespmem:$0x1FA00] =	vst v63  }
0x327: {  	_ =	swait.ge [sflag:s14], $0x2000  }
0x328: {  	[sflag:s14] =	ssyncset.done $0x0  }
0x329: {  	s25 =	simm.s32 $0xA80;
	[sflag:s14] =	ssyncadd.s32 $0xFFFFE000  }
0x32a: {  	[spmem:s3] =	stream.indirect.scatter.add.f32 [tilespmem:s29], [sflag:$0x7], $0x80, s25, s23, $0xb8;
	[tilespmem:$0x1FA00] =	vst v63  }
0x32b: {  	_ =	swait.ge [sflag:s11], $0x2000  }
0x32c: {  	[sflag:s11] =	ssyncset.done $0x0  }
0x32d: {  	s7 =	simm.s32 $0x140;
	[sflag:s11] =	ssyncadd.s32 $0xFFFFE000  }
0x32e: {  	[tilespmem:s21], [sflag:$0x1] =	stream.indirect.gather [hbm4b:s1+s23], $0x80, s7, s23, $0xb8;
	[tilespmem:$0x1FA00] =	vst v63  }
0x32f: {  	_ =	swait.ge [sflag:s16], $0x2000  }
0x330: {  	[sflag:s16] =	ssyncset.done $0x0  }
0x331: {  	s12 =	simm.s32 $0xB00;
	[sflag:s16] =	ssyncadd.s32 $0xFFFFE000  }
0x332: {  	[spmem:s3] =	stream.indirect.scatter.add.f32 [tilespmem:s31], [sflag:$0x8], $0x80, s12, s23, $0xb8;
	[tilespmem:$0x1FA00] =	vst v63  }
0x333: {  	_ =	swait.ge [sflag:s17], $0x2000  }
0x334: {  	[sflag:s17] =	ssyncset.done $0x0  }
0x335: {  	s19 =	simm.s32 $0x180;
	[sflag:s17] =	ssyncadd.s32 $0xFFFFE000  }
0x336: {  	[tilespmem:s29], [sflag:$0x2] =	stream.indirect.gather [hbm4b:s1+s23], $0x80, s19, s23, $0xb8;
	[tilespmem:$0x1FA00] =	vst v63  }
0x337: {  	_ =	swait.ge [sflag:s6], $0x2000  }
0x338: {  	[sflag:s6] =	ssyncset.done $0x0  }
0x339: {  	[sflag:s6] =	ssyncadd.s32 $0xFFFFE000  }
0x33a: {  	[spmem:s3] =	stream.indirect.scatter.add.f32 [tilespmem:s0], [sflag:$0x9], $0x80, s26, s23, $0xb8;
	[tilespmem:$0x1FA00] =	vst v63  }
0x33b: {  	_ =	swait.ge [sflag:s8], $0x2000  }
0x33c: {  	[sflag:s8] =	ssyncset.done $0x0  }
0x33d: {  	s24 =	simm.s32 $0x1C0;
	[sflag:s8] =	ssyncadd.s32 $0xFFFFE000  }
0x33e: {  	[tilespmem:s31], [sflag:$0x3] =	stream.indirect.gather [hbm4b:s1+s23], $0x80, s24, s23, $0xb8;
	[tilespmem:$0x1FA00] =	vst v63  }
0x33f: {  	_ =	swait.ge [sflag:s30], $0x2000  }
0x340: {  	[sflag:s30] =	ssyncset.done $0x0  }
0x341: {  	[sflag:s30] =	ssyncadd.s32 $0xFFFFE000  }
0x342: {  	[spmem:s3] =	stream.indirect.scatter.add.f32 [tilespmem:s13], [sflag:$0xA], $0x80, s28, s23, $0xb8;
	[tilespmem:$0x1FA00] =	vst v63  }
0x343: {  	_ =	swait.ge [sflag:s2], $0x2000  }
0x344: {  	[sflag:s2] =	ssyncset.done $0x0  }
0x345: {  	s25 =	simm.s32 $0x200;
	s12 =	simm.s32 $0xE80;
	[sflag:s2] =	ssyncadd.s32 $0xFFFFE000  }
0x346: {  	[tilespmem:s0], [sflag:$0x4] =	stream.indirect.gather [hbm4b:s1+s23], $0x80, s25, s23, $0xb8;
	[tilespmem:$0x1FA00] =	vst v63  }
.LBB2_19:
0x347: {  	_ =	swait.ge [sflag:s5], $0x2000  }
0x348: {  	[sflag:s5] =	ssyncset.done $0x0  }
0x349: {  	s4 =	sadd.s32 $0xFFFFFE00, s12;
	[sflag:s5] =	ssyncadd.s32 $0xFFFFE000  }
0x34a: {  	[spmem:s3] =	stream.indirect.scatter.add.f32 [tilespmem:s21], [sflag:$0x6], $0x80, s4, s23, $0xb8;
	[tilespmem:$0x1FA00] =	vst v63  }
0x34b: {  	_ =	swait.ge [sflag:s15], $0x2000  }
0x34c: {  	s4 =	sshra.s32 s9, $0x2;
	[sflag:s15] =	ssyncset.done $0x0  }
0x34d: {  	s7 =	sadd.s32 $0x240, s4;
	[sflag:s15] =	ssyncadd.s32 $0xFFFFE000  }
0x34e: {  	[tilespmem:s13], [sflag:$0x5] =	stream.indirect.gather [hbm4b:s1+s23], $0x80, s7, s23, $0xb8;
	[tilespmem:$0x1FA00] =	vst v63  }
0x34f: {  	_ =	swait.ge [sflag:s14], $0x2000  }
0x350: {  	[sflag:s14] =	ssyncset.done $0x0  }
0x351: {  	s24 =	sadd.s32 $0xFFFFFE80, s12;
	[sflag:s14] =	ssyncadd.s32 $0xFFFFE000  }
0x352: {  	[spmem:s3] =	stream.indirect.scatter.add.f32 [tilespmem:s29], [sflag:$0x7], $0x80, s24, s23, $0xb8;
	[tilespmem:$0x1FA00] =	vst v63  }
0x353: {  	_ =	swait.ge [sflag:s11], $0x2000  }
0x354: {  	p0 =	seq.s32 s9, $0x1E00;
	[sflag:s11] =	ssyncset.done $0x0  }
0x355: {  	s7 =	simm.s32 @p0 $0x3;
	[sflag:s11] =	ssyncadd.s32 $0xFFFFE000  }
0x356: {  	_ =	swait.ge @p0 [sflag:s7], $0x2000  }
0x357: {  	s19 =	simm.s32 @p0 $0x40;
	[sflag:s7] =	ssyncset.done @p0 $0x0  }
0x358: {  	s24 =	simm.s32 @p0 $0x5E00;
	[sflag:s7] =	ssyncadd.s32 @p0 $0xFFFFE000;
	s7 =	sadd.s32 @p0 $0xFFFFFF00, s12  }
0x359: {  	[spmem:s3] =	stream.indirect.scatter.add.f32 @p0 [tilespmem:s24], [sflag:$0x8], $0x80, s7, s19, $0xb8;
	[tilespmem:$0x1FA00] =	vst v63  }
0x35a: {  	s7 =	simm.s32 @p0 $0x7  }
0x35b: {  	_ =	swait.ge @p0 [sflag:s7], $0x2000  }
0x35c: {  	[sflag:s7] =	ssyncset.done @p0 $0x0  }
0x35d: {  	[sflag:s7] =	ssyncadd.s32 @p0 $0xFFFFE000;
	s7 =	sshra.s32 @!p0 s9, $0x2  }
0x35e: {  	s25 =	simm.s32 @!p0 $0x1E00;
	s24 =	simm.s32 @!p0 $0x40;
	s19 =	sadd.s32 @!p0 $0x280, s7  }
0x35f: {  	[tilespmem:s25], [sflag:$0x1] =	stream.indirect.gather @!p0 [hbm4b:s1+s24], $0x80, s19, s24, $0xb8;
	[tilespmem:$0x1FA00] =	vst v63  }
0x360: {  	s19 =	simm.s32 @!p0 $0x3  }
0x361: {  	_ =	swait.ge @!p0 [sflag:s19], $0x2000  }
0x362: {  	[sflag:s19] =	ssyncset.done @!p0 $0x0  }
0x363: {  	s25 =	simm.s32 @!p0 $0x5E00;
	[sflag:s19] =	ssyncadd.s32 @!p0 $0xFFFFE000;
	s19 =	sadd.s32 @!p0 $0xFFFFFF00, s12  }
0x364: {  	[spmem:s3] =	stream.indirect.scatter.add.f32 @!p0 [tilespmem:s25], [sflag:$0x8], $0x80, s19, s24, $0xb8;
	[tilespmem:$0x1FA00] =	vst v63  }
0x365: {  	s19 =	simm.s32 @!p0 $0x7  }
0x366: {  	_ =	swait.ge @!p0 [sflag:s19], $0x2000  }
0x367: {  	[sflag:s19] =	ssyncset.done @!p0 $0x0  }
0x368: {  	s7 =	sadd.s32 @!p0 $0x2C0, s7;
	[sflag:s19] =	ssyncadd.s32 @!p0 $0xFFFFE000;
	s19 =	simm.s32 @!p0 $0x3E00  }
0x369: {  	[tilespmem:s19], [sflag:$0x2] =	stream.indirect.gather @!p0 [hbm4b:s1+s24], $0x80, s7, s24, $0xb8;
	[tilespmem:$0x1FA00] =	vst v63  }
0x36a: {  	_ =	swait.ge [sflag:s6], $0x2000  }
0x36b: {  	[sflag:s6] =	ssyncset.done $0x0  }
.Ltmp12:
0x36c: {  	s25 =	sadd.s32 $0xFFFFFF80, s12;
	[sflag:s6] =	ssyncadd.s32 $0xFFFFE000;
	(pc) =	sbr.rel @p0 .LBB2_21-.Ltmp12, $4  }
0x36d: {  	[spmem:s3] =	stream.indirect.scatter.add.f32 [tilespmem:s0], [sflag:$0x9], $0x80, s25, s23, $0xb8;
	[tilespmem:$0x1FA00] =	vst v63  }
0x36e: {  	_ =	swait.ge [sflag:s8], $0x2000  }
0x36f: {  	[sflag:s8] =	ssyncset.done $0x0  }
0x370: {  	[sflag:s8] =	ssyncadd.s32 $0xFFFFE000  }
0x371: {  	s7 =	sadd.s32 $0x300, s4  }
0x372: {  	[tilespmem:s31], [sflag:$0x3] =	stream.indirect.gather [hbm4b:s1+s23], $0x80, s7, s23, $0xb8;
	[tilespmem:$0x1FA00] =	vst v63  }
0x373: {  	_ =	swait.ge [sflag:s30], $0x2000  }
0x374: {  	[sflag:s30] =	ssyncset.done $0x0  }
0x375: {  	[sflag:s30] =	ssyncadd.s32 $0xFFFFE000  }
0x376: {  	[spmem:s3] =	stream.indirect.scatter.add.f32 [tilespmem:s13], [sflag:$0xA], $0x80, s12, s23, $0xb8;
	[tilespmem:$0x1FA00] =	vst v63  }
.Ltmp13:
0x377: {  	_ = 	snop;
	(pc) =	sbr.rel .LBB2_19-.Ltmp13, $4  }
0x378: {  	_ =	swait.ge [sflag:s2], $0x2000  }
0x379: {  	s25 =	sadd.s32 $0x340, s4;
	[sflag:s2] =	ssyncset.done $0x0  }
0x37a: {  	s9 =	sadd.s32 $0x500, s9;
	s12 =	sadd.s32 $0x280, s12;
	[sflag:s2] =	ssyncadd.s32 $0xFFFFE000  }
0x37b: {  	[tilespmem:s0], [sflag:$0x4] =	stream.indirect.gather [hbm4b:s1+s23], $0x80, s25, s23, $0xb8;
	[tilespmem:$0x1FA00] =	vst v63  }
.LBB2_22:
0x37c: {  	_ =	sfence.sel $0x180000  }
0x37d: {  	[bflag:$0x0] =	sbarrier.arrive $0xFFFF  }
0x37e: {  	_ =	strace $0x90000047  }
0x37f: {  	s0 =	stileid.u32;
	[bflag:$0x2] =	sbarrier.arrive $0xFFFF  }
0x380: {  	p0 =	sne.s32 s0, $0x0;
	s0 =	rddreg [dreg:$0x3]  }
0x381: {  	s0 =	sadd.s32 @!p0 $0x100000, s0  }
0x382: {  	[sflag:s0] =	ssyncadd.tile.s32 @!p0 $0x1;
	_ =	shalt  }
.Lfunc_end2:
_tile_overlayer_lowered:
.L_overlay_start_2:
0x383: {  	(tag) =	ssettag $0x2  }
0x384: {  	s0 =	rddreg [dreg:$0x0];
	s2 =	stileid.u32  }
0x385: {  	s1 =	rddreg [dreg:$0x1];
	p0 =	sne.s32 s2, $0x0  }
0x386: {  	s3 =	rddreg [dreg:$0x2];
	[bflag:$0x3] =	sbarrier.arrive $0xFFFF;
	s2 =	simm.s32 @!p0 $0x1C0B  }
0x387: {  	[timem:s3], [sflag:s2] =	dma.local @!p0 [hbm:s0], s1  }
0x388: {  	s0 =	simm.s32 @!p0 $0xB  }
0x389: {  	_ =	swait.ge @!p0 [sflag:s0], s1  }
0x38a: {  	s1 =	ssub.s32 @!p0 $0x0, s1;
	[sflag:s0] =	ssyncset.done @!p0 $0x0  }
0x38b: {  	[sflag:s0] =	ssyncadd.s32 @!p0 s1  }
0x38c: {  	[bflag:$0x3] =	sbarrier.arrive $0xFFFF  }
0x38d: {  	_ =	shalt  }

// kernel: kernel.9.cloned.1.call-start
scs
__scs_entry_jumppad:
0x0: {  	(pc) =	sbr.rel $0x88, $3  }
0x1: {  	(tag) =	ssettag $0x0;
	lr =	simm.s32 $0x1  }
0x2: {  	[smem:$0x3F99] =	sst lr;
	_ =	strace $0xD0000000  }
0x3: {  	_ = 	snop  }
0x4: {  	_ = 	snop  }
0x5: {  	_ = 	snop  }
0x6: {  	_ = 	snop  }
0x7: {  	_ = 	snop  }
__scs_overlays_trampoline_lowered:
0x8: {  	[smem:$0x3FA8] =	sst s0  }
0x9: {  	[smem:$0x3FA9] =	sst s1  }
0xa: {  	[smem:$0x3FAA] =	sst s2  }
0xb: {  	[smem:$0x3FAB] =	sst s3  }
0xc: {  	[smem:$0x3FAC] =	sst s4  }
0xd: {  	[smem:$0x3FAD] =	sst s5  }
0xe: {  	[smem:$0x3FAE] =	sst s6  }
0xf: {  	[smem:$0x3FAF] =	sst s7  }
0x10: {  	[smem:$0x3FB0] =	sst s8  }
0x11: {  	[smem:$0x3FB1] =	sst s9;
	s0 =	simm.s32 @!p0 $0x0  }
0x12: {  	s1 =	sld [smem:$0x3F97];
	s0 =	simm.s32 @p0 $0x1  }
0x13: {  	[smem:$0x3FB2] =	sst s0;
	s0 =	simm.s32 @!p1 $0x0  }
0x14: {  	s2 =	sld [smem:$0x3F96];
	s0 =	simm.s32 @p1 $0x1  }
0x15: {  	[smem:$0x3FB3] =	sst s0;
	s0 =	simm.s32 @!p2 $0x0  }
0x16: {  	s3 =	sld [smem:$0x3FDB];
	s0 =	simm.s32 @p2 $0x1  }
0x17: {  	s4 =	simm.s32 $0x1BF5;
	[smem:$0x3FB5] =	sst s0  }
0x18: {  	s0 =	sld [smem:$0x3F98];
	_ =	swait.ge [sflag:s4], $0x0  }
0x19: {  	s7 =	sld [smem:$0x3F99]  }
0x1a: {  	s8 =	sadd.s32 $0xFFFFE003, lr  }
0x1b: {  	s9 =	sadd.s32 $0xFFFFFEF7, lr;
	s5 =	simm.s32 $0xFFFFFFFF;
	p2 =	slt.u32 s8, $0xFFFFF086  }
0x1c: {  	p1 =	slt.u32 s9, $0xF7A;
	s5 =	simm.s32 @!p2 $0x0  }
0x1d: {  	s5 =	simm.s32 @p1 $0x1;
	p0 =	seq.s32 s7, s2  }
0x1e: {  	s7 =	smul.u32 @!p0 $0xF7A, s2;
	p2 =	seq.s32 @!p0 s5, $0x0  }
0x1f: {  	s9 =	smul.u32 $0xF7A, s1;
	s8 =	simm.s32 @!p0 $0x1BF5;
	p2 =	por !p2, p0  }
0x20: {  	[sflag:s8] =	ssyncset.s32 @!p0 $0xFFFFF086;
	s6 =	sadd.s32 @!p0 s3, s7;
	s7 =	simm.s32 @!p0 $0x108  }
0x21: {  	s3 =	sadd.s32 s3, s9;
	s6 =	sadd.s32 @!p0 $0x88, s6;
	s7 =	simm.s32 @p2 $0x1082  }
0x22: {  	[simem:s7], [sflag:s8] =	dma.local @!p0 [hbm:s6], $0xF7A  }
0x23: {  	s9 =	sor.u32 $0xD0000000, s2;
	s6 =	simm.s32 $0x108;
	_ =	swait.ge @!p0 [sflag:s8], $0x0  }
0x24: {  	s3 =	sadd.s32 $0x88, s3;
	s6 =	simm.s32 @!p1 $0x1082;
	[sflag:s4] =	ssyncset.s32 $0xFFFFF086  }
0x25: {  	[simem:s6], [sflag:s4] =	dma.local [hbm:s3], $0xF7A  }
0x26: {  	[smem:$0x3F99] =	sst s1;
	(tag) =	ssettag s2;
	_ =	strace s9  }
0x27: {  	s1 =	sld [smem:$0x3FA9]  }
0x28: {  	s2 =	sld [smem:$0x3FAA]  }
0x29: {  	s4 =	sld [smem:$0x3FAC]  }
0x2a: {  	p0 =	seq.s32 s5, $0x0;
	s5 =	sld [smem:$0x3FAD]  }
0x2b: {  	s6 =	sld [smem:$0x3FAE]  }
0x2c: {  	s7 =	sld [smem:$0x3FAF]  }
0x2d: {  	s3 =	simm.s32 $0x108;
	s8 =	sld [smem:$0x3FB0]  }
0x2e: {  	s3 =	simm.s32 @!p0 $0x1082;
	s9 =	sld [smem:$0x3FB1]  }
0x2f: {  	lr =	sadd.s32 s0, s3;
	s0 =	sld [smem:$0x3FA8]  }
0x30: {  	s3 =	sld [smem:$0x3FAB]  }
0x31: {  	[smem:$0x3FB4] =	sst s10  }
0x32: {  	s10 =	sld [smem:$0x3FB2];
	_ =	sdelay $0x3  }
0x33: {  	p0 =	seq.s32 s10, $0x1;
	s10 =	sld [smem:$0x3FB4];
	_ =	sdelay $0x3  }
0x34: {  	[smem:$0x3FB4] =	sst s10  }
0x35: {  	s10 =	sld [smem:$0x3FB3];
	_ =	sdelay $0x3  }
0x36: {  	p1 =	seq.s32 s10, $0x1;
	s10 =	sld [smem:$0x3FB4];
	_ =	sdelay $0x3  }
0x37: {  	[smem:$0x3FB4] =	sst s10  }
0x38: {  	s10 =	sld [smem:$0x3FB5]  }
0x39: {  	_ = 	snop;
	(pc) =	sbr.ind lr, $3  }
0x3a: {  	_ = 	snop  }
0x3b: {  	_ = 	snop  }
0x3c: {  	p2 =	seq.s32 s10, $0x1;
	s10 =	sld [smem:$0x3FB4]  }
0x3d: {  	_ =	shalt  }
0x3e: {  	_ =	shalt  }
0x3f: {  	_ =	shalt  }
0x40: {  	_ =	shalt  }
0x41: {  	_ =	shalt  }
0x42: {  	_ =	shalt  }
0x43: {  	_ =	shalt  }
0x44: {  	_ =	shalt  }
0x45: {  	_ =	shalt  }
0x46: {  	_ =	shalt  }
0x47: {  	_ =	shalt  }
0x48: {  	_ =	shalt  }
0x49: {  	_ =	shalt  }
0x4a: {  	_ =	shalt  }
0x4b: {  	_ =	shalt  }
0x4c: {  	_ =	shalt  }
0x4d: {  	_ =	shalt  }
0x4e: {  	_ =	shalt  }
0x4f: {  	_ =	shalt  }
0x50: {  	_ =	shalt  }
0x51: {  	_ =	shalt  }
0x52: {  	_ =	shalt  }
0x53: {  	_ =	shalt  }
0x54: {  	_ =	shalt  }
0x55: {  	_ =	shalt  }
0x56: {  	_ =	shalt  }
0x57: {  	_ =	shalt  }
0x58: {  	_ =	shalt  }
0x59: {  	_ =	shalt  }
0x5a: {  	_ =	shalt  }
0x5b: {  	_ =	shalt  }
0x5c: {  	_ =	shalt  }
0x5d: {  	_ =	shalt  }
0x5e: {  	_ =	shalt  }
0x5f: {  	_ =	shalt  }
0x60: {  	_ =	shalt  }
0x61: {  	_ =	shalt  }
0x62: {  	_ =	shalt  }
0x63: {  	_ =	shalt  }
0x64: {  	_ =	shalt  }
0x65: {  	_ =	shalt  }
0x66: {  	_ =	shalt  }
0x67: {  	_ =	shalt  }
0x68: {  	_ =	shalt  }
0x69: {  	_ =	shalt  }
0x6a: {  	_ =	shalt  }
0x6b: {  	_ =	shalt  }
0x6c: {  	_ =	shalt  }
0x6d: {  	_ =	shalt  }
0x6e: {  	_ =	shalt  }
0x6f: {  	_ =	shalt  }
0x70: {  	_ =	shalt  }
0x71: {  	_ =	shalt  }
0x72: {  	_ =	shalt  }
0x73: {  	_ =	shalt  }
0x74: {  	_ =	shalt  }
0x75: {  	_ =	shalt  }
0x76: {  	_ =	shalt  }
0x77: {  	_ =	shalt  }
0x78: {  	_ =	shalt  }
0x79: {  	_ =	shalt  }
0x7a: {  	_ =	shalt  }
0x7b: {  	_ =	shalt  }
0x7c: {  	_ =	shalt  }
0x7d: {  	_ =	shalt  }
0x7e: {  	_ =	shalt  }
0x7f: {  	_ =	shalt  }
0x80: {  	_ =	shalt  }
0x81: {  	_ =	shalt  }
0x82: {  	_ =	shalt  }
0x83: {  	_ =	shalt  }
0x84: {  	_ =	shalt  }
0x85: {  	_ =	shalt  }
0x86: {  	_ =	shalt  }
0x87: {  	_ =	shalt  }
.Lfunc_end0:
.L_simem_size_0:
called_computation.1_lowered:
.L_overlay_start_0:
0x88: {  	s2 =	sld [smem:$0x3FD9]  }
0x89: {  	s3 =	sld [smem:$0x3FFE];
	_ =	sdelay $0x1  }
0x8a: {  	s1 =	srdreg.scid  }
0x8b: {  	s0 =	sand.u32 $0x1, s1  }
0x8c: {  	s17 =	sshll.u32 s0, $0xA;
	s2 =	sadd.s32 s3, s2  }
0x8d: {  	s2 =	sadd.s32 s2, s17  }
0x8e: {  	[smem:$0x3FC0] =	sst s2  }
0x8f: {  	_ = 	snop  }
0x90: {  	s2 =	sld [smem:$0x3FD0];
	(tm) =	ssettm $0x1  }
0x91: {  	s18 =	sld [smem:$0x3FFB];
	_ =	sdelay $0x3  }
0x92: {  	_ =	strace s18  }
0x93: {  	s3 =	sld [smem:$0x3FFC];
	_ =	sdelay $0x3  }
0x94: {  	_ =	strace s3  }
0x95: {  	s3 =	sld [smem:$0x3FFD];
	_ =	sdelay $0x3  }
0x96: {  	_ =	strace s3  }
0x97: {  	_ =	strace $0x8FFFFFFF  }
0x98: {  	s19 =	sld [smem:$0x3FDB];
	_ =	sdelay $0x1  }
0x99: {  	s4 =	simm.s32 $_scs_section_size  }
0x9a: {  	s5 =	simm.s32 $_size__tile_overlayer_lowered;
	s6 =	simm.s32 $_tile_overlayer_lowered  }
0x9b: {  	s22 =	simm.s32 $0x1BFF;
	s21 =	sshll.u32 s6, $0x1;
	s3 =	sadd.s32 s4, s19  }
0x9c: {  	s7 =	simm.s32 $0x0;
	s20 =	sshll.u32 s5, $0x1;
	s5 =	sadd.s32 s21, s3  }
0x9d: {  	[timem:s7], [sflag:s22] =	dma.local [hbm:s5], s20  }
0x9e: {  	_ =	swait.ge [sflag:s22], s20  }
0x9f: {  	s4 =	ssub.s32 $0x0, s20;
	[sflag:s22] =	ssyncset.done $0x0  }
0xa0: {  	[sflag:s22] =	ssyncadd.s32 s4;
	_ =	sdelay $0x1  }
0xa1: {  	s23 =	simm.s32 $0x1B8B  }
0xa2: {  	_ =	swait.ge [sflag:s23], $0x1  }
0xa3: {  	[sflag:s23] =	ssyncset.done $0x0  }
0xa4: {  	s25 =	simm.s32 $0x1B8E;
	s24 =	sld [smem:$0x3FFE];
	[sflag:s23] =	ssyncadd.s32 $0xFFFFFFFF  }
0xa5: {  	s26 =	simm.s32 $execute0_lowered;
	[smem:$0x3FD2] =	sst s25  }
0xa6: {  	s5 =	sshll.u32 s26, $0x1;
	_ =	strace $0x80000049;
	[dreg:$0x1] =	wrdreg $0xFFFFFFFF  }
0xa7: {  	s28 =	simm.s32 $_size_execute0_lowered;
	s3 =	sadd.s32 s3, s5;
	[dreg:$0x0] =	wrdreg $0x0  }
0xa8: {  	s5 =	sshll.u32 s28, $0x1;
	[dreg:$0x2] =	wrdreg s3  }
0xa9: {  	[dreg:$0x3] =	wrdreg s5  }
0xaa: {  	[dreg:$0x4] =	wrdreg $0xC0  }
0xab: {  	_ =	task [dreg:s7], $0x5FFFF  }
0xac: {  	[dreg:$0x1] =	wrdreg $0xFFFFFFFF  }
0xad: {  	[dreg:$0x0] =	wrdreg $0x60  }
0xae: {  	[dreg:$0x2] =	wrdreg s2  }
0xaf: {  	[dreg:$0x3] =	wrdreg s24  }
0xb0: {  	[dreg:$0x4] =	wrdreg $0xBE000  }
0xb1: {  	[dreg:$0x5] =	wrdreg $0x9  }
0xb2: {  	_ =	task.clear_ibuf [dreg:s7], $0x6FFFF;
	_ =	strace $0x90000049  }
0xb3: {  	s29 =	simm.s32 $0x9;
	_ =	strace $0x8000004B  }
0xb4: {  	_ =	swait.ge [sflag:s29], $0x1  }
0xb5: {  	[sflag:s29] =	ssyncadd.s32 $0xFFFFFFFF  }
0xb6: {  	_ =	strace $0x9000004B  }
0xb7: {  	_ =	sfence  }
0xb8: {  	s30 =	sld [smem:$0x0];
	_ =	sdelay $0x2  }
0xb9: {  	s31 =	sshll.u32 s1, $0xD;
	s1 =	sshrl.u32 s1, $0x2  }
0xba: {  	s3 =	sand.u32 $0x4000, s31;
	s1 =	sadd.s32 s1, s30  }
0xbb: {  	s0 =	sor.u32 s3, s0;
	s1 =	sshll.u32 s1, $0x11  }
0xbc: {  	s0 =	sor.u32 s1, s0  }
0xbd: {  	s0 =	sadd.s32 $0x8F2B, s0  }
0xbe: {  	[sflag:s0] =	ssyncadd.remote.s32 $0x1  }
0xbf: {  	_ =	sfence.sel $0xFFFF  }
0xc0: {  	[dreg:$0x0] =	wrdreg $0xFFFFFFFF;
	(pc) =	sbr.abs _section_cstart, $3  }
0xc1: {  	[dreg:$0x1] =	wrdreg $0xFFFFFFFF  }
0xc2: {  	_ =	task.clear_ibuf [dreg:s7], $0x2FFFF;
	_ =	strace $0x9FFFFFFF  }
0xc3: {  	(tm) =	ssettm $0x7FFFFFFF  }
tec
execute0_lowered:
.L_overlay_start_1:
0x0: {  	(tag) =	ssettag $0x1  }
0x1: {  	s0 =	rddreg [dreg:$0x0]  }
0x2: {  	s1 =	rddreg [dreg:$0x1];
	s2 =	srdreg.scid  }
0x3: {  	s3 =	rddreg [dreg:$0x2];
	s11 =	stileid.u32;
	s6 =	simm.s32 $0x0  }
0x4: {  	s29 =	simm.s32 $0x9E00;
	s30 =	simm.s32 $0x2;
	s5 =	smul.u32 $0x5000, s11  }
0x5: {  	s13 =	simm.s32 $0x5;
	s15 =	simm.s32 $0x9;
	s16 =	smul.u32 $0x13C00, s11  }
0x6: {  	s2 =	sand.u32 $0x1, s2;
	[smem:$0x7FF] =	sst s6;
	s18 =	smul.u32 $0x4F000, s11  }
0x7: {  	s17 =	sadd.s32 $0x2800, s1;
	s4 =	smul.u32 $0x50000, s2;
	_ =	strace $0x8000004A  }
0x8: {  	s7 =	sshll.u32 s2, $0x4;
	s9 =	smul.u32 $0x13C000, s2;
	s2 =	ssub.s32 $0x2, s2  }
0x9: {  	s8 =	sshrl.u32 s16, $0x3;
	s7 =	sor.u32 s11, s7;
	s19 =	sshrl.u32 s2, $0x1  }
0xa: {  	s22 =	sshrl.u32 s18, $0x2;
	s18 =	simm.s32 $0xA00;
	s11 =	simm.s32 $0x8  }
0xb: {  	s4 =	sadd.s32 s5, s4;
	s8 =	sadd.s32 s8, s1;
	s10 =	smul.u32 $0x500, s7  }
0xc: {  	s5 =	sadd.s32 s16, s9;
	s7 =	smul.u32 $0x2800, s7;
	s2 =	ssub.s32 s2, s19  }
0xd: {  	s19 =	simm.s32 $0x40;
	s9 =	simm.s32 $0x4;
	s4 =	sshrl.u32 s4, $0x3  }
0xe: {  	s5 =	sshrl.u32 s5, $0x3;
	s23 =	sadd.s32 $0x20C00, s8;
	s31 =	smax.u32 s2, $0x1  }
0xf: {  	s4 =	sadd.s32 s4, s1;
	s1 =	sadd.s32 s5, s1;
	[dreg:$0x7] =	wrdreg s23  }
0x10: {  	s20 =	sadd.s32 s17, s10;
	s7 =	sshrl.u32 s7, $0x3;
	[dreg:$0xf] =	wrdreg s31  }
0x11: {  	s5 =	sadd.s32 s22, s3;
	s23 =	simm.s32 $0x5E00;
	[dreg:$0x4] =	wrdreg s20  }
0x12: {  	s22 =	simm.s32 $0x1D80;
	s21 =	sadd.s32 $0xC800, s4;
	[dreg:$0x6] =	wrdreg s5  }
0x13: {  	s24 =	sadd.s32 s17, s7;
	s25 =	sadd.s32 $0xCA80, s4;
	s28 =	sadd.s32 $0xCD00, s4  }
0x14: {  	s4 =	sadd.s32 $0xCF80, s4;
	s1 =	sadd.s32 $0x48400, s1;
	[dreg:$0x5] =	wrdreg s21  }
0x15: {  	s17 =	simm.s32 $0xB;
	s20 =	simm.s32 $0x1E00;
	[dreg:$0x9] =	wrdreg s25  }
0x16: {  	s7 =	simm.s32 $0x7;
	s6 =	sadd.s32 $0x140, s24;
	[dreg:$0xb] =	wrdreg s28  }
.Ltmp0:
0x17: {  	s26 =	sadd.s32 $0x280, s24;
	[dreg:$0xd] =	wrdreg s4;
	(pc) =	sbr.rel .LBB2_1-.Ltmp0, $4  }
0x18: {  	s5 =	sadd.s32 $0x3C0, s24;
	[dreg:$0xe] =	wrdreg s1;
	s21 =	simm.s32 $0x3E00  }
0x19: {  	s25 =	simm.s32 $0x7E00;
	s1 =	simm.s32 $0x6;
	[dreg:$0x8] =	wrdreg s6  }
0x1a: {  	s4 =	simm.s32 $0xA;
	s24 =	simm.s32 $0x0;
	[dreg:$0xa] =	wrdreg s26  }
0x1b: {  	[dreg:$0xc] =	wrdreg s5;
	s26 =	simm.s32 $0x1;
	s5 =	simm.s32 $0x3  }
.LBB2_13:
0x1c: {  	_ =	swait.ge [sflag:s13], $0x2000  }
0x1d: {  	[sflag:s13] =	ssyncset.done $0x0  }
0x1e: {  	[sflag:s13] =	ssyncadd.s32 $0xFFFFE000  }
0x1f: {  	[spmem:s3] =	stream.indirect.scatter.add.f32 [tilespmem:s29], [sflag:$0xA], $0x80, s22, s19, $0xb8;
	[tilespmem:$0x1FA00] =	vst v63  }
0x20: {  	_ =	swait.ge [sflag:s15], $0x2000  }
0x21: {  	[sflag:s15] =	ssyncset.done $0x0  }
0x22: {  	[sflag:s15] =	ssyncadd.s32 $0xFFFFE000  }
0x23: {  	_ =	swait.ge [sflag:s4], $0x2000  }
0x24: {  	[sflag:s4] =	ssyncset.done $0x0  }
0x25: {  	[sflag:s4] =	ssyncadd.s32 $0xFFFFE000  }
0x26: {  	[bflag:$0x0] =	sbarrier.arrive $0xFFFF  }
0x27: {  	s2 =	rddreg [dreg:$0xe]  }
0x28: {  	[hbm:s2], [sflag:s28] =	dma.local [spmem:s31], $0x2780  }
0x29: {  	_ =	swait.ge [sflag:s17], $0x2780  }
0x2a: {  	s24 =	sadd.s32 $0x1, s24;
	s31 =	rddreg [dreg:$0xf]  }
0x2b: {  	p0 =	sne.s32 s24, s31  }
.Ltmp1:
0x2c: {  	_ = 	snop;
	(pc) =	sbr.rel @!p0 .LBB2_14-.Ltmp1, $3  }
0x2d: {  	_ =	sdelay $0x1  }
0x2e: {  	[sflag:s17] =	ssyncset.done $0x0  }
0x2f: {  	[sflag:s17] =	ssyncadd.s32 $0xFFFFD880  }
.LBB2_1:
0x30: {  	s2 =	simm.s32 $0x0;
	s6 =	rddreg [dreg:$0x4]  }
0x31: {  	[tilespmem:s2], [sflag:$0xB] =	stream.linear.gather [hbm4b:s6+s2], $0xA00, $0x38;
	[tilespmem:$0x1FA00] =	vst v63  }
0x32: {  	_ =	swait.ge [sflag:s17], $0xA00  }
0x33: {  	[sflag:s17] =	ssyncset.done $0x0  }
0x34: {  	s12 =	rddreg [dreg:$0x5];
	[sflag:s17] =	ssyncadd.s32 $0xFFFFF600  }
0x35: {  	[tilespmem:s18], [sflag:$0xB] =	stream.linear.gather [hbm4b:s12+s2], $0x1400, $0x38;
	[tilespmem:$0x1FA00] =	vst v63  }
0x36: {  	_ =	swait.ge [sflag:s17], $0x1400  }
0x37: {  	[sflag:s17] =	ssyncset.done $0x0  }
0x38: {  	[sflag:s17] =	ssyncadd.s32 $0xFFFFEC00  }
0x39: {  	[tilespmem:s20], [sflag:$0x1] =	stream.indirect.gather [hbm4b:s0+s19], $0x80, s2, s19, $0xb8;
	[tilespmem:$0x1FA00] =	vst v63  }
0x3a: {  	s14 =	simm.s32 $0x80;
	s6 =	stileid.u32  }
0x3b: {  	[tilespmem:s21], [sflag:$0x2] =	stream.indirect.gather [hbm4b:s0+s19], $0x80, s19, s19, $0xb8;
	[tilespmem:$0x1FA00] =	vst v63  }
0x3c: {  	s16 =	simm.s32 $0xC0;
	s8 =	rddreg [dreg:$0x6];
	s2 =	sshll.u32 s6, $0x6  }
0x3d: {  	[tilespmem:s23], [sflag:$0x3] =	stream.indirect.gather [hbm4b:s0+s19], $0x80, s14, s19, $0xb8;
	[tilespmem:$0x1FA00] =	vst v63  }
0x3e: {  	s10 =	rddreg [dreg:$0x7];
	s31 =	sshrl.u32 s8, $0x3;
	s28 =	sor.u32 $0x1C0B, s2  }
0x3f: {  	[tilespmem:s25], [sflag:$0x4] =	stream.indirect.gather [hbm4b:s0+s19], $0x80, s16, s19, $0xb8;
	[tilespmem:$0x1FA00] =	vst v63  }
0x40: {  	[spmem:s31], [sflag:s28] =	dma.local [hbm:s10], $0x2780  }
0x41: {  	_ =	swait.ge [sflag:s17], $0x2780  }
0x42: {  	[sflag:s17] =	ssyncset.done $0x0  }
0x43: {  	[sflag:s17] =	ssyncadd.s32 $0xFFFFD880  }
0x44: {  	[bflag:$0x0] =	sbarrier.arrive $0xFFFF  }
0x45: {  	_ =	swait.ge [sflag:s26], $0x2000  }
0x46: {  	[sflag:s26] =	ssyncset.done $0x0  }
0x47: {  	[sflag:s26] =	ssyncadd.s32 $0xFFFFE000  }
0x48: {  	[spmem:s3] =	stream.indirect.scatter.add.f32 [tilespmem:s20], [sflag:$0x6], $0x80, s18, s19, $0xb8;
	[tilespmem:$0x1FA00] =	vst v63  }
0x49: {  	s12 =	simm.s32 $0x100  }
0x4a: {  	[tilespmem:s29], [sflag:$0x5] =	stream.indirect.gather [hbm4b:s0+s19], $0x80, s12, s19, $0xb8;
	[tilespmem:$0x1FA00] =	vst v63  }
0x4b: {  	_ =	swait.ge [sflag:s30], $0x2000  }
0x4c: {  	[sflag:s30] =	ssyncset.done $0x0  }
0x4d: {  	s14 =	simm.s32 $0xA80;
	[sflag:s30] =	ssyncadd.s32 $0xFFFFE000  }
0x4e: {  	[spmem:s3] =	stream.indirect.scatter.add.f32 [tilespmem:s21], [sflag:$0x7], $0x80, s14, s19, $0xb8;
	[tilespmem:$0x1FA00] =	vst v63  }
0x4f: {  	_ =	swait.ge [sflag:s1], $0x2000  }
0x50: {  	[sflag:s1] =	ssyncset.done $0x0  }
0x51: {  	s16 =	simm.s32 $0x140;
	[sflag:s1] =	ssyncadd.s32 $0xFFFFE000  }
0x52: {  	[tilespmem:s20], [sflag:$0x1] =	stream.indirect.gather [hbm4b:s0+s19], $0x80, s16, s19, $0xb8;
	[tilespmem:$0x1FA00] =	vst v63  }
0x53: {  	_ =	swait.ge [sflag:s5], $0x2000  }
0x54: {  	[sflag:s5] =	ssyncset.done $0x0  }
0x55: {  	s6 =	simm.s32 $0xB00;
	[sflag:s5] =	ssyncadd.s32 $0xFFFFE000  }
0x56: {  	[spmem:s3] =	stream.indirect.scatter.add.f32 [tilespmem:s23], [sflag:$0x8], $0x80, s6, s19, $0xb8;
	[tilespmem:$0x1FA00] =	vst v63  }
0x57: {  	_ =	swait.ge [sflag:s7], $0x2000  }
0x58: {  	[sflag:s7] =	ssyncset.done $0x0  }
0x59: {  	s8 =	simm.s32 $0x180;
	[sflag:s7] =	ssyncadd.s32 $0xFFFFE000  }
0x5a: {  	[tilespmem:s21], [sflag:$0x2] =	stream.indirect.gather [hbm4b:s0+s19], $0x80, s8, s19, $0xb8;
	[tilespmem:$0x1FA00] =	vst v63  }
0x5b: {  	_ =	swait.ge [sflag:s9], $0x2000  }
0x5c: {  	[sflag:s9] =	ssyncset.done $0x0  }
0x5d: {  	s10 =	simm.s32 $0xB80;
	[sflag:s9] =	ssyncadd.s32 $0xFFFFE000  }
0x5e: {  	[spmem:s3] =	stream.indirect.scatter.add.f32 [tilespmem:s25], [sflag:$0x9], $0x80, s10, s19, $0xb8;
	[tilespmem:$0x1FA00] =	vst v63  }
0x5f: {  	_ =	swait.ge [sflag:s11], $0x2000  }
0x60: {  	[sflag:s11] =	ssyncset.done $0x0  }
0x61: {  	s12 =	simm.s32 $0x1C0;
	[sflag:s11] =	ssyncadd.s32 $0xFFFFE000  }
0x62: {  	[tilespmem:s23], [sflag:$0x3] =	stream.indirect.gather [hbm4b:s0+s19], $0x80, s12, s19, $0xb8;
	[tilespmem:$0x1FA00] =	vst v63  }
0x63: {  	_ =	swait.ge [sflag:s13], $0x2000  }
0x64: {  	[sflag:s13] =	ssyncset.done $0x0  }
0x65: {  	s14 =	simm.s32 $0xC00;
	[sflag:s13] =	ssyncadd.s32 $0xFFFFE000  }
0x66: {  	[spmem:s3] =	stream.indirect.scatter.add.f32 [tilespmem:s29], [sflag:$0xA], $0x80, s14, s19, $0xb8;
	[tilespmem:$0x1FA00] =	vst v63  }
0x67: {  	_ =	swait.ge [sflag:s15], $0x2000  }
0x68: {  	s2 =	simm.s32 $0xE80;
	[sflag:s15] =	ssyncset.done $0x0  }
0x69: {  	s16 =	simm.s32 $0x200;
	s6 =	simm.s32 $0x0;
	[sflag:s15] =	ssyncadd.s32 $0xFFFFE000  }
0x6a: {  	[tilespmem:s25], [sflag:$0x4] =	stream.indirect.gather [hbm4b:s0+s19], $0x80, s16, s19, $0xb8;
	[tilespmem:$0x1FA00] =	vst v63  }
.LBB2_2:
0x6b: {  	_ =	swait.ge [sflag:s26], $0x2000  }
0x6c: {  	[sflag:s26] =	ssyncset.done $0x0  }
0x6d: {  	s8 =	sadd.s32 $0xFFFFFE00, s2;
	[sflag:s26] =	ssyncadd.s32 $0xFFFFE000  }
0x6e: {  	[spmem:s3] =	stream.indirect.scatter.add.f32 [tilespmem:s20], [sflag:$0x6], $0x80, s8, s19, $0xb8;
	[tilespmem:$0x1FA00] =	vst v63  }
0x6f: {  	_ =	swait.ge [sflag:s4], $0x2000  }
0x70: {  	s8 =	sshra.s32 s6, $0x2;
	[sflag:s4] =	ssyncset.done $0x0  }
0x71: {  	s10 =	sadd.s32 $0x240, s8;
	[sflag:s4] =	ssyncadd.s32 $0xFFFFE000  }
0x72: {  	[tilespmem:s29], [sflag:$0x5] =	stream.indirect.gather [hbm4b:s0+s19], $0x80, s10, s19, $0xb8;
	[tilespmem:$0x1FA00] =	vst v63  }
0x73: {  	_ =	swait.ge [sflag:s30], $0x2000  }
0x74: {  	[sflag:s30] =	ssyncset.done $0x0  }
0x75: {  	s14 =	sadd.s32 $0xFFFFFE80, s2;
	[sflag:s30] =	ssyncadd.s32 $0xFFFFE000  }
0x76: {  	[spmem:s3] =	stream.indirect.scatter.add.f32 [tilespmem:s21], [sflag:$0x7], $0x80, s14, s19, $0xb8;
	[tilespmem:$0x1FA00] =	vst v63  }
0x77: {  	_ =	swait.ge [sflag:s1], $0x2000  }
0x78: {  	p0 =	seq.s32 s6, $0x1E00;
	[sflag:s1] =	ssyncset.done $0x0  }
0x79: {  	s10 =	simm.s32 @p0 $0x3;
	[sflag:s1] =	ssyncadd.s32 $0xFFFFE000  }
0x7a: {  	_ =	swait.ge @p0 [sflag:s10], $0x2000  }
0x7b: {  	s12 =	simm.s32 @p0 $0x40;
	[sflag:s10] =	ssyncset.done @p0 $0x0  }
0x7c: {  	s14 =	simm.s32 @p0 $0x5E00;
	[sflag:s10] =	ssyncadd.s32 @p0 $0xFFFFE000;
	s10 =	sadd.s32 @p0 $0xFFFFFF00, s2  }
0x7d: {  	[spmem:s3] =	stream.indirect.scatter.add.f32 @p0 [tilespmem:s14], [sflag:$0x8], $0x80, s10, s12, $0xb8;
	[tilespmem:$0x1FA00] =	vst v63  }
0x7e: {  	s10 =	simm.s32 @p0 $0x7  }
0x7f: {  	_ =	swait.ge @p0 [sflag:s10], $0x2000  }
0x80: {  	[sflag:s10] =	ssyncset.done @p0 $0x0  }
0x81: {  	[sflag:s10] =	ssyncadd.s32 @p0 $0xFFFFE000;
	s10 =	sshra.s32 @!p0 s6, $0x2  }
0x82: {  	s16 =	simm.s32 @!p0 $0x1E00;
	s14 =	simm.s32 @!p0 $0x40;
	s12 =	sadd.s32 @!p0 $0x280, s10  }
0x83: {  	[tilespmem:s16], [sflag:$0x1] =	stream.indirect.gather @!p0 [hbm4b:s0+s14], $0x80, s12, s14, $0xb8;
	[tilespmem:$0x1FA00] =	vst v63  }
0x84: {  	s12 =	simm.s32 @!p0 $0x3  }
0x85: {  	_ =	swait.ge @!p0 [sflag:s12], $0x2000  }
0x86: {  	[sflag:s12] =	ssyncset.done @!p0 $0x0  }
0x87: {  	s16 =	simm.s32 @!p0 $0x5E00;
	[sflag:s12] =	ssyncadd.s32 @!p0 $0xFFFFE000;
	s12 =	sadd.s32 @!p0 $0xFFFFFF00, s2  }
0x88: {  	[spmem:s3] =	stream.indirect.scatter.add.f32 @!p0 [tilespmem:s16], [sflag:$0x8], $0x80, s12, s14, $0xb8;
	[tilespmem:$0x1FA00] =	vst v63  }
0x89: {  	s12 =	simm.s32 @!p0 $0x7  }
0x8a: {  	_ =	swait.ge @!p0 [sflag:s12], $0x2000  }
0x8b: {  	[sflag:s12] =	ssyncset.done @!p0 $0x0  }
0x8c: {  	s10 =	sadd.s32 @!p0 $0x2C0, s10;
	[sflag:s12] =	ssyncadd.s32 @!p0 $0xFFFFE000;
	s12 =	simm.s32 @!p0 $0x3E00  }
0x8d: {  	[tilespmem:s12], [sflag:$0x2] =	stream.indirect.gather @!p0 [hbm4b:s0+s14], $0x80, s10, s14, $0xb8;
	[tilespmem:$0x1FA00] =	vst v63  }
0x8e: {  	_ =	swait.ge [sflag:s9], $0x2000  }
0x8f: {  	[sflag:s9] =	ssyncset.done $0x0  }
.Ltmp2:
0x90: {  	s16 =	sadd.s32 $0xFFFFFF80, s2;
	[sflag:s9] =	ssyncadd.s32 $0xFFFFE000;
	(pc) =	sbr.rel @p0 .LBB2_4-.Ltmp2, $4  }
0x91: {  	[spmem:s3] =	stream.indirect.scatter.add.f32 [tilespmem:s25], [sflag:$0x9], $0x80, s16, s19, $0xb8;
	[tilespmem:$0x1FA00] =	vst v63  }
0x92: {  	_ =	swait.ge [sflag:s11], $0x2000  }
0x93: {  	[sflag:s11] =	ssyncset.done $0x0  }
0x94: {  	[sflag:s11] =	ssyncadd.s32 $0xFFFFE000  }
0x95: {  	s10 =	sadd.s32 $0x300, s8  }
0x96: {  	[tilespmem:s23], [sflag:$0x3] =	stream.indirect.gather [hbm4b:s0+s19], $0x80, s10, s19, $0xb8;
	[tilespmem:$0x1FA00] =	vst v63  }
0x97: {  	_ =	swait.ge [sflag:s13], $0x2000  }
0x98: {  	[sflag:s13] =	ssyncset.done $0x0  }
0x99: {  	[sflag:s13] =	ssyncadd.s32 $0xFFFFE000  }
0x9a: {  	[spmem:s3] =	stream.indirect.scatter.add.f32 [tilespmem:s29], [sflag:$0xA], $0x80, s2, s19, $0xb8;
	[tilespmem:$0x1FA00] =	vst v63  }
.Ltmp3:
0x9b: {  	_ = 	snop;
	(pc) =	sbr.rel .LBB2_2-.Ltmp3, $4  }
0x9c: {  	_ =	swait.ge [sflag:s15], $0x2000  }
0x9d: {  	s16 =	sadd.s32 $0x340, s8;
	[sflag:s15] =	ssyncset.done $0x0  }
0x9e: {  	s6 =	sadd.s32 $0x500, s6;
	s2 =	sadd.s32 $0x280, s2;
	[sflag:s15] =	ssyncadd.s32 $0xFFFFE000  }
0x9f: {  	[tilespmem:s25], [sflag:$0x4] =	stream.indirect.gather [hbm4b:s0+s19], $0x80, s16, s19, $0xb8;
	[tilespmem:$0x1FA00] =	vst v63  }
.LBB2_4:
0xa0: {  	_ =	swait.ge [sflag:s13], $0x2000  }
0xa1: {  	[sflag:s13] =	ssyncset.done $0x0  }
0xa2: {  	[sflag:s13] =	ssyncadd.s32 $0xFFFFE000  }
0xa3: {  	[spmem:s3] =	stream.indirect.scatter.add.f32 [tilespmem:s29], [sflag:$0xA], $0x80, s22, s19, $0xb8;
	[tilespmem:$0x1FA00] =	vst v63  }
0xa4: {  	_ =	swait.ge [sflag:s15], $0x2000  }
0xa5: {  	[sflag:s15] =	ssyncset.done $0x0  }
0xa6: {  	[sflag:s15] =	ssyncadd.s32 $0xFFFFE000  }
0xa7: {  	_ =	swait.ge [sflag:s4], $0x2000  }
0xa8: {  	[sflag:s4] =	ssyncset.done $0x0  }
0xa9: {  	s2 =	simm.s32 $0x0;
	s6 =	rddreg [dreg:$0x8];
	[sflag:s4] =	ssyncadd.s32 $0xFFFFE000  }
0xaa: {  	[tilespmem:s2], [sflag:$0xB] =	stream.linear.gather [hbm4b:s6+s2], $0xA00, $0x38;
	[tilespmem:$0x1FA00] =	vst v63  }
0xab: {  	_ =	swait.ge [sflag:s17], $0xA00  }
0xac: {  	[sflag:s17] =	ssyncset.done $0x0  }
0xad: {  	s14 =	rddreg [dreg:$0x9];
	[sflag:s17] =	ssyncadd.s32 $0xFFFFF600  }
0xae: {  	[tilespmem:s18], [sflag:$0xB] =	stream.linear.gather [hbm4b:s14+s2], $0x1400, $0x38;
	[tilespmem:$0x1FA00] =	vst v63  }
0xaf: {  	_ =	swait.ge [sflag:s17], $0x1400  }
0xb0: {  	[sflag:s17] =	ssyncset.done $0x0  }
0xb1: {  	[sflag:s17] =	ssyncadd.s32 $0xFFFFEC00  }
0xb2: {  	[tilespmem:s20], [sflag:$0x1] =	stream.indirect.gather [hbm4b:s0+s19], $0x80, s2, s19, $0xb8;
	[tilespmem:$0x1FA00] =	vst v63  }
0xb3: {  	_ = 	snop  }
0xb4: {  	[tilespmem:s21], [sflag:$0x2] =	stream.indirect.gather [hbm4b:s0+s19], $0x80, s19, s19, $0xb8;
	[tilespmem:$0x1FA00] =	vst v63  }
0xb5: {  	s16 =	simm.s32 $0x80  }
0xb6: {  	[tilespmem:s23], [sflag:$0x3] =	stream.indirect.gather [hbm4b:s0+s19], $0x80, s16, s19, $0xb8;
	[tilespmem:$0x1FA00] =	vst v63  }
0xb7: {  	s8 =	simm.s32 $0xC0  }
0xb8: {  	[tilespmem:s25], [sflag:$0x4] =	stream.indirect.gather [hbm4b:s0+s19], $0x80, s8, s19, $0xb8;
	[tilespmem:$0x1FA00] =	vst v63  }
0xb9: {  	_ =	swait.ge [sflag:s26], $0x2000  }
0xba: {  	[sflag:s26] =	ssyncset.done $0x0  }
0xbb: {  	[sflag:s26] =	ssyncadd.s32 $0xFFFFE000  }
0xbc: {  	[spmem:s3] =	stream.indirect.scatter.add.f32 [tilespmem:s20], [sflag:$0x6], $0x80, s18, s19, $0xb8;
	[tilespmem:$0x1FA00] =	vst v63  }
0xbd: {  	s10 =	simm.s32 $0x100  }
0xbe: {  	[tilespmem:s29], [sflag:$0x5] =	stream.indirect.gather [hbm4b:s0+s19], $0x80, s10, s19, $0xb8;
	[tilespmem:$0x1FA00] =	vst v63  }
0xbf: {  	_ =	swait.ge [sflag:s30], $0x2000  }
0xc0: {  	[sflag:s30] =	ssyncset.done $0x0  }
0xc1: {  	s12 =	simm.s32 $0xA80;
	[sflag:s30] =	ssyncadd.s32 $0xFFFFE000  }
0xc2: {  	[spmem:s3] =	stream.indirect.scatter.add.f32 [tilespmem:s21], [sflag:$0x7], $0x80, s12, s19, $0xb8;
	[tilespmem:$0x1FA00] =	vst v63  }
0xc3: {  	_ =	swait.ge [sflag:s1], $0x2000  }
0xc4: {  	[sflag:s1] =	ssyncset.done $0x0  }
0xc5: {  	s14 =	simm.s32 $0x140;
	[sflag:s1] =	ssyncadd.s32 $0xFFFFE000  }
0xc6: {  	[tilespmem:s20], [sflag:$0x1] =	stream.indirect.gather [hbm4b:s0+s19], $0x80, s14, s19, $0xb8;
	[tilespmem:$0x1FA00] =	vst v63  }
0xc7: {  	_ =	swait.ge [sflag:s5], $0x2000  }
0xc8: {  	[sflag:s5] =	ssyncset.done $0x0  }
0xc9: {  	s16 =	simm.s32 $0xB00;
	[sflag:s5] =	ssyncadd.s32 $0xFFFFE000  }
0xca: {  	[spmem:s3] =	stream.indirect.scatter.add.f32 [tilespmem:s23], [sflag:$0x8], $0x80, s16, s19, $0xb8;
	[tilespmem:$0x1FA00] =	vst v63  }
0xcb: {  	_ =	swait.ge [sflag:s7], $0x2000  }
0xcc: {  	[sflag:s7] =	ssyncset.done $0x0  }
0xcd: {  	s8 =	simm.s32 $0x180;
	[sflag:s7] =	ssyncadd.s32 $0xFFFFE000  }
0xce: {  	[tilespmem:s21], [sflag:$0x2] =	stream.indirect.gather [hbm4b:s0+s19], $0x80, s8, s19, $0xb8;
	[tilespmem:$0x1FA00] =	vst v63  }
0xcf: {  	_ =	swait.ge [sflag:s9], $0x2000  }
0xd0: {  	[sflag:s9] =	ssyncset.done $0x0  }
0xd1: {  	s10 =	simm.s32 $0xB80;
	[sflag:s9] =	ssyncadd.s32 $0xFFFFE000  }
0xd2: {  	[spmem:s3] =	stream.indirect.scatter.add.f32 [tilespmem:s25], [sflag:$0x9], $0x80, s10, s19, $0xb8;
	[tilespmem:$0x1FA00] =	vst v63  }
0xd3: {  	_ =	swait.ge [sflag:s11], $0x2000  }
0xd4: {  	[sflag:s11] =	ssyncset.done $0x0  }
0xd5: {  	s12 =	simm.s32 $0x1C0;
	[sflag:s11] =	ssyncadd.s32 $0xFFFFE000  }
0xd6: {  	[tilespmem:s23], [sflag:$0x3] =	stream.indirect.gather [hbm4b:s0+s19], $0x80, s12, s19, $0xb8;
	[tilespmem:$0x1FA00] =	vst v63  }
0xd7: {  	_ =	swait.ge [sflag:s13], $0x2000  }
0xd8: {  	[sflag:s13] =	ssyncset.done $0x0  }
0xd9: {  	s14 =	simm.s32 $0xC00;
	[sflag:s13] =	ssyncadd.s32 $0xFFFFE000  }
0xda: {  	[spmem:s3] =	stream.indirect.scatter.add.f32 [tilespmem:s29], [sflag:$0xA], $0x80, s14, s19, $0xb8;
	[tilespmem:$0x1FA00] =	vst v63  }
0xdb: {  	_ =	swait.ge [sflag:s15], $0x2000  }
0xdc: {  	[sflag:s15] =	ssyncset.done $0x0  }
0xdd: {  	s6 =	simm.s32 $0xE80;
	s16 =	simm.s32 $0x200;
	[sflag:s15] =	ssyncadd.s32 $0xFFFFE000  }
0xde: {  	[tilespmem:s25], [sflag:$0x4] =	stream.indirect.gather [hbm4b:s0+s19], $0x80, s16, s19, $0xb8;
	[tilespmem:$0x1FA00] =	vst v63  }
.LBB2_5:
0xdf: {  	_ =	swait.ge [sflag:s26], $0x2000  }
0xe0: {  	[sflag:s26] =	ssyncset.done $0x0  }
0xe1: {  	s8 =	sadd.s32 $0xFFFFFE00, s6;
	[sflag:s26] =	ssyncadd.s32 $0xFFFFE000  }
0xe2: {  	[spmem:s3] =	stream.indirect.scatter.add.f32 [tilespmem:s20], [sflag:$0x6], $0x80, s8, s19, $0xb8;
	[tilespmem:$0x1FA00] =	vst v63  }
0xe3: {  	_ =	swait.ge [sflag:s4], $0x2000  }
0xe4: {  	s8 =	sshra.s32 s2, $0x2;
	[sflag:s4] =	ssyncset.done $0x0  }
0xe5: {  	s10 =	sadd.s32 $0x240, s8;
	[sflag:s4] =	ssyncadd.s32 $0xFFFFE000  }
0xe6: {  	[tilespmem:s29], [sflag:$0x5] =	stream.indirect.gather [hbm4b:s0+s19], $0x80, s10, s19, $0xb8;
	[tilespmem:$0x1FA00] =	vst v63  }
0xe7: {  	_ =	swait.ge [sflag:s30], $0x2000  }
0xe8: {  	[sflag:s30] =	ssyncset.done $0x0  }
0xe9: {  	s14 =	sadd.s32 $0xFFFFFE80, s6;
	[sflag:s30] =	ssyncadd.s32 $0xFFFFE000  }
0xea: {  	[spmem:s3] =	stream.indirect.scatter.add.f32 [tilespmem:s21], [sflag:$0x7], $0x80, s14, s19, $0xb8;
	[tilespmem:$0x1FA00] =	vst v63  }
0xeb: {  	_ =	swait.ge [sflag:s1], $0x2000  }
0xec: {  	p0 =	seq.s32 s2, $0x1E00;
	[sflag:s1] =	ssyncset.done $0x0  }
0xed: {  	s10 =	simm.s32 @p0 $0x3;
	[sflag:s1] =	ssyncadd.s32 $0xFFFFE000  }
0xee: {  	_ =	swait.ge @p0 [sflag:s10], $0x2000  }
0xef: {  	s12 =	simm.s32 @p0 $0x40;
	[sflag:s10] =	ssyncset.done @p0 $0x0  }
0xf0: {  	s14 =	simm.s32 @p0 $0x5E00;
	[sflag:s10] =	ssyncadd.s32 @p0 $0xFFFFE000;
	s10 =	sadd.s32 @p0 $0xFFFFFF00, s6  }
0xf1: {  	[spmem:s3] =	stream.indirect.scatter.add.f32 @p0 [tilespmem:s14], [sflag:$0x8], $0x80, s10, s12, $0xb8;
	[tilespmem:$0x1FA00] =	vst v63  }
0xf2: {  	s10 =	simm.s32 @p0 $0x7  }
0xf3: {  	_ =	swait.ge @p0 [sflag:s10], $0x2000  }
0xf4: {  	[sflag:s10] =	ssyncset.done @p0 $0x0  }
0xf5: {  	[sflag:s10] =	ssyncadd.s32 @p0 $0xFFFFE000;
	s10 =	sshra.s32 @!p0 s2, $0x2  }
0xf6: {  	s16 =	simm.s32 @!p0 $0x1E00;
	s14 =	simm.s32 @!p0 $0x40;
	s12 =	sadd.s32 @!p0 $0x280, s10  }
0xf7: {  	[tilespmem:s16], [sflag:$0x1] =	stream.indirect.gather @!p0 [hbm4b:s0+s14], $0x80, s12, s14, $0xb8;
	[tilespmem:$0x1FA00] =	vst v63  }
0xf8: {  	s12 =	simm.s32 @!p0 $0x3  }
0xf9: {  	_ =	swait.ge @!p0 [sflag:s12], $0x2000  }
0xfa: {  	[sflag:s12] =	ssyncset.done @!p0 $0x0  }
0xfb: {  	s16 =	simm.s32 @!p0 $0x5E00;
	[sflag:s12] =	ssyncadd.s32 @!p0 $0xFFFFE000;
	s12 =	sadd.s32 @!p0 $0xFFFFFF00, s6  }
0xfc: {  	[spmem:s3] =	stream.indirect.scatter.add.f32 @!p0 [tilespmem:s16], [sflag:$0x8], $0x80, s12, s14, $0xb8;
	[tilespmem:$0x1FA00] =	vst v63  }
0xfd: {  	s12 =	simm.s32 @!p0 $0x7  }
0xfe: {  	_ =	swait.ge @!p0 [sflag:s12], $0x2000  }
0xff: {  	[sflag:s12] =	ssyncset.done @!p0 $0x0  }
0x100: {  	s10 =	sadd.s32 @!p0 $0x2C0, s10;
	[sflag:s12] =	ssyncadd.s32 @!p0 $0xFFFFE000;
	s12 =	simm.s32 @!p0 $0x3E00  }
0x101: {  	[tilespmem:s12], [sflag:$0x2] =	stream.indirect.gather @!p0 [hbm4b:s0+s14], $0x80, s10, s14, $0xb8;
	[tilespmem:$0x1FA00] =	vst v63  }
0x102: {  	_ =	swait.ge [sflag:s9], $0x2000  }
0x103: {  	[sflag:s9] =	ssyncset.done $0x0  }
.Ltmp4:
0x104: {  	s16 =	sadd.s32 $0xFFFFFF80, s6;
	[sflag:s9] =	ssyncadd.s32 $0xFFFFE000;
	(pc) =	sbr.rel @p0 .LBB2_7-.Ltmp4, $4  }
0x105: {  	[spmem:s3] =	stream.indirect.scatter.add.f32 [tilespmem:s25], [sflag:$0x9], $0x80, s16, s19, $0xb8;
	[tilespmem:$0x1FA00] =	vst v63  }
0x106: {  	_ =	swait.ge [sflag:s11], $0x2000  }
0x107: {  	[sflag:s11] =	ssyncset.done $0x0  }
0x108: {  	[sflag:s11] =	ssyncadd.s32 $0xFFFFE000  }
0x109: {  	s10 =	sadd.s32 $0x300, s8  }
0x10a: {  	[tilespmem:s23], [sflag:$0x3] =	stream.indirect.gather [hbm4b:s0+s19], $0x80, s10, s19, $0xb8;
	[tilespmem:$0x1FA00] =	vst v63  }
0x10b: {  	_ =	swait.ge [sflag:s13], $0x2000  }
0x10c: {  	[sflag:s13] =	ssyncset.done $0x0  }
0x10d: {  	[sflag:s13] =	ssyncadd.s32 $0xFFFFE000  }
0x10e: {  	[spmem:s3] =	stream.indirect.scatter.add.f32 [tilespmem:s29], [sflag:$0xA], $0x80, s6, s19, $0xb8;
	[tilespmem:$0x1FA00] =	vst v63  }
.Ltmp5:
0x10f: {  	_ = 	snop;
	(pc) =	sbr.rel .LBB2_5-.Ltmp5, $4  }
0x110: {  	_ =	swait.ge [sflag:s15], $0x2000  }
0x111: {  	s16 =	sadd.s32 $0x340, s8;
	[sflag:s15] =	ssyncset.done $0x0  }
0x112: {  	s2 =	sadd.s32 $0x500, s2;
	s6 =	sadd.s32 $0x280, s6;
	[sflag:s15] =	ssyncadd.s32 $0xFFFFE000  }
0x113: {  	[tilespmem:s25], [sflag:$0x4] =	stream.indirect.gather [hbm4b:s0+s19], $0x80, s16, s19, $0xb8;
	[tilespmem:$0x1FA00] =	vst v63  }
.LBB2_7:
0x114: {  	_ =	swait.ge [sflag:s13], $0x2000  }
0x115: {  	[sflag:s13] =	ssyncset.done $0x0  }
0x116: {  	[sflag:s13] =	ssyncadd.s32 $0xFFFFE000  }
0x117: {  	[spmem:s3] =	stream.indirect.scatter.add.f32 [tilespmem:s29], [sflag:$0xA], $0x80, s22, s19, $0xb8;
	[tilespmem:$0x1FA00] =	vst v63  }
0x118: {  	_ =	swait.ge [sflag:s15], $0x2000  }
0x119: {  	[sflag:s15] =	ssyncset.done $0x0  }
0x11a: {  	[sflag:s15] =	ssyncadd.s32 $0xFFFFE000  }
0x11b: {  	_ =	swait.ge [sflag:s4], $0x2000  }
0x11c: {  	[sflag:s4] =	ssyncset.done $0x0  }
0x11d: {  	s2 =	simm.s32 $0x0;
	s6 =	rddreg [dreg:$0xa];
	[sflag:s4] =	ssyncadd.s32 $0xFFFFE000  }
0x11e: {  	[tilespmem:s2], [sflag:$0xB] =	stream.linear.gather [hbm4b:s6+s2], $0xA00, $0x38;
	[tilespmem:$0x1FA00] =	vst v63  }
0x11f: {  	_ =	swait.ge [sflag:s17], $0xA00  }
0x120: {  	[sflag:s17] =	ssyncset.done $0x0  }
0x121: {  	s14 =	rddreg [dreg:$0xb];
	[sflag:s17] =	ssyncadd.s32 $0xFFFFF600  }
0x122: {  	[tilespmem:s18], [sflag:$0xB] =	stream.linear.gather [hbm4b:s14+s2], $0x1400, $0x38;
	[tilespmem:$0x1FA00] =	vst v63  }
0x123: {  	_ =	swait.ge [sflag:s17], $0x1400  }
0x124: {  	[sflag:s17] =	ssyncset.done $0x0  }
0x125: {  	[sflag:s17] =	ssyncadd.s32 $0xFFFFEC00  }
0x126: {  	[tilespmem:s20], [sflag:$0x1] =	stream.indirect.gather [hbm4b:s0+s19], $0x80, s2, s19, $0xb8;
	[tilespmem:$0x1FA00] =	vst v63  }
0x127: {  	_ = 	snop  }
0x128: {  	[tilespmem:s21], [sflag:$0x2] =	stream.indirect.gather [hbm4b:s0+s19], $0x80, s19, s19, $0xb8;
	[tilespmem:$0x1FA00] =	vst v63  }
0x129: {  	s16 =	simm.s32 $0x80  }
0x12a: {  	[tilespmem:s23], [sflag:$0x3] =	stream.indirect.gather [hbm4b:s0+s19], $0x80, s16, s19, $0xb8;
	[tilespmem:$0x1FA00] =	vst v63  }
0x12b: {  	s8 =	simm.s32 $0xC0  }
0x12c: {  	[tilespmem:s25], [sflag:$0x4] =	stream.indirect.gather [hbm4b:s0+s19], $0x80, s8, s19, $0xb8;
	[tilespmem:$0x1FA00] =	vst v63  }
0x12d: {  	_ =	swait.ge [sflag:s26], $0x2000  }
0x12e: {  	[sflag:s26] =	ssyncset.done $0x0  }
0x12f: {  	[sflag:s26] =	ssyncadd.s32 $0xFFFFE000  }
0x130: {  	[spmem:s3] =	stream.indirect.scatter.add.f32 [tilespmem:s20], [sflag:$0x6], $0x80, s18, s19, $0xb8;
	[tilespmem:$0x1FA00] =	vst v63  }
0x131: {  	s10 =	simm.s32 $0x100  }
0x132: {  	[tilespmem:s29], [sflag:$0x5] =	stream.indirect.gather [hbm4b:s0+s19], $0x80, s10, s19, $0xb8;
	[tilespmem:$0x1FA00] =	vst v63  }
0x133: {  	_ =	swait.ge [sflag:s30], $0x2000  }
0x134: {  	[sflag:s30] =	ssyncset.done $0x0  }
0x135: {  	s12 =	simm.s32 $0xA80;
	[sflag:s30] =	ssyncadd.s32 $0xFFFFE000  }
0x136: {  	[spmem:s3] =	stream.indirect.scatter.add.f32 [tilespmem:s21], [sflag:$0x7], $0x80, s12, s19, $0xb8;
	[tilespmem:$0x1FA00] =	vst v63  }
0x137: {  	_ =	swait.ge [sflag:s1], $0x2000  }
0x138: {  	[sflag:s1] =	ssyncset.done $0x0  }
0x139: {  	s14 =	simm.s32 $0x140;
	[sflag:s1] =	ssyncadd.s32 $0xFFFFE000  }
0x13a: {  	[tilespmem:s20], [sflag:$0x1] =	stream.indirect.gather [hbm4b:s0+s19], $0x80, s14, s19, $0xb8;
	[tilespmem:$0x1FA00] =	vst v63  }
0x13b: {  	_ =	swait.ge [sflag:s5], $0x2000  }
0x13c: {  	[sflag:s5] =	ssyncset.done $0x0  }
0x13d: {  	s16 =	simm.s32 $0xB00;
	[sflag:s5] =	ssyncadd.s32 $0xFFFFE000  }
0x13e: {  	[spmem:s3] =	stream.indirect.scatter.add.f32 [tilespmem:s23], [sflag:$0x8], $0x80, s16, s19, $0xb8;
	[tilespmem:$0x1FA00] =	vst v63  }
0x13f: {  	_ =	swait.ge [sflag:s7], $0x2000  }
0x140: {  	[sflag:s7] =	ssyncset.done $0x0  }
0x141: {  	s8 =	simm.s32 $0x180;
	[sflag:s7] =	ssyncadd.s32 $0xFFFFE000  }
0x142: {  	[tilespmem:s21], [sflag:$0x2] =	stream.indirect.gather [hbm4b:s0+s19], $0x80, s8, s19, $0xb8;
	[tilespmem:$0x1FA00] =	vst v63  }
0x143: {  	_ =	swait.ge [sflag:s9], $0x2000  }
0x144: {  	[sflag:s9] =	ssyncset.done $0x0  }
0x145: {  	s10 =	simm.s32 $0xB80;
	[sflag:s9] =	ssyncadd.s32 $0xFFFFE000  }
0x146: {  	[spmem:s3] =	stream.indirect.scatter.add.f32 [tilespmem:s25], [sflag:$0x9], $0x80, s10, s19, $0xb8;
	[tilespmem:$0x1FA00] =	vst v63  }
0x147: {  	_ =	swait.ge [sflag:s11], $0x2000  }
0x148: {  	[sflag:s11] =	ssyncset.done $0x0  }
0x149: {  	s12 =	simm.s32 $0x1C0;
	[sflag:s11] =	ssyncadd.s32 $0xFFFFE000  }
0x14a: {  	[tilespmem:s23], [sflag:$0x3] =	stream.indirect.gather [hbm4b:s0+s19], $0x80, s12, s19, $0xb8;
	[tilespmem:$0x1FA00] =	vst v63  }
0x14b: {  	_ =	swait.ge [sflag:s13], $0x2000  }
0x14c: {  	[sflag:s13] =	ssyncset.done $0x0  }
0x14d: {  	s14 =	simm.s32 $0xC00;
	[sflag:s13] =	ssyncadd.s32 $0xFFFFE000  }
0x14e: {  	[spmem:s3] =	stream.indirect.scatter.add.f32 [tilespmem:s29], [sflag:$0xA], $0x80, s14, s19, $0xb8;
	[tilespmem:$0x1FA00] =	vst v63  }
0x14f: {  	_ =	swait.ge [sflag:s15], $0x2000  }
0x150: {  	[sflag:s15] =	ssyncset.done $0x0  }
0x151: {  	s6 =	simm.s32 $0xE80;
	s16 =	simm.s32 $0x200;
	[sflag:s15] =	ssyncadd.s32 $0xFFFFE000  }
0x152: {  	[tilespmem:s25], [sflag:$0x4] =	stream.indirect.gather [hbm4b:s0+s19], $0x80, s16, s19, $0xb8;
	[tilespmem:$0x1FA00] =	vst v63  }
.LBB2_8:
0x153: {  	_ =	swait.ge [sflag:s26], $0x2000  }
0x154: {  	[sflag:s26] =	ssyncset.done $0x0  }
0x155: {  	s8 =	sadd.s32 $0xFFFFFE00, s6;
	[sflag:s26] =	ssyncadd.s32 $0xFFFFE000  }
0x156: {  	[spmem:s3] =	stream.indirect.scatter.add.f32 [tilespmem:s20], [sflag:$0x6], $0x80, s8, s19, $0xb8;
	[tilespmem:$0x1FA00] =	vst v63  }
0x157: {  	_ =	swait.ge [sflag:s4], $0x2000  }
0x158: {  	s8 =	sshra.s32 s2, $0x2;
	[sflag:s4] =	ssyncset.done $0x0  }
0x159: {  	s10 =	sadd.s32 $0x240, s8;
	[sflag:s4] =	ssyncadd.s32 $0xFFFFE000  }
0x15a: {  	[tilespmem:s29], [sflag:$0x5] =	stream.indirect.gather [hbm4b:s0+s19], $0x80, s10, s19, $0xb8;
	[tilespmem:$0x1FA00] =	vst v63  }
0x15b: {  	_ =	swait.ge [sflag:s30], $0x2000  }
0x15c: {  	[sflag:s30] =	ssyncset.done $0x0  }
0x15d: {  	s14 =	sadd.s32 $0xFFFFFE80, s6;
	[sflag:s30] =	ssyncadd.s32 $0xFFFFE000  }
0x15e: {  	[spmem:s3] =	stream.indirect.scatter.add.f32 [tilespmem:s21], [sflag:$0x7], $0x80, s14, s19, $0xb8;
	[tilespmem:$0x1FA00] =	vst v63  }
0x15f: {  	_ =	swait.ge [sflag:s1], $0x2000  }
0x160: {  	p0 =	seq.s32 s2, $0x1E00;
	[sflag:s1] =	ssyncset.done $0x0  }
0x161: {  	s10 =	simm.s32 @p0 $0x3;
	[sflag:s1] =	ssyncadd.s32 $0xFFFFE000  }
0x162: {  	_ =	swait.ge @p0 [sflag:s10], $0x2000  }
0x163: {  	s12 =	simm.s32 @p0 $0x40;
	[sflag:s10] =	ssyncset.done @p0 $0x0  }
0x164: {  	s14 =	simm.s32 @p0 $0x5E00;
	[sflag:s10] =	ssyncadd.s32 @p0 $0xFFFFE000;
	s10 =	sadd.s32 @p0 $0xFFFFFF00, s6  }
0x165: {  	[spmem:s3] =	stream.indirect.scatter.add.f32 @p0 [tilespmem:s14], [sflag:$0x8], $0x80, s10, s12, $0xb8;
	[tilespmem:$0x1FA00] =	vst v63  }
0x166: {  	s10 =	simm.s32 @p0 $0x7  }
0x167: {  	_ =	swait.ge @p0 [sflag:s10], $0x2000  }
0x168: {  	[sflag:s10] =	ssyncset.done @p0 $0x0  }
0x169: {  	[sflag:s10] =	ssyncadd.s32 @p0 $0xFFFFE000;
	s10 =	sshra.s32 @!p0 s2, $0x2  }
0x16a: {  	s16 =	simm.s32 @!p0 $0x1E00;
	s14 =	simm.s32 @!p0 $0x40;
	s12 =	sadd.s32 @!p0 $0x280, s10  }
0x16b: {  	[tilespmem:s16], [sflag:$0x1] =	stream.indirect.gather @!p0 [hbm4b:s0+s14], $0x80, s12, s14, $0xb8;
	[tilespmem:$0x1FA00] =	vst v63  }
0x16c: {  	s12 =	simm.s32 @!p0 $0x3  }
0x16d: {  	_ =	swait.ge @!p0 [sflag:s12], $0x2000  }
0x16e: {  	[sflag:s12] =	ssyncset.done @!p0 $0x0  }
0x16f: {  	s16 =	simm.s32 @!p0 $0x5E00;
	[sflag:s12] =	ssyncadd.s32 @!p0 $0xFFFFE000;
	s12 =	sadd.s32 @!p0 $0xFFFFFF00, s6  }
0x170: {  	[spmem:s3] =	stream.indirect.scatter.add.f32 @!p0 [tilespmem:s16], [sflag:$0x8], $0x80, s12, s14, $0xb8;
	[tilespmem:$0x1FA00] =	vst v63  }
0x171: {  	s12 =	simm.s32 @!p0 $0x7  }
0x172: {  	_ =	swait.ge @!p0 [sflag:s12], $0x2000  }
0x173: {  	[sflag:s12] =	ssyncset.done @!p0 $0x0  }
0x174: {  	s10 =	sadd.s32 @!p0 $0x2C0, s10;
	[sflag:s12] =	ssyncadd.s32 @!p0 $0xFFFFE000;
	s12 =	simm.s32 @!p0 $0x3E00  }
0x175: {  	[tilespmem:s12], [sflag:$0x2] =	stream.indirect.gather @!p0 [hbm4b:s0+s14], $0x80, s10, s14, $0xb8;
	[tilespmem:$0x1FA00] =	vst v63  }
0x176: {  	_ =	swait.ge [sflag:s9], $0x2000  }
0x177: {  	[sflag:s9] =	ssyncset.done $0x0  }
.Ltmp6:
0x178: {  	s16 =	sadd.s32 $0xFFFFFF80, s6;
	[sflag:s9] =	ssyncadd.s32 $0xFFFFE000;
	(pc) =	sbr.rel @p0 .LBB2_10-.Ltmp6, $4  }
0x179: {  	[spmem:s3] =	stream.indirect.scatter.add.f32 [tilespmem:s25], [sflag:$0x9], $0x80, s16, s19, $0xb8;
	[tilespmem:$0x1FA00] =	vst v63  }
0x17a: {  	_ =	swait.ge [sflag:s11], $0x2000  }
0x17b: {  	[sflag:s11] =	ssyncset.done $0x0  }
0x17c: {  	[sflag:s11] =	ssyncadd.s32 $0xFFFFE000  }
0x17d: {  	s10 =	sadd.s32 $0x300, s8  }
0x17e: {  	[tilespmem:s23], [sflag:$0x3] =	stream.indirect.gather [hbm4b:s0+s19], $0x80, s10, s19, $0xb8;
	[tilespmem:$0x1FA00] =	vst v63  }
0x17f: {  	_ =	swait.ge [sflag:s13], $0x2000  }
0x180: {  	[sflag:s13] =	ssyncset.done $0x0  }
0x181: {  	[sflag:s13] =	ssyncadd.s32 $0xFFFFE000  }
0x182: {  	[spmem:s3] =	stream.indirect.scatter.add.f32 [tilespmem:s29], [sflag:$0xA], $0x80, s6, s19, $0xb8;
	[tilespmem:$0x1FA00] =	vst v63  }
.Ltmp7:
0x183: {  	_ = 	snop;
	(pc) =	sbr.rel .LBB2_8-.Ltmp7, $4  }
0x184: {  	_ =	swait.ge [sflag:s15], $0x2000  }
0x185: {  	s16 =	sadd.s32 $0x340, s8;
	[sflag:s15] =	ssyncset.done $0x0  }
0x186: {  	s2 =	sadd.s32 $0x500, s2;
	s6 =	sadd.s32 $0x280, s6;
	[sflag:s15] =	ssyncadd.s32 $0xFFFFE000  }
0x187: {  	[tilespmem:s25], [sflag:$0x4] =	stream.indirect.gather [hbm4b:s0+s19], $0x80, s16, s19, $0xb8;
	[tilespmem:$0x1FA00] =	vst v63  }
.LBB2_10:
0x188: {  	_ =	swait.ge [sflag:s13], $0x2000  }
0x189: {  	[sflag:s13] =	ssyncset.done $0x0  }
0x18a: {  	[sflag:s13] =	ssyncadd.s32 $0xFFFFE000  }
0x18b: {  	[spmem:s3] =	stream.indirect.scatter.add.f32 [tilespmem:s29], [sflag:$0xA], $0x80, s22, s19, $0xb8;
	[tilespmem:$0x1FA00] =	vst v63  }
0x18c: {  	_ =	swait.ge [sflag:s15], $0x2000  }
0x18d: {  	[sflag:s15] =	ssyncset.done $0x0  }
0x18e: {  	[sflag:s15] =	ssyncadd.s32 $0xFFFFE000  }
0x18f: {  	_ =	swait.ge [sflag:s4], $0x2000  }
0x190: {  	[sflag:s4] =	ssyncset.done $0x0  }
0x191: {  	s2 =	simm.s32 $0x0;
	s6 =	rddreg [dreg:$0xc];
	[sflag:s4] =	ssyncadd.s32 $0xFFFFE000  }
0x192: {  	[tilespmem:s2], [sflag:$0xB] =	stream.linear.gather [hbm4b:s6+s2], $0xA00, $0x38;
	[tilespmem:$0x1FA00] =	vst v63  }
0x193: {  	_ =	swait.ge [sflag:s17], $0xA00  }
0x194: {  	[sflag:s17] =	ssyncset.done $0x0  }
0x195: {  	s14 =	rddreg [dreg:$0xd];
	[sflag:s17] =	ssyncadd.s32 $0xFFFFF600  }
0x196: {  	[tilespmem:s18], [sflag:$0xB] =	stream.linear.gather [hbm4b:s14+s2], $0x1400, $0x38;
	[tilespmem:$0x1FA00] =	vst v63  }
0x197: {  	_ =	swait.ge [sflag:s17], $0x1400  }
0x198: {  	[sflag:s17] =	ssyncset.done $0x0  }
0x199: {  	[sflag:s17] =	ssyncadd.s32 $0xFFFFEC00  }
0x19a: {  	[tilespmem:s20], [sflag:$0x1] =	stream.indirect.gather [hbm4b:s0+s19], $0x80, s2, s19, $0xb8;
	[tilespmem:$0x1FA00] =	vst v63  }
0x19b: {  	_ = 	snop  }
0x19c: {  	[tilespmem:s21], [sflag:$0x2] =	stream.indirect.gather [hbm4b:s0+s19], $0x80, s19, s19, $0xb8;
	[tilespmem:$0x1FA00] =	vst v63  }
0x19d: {  	s16 =	simm.s32 $0x80  }
0x19e: {  	[tilespmem:s23], [sflag:$0x3] =	stream.indirect.gather [hbm4b:s0+s19], $0x80, s16, s19, $0xb8;
	[tilespmem:$0x1FA00] =	vst v63  }
0x19f: {  	s8 =	simm.s32 $0xC0  }
0x1a0: {  	[tilespmem:s25], [sflag:$0x4] =	stream.indirect.gather [hbm4b:s0+s19], $0x80, s8, s19, $0xb8;
	[tilespmem:$0x1FA00] =	vst v63  }
0x1a1: {  	_ =	swait.ge [sflag:s26], $0x2000  }
0x1a2: {  	[sflag:s26] =	ssyncset.done $0x0  }
0x1a3: {  	[sflag:s26] =	ssyncadd.s32 $0xFFFFE000  }
0x1a4: {  	[spmem:s3] =	stream.indirect.scatter.add.f32 [tilespmem:s20], [sflag:$0x6], $0x80, s18, s19, $0xb8;
	[tilespmem:$0x1FA00] =	vst v63  }
0x1a5: {  	s10 =	simm.s32 $0x100  }
0x1a6: {  	[tilespmem:s29], [sflag:$0x5] =	stream.indirect.gather [hbm4b:s0+s19], $0x80, s10, s19, $0xb8;
	[tilespmem:$0x1FA00] =	vst v63  }
0x1a7: {  	_ =	swait.ge [sflag:s30], $0x2000  }
0x1a8: {  	[sflag:s30] =	ssyncset.done $0x0  }
0x1a9: {  	s12 =	simm.s32 $0xA80;
	[sflag:s30] =	ssyncadd.s32 $0xFFFFE000  }
0x1aa: {  	[spmem:s3] =	stream.indirect.scatter.add.f32 [tilespmem:s21], [sflag:$0x7], $0x80, s12, s19, $0xb8;
	[tilespmem:$0x1FA00] =	vst v63  }
0x1ab: {  	_ =	swait.ge [sflag:s1], $0x2000  }
0x1ac: {  	[sflag:s1] =	ssyncset.done $0x0  }
0x1ad: {  	s14 =	simm.s32 $0x140;
	[sflag:s1] =	ssyncadd.s32 $0xFFFFE000  }
0x1ae: {  	[tilespmem:s20], [sflag:$0x1] =	stream.indirect.gather [hbm4b:s0+s19], $0x80, s14, s19, $0xb8;
	[tilespmem:$0x1FA00] =	vst v63  }
0x1af: {  	_ =	swait.ge [sflag:s5], $0x2000  }
0x1b0: {  	[sflag:s5] =	ssyncset.done $0x0  }
0x1b1: {  	s16 =	simm.s32 $0xB00;
	[sflag:s5] =	ssyncadd.s32 $0xFFFFE000  }
0x1b2: {  	[spmem:s3] =	stream.indirect.scatter.add.f32 [tilespmem:s23], [sflag:$0x8], $0x80, s16, s19, $0xb8;
	[tilespmem:$0x1FA00] =	vst v63  }
0x1b3: {  	_ =	swait.ge [sflag:s7], $0x2000  }
0x1b4: {  	[sflag:s7] =	ssyncset.done $0x0  }
0x1b5: {  	s8 =	simm.s32 $0x180;
	[sflag:s7] =	ssyncadd.s32 $0xFFFFE000  }
0x1b6: {  	[tilespmem:s21], [sflag:$0x2] =	stream.indirect.gather [hbm4b:s0+s19], $0x80, s8, s19, $0xb8;
	[tilespmem:$0x1FA00] =	vst v63  }
0x1b7: {  	_ =	swait.ge [sflag:s9], $0x2000  }
0x1b8: {  	[sflag:s9] =	ssyncset.done $0x0  }
0x1b9: {  	s10 =	simm.s32 $0xB80;
	[sflag:s9] =	ssyncadd.s32 $0xFFFFE000  }
0x1ba: {  	[spmem:s3] =	stream.indirect.scatter.add.f32 [tilespmem:s25], [sflag:$0x9], $0x80, s10, s19, $0xb8;
	[tilespmem:$0x1FA00] =	vst v63  }
0x1bb: {  	_ =	swait.ge [sflag:s11], $0x2000  }
0x1bc: {  	[sflag:s11] =	ssyncset.done $0x0  }
0x1bd: {  	s12 =	simm.s32 $0x1C0;
	[sflag:s11] =	ssyncadd.s32 $0xFFFFE000  }
0x1be: {  	[tilespmem:s23], [sflag:$0x3] =	stream.indirect.gather [hbm4b:s0+s19], $0x80, s12, s19, $0xb8;
	[tilespmem:$0x1FA00] =	vst v63  }
0x1bf: {  	_ =	swait.ge [sflag:s13], $0x2000  }
0x1c0: {  	[sflag:s13] =	ssyncset.done $0x0  }
0x1c1: {  	s14 =	simm.s32 $0xC00;
	[sflag:s13] =	ssyncadd.s32 $0xFFFFE000  }
0x1c2: {  	[spmem:s3] =	stream.indirect.scatter.add.f32 [tilespmem:s29], [sflag:$0xA], $0x80, s14, s19, $0xb8;
	[tilespmem:$0x1FA00] =	vst v63  }
0x1c3: {  	_ =	swait.ge [sflag:s15], $0x2000  }
0x1c4: {  	[sflag:s15] =	ssyncset.done $0x0  }
0x1c5: {  	s6 =	simm.s32 $0xE80;
	s16 =	simm.s32 $0x200;
	[sflag:s15] =	ssyncadd.s32 $0xFFFFE000  }
0x1c6: {  	[tilespmem:s25], [sflag:$0x4] =	stream.indirect.gather [hbm4b:s0+s19], $0x80, s16, s19, $0xb8;
	[tilespmem:$0x1FA00] =	vst v63  }
.LBB2_11:
0x1c7: {  	_ =	swait.ge [sflag:s26], $0x2000  }
0x1c8: {  	[sflag:s26] =	ssyncset.done $0x0  }
0x1c9: {  	s8 =	sadd.s32 $0xFFFFFE00, s6;
	[sflag:s26] =	ssyncadd.s32 $0xFFFFE000  }
0x1ca: {  	[spmem:s3] =	stream.indirect.scatter.add.f32 [tilespmem:s20], [sflag:$0x6], $0x80, s8, s19, $0xb8;
	[tilespmem:$0x1FA00] =	vst v63  }
0x1cb: {  	_ =	swait.ge [sflag:s4], $0x2000  }
0x1cc: {  	s8 =	sshra.s32 s2, $0x2;
	[sflag:s4] =	ssyncset.done $0x0  }
0x1cd: {  	s10 =	sadd.s32 $0x240, s8;
	[sflag:s4] =	ssyncadd.s32 $0xFFFFE000  }
0x1ce: {  	[tilespmem:s29], [sflag:$0x5] =	stream.indirect.gather [hbm4b:s0+s19], $0x80, s10, s19, $0xb8;
	[tilespmem:$0x1FA00] =	vst v63  }
0x1cf: {  	_ =	swait.ge [sflag:s30], $0x2000  }
0x1d0: {  	[sflag:s30] =	ssyncset.done $0x0  }
0x1d1: {  	s14 =	sadd.s32 $0xFFFFFE80, s6;
	[sflag:s30] =	ssyncadd.s32 $0xFFFFE000  }
0x1d2: {  	[spmem:s3] =	stream.indirect.scatter.add.f32 [tilespmem:s21], [sflag:$0x7], $0x80, s14, s19, $0xb8;
	[tilespmem:$0x1FA00] =	vst v63  }
0x1d3: {  	_ =	swait.ge [sflag:s1], $0x2000  }
0x1d4: {  	p0 =	seq.s32 s2, $0x1E00;
	[sflag:s1] =	ssyncset.done $0x0  }
0x1d5: {  	s10 =	simm.s32 @p0 $0x3;
	[sflag:s1] =	ssyncadd.s32 $0xFFFFE000  }
0x1d6: {  	_ =	swait.ge @p0 [sflag:s10], $0x2000  }
0x1d7: {  	s12 =	simm.s32 @p0 $0x40;
	[sflag:s10] =	ssyncset.done @p0 $0x0  }
0x1d8: {  	s14 =	simm.s32 @p0 $0x5E00;
	[sflag:s10] =	ssyncadd.s32 @p0 $0xFFFFE000;
	s10 =	sadd.s32 @p0 $0xFFFFFF00, s6  }
0x1d9: {  	[spmem:s3] =	stream.indirect.scatter.add.f32 @p0 [tilespmem:s14], [sflag:$0x8], $0x80, s10, s12, $0xb8;
	[tilespmem:$0x1FA00] =	vst v63  }
0x1da: {  	s10 =	simm.s32 @p0 $0x7  }
0x1db: {  	_ =	swait.ge @p0 [sflag:s10], $0x2000  }
0x1dc: {  	[sflag:s10] =	ssyncset.done @p0 $0x0  }
0x1dd: {  	[sflag:s10] =	ssyncadd.s32 @p0 $0xFFFFE000;
	s10 =	sshra.s32 @!p0 s2, $0x2  }
0x1de: {  	s16 =	simm.s32 @!p0 $0x1E00;
	s14 =	simm.s32 @!p0 $0x40;
	s12 =	sadd.s32 @!p0 $0x280, s10  }
0x1df: {  	[tilespmem:s16], [sflag:$0x1] =	stream.indirect.gather @!p0 [hbm4b:s0+s14], $0x80, s12, s14, $0xb8;
	[tilespmem:$0x1FA00] =	vst v63  }
0x1e0: {  	s12 =	simm.s32 @!p0 $0x3  }
0x1e1: {  	_ =	swait.ge @!p0 [sflag:s12], $0x2000  }
0x1e2: {  	[sflag:s12] =	ssyncset.done @!p0 $0x0  }
0x1e3: {  	s16 =	simm.s32 @!p0 $0x5E00;
	[sflag:s12] =	ssyncadd.s32 @!p0 $0xFFFFE000;
	s12 =	sadd.s32 @!p0 $0xFFFFFF00, s6  }
0x1e4: {  	[spmem:s3] =	stream.indirect.scatter.add.f32 @!p0 [tilespmem:s16], [sflag:$0x8], $0x80, s12, s14, $0xb8;
	[tilespmem:$0x1FA00] =	vst v63  }
0x1e5: {  	s12 =	simm.s32 @!p0 $0x7  }
0x1e6: {  	_ =	swait.ge @!p0 [sflag:s12], $0x2000  }
0x1e7: {  	[sflag:s12] =	ssyncset.done @!p0 $0x0  }
0x1e8: {  	s10 =	sadd.s32 @!p0 $0x2C0, s10;
	[sflag:s12] =	ssyncadd.s32 @!p0 $0xFFFFE000;
	s12 =	simm.s32 @!p0 $0x3E00  }
0x1e9: {  	[tilespmem:s12], [sflag:$0x2] =	stream.indirect.gather @!p0 [hbm4b:s0+s14], $0x80, s10, s14, $0xb8;
	[tilespmem:$0x1FA00] =	vst v63  }
0x1ea: {  	_ =	swait.ge [sflag:s9], $0x2000  }
0x1eb: {  	[sflag:s9] =	ssyncset.done $0x0  }
.Ltmp8:
0x1ec: {  	s16 =	sadd.s32 $0xFFFFFF80, s6;
	[sflag:s9] =	ssyncadd.s32 $0xFFFFE000;
	(pc) =	sbr.rel @p0 .LBB2_13-.Ltmp8, $4  }
0x1ed: {  	[spmem:s3] =	stream.indirect.scatter.add.f32 [tilespmem:s25], [sflag:$0x9], $0x80, s16, s19, $0xb8;
	[tilespmem:$0x1FA00] =	vst v63  }
0x1ee: {  	_ =	swait.ge [sflag:s11], $0x2000  }
0x1ef: {  	[sflag:s11] =	ssyncset.done $0x0  }
0x1f0: {  	[sflag:s11] =	ssyncadd.s32 $0xFFFFE000  }
0x1f1: {  	s10 =	sadd.s32 $0x300, s8  }
0x1f2: {  	[tilespmem:s23], [sflag:$0x3] =	stream.indirect.gather [hbm4b:s0+s19], $0x80, s10, s19, $0xb8;
	[tilespmem:$0x1FA00] =	vst v63  }
0x1f3: {  	_ =	swait.ge [sflag:s13], $0x2000  }
0x1f4: {  	[sflag:s13] =	ssyncset.done $0x0  }
0x1f5: {  	[sflag:s13] =	ssyncadd.s32 $0xFFFFE000  }
0x1f6: {  	[spmem:s3] =	stream.indirect.scatter.add.f32 [tilespmem:s29], [sflag:$0xA], $0x80, s6, s19, $0xb8;
	[tilespmem:$0x1FA00] =	vst v63  }
.Ltmp9:
0x1f7: {  	_ = 	snop;
	(pc) =	sbr.rel .LBB2_11-.Ltmp9, $4  }
0x1f8: {  	_ =	swait.ge [sflag:s15], $0x2000  }
0x1f9: {  	s16 =	sadd.s32 $0x340, s8;
	[sflag:s15] =	ssyncset.done $0x0  }
0x1fa: {  	s2 =	sadd.s32 $0x500, s2;
	s6 =	sadd.s32 $0x280, s6;
	[sflag:s15] =	ssyncadd.s32 $0xFFFFE000  }
0x1fb: {  	[tilespmem:s25], [sflag:$0x4] =	stream.indirect.gather [hbm4b:s0+s19], $0x80, s16, s19, $0xb8;
	[tilespmem:$0x1FA00] =	vst v63  }
.LBB2_14:
0x1fc: {  	_ =	sfence.sel $0x180000  }
0x1fd: {  	[bflag:$0x0] =	sbarrier.arrive $0xFFFF  }
0x1fe: {  	_ =	strace $0x9000004A  }
0x1ff: {  	s0 =	stileid.u32;
	[bflag:$0x2] =	sbarrier.arrive $0xFFFF  }
0x200: {  	p0 =	sne.s32 s0, $0x0;
	s0 =	rddreg [dreg:$0x3]  }
0x201: {  	s0 =	sadd.s32 @!p0 $0x100000, s0  }
0x202: {  	[sflag:s0] =	ssyncadd.tile.s32 @!p0 $0x1;
	_ =	shalt  }
.Lfunc_end2:
_tile_overlayer_lowered:
.L_overlay_start_2:
0x203: {  	(tag) =	ssettag $0x2  }
0x204: {  	s0 =	rddreg [dreg:$0x0];
	s2 =	stileid.u32  }
0x205: {  	s1 =	rddreg [dreg:$0x1];
	p0 =	sne.s32 s2, $0x0  }
0x206: {  	s3 =	rddreg [dreg:$0x2];
	[bflag:$0x3] =	sbarrier.arrive $0xFFFF;
	s2 =	simm.s32 @!p0 $0x1C0B  }
0x207: {  	[timem:s3], [sflag:s2] =	dma.local @!p0 [hbm:s0], s1  }
0x208: {  	s0 =	simm.s32 @!p0 $0xB  }
0x209: {  	_ =	swait.ge @!p0 [sflag:s0], s1  }
0x20a: {  	s1 =	ssub.s32 @!p0 $0x0, s1;
	[sflag:s0] =	ssyncset.done @!p0 $0x0  }
0x20b: {  	[sflag:s0] =	ssyncadd.s32 @!p0 s1  }
0x20c: {  	[bflag:$0x3] =	sbarrier.arrive $0xFFFF  }
0x20d: {  	_ =	shalt  }

</sc_bundles>
